<compile_context>
chip_gen: v7x
topology: tpu7x:2x2x1
jax: 0.10.2.dev20260603
libtpu: 0.0.44.dev20260713+nightly
codegen_flags: <defaults>
</compile_context>

<pallas_src>
import functools

import jax
import jax.numpy as jnp
from jax import lax
from jax.experimental import pallas as pl
from jax.experimental.pallas import tpu as pltpu
from jax.experimental.pallas import tpu_sc as plsc

NUM_EMB = 1000000
DIM = 32
BATCH = 16384
HIST = 200
NW = 32
HT = HIST // 8
BT = BATCH // 128
UNITS = HT * BT * 2
U_PER_W = UNITS // NW
ROWS = 512


def _emb_body(idx5_hbm, table_hbm, out5_hbm, idx_v, rows_v0, rows_v1, rows_v2,
              tile_v0, tile_v1, tile_v2, sem_i, sem_g, sem_o):
    rows_ring = (rows_v0, rows_v1, rows_v2)
    tile_ring = (tile_v0, tile_v1, tile_v2)
    c = lax.axis_index("c")
    s = lax.axis_index("s")
    wid = s * 2 + c
    u0 = wid * U_PER_W

    def decode(u):
        return u // 256, (u // 2) % 128, u % 2

    def idx_copy(u, ib):
        ht, bt, half = decode(u)
        return pltpu.make_async_copy(
            idx5_hbm.at[ht, bt, pl.ds(half * ROWS, ROWS)],
            idx_v.at[ib], sem_i.at[ib])

    def gather(ib, rb):
        return pltpu.make_async_copy(
            table_hbm.at[idx_v.at[ib]], rows_ring[rb], sem_g.at[rb])

    def writeback(u, rb):
        ht, bt, half = decode(u)
        return pltpu.make_async_copy(
            tile_ring[rb].at[:, :, :, pl.ds(0, 128)],
            out5_hbm.at[pl.ds(ht * 8 + half * 4, 4), :, bt],
            sem_o.at[rb])

    iota16 = lax.iota(jnp.int32, 16)
    zero16 = jnp.zeros((16,), jnp.int32)
    dtv = [(iota16 + q * 16) // 8 for q in range(2)]
    ddv = [(iota16 + q * 16) % 8 for q in range(2)]

    def transpose(rb):
        @plsc.parallel_loop(0, 128, unroll=8)
        def _(bb):
            bbv = zero16 + bb
            for hh in range(4):
                for q in range(2):
                    v = rows_ring[rb][hh * 128 + bb, pl.ds(q * 16, 16)]
                    plsc.store_scatter(tile_ring[rb].at[hh],
                                       [dtv[q], ddv[q], bbv], v)

    for k in range(4):
        idx_copy(u0 + k, k).start()
    idx_copy(u0, 0).wait()
    gather(0, 0).start()
    idx_copy(u0 + 1, 1).wait()
    gather(1, 1).start()

    def step(i, b):
        u = u0 + i
        gather(lax.rem(i, 4), b).wait()

        @pl.when(i + 4 < U_PER_W)
        def _():
            idx_copy(u + 4, lax.rem(i, 4)).start()

        @pl.when(i + 2 < U_PER_W)
        def _():
            idx_copy(u + 2, lax.rem(i + 2, 4)).wait()
            gather(lax.rem(i + 2, 4), (b + 2) % 3).start()

        @pl.when(i >= 3)
        def _():
            writeback(u - 3, b).wait()

        transpose(b)
        writeback(u, b).start()

    def body(p, carry):
        for b in (0, 1, 2):
            step(p * 3 + b, b)
        return carry

    lax.fori_loop(0, (U_PER_W - 2) // 3, body, 0)
    for i in (U_PER_W - 2, U_PER_W - 1):
        step(i, i % 3)
    for i in (U_PER_W - 3, U_PER_W - 2, U_PER_W - 1):
        writeback(u0 + i, i % 3).wait()


@jax.jit
def _embedding_sc(idx5, weight_rows):
    mesh = plsc.VectorSubcoreMesh(core_axis_name="c", subcore_axis_name="s")
    f = pl.kernel(
        _emb_body,
        mesh=mesh,
        out_type=jax.ShapeDtypeStruct((HIST, 4, BT, 8, 128), jnp.float32),
        scratch_types=[
            pltpu.VMEM((4, ROWS), jnp.int32),
            pltpu.VMEM((ROWS, DIM), jnp.float32),
            pltpu.VMEM((ROWS, DIM), jnp.float32),
            pltpu.VMEM((ROWS, DIM), jnp.float32),
            pltpu.VMEM((4, 4, 8, 129), jnp.float32),
            pltpu.VMEM((4, 4, 8, 129), jnp.float32),
            pltpu.VMEM((4, 4, 8, 129), jnp.float32),
            pltpu.SemaphoreType.DMA((4,)),
            pltpu.SemaphoreType.DMA((3,)),
            pltpu.SemaphoreType.DMA((3,)),
        ],
        compiler_params=pltpu.CompilerParams(use_tc_tiling_on_sc=False,
                                             needs_layout_passes=False),
    )
    return f(idx5, weight_rows)


def kernel(input_, weight):
    idx5 = (input_.astype(jnp.int32)
            .reshape(BT, 128, HT, 8)
            .transpose(2, 0, 3, 1)
            .reshape(HT, BT, 1024))
    w128 = lax.optimization_barrier(jnp.reshape(weight, (NUM_EMB // 4, 128)))
    w_rows = jnp.reshape(w128, (NUM_EMB, DIM))
    out5 = _embedding_sc(idx5, w_rows)
    return out5.transpose(2, 4, 0, 1, 3).reshape(BATCH, HIST, DIM)

# --- scband reference (transcript-rebuilt; emitter-appended) ---
"""Pipeline reference for scband-embedding-60722247631083 (READ-ONLY COPY).

The authoritative reference and input builder live on the scoring server;
editing this copy changes nothing except your own understanding.
"""

import jax, jax.numpy as jnp
import numpy as np

NUM_EMBEDDINGS = 1000000
EMBEDDING_DIM = 32
BATCH = 16384
HIST_LEN = 200


def setup_inputs(seed: int = 0) -> dict:
    key = jax.random.key(seed)
    k_idx, k_w = jax.random.split(key)
    input_ = jax.random.randint(k_idx, (BATCH, HIST_LEN), 0, NUM_EMBEDDINGS, dtype=jnp.int64 if jax.config.jax_enable_x64 else jnp.int32)
    weight = jax.random.normal(k_w, (NUM_EMBEDDINGS, EMBEDDING_DIM), dtype=jnp.float32)
    return {"input_": input_, "weight": weight}


def reference(input_, weight):
    # F.embedding with padding_idx=None, max_norm=None, scale_grad_by_freq=False,
    # sparse=False reduces to a plain row gather from the embedding table.
    return jnp.take(weight, input_, axis=0)

if __name__ == "__main__":
    import jax
    _d = setup_inputs()
    print(jax.jit(kernel)(*tuple(_d.values())))

</pallas_src>

<mosaic_0001>
#map = affine_map<(d0, d1) -> (0, 0, 0)>
#map1 = affine_map<(d0, d1) -> (0, 0)>
#map2 = affine_map<(d0, d1) -> (0, 0, 0, 0, 0)>
module attributes {stable_mosaic.version = 14 : i64} {
  func.func @_emb_body(%arg0: i32, %arg1: i32, %arg2: memref<25x128x1024xi32, #tpu.memory_space<hbm>>, %arg3: memref<1000000x32xf32, #tpu.memory_space<hbm>>, %arg4: memref<200x4x128x8x128xf32, #tpu.memory_space<hbm>>, %arg5: memref<4x512xi32, #tpu.memory_space<vmem>>, %arg6: memref<512x32xf32, #tpu.memory_space<vmem>>, %arg7: memref<512x32xf32, #tpu.memory_space<vmem>>, %arg8: memref<512x32xf32, #tpu.memory_space<vmem>>, %arg9: memref<4x4x8x129xf32, #tpu.memory_space<vmem>>, %arg10: memref<4x4x8x129xf32, #tpu.memory_space<vmem>>, %arg11: memref<4x4x8x129xf32, #tpu.memory_space<vmem>>, %arg12: memref<4x!tpu.dma_semaphore, #tpu.memory_space<semaphore_mem>>, %arg13: memref<3x!tpu.dma_semaphore, #tpu.memory_space<semaphore_mem>>, %arg14: memref<3x!tpu.dma_semaphore, #tpu.memory_space<semaphore_mem>>) attributes {dimension_semantics = [#tpu.dimension_semantics<core_parallel>, #tpu.dimension_semantics<subcore_parallel>], iteration_bounds = array<i64: 2, 16>, scalar_prefetch = 0 : i64, scratch_operands = 10 : i64, tpu.core_type = #tpu.core_type<sc_vector_subcore>, window_params = [{transform_indices = #map}, {transform_indices = #map1}, {transform_indices = #map2}]} {
    %mul3A = arith.constant 2 : i32
    %mul3A_0 = arith.muli %arg1, %mul3A : i32
    %add3A = arith.addi %mul3A_0, %arg0 : i32
    %mul3A_1 = arith.constant 200 : i32
    %mul3A_2 = arith.muli %add3A, %mul3A_1 : i32
    %iota3A = tpu.iota {dimensions = array<i32: 0>} : vector<16xi32>
    %broadcast_in_dim3A = arith.constant 0 : i32
    %broadcast_in_dim3A_3 = vector.broadcast %broadcast_in_dim3A : i32 to vector<16xi32>
    %add3A_4 = arith.constant 0 : i32
    %add3A_5 = vector.broadcast %add3A_4 : i32 to vector<16xi32>
    %add3A_6 = arith.addi %iota3A, %add3A_5 : vector<16xi32>
    %jit3A = arith.constant 8 : i32
    %div3A = vector.broadcast %jit3A : i32 to vector<16xi32>
    %div3A_7 = arith.divsi %add3A_6, %div3A : vector<16xi32>
    %sign3A = arith.constant 0 : i32
    %sign3A_8 = vector.broadcast %sign3A : i32 to vector<16xi32>
    %sign3A_9 = arith.cmpi sgt, %add3A_6, %sign3A_8 : vector<16xi32>
    %sign3A_10 = arith.extui %sign3A_9 : vector<16xi1> to vector<16xi32>
    %sign3A_11 = arith.constant 0 : i32
    %sign3A_12 = vector.broadcast %sign3A_11 : i32 to vector<16xi32>
    %sign3A_13 = arith.cmpi slt, %add3A_6, %sign3A_12 : vector<16xi32>
    %sign3A_14 = arith.extui %sign3A_13 : vector<16xi1> to vector<16xi32>
    %sign3A_15 = arith.subi %sign3A_10, %sign3A_14 : vector<16xi32>
    %sign3A_16 = arith.constant 0 : i32
    %sign3A_17 = arith.cmpi sgt, %jit3A, %sign3A_16 : i32
    %sign3A_18 = arith.extui %sign3A_17 : i1 to i32
    %sign3A_19 = arith.constant 0 : i32
    %sign3A_20 = arith.cmpi slt, %jit3A, %sign3A_19 : i32
    %sign3A_21 = arith.extui %sign3A_20 : i1 to i32
    %sign3A_22 = arith.subi %sign3A_18, %sign3A_21 : i32
    %ne3A = vector.broadcast %sign3A_22 : i32 to vector<16xi32>
    %ne3A_23 = arith.cmpi ne, %sign3A_15, %ne3A : vector<16xi32>
    %rem3A = vector.broadcast %jit3A : i32 to vector<16xi32>
    %rem3A_24 = arith.remsi %add3A_6, %rem3A : vector<16xi32>
    %ne3A_25 = arith.constant 0 : i32
    %ne3A_26 = vector.broadcast %ne3A_25 : i32 to vector<16xi32>
    %ne3A_27 = arith.cmpi ne, %rem3A_24, %ne3A_26 : vector<16xi32>
    %and3A = arith.andi %ne3A_23, %ne3A_27 : vector<16xi1>
    %sub3A = arith.constant 1 : i32
    %sub3A_28 = vector.broadcast %sub3A : i32 to vector<16xi32>
    %sub3A_29 = arith.subi %div3A_7, %sub3A_28 : vector<16xi32>
    %select_n3A = arith.select %and3A, %sub3A_29, %div3A_7 : vector<16xi1>, vector<16xi32>
    %add3A_30 = arith.constant 16 : i32
    %add3A_31 = vector.broadcast %add3A_30 : i32 to vector<16xi32>
    %add3A_32 = arith.addi %iota3A, %add3A_31 : vector<16xi32>
    %jit3A_33 = arith.constant 8 : i32
    %div3A_34 = vector.broadcast %jit3A_33 : i32 to vector<16xi32>
    %div3A_35 = arith.divsi %add3A_32, %div3A_34 : vector<16xi32>
    %sign3A_36 = arith.constant 0 : i32
    %sign3A_37 = vector.broadcast %sign3A_36 : i32 to vector<16xi32>
    %sign3A_38 = arith.cmpi sgt, %add3A_32, %sign3A_37 : vector<16xi32>
    %sign3A_39 = arith.extui %sign3A_38 : vector<16xi1> to vector<16xi32>
    %sign3A_40 = arith.constant 0 : i32
    %sign3A_41 = vector.broadcast %sign3A_40 : i32 to vector<16xi32>
    %sign3A_42 = arith.cmpi slt, %add3A_32, %sign3A_41 : vector<16xi32>
    %sign3A_43 = arith.extui %sign3A_42 : vector<16xi1> to vector<16xi32>
    %sign3A_44 = arith.subi %sign3A_39, %sign3A_43 : vector<16xi32>
    %sign3A_45 = arith.constant 0 : i32
    %sign3A_46 = arith.cmpi sgt, %jit3A_33, %sign3A_45 : i32
    %sign3A_47 = arith.extui %sign3A_46 : i1 to i32
    %sign3A_48 = arith.constant 0 : i32
    %sign3A_49 = arith.cmpi slt, %jit3A_33, %sign3A_48 : i32
    %sign3A_50 = arith.extui %sign3A_49 : i1 to i32
    %sign3A_51 = arith.subi %sign3A_47, %sign3A_50 : i32
    %ne3A_52 = vector.broadcast %sign3A_51 : i32 to vector<16xi32>
    %ne3A_53 = arith.cmpi ne, %sign3A_44, %ne3A_52 : vector<16xi32>
    %rem3A_54 = vector.broadcast %jit3A_33 : i32 to vector<16xi32>
    %rem3A_55 = arith.remsi %add3A_32, %rem3A_54 : vector<16xi32>
    %ne3A_56 = arith.constant 0 : i32
    %ne3A_57 = vector.broadcast %ne3A_56 : i32 to vector<16xi32>
    %ne3A_58 = arith.cmpi ne, %rem3A_55, %ne3A_57 : vector<16xi32>
    %and3A_59 = arith.andi %ne3A_53, %ne3A_58 : vector<16xi1>
    %sub3A_60 = arith.constant 1 : i32
    %sub3A_61 = vector.broadcast %sub3A_60 : i32 to vector<16xi32>
    %sub3A_62 = arith.subi %div3A_35, %sub3A_61 : vector<16xi32>
    %select_n3A_63 = arith.select %and3A_59, %sub3A_62, %div3A_35 : vector<16xi1>, vector<16xi32>
    %add3A_64 = arith.constant 0 : i32
    %add3A_65 = vector.broadcast %add3A_64 : i32 to vector<16xi32>
    %add3A_66 = arith.addi %iota3A, %add3A_65 : vector<16xi32>
    %jit3A_67 = arith.constant 8 : i32
    %eq3A = arith.constant 0 : i32
    %eq3A_68 = arith.cmpi eq, %jit3A_67, %eq3A : i32
    %jit3A_69 = arith.constant 1 : i32
    %select_n3A_70 = arith.select %eq3A_68, %jit3A_69, %jit3A_67 : i32
    %rem3A_71 = vector.broadcast %select_n3A_70 : i32 to vector<16xi32>
    %rem3A_72 = arith.remsi %add3A_66, %rem3A_71 : vector<16xi32>
    %ne3A_73 = arith.constant 0 : i32
    %ne3A_74 = vector.broadcast %ne3A_73 : i32 to vector<16xi32>
    %ne3A_75 = arith.cmpi ne, %rem3A_72, %ne3A_74 : vector<16xi32>
    %lt3A = arith.constant 0 : i32
    %lt3A_76 = vector.broadcast %lt3A : i32 to vector<16xi32>
    %lt3A_77 = arith.cmpi slt, %rem3A_72, %lt3A_76 : vector<16xi32>
    %lt3A_78 = arith.constant 0 : i32
    %lt3A_79 = arith.cmpi slt, %select_n3A_70, %lt3A_78 : i32
    %ne3A_80 = vector.broadcast %lt3A_79 : i1 to vector<16xi1>
    %ne3A_81 = vector.broadcast %ne3A_80 : vector<16xi1> to vector<16xi1>
    %ne3A_82 = arith.xori %lt3A_77, %ne3A_81 : vector<16xi1>
    %and3A_83 = arith.andi %ne3A_82, %ne3A_75 : vector<16xi1>
    %add3A_84 = vector.broadcast %select_n3A_70 : i32 to vector<16xi32>
    %add3A_85 = arith.addi %rem3A_72, %add3A_84 : vector<16xi32>
    %select_n3A_86 = arith.select %and3A_83, %add3A_85, %rem3A_72 : vector<16xi1>, vector<16xi32>
    %add3A_87 = arith.constant 16 : i32
    %add3A_88 = vector.broadcast %add3A_87 : i32 to vector<16xi32>
    %add3A_89 = arith.addi %iota3A, %add3A_88 : vector<16xi32>
    %jit3A_90 = arith.constant 8 : i32
    %eq3A_91 = arith.constant 0 : i32
    %eq3A_92 = arith.cmpi eq, %jit3A_90, %eq3A_91 : i32
    %jit3A_93 = arith.constant 1 : i32
    %select_n3A_94 = arith.select %eq3A_92, %jit3A_93, %jit3A_90 : i32
    %rem3A_95 = vector.broadcast %select_n3A_94 : i32 to vector<16xi32>
    %rem3A_96 = arith.remsi %add3A_89, %rem3A_95 : vector<16xi32>
    %ne3A_97 = arith.constant 0 : i32
    %ne3A_98 = vector.broadcast %ne3A_97 : i32 to vector<16xi32>
    %ne3A_99 = arith.cmpi ne, %rem3A_96, %ne3A_98 : vector<16xi32>
    %lt3A_100 = arith.constant 0 : i32
    %lt3A_101 = vector.broadcast %lt3A_100 : i32 to vector<16xi32>
    %lt3A_102 = arith.cmpi slt, %rem3A_96, %lt3A_101 : vector<16xi32>
    %lt3A_103 = arith.constant 0 : i32
    %lt3A_104 = arith.cmpi slt, %select_n3A_94, %lt3A_103 : i32
    %ne3A_105 = vector.broadcast %lt3A_104 : i1 to vector<16xi1>
    %ne3A_106 = vector.broadcast %ne3A_105 : vector<16xi1> to vector<16xi1>
    %ne3A_107 = arith.xori %lt3A_102, %ne3A_106 : vector<16xi1>
    %and3A_108 = arith.andi %ne3A_107, %ne3A_99 : vector<16xi1>
    %add3A_109 = vector.broadcast %select_n3A_94 : i32 to vector<16xi32>
    %add3A_110 = arith.addi %rem3A_96, %add3A_109 : vector<16xi32>
    %select_n3A_111 = arith.select %and3A_108, %add3A_110, %rem3A_96 : vector<16xi1>, vector<16xi32>
    %add3A_112 = arith.constant 0 : i32
    %add3A_113 = arith.addi %mul3A_2, %add3A_112 : i32
    %jit3A_114 = arith.constant 256 : i32
    %div3A_115 = arith.divsi %add3A_113, %jit3A_114 : i32
    %sign3A_116 = arith.constant 0 : i32
    %sign3A_117 = arith.cmpi sgt, %add3A_113, %sign3A_116 : i32
    %sign3A_118 = arith.extui %sign3A_117 : i1 to i32
    %sign3A_119 = arith.constant 0 : i32
    %sign3A_120 = arith.cmpi slt, %add3A_113, %sign3A_119 : i32
    %sign3A_121 = arith.extui %sign3A_120 : i1 to i32
    %sign3A_122 = arith.subi %sign3A_118, %sign3A_121 : i32
    %sign3A_123 = arith.constant 0 : i32
    %sign3A_124 = arith.cmpi sgt, %jit3A_114, %sign3A_123 : i32
    %sign3A_125 = arith.extui %sign3A_124 : i1 to i32
    %sign3A_126 = arith.constant 0 : i32
    %sign3A_127 = arith.cmpi slt, %jit3A_114, %sign3A_126 : i32
    %sign3A_128 = arith.extui %sign3A_127 : i1 to i32
    %sign3A_129 = arith.subi %sign3A_125, %sign3A_128 : i32
    %ne3A_130 = arith.cmpi ne, %sign3A_122, %sign3A_129 : i32
    %rem3A_131 = arith.remsi %add3A_113, %jit3A_114 : i32
    %ne3A_132 = arith.constant 0 : i32
    %ne3A_133 = arith.cmpi ne, %rem3A_131, %ne3A_132 : i32
    %and3A_134 = arith.andi %ne3A_130, %ne3A_133 : i1
    %sub3A_135 = arith.constant 1 : i32
    %sub3A_136 = arith.subi %div3A_115, %sub3A_135 : i32
    %select_n3A_137 = arith.select %and3A_134, %sub3A_136, %div3A_115 : i32
    %jit3A_138 = arith.constant 2 : i32
    %div3A_139 = arith.divsi %add3A_113, %jit3A_138 : i32
    %sign3A_140 = arith.constant 0 : i32
    %sign3A_141 = arith.cmpi sgt, %add3A_113, %sign3A_140 : i32
    %sign3A_142 = arith.extui %sign3A_141 : i1 to i32
    %sign3A_143 = arith.constant 0 : i32
    %sign3A_144 = arith.cmpi slt, %add3A_113, %sign3A_143 : i32
    %sign3A_145 = arith.extui %sign3A_144 : i1 to i32
    %sign3A_146 = arith.subi %sign3A_142, %sign3A_145 : i32
    %sign3A_147 = arith.constant 0 : i32
    %sign3A_148 = arith.cmpi sgt, %jit3A_138, %sign3A_147 : i32
    %sign3A_149 = arith.extui %sign3A_148 : i1 to i32
    %sign3A_150 = arith.constant 0 : i32
    %sign3A_151 = arith.cmpi slt, %jit3A_138, %sign3A_150 : i32
    %sign3A_152 = arith.extui %sign3A_151 : i1 to i32
    %sign3A_153 = arith.subi %sign3A_149, %sign3A_152 : i32
    %ne3A_154 = arith.cmpi ne, %sign3A_146, %sign3A_153 : i32
    %rem3A_155 = arith.remsi %add3A_113, %jit3A_138 : i32
    %ne3A_156 = arith.constant 0 : i32
    %ne3A_157 = arith.cmpi ne, %rem3A_155, %ne3A_156 : i32
    %and3A_158 = arith.andi %ne3A_154, %ne3A_157 : i1
    %sub3A_159 = arith.constant 1 : i32
    %sub3A_160 = arith.subi %div3A_139, %sub3A_159 : i32
    %select_n3A_161 = arith.select %and3A_158, %sub3A_160, %div3A_139 : i32
    %jit3A_162 = arith.constant 128 : i32
    %eq3A_163 = arith.constant 0 : i32
    %eq3A_164 = arith.cmpi eq, %jit3A_162, %eq3A_163 : i32
    %jit3A_165 = arith.constant 1 : i32
    %select_n3A_166 = arith.select %eq3A_164, %jit3A_165, %jit3A_162 : i32
    %rem3A_167 = arith.remsi %select_n3A_161, %select_n3A_166 : i32
    %ne3A_168 = arith.constant 0 : i32
    %ne3A_169 = arith.cmpi ne, %rem3A_167, %ne3A_168 : i32
    %lt3A_170 = arith.constant 0 : i32
    %lt3A_171 = arith.cmpi slt, %rem3A_167, %lt3A_170 : i32
    %lt3A_172 = arith.constant 0 : i32
    %lt3A_173 = arith.cmpi slt, %select_n3A_166, %lt3A_172 : i32
    %ne3A_174 = arith.xori %lt3A_171, %lt3A_173 : i1
    %and3A_175 = arith.andi %ne3A_174, %ne3A_169 : i1
    %add3A_176 = arith.addi %rem3A_167, %select_n3A_166 : i32
    %select_n3A_177 = arith.select %and3A_175, %add3A_176, %rem3A_167 : i32
    %jit3A_178 = arith.constant 2 : i32
    %eq3A_179 = arith.constant 0 : i32
    %eq3A_180 = arith.cmpi eq, %jit3A_178, %eq3A_179 : i32
    %jit3A_181 = arith.constant 1 : i32
    %select_n3A_182 = arith.select %eq3A_180, %jit3A_181, %jit3A_178 : i32
    %rem3A_183 = arith.remsi %add3A_113, %select_n3A_182 : i32
    %ne3A_184 = arith.constant 0 : i32
    %ne3A_185 = arith.cmpi ne, %rem3A_183, %ne3A_184 : i32
    %lt3A_186 = arith.constant 0 : i32
    %lt3A_187 = arith.cmpi slt, %rem3A_183, %lt3A_186 : i32
    %lt3A_188 = arith.constant 0 : i32
    %lt3A_189 = arith.cmpi slt, %select_n3A_182, %lt3A_188 : i32
    %ne3A_190 = arith.xori %lt3A_187, %lt3A_189 : i1
    %and3A_191 = arith.andi %ne3A_190, %ne3A_185 : i1
    %add3A_192 = arith.addi %rem3A_183, %select_n3A_182 : i32
    %select_n3A_193 = arith.select %and3A_191, %add3A_192, %rem3A_183 : i32
    %mul3A_194 = arith.constant 512 : i32
    %mul3A_195 = arith.muli %select_n3A_193, %mul3A_194 : i32
    %dma_start3A = arith.constant 0 : i32
    %dma_start3A_196 = arith.constant 0 : i32
    %dma_start3A_197 = arith.constant 0 : i32
    %dma_start3A_198 = tpu.memref_slice %arg5[%dma_start3A, %dma_start3A_197] : memref<4x512xi32, #tpu.memory_space<vmem>> -> memref<1x512xi32, #tpu.memory_space<vmem>>
    %dma_start3A_199 = tpu.memref_squeeze %dma_start3A_198 : memref<1x512xi32, #tpu.memory_space<vmem>> -> memref<512xi32, #tpu.memory_space<vmem>>
    %dma_start3A_200 = tpu.memref_slice %arg2[%select_n3A_137, %select_n3A_177, %mul3A_195] : memref<25x128x1024xi32, #tpu.memory_space<hbm>> -> memref<1x1x512xi32, #tpu.memory_space<hbm>>
    %dma_start3A_201 = tpu.memref_squeeze %dma_start3A_200 : memref<1x1x512xi32, #tpu.memory_space<hbm>> -> memref<512xi32, #tpu.memory_space<hbm>>
    %dma_start3A_202 = tpu.memref_slice %arg12[%dma_start3A_196] : memref<4x!tpu.dma_semaphore, #tpu.memory_space<semaphore_mem>> -> memref<1x!tpu.dma_semaphore, #tpu.memory_space<semaphore_mem>>
    %dma_start3A_203 = tpu.memref_squeeze %dma_start3A_202 : memref<1x!tpu.dma_semaphore, #tpu.memory_space<semaphore_mem>> -> memref<!tpu.dma_semaphore, #tpu.memory_space<semaphore_mem>>
    %dma_start3A_204 = arith.constant 0 : i32
    %dma_start3A_205 = tpu.memref_slice %arg5[%dma_start3A, %dma_start3A_204] : memref<4x512xi32, #tpu.memory_space<vmem>> -> memref<1x512xi32, #tpu.memory_space<vmem>>
    %dma_start3A_206 = tpu.memref_squeeze %dma_start3A_205 : memref<1x512xi32, #tpu.memory_space<vmem>> -> memref<512xi32, #tpu.memory_space<vmem>>
    %dma_start3A_207 = tpu.memref_slice %arg2[%select_n3A_137, %select_n3A_177, %mul3A_195] : memref<25x128x1024xi32, #tpu.memory_space<hbm>> -> memref<1x1x512xi32, #tpu.memory_space<hbm>>
    %dma_start3A_208 = tpu.memref_squeeze %dma_start3A_207 : memref<1x1x512xi32, #tpu.memory_space<hbm>> -> memref<512xi32, #tpu.memory_space<hbm>>
    tpu.enqueue_dma source(%dma_start3A_208 : memref<512xi32, #tpu.memory_space<hbm>>) target(%dma_start3A_206 : memref<512xi32, #tpu.memory_space<vmem>>) target_semaphore(%dma_start3A_203 : memref<!tpu.dma_semaphore, #tpu.memory_space<semaphore_mem>>)
    %add3A_209 = arith.constant 1 : i32
    %add3A_210 = arith.addi %mul3A_2, %add3A_209 : i32
    %jit3A_211 = arith.constant 256 : i32
    %div3A_212 = arith.divsi %add3A_210, %jit3A_211 : i32
    %sign3A_213 = arith.constant 0 : i32
    %sign3A_214 = arith.cmpi sgt, %add3A_210, %sign3A_213 : i32
    %sign3A_215 = arith.extui %sign3A_214 : i1 to i32
    %sign3A_216 = arith.constant 0 : i32
    %sign3A_217 = arith.cmpi slt, %add3A_210, %sign3A_216 : i32
    %sign3A_218 = arith.extui %sign3A_217 : i1 to i32
    %sign3A_219 = arith.subi %sign3A_215, %sign3A_218 : i32
    %sign3A_220 = arith.constant 0 : i32
    %sign3A_221 = arith.cmpi sgt, %jit3A_211, %sign3A_220 : i32
    %sign3A_222 = arith.extui %sign3A_221 : i1 to i32
    %sign3A_223 = arith.constant 0 : i32
    %sign3A_224 = arith.cmpi slt, %jit3A_211, %sign3A_223 : i32
    %sign3A_225 = arith.extui %sign3A_224 : i1 to i32
    %sign3A_226 = arith.subi %sign3A_222, %sign3A_225 : i32
    %ne3A_227 = arith.cmpi ne, %sign3A_219, %sign3A_226 : i32
    %rem3A_228 = arith.remsi %add3A_210, %jit3A_211 : i32
    %ne3A_229 = arith.constant 0 : i32
    %ne3A_230 = arith.cmpi ne, %rem3A_228, %ne3A_229 : i32
    %and3A_231 = arith.andi %ne3A_227, %ne3A_230 : i1
    %sub3A_232 = arith.constant 1 : i32
    %sub3A_233 = arith.subi %div3A_212, %sub3A_232 : i32
    %select_n3A_234 = arith.select %and3A_231, %sub3A_233, %div3A_212 : i32
    %jit3A_235 = arith.constant 2 : i32
    %div3A_236 = arith.divsi %add3A_210, %jit3A_235 : i32
    %sign3A_237 = arith.constant 0 : i32
    %sign3A_238 = arith.cmpi sgt, %add3A_210, %sign3A_237 : i32
    %sign3A_239 = arith.extui %sign3A_238 : i1 to i32
    %sign3A_240 = arith.constant 0 : i32
    %sign3A_241 = arith.cmpi slt, %add3A_210, %sign3A_240 : i32
    %sign3A_242 = arith.extui %sign3A_241 : i1 to i32
    %sign3A_243 = arith.subi %sign3A_239, %sign3A_242 : i32
    %sign3A_244 = arith.constant 0 : i32
    %sign3A_245 = arith.cmpi sgt, %jit3A_235, %sign3A_244 : i32
    %sign3A_246 = arith.extui %sign3A_245 : i1 to i32
    %sign3A_247 = arith.constant 0 : i32
    %sign3A_248 = arith.cmpi slt, %jit3A_235, %sign3A_247 : i32
    %sign3A_249 = arith.extui %sign3A_248 : i1 to i32
    %sign3A_250 = arith.subi %sign3A_246, %sign3A_249 : i32
    %ne3A_251 = arith.cmpi ne, %sign3A_243, %sign3A_250 : i32
    %rem3A_252 = arith.remsi %add3A_210, %jit3A_235 : i32
    %ne3A_253 = arith.constant 0 : i32
    %ne3A_254 = arith.cmpi ne, %rem3A_252, %ne3A_253 : i32
    %and3A_255 = arith.andi %ne3A_251, %ne3A_254 : i1
    %sub3A_256 = arith.constant 1 : i32
    %sub3A_257 = arith.subi %div3A_236, %sub3A_256 : i32
    %select_n3A_258 = arith.select %and3A_255, %sub3A_257, %div3A_236 : i32
    %jit3A_259 = arith.constant 128 : i32
    %eq3A_260 = arith.constant 0 : i32
    %eq3A_261 = arith.cmpi eq, %jit3A_259, %eq3A_260 : i32
    %jit3A_262 = arith.constant 1 : i32
    %select_n3A_263 = arith.select %eq3A_261, %jit3A_262, %jit3A_259 : i32
    %rem3A_264 = arith.remsi %select_n3A_258, %select_n3A_263 : i32
    %ne3A_265 = arith.constant 0 : i32
    %ne3A_266 = arith.cmpi ne, %rem3A_264, %ne3A_265 : i32
    %lt3A_267 = arith.constant 0 : i32
    %lt3A_268 = arith.cmpi slt, %rem3A_264, %lt3A_267 : i32
    %lt3A_269 = arith.constant 0 : i32
    %lt3A_270 = arith.cmpi slt, %select_n3A_263, %lt3A_269 : i32
    %ne3A_271 = arith.xori %lt3A_268, %lt3A_270 : i1
    %and3A_272 = arith.andi %ne3A_271, %ne3A_266 : i1
    %add3A_273 = arith.addi %rem3A_264, %select_n3A_263 : i32
    %select_n3A_274 = arith.select %and3A_272, %add3A_273, %rem3A_264 : i32
    %jit3A_275 = arith.constant 2 : i32
    %eq3A_276 = arith.constant 0 : i32
    %eq3A_277 = arith.cmpi eq, %jit3A_275, %eq3A_276 : i32
    %jit3A_278 = arith.constant 1 : i32
    %select_n3A_279 = arith.select %eq3A_277, %jit3A_278, %jit3A_275 : i32
    %rem3A_280 = arith.remsi %add3A_210, %select_n3A_279 : i32
    %ne3A_281 = arith.constant 0 : i32
    %ne3A_282 = arith.cmpi ne, %rem3A_280, %ne3A_281 : i32
    %lt3A_283 = arith.constant 0 : i32
    %lt3A_284 = arith.cmpi slt, %rem3A_280, %lt3A_283 : i32
    %lt3A_285 = arith.constant 0 : i32
    %lt3A_286 = arith.cmpi slt, %select_n3A_279, %lt3A_285 : i32
    %ne3A_287 = arith.xori %lt3A_284, %lt3A_286 : i1
    %and3A_288 = arith.andi %ne3A_287, %ne3A_282 : i1
    %add3A_289 = arith.addi %rem3A_280, %select_n3A_279 : i32
    %select_n3A_290 = arith.select %and3A_288, %add3A_289, %rem3A_280 : i32
    %mul3A_291 = arith.constant 512 : i32
    %mul3A_292 = arith.muli %select_n3A_290, %mul3A_291 : i32
    %dma_start3A_293 = arith.constant 1 : i32
    %dma_start3A_294 = arith.constant 1 : i32
    %dma_start3A_295 = arith.constant 0 : i32
    %dma_start3A_296 = tpu.memref_slice %arg5[%dma_start3A_293, %dma_start3A_295] : memref<4x512xi32, #tpu.memory_space<vmem>> -> memref<1x512xi32, #tpu.memory_space<vmem>>
    %dma_start3A_297 = tpu.memref_squeeze %dma_start3A_296 : memref<1x512xi32, #tpu.memory_space<vmem>> -> memref<512xi32, #tpu.memory_space<vmem>>
    %dma_start3A_298 = tpu.memref_slice %arg2[%select_n3A_234, %select_n3A_274, %mul3A_292] : memref<25x128x1024xi32, #tpu.memory_space<hbm>> -> memref<1x1x512xi32, #tpu.memory_space<hbm>>
    %dma_start3A_299 = tpu.memref_squeeze %dma_start3A_298 : memref<1x1x512xi32, #tpu.memory_space<hbm>> -> memref<512xi32, #tpu.memory_space<hbm>>
    %dma_start3A_300 = tpu.memref_slice %arg12[%dma_start3A_294] : memref<4x!tpu.dma_semaphore, #tpu.memory_space<semaphore_mem>> -> memref<1x!tpu.dma_semaphore, #tpu.memory_space<semaphore_mem>>
    %dma_start3A_301 = tpu.memref_squeeze %dma_start3A_300 : memref<1x!tpu.dma_semaphore, #tpu.memory_space<semaphore_mem>> -> memref<!tpu.dma_semaphore, #tpu.memory_space<semaphore_mem>>
    %dma_start3A_302 = arith.constant 0 : i32
    %dma_start3A_303 = tpu.memref_slice %arg5[%dma_start3A_293, %dma_start3A_302] : memref<4x512xi32, #tpu.memory_space<vmem>> -> memref<1x512xi32, #tpu.memory_space<vmem>>
    %dma_start3A_304 = tpu.memref_squeeze %dma_start3A_303 : memref<1x512xi32, #tpu.memory_space<vmem>> -> memref<512xi32, #tpu.memory_space<vmem>>
    %dma_start3A_305 = tpu.memref_slice %arg2[%select_n3A_234, %select_n3A_274, %mul3A_292] : memref<25x128x1024xi32, #tpu.memory_space<hbm>> -> memref<1x1x512xi32, #tpu.memory_space<hbm>>
    %dma_start3A_306 = tpu.memref_squeeze %dma_start3A_305 : memref<1x1x512xi32, #tpu.memory_space<hbm>> -> memref<512xi32, #tpu.memory_space<hbm>>
    tpu.enqueue_dma source(%dma_start3A_306 : memref<512xi32, #tpu.memory_space<hbm>>) target(%dma_start3A_304 : memref<512xi32, #tpu.memory_space<vmem>>) target_semaphore(%dma_start3A_301 : memref<!tpu.dma_semaphore, #tpu.memory_space<semaphore_mem>>)
    %add3A_307 = arith.constant 2 : i32
    %add3A_308 = arith.addi %mul3A_2, %add3A_307 : i32
    %jit3A_309 = arith.constant 256 : i32
    %div3A_310 = arith.divsi %add3A_308, %jit3A_309 : i32
    %sign3A_311 = arith.constant 0 : i32
    %sign3A_312 = arith.cmpi sgt, %add3A_308, %sign3A_311 : i32
    %sign3A_313 = arith.extui %sign3A_312 : i1 to i32
    %sign3A_314 = arith.constant 0 : i32
    %sign3A_315 = arith.cmpi slt, %add3A_308, %sign3A_314 : i32
    %sign3A_316 = arith.extui %sign3A_315 : i1 to i32
    %sign3A_317 = arith.subi %sign3A_313, %sign3A_316 : i32
    %sign3A_318 = arith.constant 0 : i32
    %sign3A_319 = arith.cmpi sgt, %jit3A_309, %sign3A_318 : i32
    %sign3A_320 = arith.extui %sign3A_319 : i1 to i32
    %sign3A_321 = arith.constant 0 : i32
    %sign3A_322 = arith.cmpi slt, %jit3A_309, %sign3A_321 : i32
    %sign3A_323 = arith.extui %sign3A_322 : i1 to i32
    %sign3A_324 = arith.subi %sign3A_320, %sign3A_323 : i32
    %ne3A_325 = arith.cmpi ne, %sign3A_317, %sign3A_324 : i32
    %rem3A_326 = arith.remsi %add3A_308, %jit3A_309 : i32
    %ne3A_327 = arith.constant 0 : i32
    %ne3A_328 = arith.cmpi ne, %rem3A_326, %ne3A_327 : i32
    %and3A_329 = arith.andi %ne3A_325, %ne3A_328 : i1
    %sub3A_330 = arith.constant 1 : i32
    %sub3A_331 = arith.subi %div3A_310, %sub3A_330 : i32
    %select_n3A_332 = arith.select %and3A_329, %sub3A_331, %div3A_310 : i32
    %jit3A_333 = arith.constant 2 : i32
    %div3A_334 = arith.divsi %add3A_308, %jit3A_333 : i32
    %sign3A_335 = arith.constant 0 : i32
    %sign3A_336 = arith.cmpi sgt, %add3A_308, %sign3A_335 : i32
    %sign3A_337 = arith.extui %sign3A_336 : i1 to i32
    %sign3A_338 = arith.constant 0 : i32
    %sign3A_339 = arith.cmpi slt, %add3A_308, %sign3A_338 : i32
    %sign3A_340 = arith.extui %sign3A_339 : i1 to i32
    %sign3A_341 = arith.subi %sign3A_337, %sign3A_340 : i32
    %sign3A_342 = arith.constant 0 : i32
    %sign3A_343 = arith.cmpi sgt, %jit3A_333, %sign3A_342 : i32
    %sign3A_344 = arith.extui %sign3A_343 : i1 to i32
    %sign3A_345 = arith.constant 0 : i32
    %sign3A_346 = arith.cmpi slt, %jit3A_333, %sign3A_345 : i32
    %sign3A_347 = arith.extui %sign3A_346 : i1 to i32
    %sign3A_348 = arith.subi %sign3A_344, %sign3A_347 : i32
    %ne3A_349 = arith.cmpi ne, %sign3A_341, %sign3A_348 : i32
    %rem3A_350 = arith.remsi %add3A_308, %jit3A_333 : i32
    %ne3A_351 = arith.constant 0 : i32
    %ne3A_352 = arith.cmpi ne, %rem3A_350, %ne3A_351 : i32
    %and3A_353 = arith.andi %ne3A_349, %ne3A_352 : i1
    %sub3A_354 = arith.constant 1 : i32
    %sub3A_355 = arith.subi %div3A_334, %sub3A_354 : i32
    %select_n3A_356 = arith.select %and3A_353, %sub3A_355, %div3A_334 : i32
    %jit3A_357 = arith.constant 128 : i32
    %eq3A_358 = arith.constant 0 : i32
    %eq3A_359 = arith.cmpi eq, %jit3A_357, %eq3A_358 : i32
    %jit3A_360 = arith.constant 1 : i32
    %select_n3A_361 = arith.select %eq3A_359, %jit3A_360, %jit3A_357 : i32
    %rem3A_362 = arith.remsi %select_n3A_356, %select_n3A_361 : i32
    %ne3A_363 = arith.constant 0 : i32
    %ne3A_364 = arith.cmpi ne, %rem3A_362, %ne3A_363 : i32
    %lt3A_365 = arith.constant 0 : i32
    %lt3A_366 = arith.cmpi slt, %rem3A_362, %lt3A_365 : i32
    %lt3A_367 = arith.constant 0 : i32
    %lt3A_368 = arith.cmpi slt, %select_n3A_361, %lt3A_367 : i32
    %ne3A_369 = arith.xori %lt3A_366, %lt3A_368 : i1
    %and3A_370 = arith.andi %ne3A_369, %ne3A_364 : i1
    %add3A_371 = arith.addi %rem3A_362, %select_n3A_361 : i32
    %select_n3A_372 = arith.select %and3A_370, %add3A_371, %rem3A_362 : i32
    %jit3A_373 = arith.constant 2 : i32
    %eq3A_374 = arith.constant 0 : i32
    %eq3A_375 = arith.cmpi eq, %jit3A_373, %eq3A_374 : i32
    %jit3A_376 = arith.constant 1 : i32
    %select_n3A_377 = arith.select %eq3A_375, %jit3A_376, %jit3A_373 : i32
    %rem3A_378 = arith.remsi %add3A_308, %select_n3A_377 : i32
    %ne3A_379 = arith.constant 0 : i32
    %ne3A_380 = arith.cmpi ne, %rem3A_378, %ne3A_379 : i32
    %lt3A_381 = arith.constant 0 : i32
    %lt3A_382 = arith.cmpi slt, %rem3A_378, %lt3A_381 : i32
    %lt3A_383 = arith.constant 0 : i32
    %lt3A_384 = arith.cmpi slt, %select_n3A_377, %lt3A_383 : i32
    %ne3A_385 = arith.xori %lt3A_382, %lt3A_384 : i1
    %and3A_386 = arith.andi %ne3A_385, %ne3A_380 : i1
    %add3A_387 = arith.addi %rem3A_378, %select_n3A_377 : i32
    %select_n3A_388 = arith.select %and3A_386, %add3A_387, %rem3A_378 : i32
    %mul3A_389 = arith.constant 512 : i32
    %mul3A_390 = arith.muli %select_n3A_388, %mul3A_389 : i32
    %dma_start3A_391 = arith.constant 2 : i32
    %dma_start3A_392 = arith.constant 2 : i32
    %dma_start3A_393 = arith.constant 0 : i32
    %dma_start3A_394 = tpu.memref_slice %arg5[%dma_start3A_391, %dma_start3A_393] : memref<4x512xi32, #tpu.memory_space<vmem>> -> memref<1x512xi32, #tpu.memory_space<vmem>>
    %dma_start3A_395 = tpu.memref_squeeze %dma_start3A_394 : memref<1x512xi32, #tpu.memory_space<vmem>> -> memref<512xi32, #tpu.memory_space<vmem>>
    %dma_start3A_396 = tpu.memref_slice %arg2[%select_n3A_332, %select_n3A_372, %mul3A_390] : memref<25x128x1024xi32, #tpu.memory_space<hbm>> -> memref<1x1x512xi32, #tpu.memory_space<hbm>>
    %dma_start3A_397 = tpu.memref_squeeze %dma_start3A_396 : memref<1x1x512xi32, #tpu.memory_space<hbm>> -> memref<512xi32, #tpu.memory_space<hbm>>
    %dma_start3A_398 = tpu.memref_slice %arg12[%dma_start3A_392] : memref<4x!tpu.dma_semaphore, #tpu.memory_space<semaphore_mem>> -> memref<1x!tpu.dma_semaphore, #tpu.memory_space<semaphore_mem>>
    %dma_start3A_399 = tpu.memref_squeeze %dma_start3A_398 : memref<1x!tpu.dma_semaphore, #tpu.memory_space<semaphore_mem>> -> memref<!tpu.dma_semaphore, #tpu.memory_space<semaphore_mem>>
    %dma_start3A_400 = arith.constant 0 : i32
    %dma_start3A_401 = tpu.memref_slice %arg5[%dma_start3A_391, %dma_start3A_400] : memref<4x512xi32, #tpu.memory_space<vmem>> -> memref<1x512xi32, #tpu.memory_space<vmem>>
    %dma_start3A_402 = tpu.memref_squeeze %dma_start3A_401 : memref<1x512xi32, #tpu.memory_space<vmem>> -> memref<512xi32, #tpu.memory_space<vmem>>
    %dma_start3A_403 = tpu.memref_slice %arg2[%select_n3A_332, %select_n3A_372, %mul3A_390] : memref<25x128x1024xi32, #tpu.memory_space<hbm>> -> memref<1x1x512xi32, #tpu.memory_space<hbm>>
    %dma_start3A_404 = tpu.memref_squeeze %dma_start3A_403 : memref<1x1x512xi32, #tpu.memory_space<hbm>> -> memref<512xi32, #tpu.memory_space<hbm>>
    tpu.enqueue_dma source(%dma_start3A_404 : memref<512xi32, #tpu.memory_space<hbm>>) target(%dma_start3A_402 : memref<512xi32, #tpu.memory_space<vmem>>) target_semaphore(%dma_start3A_399 : memref<!tpu.dma_semaphore, #tpu.memory_space<semaphore_mem>>)
    %add3A_405 = arith.constant 3 : i32
    %add3A_406 = arith.addi %mul3A_2, %add3A_405 : i32
    %jit3A_407 = arith.constant 256 : i32
    %div3A_408 = arith.divsi %add3A_406, %jit3A_407 : i32
    %sign3A_409 = arith.constant 0 : i32
    %sign3A_410 = arith.cmpi sgt, %add3A_406, %sign3A_409 : i32
    %sign3A_411 = arith.extui %sign3A_410 : i1 to i32
    %sign3A_412 = arith.constant 0 : i32
    %sign3A_413 = arith.cmpi slt, %add3A_406, %sign3A_412 : i32
    %sign3A_414 = arith.extui %sign3A_413 : i1 to i32
    %sign3A_415 = arith.subi %sign3A_411, %sign3A_414 : i32
    %sign3A_416 = arith.constant 0 : i32
    %sign3A_417 = arith.cmpi sgt, %jit3A_407, %sign3A_416 : i32
    %sign3A_418 = arith.extui %sign3A_417 : i1 to i32
    %sign3A_419 = arith.constant 0 : i32
    %sign3A_420 = arith.cmpi slt, %jit3A_407, %sign3A_419 : i32
    %sign3A_421 = arith.extui %sign3A_420 : i1 to i32
    %sign3A_422 = arith.subi %sign3A_418, %sign3A_421 : i32
    %ne3A_423 = arith.cmpi ne, %sign3A_415, %sign3A_422 : i32
    %rem3A_424 = arith.remsi %add3A_406, %jit3A_407 : i32
    %ne3A_425 = arith.constant 0 : i32
    %ne3A_426 = arith.cmpi ne, %rem3A_424, %ne3A_425 : i32
    %and3A_427 = arith.andi %ne3A_423, %ne3A_426 : i1
    %sub3A_428 = arith.constant 1 : i32
    %sub3A_429 = arith.subi %div3A_408, %sub3A_428 : i32
    %select_n3A_430 = arith.select %and3A_427, %sub3A_429, %div3A_408 : i32
    %jit3A_431 = arith.constant 2 : i32
    %div3A_432 = arith.divsi %add3A_406, %jit3A_431 : i32
    %sign3A_433 = arith.constant 0 : i32
    %sign3A_434 = arith.cmpi sgt, %add3A_406, %sign3A_433 : i32
    %sign3A_435 = arith.extui %sign3A_434 : i1 to i32
    %sign3A_436 = arith.constant 0 : i32
    %sign3A_437 = arith.cmpi slt, %add3A_406, %sign3A_436 : i32
    %sign3A_438 = arith.extui %sign3A_437 : i1 to i32
    %sign3A_439 = arith.subi %sign3A_435, %sign3A_438 : i32
    %sign3A_440 = arith.constant 0 : i32
    %sign3A_441 = arith.cmpi sgt, %jit3A_431, %sign3A_440 : i32
    %sign3A_442 = arith.extui %sign3A_441 : i1 to i32
    %sign3A_443 = arith.constant 0 : i32
    %sign3A_444 = arith.cmpi slt, %jit3A_431, %sign3A_443 : i32
    %sign3A_445 = arith.extui %sign3A_444 : i1 to i32
    %sign3A_446 = arith.subi %sign3A_442, %sign3A_445 : i32
    %ne3A_447 = arith.cmpi ne, %sign3A_439, %sign3A_446 : i32
    %rem3A_448 = arith.remsi %add3A_406, %jit3A_431 : i32
    %ne3A_449 = arith.constant 0 : i32
    %ne3A_450 = arith.cmpi ne, %rem3A_448, %ne3A_449 : i32
    %and3A_451 = arith.andi %ne3A_447, %ne3A_450 : i1
    %sub3A_452 = arith.constant 1 : i32
    %sub3A_453 = arith.subi %div3A_432, %sub3A_452 : i32
    %select_n3A_454 = arith.select %and3A_451, %sub3A_453, %div3A_432 : i32
    %jit3A_455 = arith.constant 128 : i32
    %eq3A_456 = arith.constant 0 : i32
    %eq3A_457 = arith.cmpi eq, %jit3A_455, %eq3A_456 : i32
    %jit3A_458 = arith.constant 1 : i32
    %select_n3A_459 = arith.select %eq3A_457, %jit3A_458, %jit3A_455 : i32
    %rem3A_460 = arith.remsi %select_n3A_454, %select_n3A_459 : i32
    %ne3A_461 = arith.constant 0 : i32
    %ne3A_462 = arith.cmpi ne, %rem3A_460, %ne3A_461 : i32
    %lt3A_463 = arith.constant 0 : i32
    %lt3A_464 = arith.cmpi slt, %rem3A_460, %lt3A_463 : i32
    %lt3A_465 = arith.constant 0 : i32
    %lt3A_466 = arith.cmpi slt, %select_n3A_459, %lt3A_465 : i32
    %ne3A_467 = arith.xori %lt3A_464, %lt3A_466 : i1
    %and3A_468 = arith.andi %ne3A_467, %ne3A_462 : i1
    %add3A_469 = arith.addi %rem3A_460, %select_n3A_459 : i32
    %select_n3A_470 = arith.select %and3A_468, %add3A_469, %rem3A_460 : i32
    %jit3A_471 = arith.constant 2 : i32
    %eq3A_472 = arith.constant 0 : i32
    %eq3A_473 = arith.cmpi eq, %jit3A_471, %eq3A_472 : i32
    %jit3A_474 = arith.constant 1 : i32
    %select_n3A_475 = arith.select %eq3A_473, %jit3A_474, %jit3A_471 : i32
    %rem3A_476 = arith.remsi %add3A_406, %select_n3A_475 : i32
    %ne3A_477 = arith.constant 0 : i32
    %ne3A_478 = arith.cmpi ne, %rem3A_476, %ne3A_477 : i32
    %lt3A_479 = arith.constant 0 : i32
    %lt3A_480 = arith.cmpi slt, %rem3A_476, %lt3A_479 : i32
    %lt3A_481 = arith.constant 0 : i32
    %lt3A_482 = arith.cmpi slt, %select_n3A_475, %lt3A_481 : i32
    %ne3A_483 = arith.xori %lt3A_480, %lt3A_482 : i1
    %and3A_484 = arith.andi %ne3A_483, %ne3A_478 : i1
    %add3A_485 = arith.addi %rem3A_476, %select_n3A_475 : i32
    %select_n3A_486 = arith.select %and3A_484, %add3A_485, %rem3A_476 : i32
    %mul3A_487 = arith.constant 512 : i32
    %mul3A_488 = arith.muli %select_n3A_486, %mul3A_487 : i32
    %dma_start3A_489 = arith.constant 3 : i32
    %dma_start3A_490 = arith.constant 3 : i32
    %dma_start3A_491 = arith.constant 0 : i32
    %dma_start3A_492 = tpu.memref_slice %arg5[%dma_start3A_489, %dma_start3A_491] : memref<4x512xi32, #tpu.memory_space<vmem>> -> memref<1x512xi32, #tpu.memory_space<vmem>>
    %dma_start3A_493 = tpu.memref_squeeze %dma_start3A_492 : memref<1x512xi32, #tpu.memory_space<vmem>> -> memref<512xi32, #tpu.memory_space<vmem>>
    %dma_start3A_494 = tpu.memref_slice %arg2[%select_n3A_430, %select_n3A_470, %mul3A_488] : memref<25x128x1024xi32, #tpu.memory_space<hbm>> -> memref<1x1x512xi32, #tpu.memory_space<hbm>>
    %dma_start3A_495 = tpu.memref_squeeze %dma_start3A_494 : memref<1x1x512xi32, #tpu.memory_space<hbm>> -> memref<512xi32, #tpu.memory_space<hbm>>
    %dma_start3A_496 = tpu.memref_slice %arg12[%dma_start3A_490] : memref<4x!tpu.dma_semaphore, #tpu.memory_space<semaphore_mem>> -> memref<1x!tpu.dma_semaphore, #tpu.memory_space<semaphore_mem>>
    %dma_start3A_497 = tpu.memref_squeeze %dma_start3A_496 : memref<1x!tpu.dma_semaphore, #tpu.memory_space<semaphore_mem>> -> memref<!tpu.dma_semaphore, #tpu.memory_space<semaphore_mem>>
    %dma_start3A_498 = arith.constant 0 : i32
    %dma_start3A_499 = tpu.memref_slice %arg5[%dma_start3A_489, %dma_start3A_498] : memref<4x512xi32, #tpu.memory_space<vmem>> -> memref<1x512xi32, #tpu.memory_space<vmem>>
    %dma_start3A_500 = tpu.memref_squeeze %dma_start3A_499 : memref<1x512xi32, #tpu.memory_space<vmem>> -> memref<512xi32, #tpu.memory_space<vmem>>
    %dma_start3A_501 = tpu.memref_slice %arg2[%select_n3A_430, %select_n3A_470, %mul3A_488] : memref<25x128x1024xi32, #tpu.memory_space<hbm>> -> memref<1x1x512xi32, #tpu.memory_space<hbm>>
    %dma_start3A_502 = tpu.memref_squeeze %dma_start3A_501 : memref<1x1x512xi32, #tpu.memory_space<hbm>> -> memref<512xi32, #tpu.memory_space<hbm>>
    tpu.enqueue_dma source(%dma_start3A_502 : memref<512xi32, #tpu.memory_space<hbm>>) target(%dma_start3A_500 : memref<512xi32, #tpu.memory_space<vmem>>) target_semaphore(%dma_start3A_497 : memref<!tpu.dma_semaphore, #tpu.memory_space<semaphore_mem>>)
    %jit3A_503 = arith.constant 256 : i32
    %div3A_504 = arith.divsi %mul3A_2, %jit3A_503 : i32
    %sign3A_505 = arith.constant 0 : i32
    %sign3A_506 = arith.cmpi sgt, %mul3A_2, %sign3A_505 : i32
    %sign3A_507 = arith.extui %sign3A_506 : i1 to i32
    %sign3A_508 = arith.constant 0 : i32
    %sign3A_509 = arith.cmpi slt, %mul3A_2, %sign3A_508 : i32
    %sign3A_510 = arith.extui %sign3A_509 : i1 to i32
    %sign3A_511 = arith.subi %sign3A_507, %sign3A_510 : i32
    %sign3A_512 = arith.constant 0 : i32
    %sign3A_513 = arith.cmpi sgt, %jit3A_503, %sign3A_512 : i32
    %sign3A_514 = arith.extui %sign3A_513 : i1 to i32
    %sign3A_515 = arith.constant 0 : i32
    %sign3A_516 = arith.cmpi slt, %jit3A_503, %sign3A_515 : i32
    %sign3A_517 = arith.extui %sign3A_516 : i1 to i32
    %sign3A_518 = arith.subi %sign3A_514, %sign3A_517 : i32
    %ne3A_519 = arith.cmpi ne, %sign3A_511, %sign3A_518 : i32
    %rem3A_520 = arith.remsi %mul3A_2, %jit3A_503 : i32
    %ne3A_521 = arith.constant 0 : i32
    %ne3A_522 = arith.cmpi ne, %rem3A_520, %ne3A_521 : i32
    %and3A_523 = arith.andi %ne3A_519, %ne3A_522 : i1
    %sub3A_524 = arith.constant 1 : i32
    %sub3A_525 = arith.subi %div3A_504, %sub3A_524 : i32
    %select_n3A_526 = arith.select %and3A_523, %sub3A_525, %div3A_504 : i32
    %jit3A_527 = arith.constant 2 : i32
    %div3A_528 = arith.divsi %mul3A_2, %jit3A_527 : i32
    %sign3A_529 = arith.constant 0 : i32
    %sign3A_530 = arith.cmpi sgt, %mul3A_2, %sign3A_529 : i32
    %sign3A_531 = arith.extui %sign3A_530 : i1 to i32
    %sign3A_532 = arith.constant 0 : i32
    %sign3A_533 = arith.cmpi slt, %mul3A_2, %sign3A_532 : i32
    %sign3A_534 = arith.extui %sign3A_533 : i1 to i32
    %sign3A_535 = arith.subi %sign3A_531, %sign3A_534 : i32
    %sign3A_536 = arith.constant 0 : i32
    %sign3A_537 = arith.cmpi sgt, %jit3A_527, %sign3A_536 : i32
    %sign3A_538 = arith.extui %sign3A_537 : i1 to i32
    %sign3A_539 = arith.constant 0 : i32
    %sign3A_540 = arith.cmpi slt, %jit3A_527, %sign3A_539 : i32
    %sign3A_541 = arith.extui %sign3A_540 : i1 to i32
    %sign3A_542 = arith.subi %sign3A_538, %sign3A_541 : i32
    %ne3A_543 = arith.cmpi ne, %sign3A_535, %sign3A_542 : i32
    %rem3A_544 = arith.remsi %mul3A_2, %jit3A_527 : i32
    %ne3A_545 = arith.constant 0 : i32
    %ne3A_546 = arith.cmpi ne, %rem3A_544, %ne3A_545 : i32
    %and3A_547 = arith.andi %ne3A_543, %ne3A_546 : i1
    %sub3A_548 = arith.constant 1 : i32
    %sub3A_549 = arith.subi %div3A_528, %sub3A_548 : i32
    %select_n3A_550 = arith.select %and3A_547, %sub3A_549, %div3A_528 : i32
    %jit3A_551 = arith.constant 128 : i32
    %eq3A_552 = arith.constant 0 : i32
    %eq3A_553 = arith.cmpi eq, %jit3A_551, %eq3A_552 : i32
    %jit3A_554 = arith.constant 1 : i32
    %select_n3A_555 = arith.select %eq3A_553, %jit3A_554, %jit3A_551 : i32
    %rem3A_556 = arith.remsi %select_n3A_550, %select_n3A_555 : i32
    %ne3A_557 = arith.constant 0 : i32
    %ne3A_558 = arith.cmpi ne, %rem3A_556, %ne3A_557 : i32
    %lt3A_559 = arith.constant 0 : i32
    %lt3A_560 = arith.cmpi slt, %rem3A_556, %lt3A_559 : i32
    %lt3A_561 = arith.constant 0 : i32
    %lt3A_562 = arith.cmpi slt, %select_n3A_555, %lt3A_561 : i32
    %ne3A_563 = arith.xori %lt3A_560, %lt3A_562 : i1
    %and3A_564 = arith.andi %ne3A_563, %ne3A_558 : i1
    %add3A_565 = arith.addi %rem3A_556, %select_n3A_555 : i32
    %select_n3A_566 = arith.select %and3A_564, %add3A_565, %rem3A_556 : i32
    %jit3A_567 = arith.constant 2 : i32
    %eq3A_568 = arith.constant 0 : i32
    %eq3A_569 = arith.cmpi eq, %jit3A_567, %eq3A_568 : i32
    %jit3A_570 = arith.constant 1 : i32
    %select_n3A_571 = arith.select %eq3A_569, %jit3A_570, %jit3A_567 : i32
    %rem3A_572 = arith.remsi %mul3A_2, %select_n3A_571 : i32
    %ne3A_573 = arith.constant 0 : i32
    %ne3A_574 = arith.cmpi ne, %rem3A_572, %ne3A_573 : i32
    %lt3A_575 = arith.constant 0 : i32
    %lt3A_576 = arith.cmpi slt, %rem3A_572, %lt3A_575 : i32
    %lt3A_577 = arith.constant 0 : i32
    %lt3A_578 = arith.cmpi slt, %select_n3A_571, %lt3A_577 : i32
    %ne3A_579 = arith.xori %lt3A_576, %lt3A_578 : i1
    %and3A_580 = arith.andi %ne3A_579, %ne3A_574 : i1
    %add3A_581 = arith.addi %rem3A_572, %select_n3A_571 : i32
    %select_n3A_582 = arith.select %and3A_580, %add3A_581, %rem3A_572 : i32
    %mul3A_583 = arith.constant 512 : i32
    %mul3A_584 = arith.muli %select_n3A_582, %mul3A_583 : i32
    %dma_wait3A = arith.constant 0 : i32
    %dma_wait3A_585 = arith.constant 0 : i32
    %dma_wait3A_586 = arith.constant 0 : i32
    %dma_wait3A_587 = tpu.memref_slice %arg5[%dma_wait3A, %dma_wait3A_586] : memref<4x512xi32, #tpu.memory_space<vmem>> -> memref<1x512xi32, #tpu.memory_space<vmem>>
    %dma_wait3A_588 = tpu.memref_squeeze %dma_wait3A_587 : memref<1x512xi32, #tpu.memory_space<vmem>> -> memref<512xi32, #tpu.memory_space<vmem>>
    %dma_wait3A_589 = tpu.memref_slice %arg2[%select_n3A_526, %select_n3A_566, %mul3A_584] : memref<25x128x1024xi32, #tpu.memory_space<hbm>> -> memref<1x1x512xi32, #tpu.memory_space<hbm>>
    %dma_wait3A_590 = tpu.memref_squeeze %dma_wait3A_589 : memref<1x1x512xi32, #tpu.memory_space<hbm>> -> memref<512xi32, #tpu.memory_space<hbm>>
    %dma_wait3A_591 = tpu.memref_slice %arg12[%dma_wait3A_585] : memref<4x!tpu.dma_semaphore, #tpu.memory_space<semaphore_mem>> -> memref<1x!tpu.dma_semaphore, #tpu.memory_space<semaphore_mem>>
    %dma_wait3A_592 = tpu.memref_squeeze %dma_wait3A_591 : memref<1x!tpu.dma_semaphore, #tpu.memory_space<semaphore_mem>> -> memref<!tpu.dma_semaphore, #tpu.memory_space<semaphore_mem>>
    %dma_wait3A_593 = arith.constant 0 : i32
    %dma_wait3A_594 = tpu.memref_slice %arg5[%dma_wait3A, %dma_wait3A_593] : memref<4x512xi32, #tpu.memory_space<vmem>> -> memref<1x512xi32, #tpu.memory_space<vmem>>
    %dma_wait3A_595 = tpu.memref_squeeze %dma_wait3A_594 : memref<1x512xi32, #tpu.memory_space<vmem>> -> memref<512xi32, #tpu.memory_space<vmem>>
    %dma_wait3A_596 = tpu.memref_slice %arg2[%select_n3A_526, %select_n3A_566, %mul3A_584] : memref<25x128x1024xi32, #tpu.memory_space<hbm>> -> memref<1x1x512xi32, #tpu.memory_space<hbm>>
    %dma_wait3A_597 = tpu.memref_squeeze %dma_wait3A_596 : memref<1x1x512xi32, #tpu.memory_space<hbm>> -> memref<512xi32, #tpu.memory_space<hbm>>
    tpu.wait_dma2 semaphore(%dma_wait3A_592 : memref<!tpu.dma_semaphore, #tpu.memory_space<semaphore_mem>>) src(%dma_wait3A_597 : memref<512xi32, #tpu.memory_space<hbm>>) dst(%dma_wait3A_595 : memref<512xi32, #tpu.memory_space<vmem>>)
    %dma_start3A_598 = arith.constant 0 : i32
    %dma_start3A_599 = arith.constant 0 : i32
    %dma_start3A_600 = arith.constant 0 : i32
    %dma_start3A_601 = tpu.memref_slice %arg5[%dma_start3A_598, %dma_start3A_600] : memref<4x512xi32, #tpu.memory_space<vmem>> -> memref<1x512xi32, #tpu.memory_space<vmem>>
    %dma_start3A_602 = tpu.memref_squeeze %dma_start3A_601 : memref<1x512xi32, #tpu.memory_space<vmem>> -> memref<512xi32, #tpu.memory_space<vmem>>
    %dma_start3A_603 = arith.constant 0 : i32
    %dma_start3A_604 = arith.constant 0 : i32
    %dma_start3A_605 = tpu.memref_slice %arg3[%dma_start3A_603, %dma_start3A_604] : memref<1000000x32xf32, #tpu.memory_space<hbm>> -> memref<1000000x32xf32, #tpu.memory_space<hbm>>
    %dma_start3A_606 = tpu.memref_slice %arg13[%dma_start3A_599] : memref<3x!tpu.dma_semaphore, #tpu.memory_space<semaphore_mem>> -> memref<1x!tpu.dma_semaphore, #tpu.memory_space<semaphore_mem>>
    %dma_start3A_607 = tpu.memref_squeeze %dma_start3A_606 : memref<1x!tpu.dma_semaphore, #tpu.memory_space<semaphore_mem>> -> memref<!tpu.dma_semaphore, #tpu.memory_space<semaphore_mem>>
    tpu.enqueue_indirect_dma source(%dma_start3A_605 : memref<1000000x32xf32, #tpu.memory_space<hbm>>) target(%arg6 : memref<512x32xf32, #tpu.memory_space<vmem>>) offsets(%dma_start3A_602 : memref<512xi32, #tpu.memory_space<vmem>>) semaphore(%dma_start3A_607 : memref<!tpu.dma_semaphore, #tpu.memory_space<semaphore_mem>>)
    %add3A_608 = arith.constant 1 : i32
    %add3A_609 = arith.addi %mul3A_2, %add3A_608 : i32
    %jit3A_610 = arith.constant 256 : i32
    %div3A_611 = arith.divsi %add3A_609, %jit3A_610 : i32
    %sign3A_612 = arith.constant 0 : i32
    %sign3A_613 = arith.cmpi sgt, %add3A_609, %sign3A_612 : i32
    %sign3A_614 = arith.extui %sign3A_613 : i1 to i32
    %sign3A_615 = arith.constant 0 : i32
    %sign3A_616 = arith.cmpi slt, %add3A_609, %sign3A_615 : i32
    %sign3A_617 = arith.extui %sign3A_616 : i1 to i32
    %sign3A_618 = arith.subi %sign3A_614, %sign3A_617 : i32
    %sign3A_619 = arith.constant 0 : i32
    %sign3A_620 = arith.cmpi sgt, %jit3A_610, %sign3A_619 : i32
    %sign3A_621 = arith.extui %sign3A_620 : i1 to i32
    %sign3A_622 = arith.constant 0 : i32
    %sign3A_623 = arith.cmpi slt, %jit3A_610, %sign3A_622 : i32
    %sign3A_624 = arith.extui %sign3A_623 : i1 to i32
    %sign3A_625 = arith.subi %sign3A_621, %sign3A_624 : i32
    %ne3A_626 = arith.cmpi ne, %sign3A_618, %sign3A_625 : i32
    %rem3A_627 = arith.remsi %add3A_609, %jit3A_610 : i32
    %ne3A_628 = arith.constant 0 : i32
    %ne3A_629 = arith.cmpi ne, %rem3A_627, %ne3A_628 : i32
    %and3A_630 = arith.andi %ne3A_626, %ne3A_629 : i1
    %sub3A_631 = arith.constant 1 : i32
    %sub3A_632 = arith.subi %div3A_611, %sub3A_631 : i32
    %select_n3A_633 = arith.select %and3A_630, %sub3A_632, %div3A_611 : i32
    %jit3A_634 = arith.constant 2 : i32
    %div3A_635 = arith.divsi %add3A_609, %jit3A_634 : i32
    %sign3A_636 = arith.constant 0 : i32
    %sign3A_637 = arith.cmpi sgt, %add3A_609, %sign3A_636 : i32
    %sign3A_638 = arith.extui %sign3A_637 : i1 to i32
    %sign3A_639 = arith.constant 0 : i32
    %sign3A_640 = arith.cmpi slt, %add3A_609, %sign3A_639 : i32
    %sign3A_641 = arith.extui %sign3A_640 : i1 to i32
    %sign3A_642 = arith.subi %sign3A_638, %sign3A_641 : i32
    %sign3A_643 = arith.constant 0 : i32
    %sign3A_644 = arith.cmpi sgt, %jit3A_634, %sign3A_643 : i32
    %sign3A_645 = arith.extui %sign3A_644 : i1 to i32
    %sign3A_646 = arith.constant 0 : i32
    %sign3A_647 = arith.cmpi slt, %jit3A_634, %sign3A_646 : i32
    %sign3A_648 = arith.extui %sign3A_647 : i1 to i32
    %sign3A_649 = arith.subi %sign3A_645, %sign3A_648 : i32
    %ne3A_650 = arith.cmpi ne, %sign3A_642, %sign3A_649 : i32
    %rem3A_651 = arith.remsi %add3A_609, %jit3A_634 : i32
    %ne3A_652 = arith.constant 0 : i32
    %ne3A_653 = arith.cmpi ne, %rem3A_651, %ne3A_652 : i32
    %and3A_654 = arith.andi %ne3A_650, %ne3A_653 : i1
    %sub3A_655 = arith.constant 1 : i32
    %sub3A_656 = arith.subi %div3A_635, %sub3A_655 : i32
    %select_n3A_657 = arith.select %and3A_654, %sub3A_656, %div3A_635 : i32
    %jit3A_658 = arith.constant 128 : i32
    %eq3A_659 = arith.constant 0 : i32
    %eq3A_660 = arith.cmpi eq, %jit3A_658, %eq3A_659 : i32
    %jit3A_661 = arith.constant 1 : i32
    %select_n3A_662 = arith.select %eq3A_660, %jit3A_661, %jit3A_658 : i32
    %rem3A_663 = arith.remsi %select_n3A_657, %select_n3A_662 : i32
    %ne3A_664 = arith.constant 0 : i32
    %ne3A_665 = arith.cmpi ne, %rem3A_663, %ne3A_664 : i32
    %lt3A_666 = arith.constant 0 : i32
    %lt3A_667 = arith.cmpi slt, %rem3A_663, %lt3A_666 : i32
    %lt3A_668 = arith.constant 0 : i32
    %lt3A_669 = arith.cmpi slt, %select_n3A_662, %lt3A_668 : i32
    %ne3A_670 = arith.xori %lt3A_667, %lt3A_669 : i1
    %and3A_671 = arith.andi %ne3A_670, %ne3A_665 : i1
    %add3A_672 = arith.addi %rem3A_663, %select_n3A_662 : i32
    %select_n3A_673 = arith.select %and3A_671, %add3A_672, %rem3A_663 : i32
    %jit3A_674 = arith.constant 2 : i32
    %eq3A_675 = arith.constant 0 : i32
    %eq3A_676 = arith.cmpi eq, %jit3A_674, %eq3A_675 : i32
    %jit3A_677 = arith.constant 1 : i32
    %select_n3A_678 = arith.select %eq3A_676, %jit3A_677, %jit3A_674 : i32
    %rem3A_679 = arith.remsi %add3A_609, %select_n3A_678 : i32
    %ne3A_680 = arith.constant 0 : i32
    %ne3A_681 = arith.cmpi ne, %rem3A_679, %ne3A_680 : i32
    %lt3A_682 = arith.constant 0 : i32
    %lt3A_683 = arith.cmpi slt, %rem3A_679, %lt3A_682 : i32
    %lt3A_684 = arith.constant 0 : i32
    %lt3A_685 = arith.cmpi slt, %select_n3A_678, %lt3A_684 : i32
    %ne3A_686 = arith.xori %lt3A_683, %lt3A_685 : i1
    %and3A_687 = arith.andi %ne3A_686, %ne3A_681 : i1
    %add3A_688 = arith.addi %rem3A_679, %select_n3A_678 : i32
    %select_n3A_689 = arith.select %and3A_687, %add3A_688, %rem3A_679 : i32
    %mul3A_690 = arith.constant 512 : i32
    %mul3A_691 = arith.muli %select_n3A_689, %mul3A_690 : i32
    %dma_wait3A_692 = arith.constant 1 : i32
    %dma_wait3A_693 = arith.constant 1 : i32
    %dma_wait3A_694 = arith.constant 0 : i32
    %dma_wait3A_695 = tpu.memref_slice %arg5[%dma_wait3A_692, %dma_wait3A_694] : memref<4x512xi32, #tpu.memory_space<vmem>> -> memref<1x512xi32, #tpu.memory_space<vmem>>
    %dma_wait3A_696 = tpu.memref_squeeze %dma_wait3A_695 : memref<1x512xi32, #tpu.memory_space<vmem>> -> memref<512xi32, #tpu.memory_space<vmem>>
    %dma_wait3A_697 = tpu.memref_slice %arg2[%select_n3A_633, %select_n3A_673, %mul3A_691] : memref<25x128x1024xi32, #tpu.memory_space<hbm>> -> memref<1x1x512xi32, #tpu.memory_space<hbm>>
    %dma_wait3A_698 = tpu.memref_squeeze %dma_wait3A_697 : memref<1x1x512xi32, #tpu.memory_space<hbm>> -> memref<512xi32, #tpu.memory_space<hbm>>
    %dma_wait3A_699 = tpu.memref_slice %arg12[%dma_wait3A_693] : memref<4x!tpu.dma_semaphore, #tpu.memory_space<semaphore_mem>> -> memref<1x!tpu.dma_semaphore, #tpu.memory_space<semaphore_mem>>
    %dma_wait3A_700 = tpu.memref_squeeze %dma_wait3A_699 : memref<1x!tpu.dma_semaphore, #tpu.memory_space<semaphore_mem>> -> memref<!tpu.dma_semaphore, #tpu.memory_space<semaphore_mem>>
    %dma_wait3A_701 = arith.constant 0 : i32
    %dma_wait3A_702 = tpu.memref_slice %arg5[%dma_wait3A_692, %dma_wait3A_701] : memref<4x512xi32, #tpu.memory_space<vmem>> -> memref<1x512xi32, #tpu.memory_space<vmem>>
    %dma_wait3A_703 = tpu.memref_squeeze %dma_wait3A_702 : memref<1x512xi32, #tpu.memory_space<vmem>> -> memref<512xi32, #tpu.memory_space<vmem>>
    %dma_wait3A_704 = tpu.memref_slice %arg2[%select_n3A_633, %select_n3A_673, %mul3A_691] : memref<25x128x1024xi32, #tpu.memory_space<hbm>> -> memref<1x1x512xi32, #tpu.memory_space<hbm>>
    %dma_wait3A_705 = tpu.memref_squeeze %dma_wait3A_704 : memref<1x1x512xi32, #tpu.memory_space<hbm>> -> memref<512xi32, #tpu.memory_space<hbm>>
    tpu.wait_dma2 semaphore(%dma_wait3A_700 : memref<!tpu.dma_semaphore, #tpu.memory_space<semaphore_mem>>) src(%dma_wait3A_705 : memref<512xi32, #tpu.memory_space<hbm>>) dst(%dma_wait3A_703 : memref<512xi32, #tpu.memory_space<vmem>>)
    %dma_start3A_706 = arith.constant 1 : i32
    %dma_start3A_707 = arith.constant 1 : i32
    %dma_start3A_708 = arith.constant 0 : i32
    %dma_start3A_709 = tpu.memref_slice %arg5[%dma_start3A_706, %dma_start3A_708] : memref<4x512xi32, #tpu.memory_space<vmem>> -> memref<1x512xi32, #tpu.memory_space<vmem>>
    %dma_start3A_710 = tpu.memref_squeeze %dma_start3A_709 : memref<1x512xi32, #tpu.memory_space<vmem>> -> memref<512xi32, #tpu.memory_space<vmem>>
    %dma_start3A_711 = arith.constant 0 : i32
    %dma_start3A_712 = arith.constant 0 : i32
    %dma_start3A_713 = tpu.memref_slice %arg3[%dma_start3A_711, %dma_start3A_712] : memref<1000000x32xf32, #tpu.memory_space<hbm>> -> memref<1000000x32xf32, #tpu.memory_space<hbm>>
    %dma_start3A_714 = tpu.memref_slice %arg13[%dma_start3A_707] : memref<3x!tpu.dma_semaphore, #tpu.memory_space<semaphore_mem>> -> memref<1x!tpu.dma_semaphore, #tpu.memory_space<semaphore_mem>>
    %dma_start3A_715 = tpu.memref_squeeze %dma_start3A_714 : memref<1x!tpu.dma_semaphore, #tpu.memory_space<semaphore_mem>> -> memref<!tpu.dma_semaphore, #tpu.memory_space<semaphore_mem>>
    tpu.enqueue_indirect_dma source(%dma_start3A_713 : memref<1000000x32xf32, #tpu.memory_space<hbm>>) target(%arg7 : memref<512x32xf32, #tpu.memory_space<vmem>>) offsets(%dma_start3A_710 : memref<512xi32, #tpu.memory_space<vmem>>) semaphore(%dma_start3A_715 : memref<!tpu.dma_semaphore, #tpu.memory_space<semaphore_mem>>)
    %scan3A = arith.constant 0 : i32
    %scan3A_716 = arith.constant 0 : i32
    %scan3A_717 = arith.constant 66 : i32
    %scan3A_718 = arith.addi %scan3A_716, %scan3A_717 : i32
    %scan3A_719 = arith.constant 1 : i32
    scf.for %scan3A_1520 = %scan3A_716 to %scan3A_718 step %scan3A_719  : i32 {
      %mul3A_1521 = arith.constant 3 : i32
      %mul3A_1522 = arith.muli %scan3A_1520, %mul3A_1521 : i32
      %add3A_1523 = arith.constant 0 : i32
      %add3A_1524 = arith.addi %mul3A_1522, %add3A_1523 : i32
      %add3A_1525 = arith.addi %mul3A_2, %add3A_1524 : i32
      %rem3A_1526 = arith.constant 4 : i32
      %rem3A_1527 = arith.remsi %add3A_1524, %rem3A_1526 : i32
      %dma_wait3A_1528 = arith.constant 0 : i32
      %dma_wait3A_1529 = arith.constant 0 : i32
      %dma_wait3A_1530 = tpu.memref_slice %arg5[%rem3A_1527, %dma_wait3A_1529] : memref<4x512xi32, #tpu.memory_space<vmem>> -> memref<1x512xi32, #tpu.memory_space<vmem>>
      %dma_wait3A_1531 = tpu.memref_squeeze %dma_wait3A_1530 : memref<1x512xi32, #tpu.memory_space<vmem>> -> memref<512xi32, #tpu.memory_space<vmem>>
      %dma_wait3A_1532 = arith.constant 0 : i32
      %dma_wait3A_1533 = arith.constant 0 : i32
      %dma_wait3A_1534 = tpu.memref_slice %arg3[%dma_wait3A_1532, %dma_wait3A_1533] : memref<1000000x32xf32, #tpu.memory_space<hbm>> -> memref<1000000x32xf32, #tpu.memory_space<hbm>>
      %dma_wait3A_1535 = tpu.memref_slice %arg13[%dma_wait3A_1528] : memref<3x!tpu.dma_semaphore, #tpu.memory_space<semaphore_mem>> -> memref<1x!tpu.dma_semaphore, #tpu.memory_space<semaphore_mem>>
      %dma_wait3A_1536 = tpu.memref_squeeze %dma_wait3A_1535 : memref<1x!tpu.dma_semaphore, #tpu.memory_space<semaphore_mem>> -> memref<!tpu.dma_semaphore, #tpu.memory_space<semaphore_mem>>
      tpu.wait_indirect_dma semaphore(%dma_wait3A_1536 : memref<!tpu.dma_semaphore, #tpu.memory_space<semaphore_mem>>) src(%dma_wait3A_1534 : memref<1000000x32xf32, #tpu.memory_space<hbm>>) dst(%arg6 : memref<512x32xf32, #tpu.memory_space<vmem>>)
      %add3A_1537 = arith.constant 4 : i32
      %add3A_1538 = arith.addi %add3A_1524, %add3A_1537 : i32
      %lt3A_1539 = arith.constant 200 : i32
      %lt3A_1540 = arith.cmpi slt, %add3A_1538, %lt3A_1539 : i32
      %convert_element_type3A = arith.extui %lt3A_1540 : i1 to i32
      %cond3A = arith.constant 0 : i32
      %cond3A_1541 = arith.cmpi ne, %convert_element_type3A, %cond3A : i32
      scf.if %cond3A_1541 {
        %add3A_1956 = arith.constant 4 : i32
        %add3A_1957 = arith.addi %add3A_1525, %add3A_1956 : i32
        %rem3A_1958 = arith.constant 4 : i32
        %rem3A_1959 = arith.remsi %add3A_1524, %rem3A_1958 : i32
        %jit3A_1960 = arith.constant 256 : i32
        %div3A_1961 = arith.divsi %add3A_1957, %jit3A_1960 : i32
        %sign3A_1962 = arith.constant 0 : i32
        %sign3A_1963 = arith.cmpi sgt, %add3A_1957, %sign3A_1962 : i32
        %sign3A_1964 = arith.extui %sign3A_1963 : i1 to i32
        %sign3A_1965 = arith.constant 0 : i32
        %sign3A_1966 = arith.cmpi slt, %add3A_1957, %sign3A_1965 : i32
        %sign3A_1967 = arith.extui %sign3A_1966 : i1 to i32
        %sign3A_1968 = arith.subi %sign3A_1964, %sign3A_1967 : i32
        %sign3A_1969 = arith.constant 0 : i32
        %sign3A_1970 = arith.cmpi sgt, %jit3A_1960, %sign3A_1969 : i32
        %sign3A_1971 = arith.extui %sign3A_1970 : i1 to i32
        %sign3A_1972 = arith.constant 0 : i32
        %sign3A_1973 = arith.cmpi slt, %jit3A_1960, %sign3A_1972 : i32
        %sign3A_1974 = arith.extui %sign3A_1973 : i1 to i32
        %sign3A_1975 = arith.subi %sign3A_1971, %sign3A_1974 : i32
        %ne3A_1976 = arith.cmpi ne, %sign3A_1968, %sign3A_1975 : i32
        %rem3A_1977 = arith.remsi %add3A_1957, %jit3A_1960 : i32
        %ne3A_1978 = arith.constant 0 : i32
        %ne3A_1979 = arith.cmpi ne, %rem3A_1977, %ne3A_1978 : i32
        %and3A_1980 = arith.andi %ne3A_1976, %ne3A_1979 : i1
        %sub3A_1981 = arith.constant 1 : i32
        %sub3A_1982 = arith.subi %div3A_1961, %sub3A_1981 : i32
        %select_n3A_1983 = arith.select %and3A_1980, %sub3A_1982, %div3A_1961 : i32
        %jit3A_1984 = arith.constant 2 : i32
        %div3A_1985 = arith.divsi %add3A_1957, %jit3A_1984 : i32
        %sign3A_1986 = arith.constant 0 : i32
        %sign3A_1987 = arith.cmpi sgt, %add3A_1957, %sign3A_1986 : i32
        %sign3A_1988 = arith.extui %sign3A_1987 : i1 to i32
        %sign3A_1989 = arith.constant 0 : i32
        %sign3A_1990 = arith.cmpi slt, %add3A_1957, %sign3A_1989 : i32
        %sign3A_1991 = arith.extui %sign3A_1990 : i1 to i32
        %sign3A_1992 = arith.subi %sign3A_1988, %sign3A_1991 : i32
        %sign3A_1993 = arith.constant 0 : i32
        %sign3A_1994 = arith.cmpi sgt, %jit3A_1984, %sign3A_1993 : i32
        %sign3A_1995 = arith.extui %sign3A_1994 : i1 to i32
        %sign3A_1996 = arith.constant 0 : i32
        %sign3A_1997 = arith.cmpi slt, %jit3A_1984, %sign3A_1996 : i32
        %sign3A_1998 = arith.extui %sign3A_1997 : i1 to i32
        %sign3A_1999 = arith.subi %sign3A_1995, %sign3A_1998 : i32
        %ne3A_2000 = arith.cmpi ne, %sign3A_1992, %sign3A_1999 : i32
        %rem3A_2001 = arith.remsi %add3A_1957, %jit3A_1984 : i32
        %ne3A_2002 = arith.constant 0 : i32
        %ne3A_2003 = arith.cmpi ne, %rem3A_2001, %ne3A_2002 : i32
        %and3A_2004 = arith.andi %ne3A_2000, %ne3A_2003 : i1
        %sub3A_2005 = arith.constant 1 : i32
        %sub3A_2006 = arith.subi %div3A_1985, %sub3A_2005 : i32
        %select_n3A_2007 = arith.select %and3A_2004, %sub3A_2006, %div3A_1985 : i32
        %jit3A_2008 = arith.constant 128 : i32
        %eq3A_2009 = arith.constant 0 : i32
        %eq3A_2010 = arith.cmpi eq, %jit3A_2008, %eq3A_2009 : i32
        %jit3A_2011 = arith.constant 1 : i32
        %select_n3A_2012 = arith.select %eq3A_2010, %jit3A_2011, %jit3A_2008 : i32
        %rem3A_2013 = arith.remsi %select_n3A_2007, %select_n3A_2012 : i32
        %ne3A_2014 = arith.constant 0 : i32
        %ne3A_2015 = arith.cmpi ne, %rem3A_2013, %ne3A_2014 : i32
        %lt3A_2016 = arith.constant 0 : i32
        %lt3A_2017 = arith.cmpi slt, %rem3A_2013, %lt3A_2016 : i32
        %lt3A_2018 = arith.constant 0 : i32
        %lt3A_2019 = arith.cmpi slt, %select_n3A_2012, %lt3A_2018 : i32
        %ne3A_2020 = arith.xori %lt3A_2017, %lt3A_2019 : i1
        %and3A_2021 = arith.andi %ne3A_2020, %ne3A_2015 : i1
        %add3A_2022 = arith.addi %rem3A_2013, %select_n3A_2012 : i32
        %select_n3A_2023 = arith.select %and3A_2021, %add3A_2022, %rem3A_2013 : i32
        %jit3A_2024 = arith.constant 2 : i32
        %eq3A_2025 = arith.constant 0 : i32
        %eq3A_2026 = arith.cmpi eq, %jit3A_2024, %eq3A_2025 : i32
        %jit3A_2027 = arith.constant 1 : i32
        %select_n3A_2028 = arith.select %eq3A_2026, %jit3A_2027, %jit3A_2024 : i32
        %rem3A_2029 = arith.remsi %add3A_1957, %select_n3A_2028 : i32
        %ne3A_2030 = arith.constant 0 : i32
        %ne3A_2031 = arith.cmpi ne, %rem3A_2029, %ne3A_2030 : i32
        %lt3A_2032 = arith.constant 0 : i32
        %lt3A_2033 = arith.cmpi slt, %rem3A_2029, %lt3A_2032 : i32
        %lt3A_2034 = arith.constant 0 : i32
        %lt3A_2035 = arith.cmpi slt, %select_n3A_2028, %lt3A_2034 : i32
        %ne3A_2036 = arith.xori %lt3A_2033, %lt3A_2035 : i1
        %and3A_2037 = arith.andi %ne3A_2036, %ne3A_2031 : i1
        %add3A_2038 = arith.addi %rem3A_2029, %select_n3A_2028 : i32
        %select_n3A_2039 = arith.select %and3A_2037, %add3A_2038, %rem3A_2029 : i32
        %mul3A_2040 = arith.constant 512 : i32
        %mul3A_2041 = arith.muli %select_n3A_2039, %mul3A_2040 : i32
        %dma_start3A_2042 = arith.constant 0 : i32
        %dma_start3A_2043 = tpu.memref_slice %arg5[%rem3A_1959, %dma_start3A_2042] : memref<4x512xi32, #tpu.memory_space<vmem>> -> memref<1x512xi32, #tpu.memory_space<vmem>>
        %dma_start3A_2044 = tpu.memref_squeeze %dma_start3A_2043 : memref<1x512xi32, #tpu.memory_space<vmem>> -> memref<512xi32, #tpu.memory_space<vmem>>
        %dma_start3A_2045 = tpu.memref_slice %arg2[%select_n3A_1983, %select_n3A_2023, %mul3A_2041] : memref<25x128x1024xi32, #tpu.memory_space<hbm>> -> memref<1x1x512xi32, #tpu.memory_space<hbm>>
        %dma_start3A_2046 = tpu.memref_squeeze %dma_start3A_2045 : memref<1x1x512xi32, #tpu.memory_space<hbm>> -> memref<512xi32, #tpu.memory_space<hbm>>
        %dma_start3A_2047 = tpu.memref_slice %arg12[%rem3A_1959] : memref<4x!tpu.dma_semaphore, #tpu.memory_space<semaphore_mem>> -> memref<1x!tpu.dma_semaphore, #tpu.memory_space<semaphore_mem>>
        %dma_start3A_2048 = tpu.memref_squeeze %dma_start3A_2047 : memref<1x!tpu.dma_semaphore, #tpu.memory_space<semaphore_mem>> -> memref<!tpu.dma_semaphore, #tpu.memory_space<semaphore_mem>>
        %dma_start3A_2049 = arith.constant 0 : i32
        %dma_start3A_2050 = tpu.memref_slice %arg5[%rem3A_1959, %dma_start3A_2049] : memref<4x512xi32, #tpu.memory_space<vmem>> -> memref<1x512xi32, #tpu.memory_space<vmem>>
        %dma_start3A_2051 = tpu.memref_squeeze %dma_start3A_2050 : memref<1x512xi32, #tpu.memory_space<vmem>> -> memref<512xi32, #tpu.memory_space<vmem>>
        %dma_start3A_2052 = tpu.memref_slice %arg2[%select_n3A_1983, %select_n3A_2023, %mul3A_2041] : memref<25x128x1024xi32, #tpu.memory_space<hbm>> -> memref<1x1x512xi32, #tpu.memory_space<hbm>>
        %dma_start3A_2053 = tpu.memref_squeeze %dma_start3A_2052 : memref<1x1x512xi32, #tpu.memory_space<hbm>> -> memref<512xi32, #tpu.memory_space<hbm>>
        tpu.enqueue_dma source(%dma_start3A_2053 : memref<512xi32, #tpu.memory_space<hbm>>) target(%dma_start3A_2051 : memref<512xi32, #tpu.memory_space<vmem>>) target_semaphore(%dma_start3A_2048 : memref<!tpu.dma_semaphore, #tpu.memory_space<semaphore_mem>>)
      } else {
      }
      %add3A_1542 = arith.constant 2 : i32
      %add3A_1543 = arith.addi %add3A_1524, %add3A_1542 : i32
      %lt3A_1544 = arith.constant 200 : i32
      %lt3A_1545 = arith.cmpi slt, %add3A_1543, %lt3A_1544 : i32
      %convert_element_type3A_1546 = arith.extui %lt3A_1545 : i1 to i32
      %cond3A_1547 = arith.constant 0 : i32
      %cond3A_1548 = arith.cmpi ne, %convert_element_type3A_1546, %cond3A_1547 : i32
      scf.if %cond3A_1548 {
        %add3A_1956 = arith.constant 2 : i32
        %add3A_1957 = arith.addi %add3A_1525, %add3A_1956 : i32
        %add3A_1958 = arith.constant 2 : i32
        %add3A_1959 = arith.addi %add3A_1524, %add3A_1958 : i32
        %rem3A_1960 = arith.constant 4 : i32
        %rem3A_1961 = arith.remsi %add3A_1959, %rem3A_1960 : i32
        %jit3A_1962 = arith.constant 256 : i32
        %div3A_1963 = arith.divsi %add3A_1957, %jit3A_1962 : i32
        %sign3A_1964 = arith.constant 0 : i32
        %sign3A_1965 = arith.cmpi sgt, %add3A_1957, %sign3A_1964 : i32
        %sign3A_1966 = arith.extui %sign3A_1965 : i1 to i32
        %sign3A_1967 = arith.constant 0 : i32
        %sign3A_1968 = arith.cmpi slt, %add3A_1957, %sign3A_1967 : i32
        %sign3A_1969 = arith.extui %sign3A_1968 : i1 to i32
        %sign3A_1970 = arith.subi %sign3A_1966, %sign3A_1969 : i32
        %sign3A_1971 = arith.constant 0 : i32
        %sign3A_1972 = arith.cmpi sgt, %jit3A_1962, %sign3A_1971 : i32
        %sign3A_1973 = arith.extui %sign3A_1972 : i1 to i32
        %sign3A_1974 = arith.constant 0 : i32
        %sign3A_1975 = arith.cmpi slt, %jit3A_1962, %sign3A_1974 : i32
        %sign3A_1976 = arith.extui %sign3A_1975 : i1 to i32
        %sign3A_1977 = arith.subi %sign3A_1973, %sign3A_1976 : i32
        %ne3A_1978 = arith.cmpi ne, %sign3A_1970, %sign3A_1977 : i32
        %rem3A_1979 = arith.remsi %add3A_1957, %jit3A_1962 : i32
        %ne3A_1980 = arith.constant 0 : i32
        %ne3A_1981 = arith.cmpi ne, %rem3A_1979, %ne3A_1980 : i32
        %and3A_1982 = arith.andi %ne3A_1978, %ne3A_1981 : i1
        %sub3A_1983 = arith.constant 1 : i32
        %sub3A_1984 = arith.subi %div3A_1963, %sub3A_1983 : i32
        %select_n3A_1985 = arith.select %and3A_1982, %sub3A_1984, %div3A_1963 : i32
        %jit3A_1986 = arith.constant 2 : i32
        %div3A_1987 = arith.divsi %add3A_1957, %jit3A_1986 : i32
        %sign3A_1988 = arith.constant 0 : i32
        %sign3A_1989 = arith.cmpi sgt, %add3A_1957, %sign3A_1988 : i32
        %sign3A_1990 = arith.extui %sign3A_1989 : i1 to i32
        %sign3A_1991 = arith.constant 0 : i32
        %sign3A_1992 = arith.cmpi slt, %add3A_1957, %sign3A_1991 : i32
        %sign3A_1993 = arith.extui %sign3A_1992 : i1 to i32
        %sign3A_1994 = arith.subi %sign3A_1990, %sign3A_1993 : i32
        %sign3A_1995 = arith.constant 0 : i32
        %sign3A_1996 = arith.cmpi sgt, %jit3A_1986, %sign3A_1995 : i32
        %sign3A_1997 = arith.extui %sign3A_1996 : i1 to i32
        %sign3A_1998 = arith.constant 0 : i32
        %sign3A_1999 = arith.cmpi slt, %jit3A_1986, %sign3A_1998 : i32
        %sign3A_2000 = arith.extui %sign3A_1999 : i1 to i32
        %sign3A_2001 = arith.subi %sign3A_1997, %sign3A_2000 : i32
        %ne3A_2002 = arith.cmpi ne, %sign3A_1994, %sign3A_2001 : i32
        %rem3A_2003 = arith.remsi %add3A_1957, %jit3A_1986 : i32
        %ne3A_2004 = arith.constant 0 : i32
        %ne3A_2005 = arith.cmpi ne, %rem3A_2003, %ne3A_2004 : i32
        %and3A_2006 = arith.andi %ne3A_2002, %ne3A_2005 : i1
        %sub3A_2007 = arith.constant 1 : i32
        %sub3A_2008 = arith.subi %div3A_1987, %sub3A_2007 : i32
        %select_n3A_2009 = arith.select %and3A_2006, %sub3A_2008, %div3A_1987 : i32
        %jit3A_2010 = arith.constant 128 : i32
        %eq3A_2011 = arith.constant 0 : i32
        %eq3A_2012 = arith.cmpi eq, %jit3A_2010, %eq3A_2011 : i32
        %jit3A_2013 = arith.constant 1 : i32
        %select_n3A_2014 = arith.select %eq3A_2012, %jit3A_2013, %jit3A_2010 : i32
        %rem3A_2015 = arith.remsi %select_n3A_2009, %select_n3A_2014 : i32
        %ne3A_2016 = arith.constant 0 : i32
        %ne3A_2017 = arith.cmpi ne, %rem3A_2015, %ne3A_2016 : i32
        %lt3A_2018 = arith.constant 0 : i32
        %lt3A_2019 = arith.cmpi slt, %rem3A_2015, %lt3A_2018 : i32
        %lt3A_2020 = arith.constant 0 : i32
        %lt3A_2021 = arith.cmpi slt, %select_n3A_2014, %lt3A_2020 : i32
        %ne3A_2022 = arith.xori %lt3A_2019, %lt3A_2021 : i1
        %and3A_2023 = arith.andi %ne3A_2022, %ne3A_2017 : i1
        %add3A_2024 = arith.addi %rem3A_2015, %select_n3A_2014 : i32
        %select_n3A_2025 = arith.select %and3A_2023, %add3A_2024, %rem3A_2015 : i32
        %jit3A_2026 = arith.constant 2 : i32
        %eq3A_2027 = arith.constant 0 : i32
        %eq3A_2028 = arith.cmpi eq, %jit3A_2026, %eq3A_2027 : i32
        %jit3A_2029 = arith.constant 1 : i32
        %select_n3A_2030 = arith.select %eq3A_2028, %jit3A_2029, %jit3A_2026 : i32
        %rem3A_2031 = arith.remsi %add3A_1957, %select_n3A_2030 : i32
        %ne3A_2032 = arith.constant 0 : i32
        %ne3A_2033 = arith.cmpi ne, %rem3A_2031, %ne3A_2032 : i32
        %lt3A_2034 = arith.constant 0 : i32
        %lt3A_2035 = arith.cmpi slt, %rem3A_2031, %lt3A_2034 : i32
        %lt3A_2036 = arith.constant 0 : i32
        %lt3A_2037 = arith.cmpi slt, %select_n3A_2030, %lt3A_2036 : i32
        %ne3A_2038 = arith.xori %lt3A_2035, %lt3A_2037 : i1
        %and3A_2039 = arith.andi %ne3A_2038, %ne3A_2033 : i1
        %add3A_2040 = arith.addi %rem3A_2031, %select_n3A_2030 : i32
        %select_n3A_2041 = arith.select %and3A_2039, %add3A_2040, %rem3A_2031 : i32
        %mul3A_2042 = arith.constant 512 : i32
        %mul3A_2043 = arith.muli %select_n3A_2041, %mul3A_2042 : i32
        %dma_wait3A_2044 = arith.constant 0 : i32
        %dma_wait3A_2045 = tpu.memref_slice %arg5[%rem3A_1961, %dma_wait3A_2044] : memref<4x512xi32, #tpu.memory_space<vmem>> -> memref<1x512xi32, #tpu.memory_space<vmem>>
        %dma_wait3A_2046 = tpu.memref_squeeze %dma_wait3A_2045 : memref<1x512xi32, #tpu.memory_space<vmem>> -> memref<512xi32, #tpu.memory_space<vmem>>
        %dma_wait3A_2047 = tpu.memref_slice %arg2[%select_n3A_1985, %select_n3A_2025, %mul3A_2043] : memref<25x128x1024xi32, #tpu.memory_space<hbm>> -> memref<1x1x512xi32, #tpu.memory_space<hbm>>
        %dma_wait3A_2048 = tpu.memref_squeeze %dma_wait3A_2047 : memref<1x1x512xi32, #tpu.memory_space<hbm>> -> memref<512xi32, #tpu.memory_space<hbm>>
        %dma_wait3A_2049 = tpu.memref_slice %arg12[%rem3A_1961] : memref<4x!tpu.dma_semaphore, #tpu.memory_space<semaphore_mem>> -> memref<1x!tpu.dma_semaphore, #tpu.memory_space<semaphore_mem>>
        %dma_wait3A_2050 = tpu.memref_squeeze %dma_wait3A_2049 : memref<1x!tpu.dma_semaphore, #tpu.memory_space<semaphore_mem>> -> memref<!tpu.dma_semaphore, #tpu.memory_space<semaphore_mem>>
        %dma_wait3A_2051 = arith.constant 0 : i32
        %dma_wait3A_2052 = tpu.memref_slice %arg5[%rem3A_1961, %dma_wait3A_2051] : memref<4x512xi32, #tpu.memory_space<vmem>> -> memref<1x512xi32, #tpu.memory_space<vmem>>
        %dma_wait3A_2053 = tpu.memref_squeeze %dma_wait3A_2052 : memref<1x512xi32, #tpu.memory_space<vmem>> -> memref<512xi32, #tpu.memory_space<vmem>>
        %dma_wait3A_2054 = tpu.memref_slice %arg2[%select_n3A_1985, %select_n3A_2025, %mul3A_2043] : memref<25x128x1024xi32, #tpu.memory_space<hbm>> -> memref<1x1x512xi32, #tpu.memory_space<hbm>>
        %dma_wait3A_2055 = tpu.memref_squeeze %dma_wait3A_2054 : memref<1x1x512xi32, #tpu.memory_space<hbm>> -> memref<512xi32, #tpu.memory_space<hbm>>
        tpu.wait_dma2 semaphore(%dma_wait3A_2050 : memref<!tpu.dma_semaphore, #tpu.memory_space<semaphore_mem>>) src(%dma_wait3A_2055 : memref<512xi32, #tpu.memory_space<hbm>>) dst(%dma_wait3A_2053 : memref<512xi32, #tpu.memory_space<vmem>>)
        %add3A_2056 = arith.constant 2 : i32
        %add3A_2057 = arith.addi %add3A_1524, %add3A_2056 : i32
        %rem3A_2058 = arith.constant 4 : i32
        %rem3A_2059 = arith.remsi %add3A_2057, %rem3A_2058 : i32
        %dma_start3A_2060 = arith.constant 2 : i32
        %dma_start3A_2061 = arith.constant 0 : i32
        %dma_start3A_2062 = tpu.memref_slice %arg5[%rem3A_2059, %dma_start3A_2061] : memref<4x512xi32, #tpu.memory_space<vmem>> -> memref<1x512xi32, #tpu.memory_space<vmem>>
        %dma_start3A_2063 = tpu.memref_squeeze %dma_start3A_2062 : memref<1x512xi32, #tpu.memory_space<vmem>> -> memref<512xi32, #tpu.memory_space<vmem>>
        %dma_start3A_2064 = arith.constant 0 : i32
        %dma_start3A_2065 = arith.constant 0 : i32
        %dma_start3A_2066 = tpu.memref_slice %arg3[%dma_start3A_2064, %dma_start3A_2065] : memref<1000000x32xf32, #tpu.memory_space<hbm>> -> memref<1000000x32xf32, #tpu.memory_space<hbm>>
        %dma_start3A_2067 = tpu.memref_slice %arg13[%dma_start3A_2060] : memref<3x!tpu.dma_semaphore, #tpu.memory_space<semaphore_mem>> -> memref<1x!tpu.dma_semaphore, #tpu.memory_space<semaphore_mem>>
        %dma_start3A_2068 = tpu.memref_squeeze %dma_start3A_2067 : memref<1x!tpu.dma_semaphore, #tpu.memory_space<semaphore_mem>> -> memref<!tpu.dma_semaphore, #tpu.memory_space<semaphore_mem>>
        tpu.enqueue_indirect_dma source(%dma_start3A_2066 : memref<1000000x32xf32, #tpu.memory_space<hbm>>) target(%arg8 : memref<512x32xf32, #tpu.memory_space<vmem>>) offsets(%dma_start3A_2063 : memref<512xi32, #tpu.memory_space<vmem>>) semaphore(%dma_start3A_2068 : memref<!tpu.dma_semaphore, #tpu.memory_space<semaphore_mem>>)
      } else {
      }
      %ge3A = arith.constant 3 : i32
      %ge3A_1549 = arith.cmpi sge, %add3A_1524, %ge3A : i32
      %convert_element_type3A_1550 = arith.extui %ge3A_1549 : i1 to i32
      %cond3A_1551 = arith.constant 0 : i32
      %cond3A_1552 = arith.cmpi ne, %convert_element_type3A_1550, %cond3A_1551 : i32
      scf.if %cond3A_1552 {
        %sub3A_1956 = arith.constant 3 : i32
        %sub3A_1957 = arith.subi %add3A_1525, %sub3A_1956 : i32
        %jit3A_1958 = arith.constant 256 : i32
        %div3A_1959 = arith.divsi %sub3A_1957, %jit3A_1958 : i32
        %sign3A_1960 = arith.constant 0 : i32
        %sign3A_1961 = arith.cmpi sgt, %sub3A_1957, %sign3A_1960 : i32
        %sign3A_1962 = arith.extui %sign3A_1961 : i1 to i32
        %sign3A_1963 = arith.constant 0 : i32
        %sign3A_1964 = arith.cmpi slt, %sub3A_1957, %sign3A_1963 : i32
        %sign3A_1965 = arith.extui %sign3A_1964 : i1 to i32
        %sign3A_1966 = arith.subi %sign3A_1962, %sign3A_1965 : i32
        %sign3A_1967 = arith.constant 0 : i32
        %sign3A_1968 = arith.cmpi sgt, %jit3A_1958, %sign3A_1967 : i32
        %sign3A_1969 = arith.extui %sign3A_1968 : i1 to i32
        %sign3A_1970 = arith.constant 0 : i32
        %sign3A_1971 = arith.cmpi slt, %jit3A_1958, %sign3A_1970 : i32
        %sign3A_1972 = arith.extui %sign3A_1971 : i1 to i32
        %sign3A_1973 = arith.subi %sign3A_1969, %sign3A_1972 : i32
        %ne3A_1974 = arith.cmpi ne, %sign3A_1966, %sign3A_1973 : i32
        %rem3A_1975 = arith.remsi %sub3A_1957, %jit3A_1958 : i32
        %ne3A_1976 = arith.constant 0 : i32
        %ne3A_1977 = arith.cmpi ne, %rem3A_1975, %ne3A_1976 : i32
        %and3A_1978 = arith.andi %ne3A_1974, %ne3A_1977 : i1
        %sub3A_1979 = arith.constant 1 : i32
        %sub3A_1980 = arith.subi %div3A_1959, %sub3A_1979 : i32
        %select_n3A_1981 = arith.select %and3A_1978, %sub3A_1980, %div3A_1959 : i32
        %jit3A_1982 = arith.constant 2 : i32
        %div3A_1983 = arith.divsi %sub3A_1957, %jit3A_1982 : i32
        %sign3A_1984 = arith.constant 0 : i32
        %sign3A_1985 = arith.cmpi sgt, %sub3A_1957, %sign3A_1984 : i32
        %sign3A_1986 = arith.extui %sign3A_1985 : i1 to i32
        %sign3A_1987 = arith.constant 0 : i32
        %sign3A_1988 = arith.cmpi slt, %sub3A_1957, %sign3A_1987 : i32
        %sign3A_1989 = arith.extui %sign3A_1988 : i1 to i32
        %sign3A_1990 = arith.subi %sign3A_1986, %sign3A_1989 : i32
        %sign3A_1991 = arith.constant 0 : i32
        %sign3A_1992 = arith.cmpi sgt, %jit3A_1982, %sign3A_1991 : i32
        %sign3A_1993 = arith.extui %sign3A_1992 : i1 to i32
        %sign3A_1994 = arith.constant 0 : i32
        %sign3A_1995 = arith.cmpi slt, %jit3A_1982, %sign3A_1994 : i32
        %sign3A_1996 = arith.extui %sign3A_1995 : i1 to i32
        %sign3A_1997 = arith.subi %sign3A_1993, %sign3A_1996 : i32
        %ne3A_1998 = arith.cmpi ne, %sign3A_1990, %sign3A_1997 : i32
        %rem3A_1999 = arith.remsi %sub3A_1957, %jit3A_1982 : i32
        %ne3A_2000 = arith.constant 0 : i32
        %ne3A_2001 = arith.cmpi ne, %rem3A_1999, %ne3A_2000 : i32
        %and3A_2002 = arith.andi %ne3A_1998, %ne3A_2001 : i1
        %sub3A_2003 = arith.constant 1 : i32
        %sub3A_2004 = arith.subi %div3A_1983, %sub3A_2003 : i32
        %select_n3A_2005 = arith.select %and3A_2002, %sub3A_2004, %div3A_1983 : i32
        %jit3A_2006 = arith.constant 128 : i32
        %eq3A_2007 = arith.constant 0 : i32
        %eq3A_2008 = arith.cmpi eq, %jit3A_2006, %eq3A_2007 : i32
        %jit3A_2009 = arith.constant 1 : i32
        %select_n3A_2010 = arith.select %eq3A_2008, %jit3A_2009, %jit3A_2006 : i32
        %rem3A_2011 = arith.remsi %select_n3A_2005, %select_n3A_2010 : i32
        %ne3A_2012 = arith.constant 0 : i32
        %ne3A_2013 = arith.cmpi ne, %rem3A_2011, %ne3A_2012 : i32
        %lt3A_2014 = arith.constant 0 : i32
        %lt3A_2015 = arith.cmpi slt, %rem3A_2011, %lt3A_2014 : i32
        %lt3A_2016 = arith.constant 0 : i32
        %lt3A_2017 = arith.cmpi slt, %select_n3A_2010, %lt3A_2016 : i32
        %ne3A_2018 = arith.xori %lt3A_2015, %lt3A_2017 : i1
        %and3A_2019 = arith.andi %ne3A_2018, %ne3A_2013 : i1
        %add3A_2020 = arith.addi %rem3A_2011, %select_n3A_2010 : i32
        %select_n3A_2021 = arith.select %and3A_2019, %add3A_2020, %rem3A_2011 : i32
        %jit3A_2022 = arith.constant 2 : i32
        %eq3A_2023 = arith.constant 0 : i32
        %eq3A_2024 = arith.cmpi eq, %jit3A_2022, %eq3A_2023 : i32
        %jit3A_2025 = arith.constant 1 : i32
        %select_n3A_2026 = arith.select %eq3A_2024, %jit3A_2025, %jit3A_2022 : i32
        %rem3A_2027 = arith.remsi %sub3A_1957, %select_n3A_2026 : i32
        %ne3A_2028 = arith.constant 0 : i32
        %ne3A_2029 = arith.cmpi ne, %rem3A_2027, %ne3A_2028 : i32
        %lt3A_2030 = arith.constant 0 : i32
        %lt3A_2031 = arith.cmpi slt, %rem3A_2027, %lt3A_2030 : i32
        %lt3A_2032 = arith.constant 0 : i32
        %lt3A_2033 = arith.cmpi slt, %select_n3A_2026, %lt3A_2032 : i32
        %ne3A_2034 = arith.xori %lt3A_2031, %lt3A_2033 : i1
        %and3A_2035 = arith.andi %ne3A_2034, %ne3A_2029 : i1
        %add3A_2036 = arith.addi %rem3A_2027, %select_n3A_2026 : i32
        %select_n3A_2037 = arith.select %and3A_2035, %add3A_2036, %rem3A_2027 : i32
        %mul3A_2038 = arith.constant 8 : i32
        %mul3A_2039 = arith.muli %select_n3A_1981, %mul3A_2038 : i32
        %mul3A_2040 = arith.constant 4 : i32
        %mul3A_2041 = arith.muli %select_n3A_2037, %mul3A_2040 : i32
        %add3A_2042 = arith.addi %mul3A_2039, %mul3A_2041 : i32
        %dma_wait3A_2043 = arith.constant 0 : i32
        %dma_wait3A_2044 = arith.constant 0 : i32
        %dma_wait3A_2045 = arith.constant 0 : i32
        %dma_wait3A_2046 = arith.constant 0 : i32
        %dma_wait3A_2047 = arith.constant 0 : i32
        %dma_wait3A_2048 = tpu.memref_slice %arg9[%dma_wait3A_2044, %dma_wait3A_2045, %dma_wait3A_2046, %dma_wait3A_2047] : memref<4x4x8x129xf32, #tpu.memory_space<vmem>> -> memref<4x4x8x128xf32, #tpu.memory_space<vmem>>
        %dma_wait3A_2049 = arith.constant 0 : i32
        %dma_wait3A_2050 = arith.constant 0 : i32
        %dma_wait3A_2051 = arith.constant 0 : i32
        %dma_wait3A_2052 = tpu.memref_slice %arg4[%add3A_2042, %dma_wait3A_2049, %select_n3A_2021, %dma_wait3A_2050, %dma_wait3A_2051] : memref<200x4x128x8x128xf32, #tpu.memory_space<hbm>> -> memref<4x4x1x8x128xf32, #tpu.memory_space<hbm>>
        %dma_wait3A_2053 = tpu.memref_squeeze %dma_wait3A_2052 : memref<4x4x1x8x128xf32, #tpu.memory_space<hbm>> -> memref<4x4x8x128xf32, #tpu.memory_space<hbm>>
        %dma_wait3A_2054 = tpu.memref_slice %arg14[%dma_wait3A_2043] : memref<3x!tpu.dma_semaphore, #tpu.memory_space<semaphore_mem>> -> memref<1x!tpu.dma_semaphore, #tpu.memory_space<semaphore_mem>>
        %dma_wait3A_2055 = tpu.memref_squeeze %dma_wait3A_2054 : memref<1x!tpu.dma_semaphore, #tpu.memory_space<semaphore_mem>> -> memref<!tpu.dma_semaphore, #tpu.memory_space<semaphore_mem>>
        %dma_wait3A_2056 = arith.constant 0 : i32
        %dma_wait3A_2057 = arith.constant 0 : i32
        %dma_wait3A_2058 = arith.constant 0 : i32
        %dma_wait3A_2059 = tpu.memref_slice %arg4[%add3A_2042, %dma_wait3A_2056, %select_n3A_2021, %dma_wait3A_2057, %dma_wait3A_2058] : memref<200x4x128x8x128xf32, #tpu.memory_space<hbm>> -> memref<4x4x1x8x128xf32, #tpu.memory_space<hbm>>
        %dma_wait3A_2060 = tpu.memref_squeeze %dma_wait3A_2059 : memref<4x4x1x8x128xf32, #tpu.memory_space<hbm>> -> memref<4x4x8x128xf32, #tpu.memory_space<hbm>>
        %dma_wait3A_2061 = arith.constant 0 : i32
        %dma_wait3A_2062 = arith.constant 0 : i32
        %dma_wait3A_2063 = arith.constant 0 : i32
        %dma_wait3A_2064 = arith.constant 0 : i32
        %dma_wait3A_2065 = tpu.memref_slice %arg9[%dma_wait3A_2061, %dma_wait3A_2062, %dma_wait3A_2063, %dma_wait3A_2064] : memref<4x4x8x129xf32, #tpu.memory_space<vmem>> -> memref<4x4x8x128xf32, #tpu.memory_space<vmem>>
        tpu.wait_dma2 semaphore(%dma_wait3A_2055 : memref<!tpu.dma_semaphore, #tpu.memory_space<semaphore_mem>>) src(%dma_wait3A_2065 : memref<4x4x8x128xf32, #tpu.memory_space<vmem>>) dst(%dma_wait3A_2060 : memref<4x4x8x128xf32, #tpu.memory_space<hbm>>)
      } else {
      }
      %parallel_loop3A_1553 = arith.constant 0 : i32
      %parallel_loop3A_1554 = arith.constant 128 : i32
      %parallel_loop3A_1555 = arith.constant 1 : i32
      scf.for %parallel_loop3A_1956 = %parallel_loop3A_1553 to %parallel_loop3A_1554 step %parallel_loop3A_1555  : i32 {
        %parallel_loop3A_1957 = vector.broadcast %parallel_loop3A_1956 : i32 to vector<16xi32>
        %parallel_loop3A_1958 = arith.addi %broadcast_in_dim3A_3, %parallel_loop3A_1957 : vector<16xi32>
        %parallel_loop3A_1959 = arith.constant 0 : i32
        %parallel_loop3A_1960 = arith.addi %parallel_loop3A_1959, %parallel_loop3A_1956 : i32
        %parallel_loop3A_1961 = arith.index_cast %parallel_loop3A_1960 : i32 to index
        %parallel_loop3A_1962 = arith.constant 0 : index
        %parallel_loop3A_1963 = tpu.vector_load %arg6[%parallel_loop3A_1961, %parallel_loop3A_1962] {strides = array<i32>} : memref<512x32xf32, #tpu.memory_space<vmem>>, vector<16xf32>,
        %parallel_loop3A_1964 = arith.constant 0 : i32
        %parallel_loop3A_1965 = arith.constant 0 : i32
        %parallel_loop3A_1966 = arith.constant 0 : i32
        %parallel_loop3A_1967 = arith.constant 0 : i32
        %parallel_loop3A_1968 = tpu.memref_slice %arg9[%parallel_loop3A_1964, %parallel_loop3A_1965, %parallel_loop3A_1966, %parallel_loop3A_1967] : memref<4x4x8x129xf32, #tpu.memory_space<vmem>> -> memref<1x4x8x129xf32, #tpu.memory_space<vmem>>
        %parallel_loop3A_1969 = tpu.memref_squeeze %parallel_loop3A_1968 : memref<1x4x8x129xf32, #tpu.memory_space<vmem>> -> memref<4x8x129xf32, #tpu.memory_space<vmem>>
        tpu.vector_store_idx %parallel_loop3A_1969[%select_n3A, %select_n3A_86, %parallel_loop3A_1958], %parallel_loop3A_1963 : memref<4x8x129xf32, #tpu.memory_space<vmem>>[vector<16xi32>, vector<16xi32>, vector<16xi32>], vector<16xf32>,
        %parallel_loop3A_1970 = arith.constant 0 : i32
        %parallel_loop3A_1971 = arith.addi %parallel_loop3A_1970, %parallel_loop3A_1956 : i32
        %parallel_loop3A_1972 = arith.index_cast %parallel_loop3A_1971 : i32 to index
        %parallel_loop3A_1973 = arith.constant 16 : index
        %parallel_loop3A_1974 = tpu.vector_load %arg6[%parallel_loop3A_1972, %parallel_loop3A_1973] {strides = array<i32>} : memref<512x32xf32, #tpu.memory_space<vmem>>, vector<16xf32>,
        %parallel_loop3A_1975 = arith.constant 0 : i32
        %parallel_loop3A_1976 = arith.constant 0 : i32
        %parallel_loop3A_1977 = arith.constant 0 : i32
        %parallel_loop3A_1978 = arith.constant 0 : i32
        %parallel_loop3A_1979 = tpu.memref_slice %arg9[%parallel_loop3A_1975, %parallel_loop3A_1976, %parallel_loop3A_1977, %parallel_loop3A_1978] : memref<4x4x8x129xf32, #tpu.memory_space<vmem>> -> memref<1x4x8x129xf32, #tpu.memory_space<vmem>>
        %parallel_loop3A_1980 = tpu.memref_squeeze %parallel_loop3A_1979 : memref<1x4x8x129xf32, #tpu.memory_space<vmem>> -> memref<4x8x129xf32, #tpu.memory_space<vmem>>
        tpu.vector_store_idx %parallel_loop3A_1980[%select_n3A_63, %select_n3A_111, %parallel_loop3A_1958], %parallel_loop3A_1974 : memref<4x8x129xf32, #tpu.memory_space<vmem>>[vector<16xi32>, vector<16xi32>, vector<16xi32>], vector<16xf32>,
        %parallel_loop3A_1981 = arith.constant 128 : i32
        %parallel_loop3A_1982 = arith.addi %parallel_loop3A_1981, %parallel_loop3A_1956 : i32
        %parallel_loop3A_1983 = arith.index_cast %parallel_loop3A_1982 : i32 to index
        %parallel_loop3A_1984 = arith.constant 0 : index
        %parallel_loop3A_1985 = tpu.vector_load %arg6[%parallel_loop3A_1983, %parallel_loop3A_1984] {strides = array<i32>} : memref<512x32xf32, #tpu.memory_space<vmem>>, vector<16xf32>,
        %parallel_loop3A_1986 = arith.constant 1 : i32
        %parallel_loop3A_1987 = arith.constant 0 : i32
        %parallel_loop3A_1988 = arith.constant 0 : i32
        %parallel_loop3A_1989 = arith.constant 0 : i32
        %parallel_loop3A_1990 = tpu.memref_slice %arg9[%parallel_loop3A_1986, %parallel_loop3A_1987, %parallel_loop3A_1988, %parallel_loop3A_1989] : memref<4x4x8x129xf32, #tpu.memory_space<vmem>> -> memref<1x4x8x129xf32, #tpu.memory_space<vmem>>
        %parallel_loop3A_1991 = tpu.memref_squeeze %parallel_loop3A_1990 : memref<1x4x8x129xf32, #tpu.memory_space<vmem>> -> memref<4x8x129xf32, #tpu.memory_space<vmem>>
        tpu.vector_store_idx %parallel_loop3A_1991[%select_n3A, %select_n3A_86, %parallel_loop3A_1958], %parallel_loop3A_1985 : memref<4x8x129xf32, #tpu.memory_space<vmem>>[vector<16xi32>, vector<16xi32>, vector<16xi32>], vector<16xf32>,
        %parallel_loop3A_1992 = arith.constant 128 : i32
        %parallel_loop3A_1993 = arith.addi %parallel_loop3A_1992, %parallel_loop3A_1956 : i32
        %parallel_loop3A_1994 = arith.index_cast %parallel_loop3A_1993 : i32 to index
        %parallel_loop3A_1995 = arith.constant 16 : index
        %parallel_loop3A_1996 = tpu.vector_load %arg6[%parallel_loop3A_1994, %parallel_loop3A_1995] {strides = array<i32>} : memref<512x32xf32, #tpu.memory_space<vmem>>, vector<16xf32>,
        %parallel_loop3A_1997 = arith.constant 1 : i32
        %parallel_loop3A_1998 = arith.constant 0 : i32
        %parallel_loop3A_1999 = arith.constant 0 : i32
        %parallel_loop3A_2000 = arith.constant 0 : i32
        %parallel_loop3A_2001 = tpu.memref_slice %arg9[%parallel_loop3A_1997, %parallel_loop3A_1998, %parallel_loop3A_1999, %parallel_loop3A_2000] : memref<4x4x8x129xf32, #tpu.memory_space<vmem>> -> memref<1x4x8x129xf32, #tpu.memory_space<vmem>>
        %parallel_loop3A_2002 = tpu.memref_squeeze %parallel_loop3A_2001 : memref<1x4x8x129xf32, #tpu.memory_space<vmem>> -> memref<4x8x129xf32, #tpu.memory_space<vmem>>
        tpu.vector_store_idx %parallel_loop3A_2002[%select_n3A_63, %select_n3A_111, %parallel_loop3A_1958], %parallel_loop3A_1996 : memref<4x8x129xf32, #tpu.memory_space<vmem>>[vector<16xi32>, vector<16xi32>, vector<16xi32>], vector<16xf32>,
        %parallel_loop3A_2003 = arith.constant 256 : i32
        %parallel_loop3A_2004 = arith.addi %parallel_loop3A_2003, %parallel_loop3A_1956 : i32
        %parallel_loop3A_2005 = arith.index_cast %parallel_loop3A_2004 : i32 to index
        %parallel_loop3A_2006 = arith.constant 0 : index
        %parallel_loop3A_2007 = tpu.vector_load %arg6[%parallel_loop3A_2005, %parallel_loop3A_2006] {strides = array<i32>} : memref<512x32xf32, #tpu.memory_space<vmem>>, vector<16xf32>,
        %parallel_loop3A_2008 = arith.constant 2 : i32
        %parallel_loop3A_2009 = arith.constant 0 : i32
        %parallel_loop3A_2010 = arith.constant 0 : i32
        %parallel_loop3A_2011 = arith.constant 0 : i32
        %parallel_loop3A_2012 = tpu.memref_slice %arg9[%parallel_loop3A_2008, %parallel_loop3A_2009, %parallel_loop3A_2010, %parallel_loop3A_2011] : memref<4x4x8x129xf32, #tpu.memory_space<vmem>> -> memref<1x4x8x129xf32, #tpu.memory_space<vmem>>
        %parallel_loop3A_2013 = tpu.memref_squeeze %parallel_loop3A_2012 : memref<1x4x8x129xf32, #tpu.memory_space<vmem>> -> memref<4x8x129xf32, #tpu.memory_space<vmem>>
        tpu.vector_store_idx %parallel_loop3A_2013[%select_n3A, %select_n3A_86, %parallel_loop3A_1958], %parallel_loop3A_2007 : memref<4x8x129xf32, #tpu.memory_space<vmem>>[vector<16xi32>, vector<16xi32>, vector<16xi32>], vector<16xf32>,
        %parallel_loop3A_2014 = arith.constant 256 : i32
        %parallel_loop3A_2015 = arith.addi %parallel_loop3A_2014, %parallel_loop3A_1956 : i32
        %parallel_loop3A_2016 = arith.index_cast %parallel_loop3A_2015 : i32 to index
        %parallel_loop3A_2017 = arith.constant 16 : index
        %parallel_loop3A_2018 = tpu.vector_load %arg6[%parallel_loop3A_2016, %parallel_loop3A_2017] {strides = array<i32>} : memref<512x32xf32, #tpu.memory_space<vmem>>, vector<16xf32>,
        %parallel_loop3A_2019 = arith.constant 2 : i32
        %parallel_loop3A_2020 = arith.constant 0 : i32
        %parallel_loop3A_2021 = arith.constant 0 : i32
        %parallel_loop3A_2022 = arith.constant 0 : i32
        %parallel_loop3A_2023 = tpu.memref_slice %arg9[%parallel_loop3A_2019, %parallel_loop3A_2020, %parallel_loop3A_2021, %parallel_loop3A_2022] : memref<4x4x8x129xf32, #tpu.memory_space<vmem>> -> memref<1x4x8x129xf32, #tpu.memory_space<vmem>>
        %parallel_loop3A_2024 = tpu.memref_squeeze %parallel_loop3A_2023 : memref<1x4x8x129xf32, #tpu.memory_space<vmem>> -> memref<4x8x129xf32, #tpu.memory_space<vmem>>
        tpu.vector_store_idx %parallel_loop3A_2024[%select_n3A_63, %select_n3A_111, %parallel_loop3A_1958], %parallel_loop3A_2018 : memref<4x8x129xf32, #tpu.memory_space<vmem>>[vector<16xi32>, vector<16xi32>, vector<16xi32>], vector<16xf32>,
        %parallel_loop3A_2025 = arith.constant 384 : i32
        %parallel_loop3A_2026 = arith.addi %parallel_loop3A_2025, %parallel_loop3A_1956 : i32
        %parallel_loop3A_2027 = arith.index_cast %parallel_loop3A_2026 : i32 to index
        %parallel_loop3A_2028 = arith.constant 0 : index
        %parallel_loop3A_2029 = tpu.vector_load %arg6[%parallel_loop3A_2027, %parallel_loop3A_2028] {strides = array<i32>} : memref<512x32xf32, #tpu.memory_space<vmem>>, vector<16xf32>,
        %parallel_loop3A_2030 = arith.constant 3 : i32
        %parallel_loop3A_2031 = arith.constant 0 : i32
        %parallel_loop3A_2032 = arith.constant 0 : i32
        %parallel_loop3A_2033 = arith.constant 0 : i32
        %parallel_loop3A_2034 = tpu.memref_slice %arg9[%parallel_loop3A_2030, %parallel_loop3A_2031, %parallel_loop3A_2032, %parallel_loop3A_2033] : memref<4x4x8x129xf32, #tpu.memory_space<vmem>> -> memref<1x4x8x129xf32, #tpu.memory_space<vmem>>
        %parallel_loop3A_2035 = tpu.memref_squeeze %parallel_loop3A_2034 : memref<1x4x8x129xf32, #tpu.memory_space<vmem>> -> memref<4x8x129xf32, #tpu.memory_space<vmem>>
        tpu.vector_store_idx %parallel_loop3A_2035[%select_n3A, %select_n3A_86, %parallel_loop3A_1958], %parallel_loop3A_2029 : memref<4x8x129xf32, #tpu.memory_space<vmem>>[vector<16xi32>, vector<16xi32>, vector<16xi32>], vector<16xf32>,
        %parallel_loop3A_2036 = arith.constant 384 : i32
        %parallel_loop3A_2037 = arith.addi %parallel_loop3A_2036, %parallel_loop3A_1956 : i32
        %parallel_loop3A_2038 = arith.index_cast %parallel_loop3A_2037 : i32 to index
        %parallel_loop3A_2039 = arith.constant 16 : index
        %parallel_loop3A_2040 = tpu.vector_load %arg6[%parallel_loop3A_2038, %parallel_loop3A_2039] {strides = array<i32>} : memref<512x32xf32, #tpu.memory_space<vmem>>, vector<16xf32>,
        %parallel_loop3A_2041 = arith.constant 3 : i32
        %parallel_loop3A_2042 = arith.constant 0 : i32
        %parallel_loop3A_2043 = arith.constant 0 : i32
        %parallel_loop3A_2044 = arith.constant 0 : i32
        %parallel_loop3A_2045 = tpu.memref_slice %arg9[%parallel_loop3A_2041, %parallel_loop3A_2042, %parallel_loop3A_2043, %parallel_loop3A_2044] : memref<4x4x8x129xf32, #tpu.memory_space<vmem>> -> memref<1x4x8x129xf32, #tpu.memory_space<vmem>>
        %parallel_loop3A_2046 = tpu.memref_squeeze %parallel_loop3A_2045 : memref<1x4x8x129xf32, #tpu.memory_space<vmem>> -> memref<4x8x129xf32, #tpu.memory_space<vmem>>
        tpu.vector_store_idx %parallel_loop3A_2046[%select_n3A_63, %select_n3A_111, %parallel_loop3A_1958], %parallel_loop3A_2040 : memref<4x8x129xf32, #tpu.memory_space<vmem>>[vector<16xi32>, vector<16xi32>, vector<16xi32>], vector<16xf32>,
      } {sc.loop_unroll_factor = 8 : i64, sc.parallel_access}
      %jit3A_1556 = arith.constant 256 : i32
      %div3A_1557 = arith.divsi %add3A_1525, %jit3A_1556 : i32
      %sign3A_1558 = arith.constant 0 : i32
      %sign3A_1559 = arith.cmpi sgt, %add3A_1525, %sign3A_1558 : i32
      %sign3A_1560 = arith.extui %sign3A_1559 : i1 to i32
      %sign3A_1561 = arith.constant 0 : i32
      %sign3A_1562 = arith.cmpi slt, %add3A_1525, %sign3A_1561 : i32
      %sign3A_1563 = arith.extui %sign3A_1562 : i1 to i32
      %sign3A_1564 = arith.subi %sign3A_1560, %sign3A_1563 : i32
      %sign3A_1565 = arith.constant 0 : i32
      %sign3A_1566 = arith.cmpi sgt, %jit3A_1556, %sign3A_1565 : i32
      %sign3A_1567 = arith.extui %sign3A_1566 : i1 to i32
      %sign3A_1568 = arith.constant 0 : i32
      %sign3A_1569 = arith.cmpi slt, %jit3A_1556, %sign3A_1568 : i32
      %sign3A_1570 = arith.extui %sign3A_1569 : i1 to i32
      %sign3A_1571 = arith.subi %sign3A_1567, %sign3A_1570 : i32
      %ne3A_1572 = arith.cmpi ne, %sign3A_1564, %sign3A_1571 : i32
      %rem3A_1573 = arith.remsi %add3A_1525, %jit3A_1556 : i32
      %ne3A_1574 = arith.constant 0 : i32
      %ne3A_1575 = arith.cmpi ne, %rem3A_1573, %ne3A_1574 : i32
      %and3A_1576 = arith.andi %ne3A_1572, %ne3A_1575 : i1
      %sub3A_1577 = arith.constant 1 : i32
      %sub3A_1578 = arith.subi %div3A_1557, %sub3A_1577 : i32
      %select_n3A_1579 = arith.select %and3A_1576, %sub3A_1578, %div3A_1557 : i32
      %jit3A_1580 = arith.constant 2 : i32
      %div3A_1581 = arith.divsi %add3A_1525, %jit3A_1580 : i32
      %sign3A_1582 = arith.constant 0 : i32
      %sign3A_1583 = arith.cmpi sgt, %add3A_1525, %sign3A_1582 : i32
      %sign3A_1584 = arith.extui %sign3A_1583 : i1 to i32
      %sign3A_1585 = arith.constant 0 : i32
      %sign3A_1586 = arith.cmpi slt, %add3A_1525, %sign3A_1585 : i32
      %sign3A_1587 = arith.extui %sign3A_1586 : i1 to i32
      %sign3A_1588 = arith.subi %sign3A_1584, %sign3A_1587 : i32
      %sign3A_1589 = arith.constant 0 : i32
      %sign3A_1590 = arith.cmpi sgt, %jit3A_1580, %sign3A_1589 : i32
      %sign3A_1591 = arith.extui %sign3A_1590 : i1 to i32
      %sign3A_1592 = arith.constant 0 : i32
      %sign3A_1593 = arith.cmpi slt, %jit3A_1580, %sign3A_1592 : i32
      %sign3A_1594 = arith.extui %sign3A_1593 : i1 to i32
      %sign3A_1595 = arith.subi %sign3A_1591, %sign3A_1594 : i32
      %ne3A_1596 = arith.cmpi ne, %sign3A_1588, %sign3A_1595 : i32
      %rem3A_1597 = arith.remsi %add3A_1525, %jit3A_1580 : i32
      %ne3A_1598 = arith.constant 0 : i32
      %ne3A_1599 = arith.cmpi ne, %rem3A_1597, %ne3A_1598 : i32
      %and3A_1600 = arith.andi %ne3A_1596, %ne3A_1599 : i1
      %sub3A_1601 = arith.constant 1 : i32
      %sub3A_1602 = arith.subi %div3A_1581, %sub3A_1601 : i32
      %select_n3A_1603 = arith.select %and3A_1600, %sub3A_1602, %div3A_1581 : i32
      %jit3A_1604 = arith.constant 128 : i32
      %eq3A_1605 = arith.constant 0 : i32
      %eq3A_1606 = arith.cmpi eq, %jit3A_1604, %eq3A_1605 : i32
      %jit3A_1607 = arith.constant 1 : i32
      %select_n3A_1608 = arith.select %eq3A_1606, %jit3A_1607, %jit3A_1604 : i32
      %rem3A_1609 = arith.remsi %select_n3A_1603, %select_n3A_1608 : i32
      %ne3A_1610 = arith.constant 0 : i32
      %ne3A_1611 = arith.cmpi ne, %rem3A_1609, %ne3A_1610 : i32
      %lt3A_1612 = arith.constant 0 : i32
      %lt3A_1613 = arith.cmpi slt, %rem3A_1609, %lt3A_1612 : i32
      %lt3A_1614 = arith.constant 0 : i32
      %lt3A_1615 = arith.cmpi slt, %select_n3A_1608, %lt3A_1614 : i32
      %ne3A_1616 = arith.xori %lt3A_1613, %lt3A_1615 : i1
      %and3A_1617 = arith.andi %ne3A_1616, %ne3A_1611 : i1
      %add3A_1618 = arith.addi %rem3A_1609, %select_n3A_1608 : i32
      %select_n3A_1619 = arith.select %and3A_1617, %add3A_1618, %rem3A_1609 : i32
      %jit3A_1620 = arith.constant 2 : i32
      %eq3A_1621 = arith.constant 0 : i32
      %eq3A_1622 = arith.cmpi eq, %jit3A_1620, %eq3A_1621 : i32
      %jit3A_1623 = arith.constant 1 : i32
      %select_n3A_1624 = arith.select %eq3A_1622, %jit3A_1623, %jit3A_1620 : i32
      %rem3A_1625 = arith.remsi %add3A_1525, %select_n3A_1624 : i32
      %ne3A_1626 = arith.constant 0 : i32
      %ne3A_1627 = arith.cmpi ne, %rem3A_1625, %ne3A_1626 : i32
      %lt3A_1628 = arith.constant 0 : i32
      %lt3A_1629 = arith.cmpi slt, %rem3A_1625, %lt3A_1628 : i32
      %lt3A_1630 = arith.constant 0 : i32
      %lt3A_1631 = arith.cmpi slt, %select_n3A_1624, %lt3A_1630 : i32
      %ne3A_1632 = arith.xori %lt3A_1629, %lt3A_1631 : i1
      %and3A_1633 = arith.andi %ne3A_1632, %ne3A_1627 : i1
      %add3A_1634 = arith.addi %rem3A_1625, %select_n3A_1624 : i32
      %select_n3A_1635 = arith.select %and3A_1633, %add3A_1634, %rem3A_1625 : i32
      %mul3A_1636 = arith.constant 8 : i32
      %mul3A_1637 = arith.muli %select_n3A_1579, %mul3A_1636 : i32
      %mul3A_1638 = arith.constant 4 : i32
      %mul3A_1639 = arith.muli %select_n3A_1635, %mul3A_1638 : i32
      %add3A_1640 = arith.addi %mul3A_1637, %mul3A_1639 : i32
      %dma_start3A_1641 = arith.constant 0 : i32
      %dma_start3A_1642 = arith.constant 0 : i32
      %dma_start3A_1643 = arith.constant 0 : i32
      %dma_start3A_1644 = arith.constant 0 : i32
      %dma_start3A_1645 = arith.constant 0 : i32
      %dma_start3A_1646 = tpu.memref_slice %arg9[%dma_start3A_1642, %dma_start3A_1643, %dma_start3A_1644, %dma_start3A_1645] : memref<4x4x8x129xf32, #tpu.memory_space<vmem>> -> memref<4x4x8x128xf32, #tpu.memory_space<vmem>>
      %dma_start3A_1647 = arith.constant 0 : i32
      %dma_start3A_1648 = arith.constant 0 : i32
      %dma_start3A_1649 = arith.constant 0 : i32
      %dma_start3A_1650 = tpu.memref_slice %arg4[%add3A_1640, %dma_start3A_1647, %select_n3A_1619, %dma_start3A_1648, %dma_start3A_1649] : memref<200x4x128x8x128xf32, #tpu.memory_space<hbm>> -> memref<4x4x1x8x128xf32, #tpu.memory_space<hbm>>
      %dma_start3A_1651 = tpu.memref_squeeze %dma_start3A_1650 : memref<4x4x1x8x128xf32, #tpu.memory_space<hbm>> -> memref<4x4x8x128xf32, #tpu.memory_space<hbm>>
      %dma_start3A_1652 = tpu.memref_slice %arg14[%dma_start3A_1641] : memref<3x!tpu.dma_semaphore, #tpu.memory_space<semaphore_mem>> -> memref<1x!tpu.dma_semaphore, #tpu.memory_space<semaphore_mem>>
      %dma_start3A_1653 = tpu.memref_squeeze %dma_start3A_1652 : memref<1x!tpu.dma_semaphore, #tpu.memory_space<semaphore_mem>> -> memref<!tpu.dma_semaphore, #tpu.memory_space<semaphore_mem>>
      %dma_start3A_1654 = arith.constant 0 : i32
      %dma_start3A_1655 = arith.constant 0 : i32
      %dma_start3A_1656 = arith.constant 0 : i32
      %dma_start3A_1657 = tpu.memref_slice %arg4[%add3A_1640, %dma_start3A_1654, %select_n3A_1619, %dma_start3A_1655, %dma_start3A_1656] : memref<200x4x128x8x128xf32, #tpu.memory_space<hbm>> -> memref<4x4x1x8x128xf32, #tpu.memory_space<hbm>>
      %dma_start3A_1658 = tpu.memref_squeeze %dma_start3A_1657 : memref<4x4x1x8x128xf32, #tpu.memory_space<hbm>> -> memref<4x4x8x128xf32, #tpu.memory_space<hbm>>
      %dma_start3A_1659 = arith.constant 0 : i32
      %dma_start3A_1660 = arith.constant 0 : i32
      %dma_start3A_1661 = arith.constant 0 : i32
      %dma_start3A_1662 = arith.constant 0 : i32
      %dma_start3A_1663 = tpu.memref_slice %arg9[%dma_start3A_1659, %dma_start3A_1660, %dma_start3A_1661, %dma_start3A_1662] : memref<4x4x8x129xf32, #tpu.memory_space<vmem>> -> memref<4x4x8x128xf32, #tpu.memory_space<vmem>>
      tpu.enqueue_dma source(%dma_start3A_1663 : memref<4x4x8x128xf32, #tpu.memory_space<vmem>>) target(%dma_start3A_1658 : memref<4x4x8x128xf32, #tpu.memory_space<hbm>>) target_semaphore(%dma_start3A_1653 : memref<!tpu.dma_semaphore, #tpu.memory_space<semaphore_mem>>)
      %mul3A_1664 = arith.constant 3 : i32
      %mul3A_1665 = arith.muli %scan3A_1520, %mul3A_1664 : i32
      %add3A_1666 = arith.constant 1 : i32
      %add3A_1667 = arith.addi %mul3A_1665, %add3A_1666 : i32
      %add3A_1668 = arith.addi %mul3A_2, %add3A_1667 : i32
      %rem3A_1669 = arith.constant 4 : i32
      %rem3A_1670 = arith.remsi %add3A_1667, %rem3A_1669 : i32
      %dma_wait3A_1671 = arith.constant 1 : i32
      %dma_wait3A_1672 = arith.constant 0 : i32
      %dma_wait3A_1673 = tpu.memref_slice %arg5[%rem3A_1670, %dma_wait3A_1672] : memref<4x512xi32, #tpu.memory_space<vmem>> -> memref<1x512xi32, #tpu.memory_space<vmem>>
      %dma_wait3A_1674 = tpu.memref_squeeze %dma_wait3A_1673 : memref<1x512xi32, #tpu.memory_space<vmem>> -> memref<512xi32, #tpu.memory_space<vmem>>
      %dma_wait3A_1675 = arith.constant 0 : i32
      %dma_wait3A_1676 = arith.constant 0 : i32
      %dma_wait3A_1677 = tpu.memref_slice %arg3[%dma_wait3A_1675, %dma_wait3A_1676] : memref<1000000x32xf32, #tpu.memory_space<hbm>> -> memref<1000000x32xf32, #tpu.memory_space<hbm>>
      %dma_wait3A_1678 = tpu.memref_slice %arg13[%dma_wait3A_1671] : memref<3x!tpu.dma_semaphore, #tpu.memory_space<semaphore_mem>> -> memref<1x!tpu.dma_semaphore, #tpu.memory_space<semaphore_mem>>
      %dma_wait3A_1679 = tpu.memref_squeeze %dma_wait3A_1678 : memref<1x!tpu.dma_semaphore, #tpu.memory_space<semaphore_mem>> -> memref<!tpu.dma_semaphore, #tpu.memory_space<semaphore_mem>>
      tpu.wait_indirect_dma semaphore(%dma_wait3A_1679 : memref<!tpu.dma_semaphore, #tpu.memory_space<semaphore_mem>>) src(%dma_wait3A_1677 : memref<1000000x32xf32, #tpu.memory_space<hbm>>) dst(%arg7 : memref<512x32xf32, #tpu.memory_space<vmem>>)
      %add3A_1680 = arith.constant 4 : i32
      %add3A_1681 = arith.addi %add3A_1667, %add3A_1680 : i32
      %lt3A_1682 = arith.constant 200 : i32
      %lt3A_1683 = arith.cmpi slt, %add3A_1681, %lt3A_1682 : i32
      %convert_element_type3A_1684 = arith.extui %lt3A_1683 : i1 to i32
      %cond3A_1685 = arith.constant 0 : i32
      %cond3A_1686 = arith.cmpi ne, %convert_element_type3A_1684, %cond3A_1685 : i32
      scf.if %cond3A_1686 {
        %add3A_1956 = arith.constant 4 : i32
        %add3A_1957 = arith.addi %add3A_1668, %add3A_1956 : i32
        %rem3A_1958 = arith.constant 4 : i32
        %rem3A_1959 = arith.remsi %add3A_1667, %rem3A_1958 : i32
        %jit3A_1960 = arith.constant 256 : i32
        %div3A_1961 = arith.divsi %add3A_1957, %jit3A_1960 : i32
        %sign3A_1962 = arith.constant 0 : i32
        %sign3A_1963 = arith.cmpi sgt, %add3A_1957, %sign3A_1962 : i32
        %sign3A_1964 = arith.extui %sign3A_1963 : i1 to i32
        %sign3A_1965 = arith.constant 0 : i32
        %sign3A_1966 = arith.cmpi slt, %add3A_1957, %sign3A_1965 : i32
        %sign3A_1967 = arith.extui %sign3A_1966 : i1 to i32
        %sign3A_1968 = arith.subi %sign3A_1964, %sign3A_1967 : i32
        %sign3A_1969 = arith.constant 0 : i32
        %sign3A_1970 = arith.cmpi sgt, %jit3A_1960, %sign3A_1969 : i32
        %sign3A_1971 = arith.extui %sign3A_1970 : i1 to i32
        %sign3A_1972 = arith.constant 0 : i32
        %sign3A_1973 = arith.cmpi slt, %jit3A_1960, %sign3A_1972 : i32
        %sign3A_1974 = arith.extui %sign3A_1973 : i1 to i32
        %sign3A_1975 = arith.subi %sign3A_1971, %sign3A_1974 : i32
        %ne3A_1976 = arith.cmpi ne, %sign3A_1968, %sign3A_1975 : i32
        %rem3A_1977 = arith.remsi %add3A_1957, %jit3A_1960 : i32
        %ne3A_1978 = arith.constant 0 : i32
        %ne3A_1979 = arith.cmpi ne, %rem3A_1977, %ne3A_1978 : i32
        %and3A_1980 = arith.andi %ne3A_1976, %ne3A_1979 : i1
        %sub3A_1981 = arith.constant 1 : i32
        %sub3A_1982 = arith.subi %div3A_1961, %sub3A_1981 : i32
        %select_n3A_1983 = arith.select %and3A_1980, %sub3A_1982, %div3A_1961 : i32
        %jit3A_1984 = arith.constant 2 : i32
        %div3A_1985 = arith.divsi %add3A_1957, %jit3A_1984 : i32
        %sign3A_1986 = arith.constant 0 : i32
        %sign3A_1987 = arith.cmpi sgt, %add3A_1957, %sign3A_1986 : i32
        %sign3A_1988 = arith.extui %sign3A_1987 : i1 to i32
        %sign3A_1989 = arith.constant 0 : i32
        %sign3A_1990 = arith.cmpi slt, %add3A_1957, %sign3A_1989 : i32
        %sign3A_1991 = arith.extui %sign3A_1990 : i1 to i32
        %sign3A_1992 = arith.subi %sign3A_1988, %sign3A_1991 : i32
        %sign3A_1993 = arith.constant 0 : i32
        %sign3A_1994 = arith.cmpi sgt, %jit3A_1984, %sign3A_1993 : i32
        %sign3A_1995 = arith.extui %sign3A_1994 : i1 to i32
        %sign3A_1996 = arith.constant 0 : i32
        %sign3A_1997 = arith.cmpi slt, %jit3A_1984, %sign3A_1996 : i32
        %sign3A_1998 = arith.extui %sign3A_1997 : i1 to i32
        %sign3A_1999 = arith.subi %sign3A_1995, %sign3A_1998 : i32
        %ne3A_2000 = arith.cmpi ne, %sign3A_1992, %sign3A_1999 : i32
        %rem3A_2001 = arith.remsi %add3A_1957, %jit3A_1984 : i32
        %ne3A_2002 = arith.constant 0 : i32
        %ne3A_2003 = arith.cmpi ne, %rem3A_2001, %ne3A_2002 : i32
        %and3A_2004 = arith.andi %ne3A_2000, %ne3A_2003 : i1
        %sub3A_2005 = arith.constant 1 : i32
        %sub3A_2006 = arith.subi %div3A_1985, %sub3A_2005 : i32
        %select_n3A_2007 = arith.select %and3A_2004, %sub3A_2006, %div3A_1985 : i32
        %jit3A_2008 = arith.constant 128 : i32
        %eq3A_2009 = arith.constant 0 : i32
        %eq3A_2010 = arith.cmpi eq, %jit3A_2008, %eq3A_2009 : i32
        %jit3A_2011 = arith.constant 1 : i32
        %select_n3A_2012 = arith.select %eq3A_2010, %jit3A_2011, %jit3A_2008 : i32
        %rem3A_2013 = arith.remsi %select_n3A_2007, %select_n3A_2012 : i32
        %ne3A_2014 = arith.constant 0 : i32
        %ne3A_2015 = arith.cmpi ne, %rem3A_2013, %ne3A_2014 : i32
        %lt3A_2016 = arith.constant 0 : i32
        %lt3A_2017 = arith.cmpi slt, %rem3A_2013, %lt3A_2016 : i32
        %lt3A_2018 = arith.constant 0 : i32
        %lt3A_2019 = arith.cmpi slt, %select_n3A_2012, %lt3A_2018 : i32
        %ne3A_2020 = arith.xori %lt3A_2017, %lt3A_2019 : i1
        %and3A_2021 = arith.andi %ne3A_2020, %ne3A_2015 : i1
        %add3A_2022 = arith.addi %rem3A_2013, %select_n3A_2012 : i32
        %select_n3A_2023 = arith.select %and3A_2021, %add3A_2022, %rem3A_2013 : i32
        %jit3A_2024 = arith.constant 2 : i32
        %eq3A_2025 = arith.constant 0 : i32
        %eq3A_2026 = arith.cmpi eq, %jit3A_2024, %eq3A_2025 : i32
        %jit3A_2027 = arith.constant 1 : i32
        %select_n3A_2028 = arith.select %eq3A_2026, %jit3A_2027, %jit3A_2024 : i32
        %rem3A_2029 = arith.remsi %add3A_1957, %select_n3A_2028 : i32
        %ne3A_2030 = arith.constant 0 : i32
        %ne3A_2031 = arith.cmpi ne, %rem3A_2029, %ne3A_2030 : i32
        %lt3A_2032 = arith.constant 0 : i32
        %lt3A_2033 = arith.cmpi slt, %rem3A_2029, %lt3A_2032 : i32
        %lt3A_2034 = arith.constant 0 : i32
        %lt3A_2035 = arith.cmpi slt, %select_n3A_2028, %lt3A_2034 : i32
        %ne3A_2036 = arith.xori %lt3A_2033, %lt3A_2035 : i1
        %and3A_2037 = arith.andi %ne3A_2036, %ne3A_2031 : i1
        %add3A_2038 = arith.addi %rem3A_2029, %select_n3A_2028 : i32
        %select_n3A_2039 = arith.select %and3A_2037, %add3A_2038, %rem3A_2029 : i32
        %mul3A_2040 = arith.constant 512 : i32
        %mul3A_2041 = arith.muli %select_n3A_2039, %mul3A_2040 : i32
        %dma_start3A_2042 = arith.constant 0 : i32
        %dma_start3A_2043 = tpu.memref_slice %arg5[%rem3A_1959, %dma_start3A_2042] : memref<4x512xi32, #tpu.memory_space<vmem>> -> memref<1x512xi32, #tpu.memory_space<vmem>>
        %dma_start3A_2044 = tpu.memref_squeeze %dma_start3A_2043 : memref<1x512xi32, #tpu.memory_space<vmem>> -> memref<512xi32, #tpu.memory_space<vmem>>
        %dma_start3A_2045 = tpu.memref_slice %arg2[%select_n3A_1983, %select_n3A_2023, %mul3A_2041] : memref<25x128x1024xi32, #tpu.memory_space<hbm>> -> memref<1x1x512xi32, #tpu.memory_space<hbm>>
        %dma_start3A_2046 = tpu.memref_squeeze %dma_start3A_2045 : memref<1x1x512xi32, #tpu.memory_space<hbm>> -> memref<512xi32, #tpu.memory_space<hbm>>
        %dma_start3A_2047 = tpu.memref_slice %arg12[%rem3A_1959] : memref<4x!tpu.dma_semaphore, #tpu.memory_space<semaphore_mem>> -> memref<1x!tpu.dma_semaphore, #tpu.memory_space<semaphore_mem>>
        %dma_start3A_2048 = tpu.memref_squeeze %dma_start3A_2047 : memref<1x!tpu.dma_semaphore, #tpu.memory_space<semaphore_mem>> -> memref<!tpu.dma_semaphore, #tpu.memory_space<semaphore_mem>>
        %dma_start3A_2049 = arith.constant 0 : i32
        %dma_start3A_2050 = tpu.memref_slice %arg5[%rem3A_1959, %dma_start3A_2049] : memref<4x512xi32, #tpu.memory_space<vmem>> -> memref<1x512xi32, #tpu.memory_space<vmem>>
        %dma_start3A_2051 = tpu.memref_squeeze %dma_start3A_2050 : memref<1x512xi32, #tpu.memory_space<vmem>> -> memref<512xi32, #tpu.memory_space<vmem>>
        %dma_start3A_2052 = tpu.memref_slice %arg2[%select_n3A_1983, %select_n3A_2023, %mul3A_2041] : memref<25x128x1024xi32, #tpu.memory_space<hbm>> -> memref<1x1x512xi32, #tpu.memory_space<hbm>>
        %dma_start3A_2053 = tpu.memref_squeeze %dma_start3A_2052 : memref<1x1x512xi32, #tpu.memory_space<hbm>> -> memref<512xi32, #tpu.memory_space<hbm>>
        tpu.enqueue_dma source(%dma_start3A_2053 : memref<512xi32, #tpu.memory_space<hbm>>) target(%dma_start3A_2051 : memref<512xi32, #tpu.memory_space<vmem>>) target_semaphore(%dma_start3A_2048 : memref<!tpu.dma_semaphore, #tpu.memory_space<semaphore_mem>>)
      } else {
      }
      %add3A_1687 = arith.constant 2 : i32
      %add3A_1688 = arith.addi %add3A_1667, %add3A_1687 : i32
      %lt3A_1689 = arith.constant 200 : i32
      %lt3A_1690 = arith.cmpi slt, %add3A_1688, %lt3A_1689 : i32
      %convert_element_type3A_1691 = arith.extui %lt3A_1690 : i1 to i32
      %cond3A_1692 = arith.constant 0 : i32
      %cond3A_1693 = arith.cmpi ne, %convert_element_type3A_1691, %cond3A_1692 : i32
      scf.if %cond3A_1693 {
        %add3A_1956 = arith.constant 2 : i32
        %add3A_1957 = arith.addi %add3A_1668, %add3A_1956 : i32
        %add3A_1958 = arith.constant 2 : i32
        %add3A_1959 = arith.addi %add3A_1667, %add3A_1958 : i32
        %rem3A_1960 = arith.constant 4 : i32
        %rem3A_1961 = arith.remsi %add3A_1959, %rem3A_1960 : i32
        %jit3A_1962 = arith.constant 256 : i32
        %div3A_1963 = arith.divsi %add3A_1957, %jit3A_1962 : i32
        %sign3A_1964 = arith.constant 0 : i32
        %sign3A_1965 = arith.cmpi sgt, %add3A_1957, %sign3A_1964 : i32
        %sign3A_1966 = arith.extui %sign3A_1965 : i1 to i32
        %sign3A_1967 = arith.constant 0 : i32
        %sign3A_1968 = arith.cmpi slt, %add3A_1957, %sign3A_1967 : i32
        %sign3A_1969 = arith.extui %sign3A_1968 : i1 to i32
        %sign3A_1970 = arith.subi %sign3A_1966, %sign3A_1969 : i32
        %sign3A_1971 = arith.constant 0 : i32
        %sign3A_1972 = arith.cmpi sgt, %jit3A_1962, %sign3A_1971 : i32
        %sign3A_1973 = arith.extui %sign3A_1972 : i1 to i32
        %sign3A_1974 = arith.constant 0 : i32
        %sign3A_1975 = arith.cmpi slt, %jit3A_1962, %sign3A_1974 : i32
        %sign3A_1976 = arith.extui %sign3A_1975 : i1 to i32
        %sign3A_1977 = arith.subi %sign3A_1973, %sign3A_1976 : i32
        %ne3A_1978 = arith.cmpi ne, %sign3A_1970, %sign3A_1977 : i32
        %rem3A_1979 = arith.remsi %add3A_1957, %jit3A_1962 : i32
        %ne3A_1980 = arith.constant 0 : i32
        %ne3A_1981 = arith.cmpi ne, %rem3A_1979, %ne3A_1980 : i32
        %and3A_1982 = arith.andi %ne3A_1978, %ne3A_1981 : i1
        %sub3A_1983 = arith.constant 1 : i32
        %sub3A_1984 = arith.subi %div3A_1963, %sub3A_1983 : i32
        %select_n3A_1985 = arith.select %and3A_1982, %sub3A_1984, %div3A_1963 : i32
        %jit3A_1986 = arith.constant 2 : i32
        %div3A_1987 = arith.divsi %add3A_1957, %jit3A_1986 : i32
        %sign3A_1988 = arith.constant 0 : i32
        %sign3A_1989 = arith.cmpi sgt, %add3A_1957, %sign3A_1988 : i32
        %sign3A_1990 = arith.extui %sign3A_1989 : i1 to i32
        %sign3A_1991 = arith.constant 0 : i32
        %sign3A_1992 = arith.cmpi slt, %add3A_1957, %sign3A_1991 : i32
        %sign3A_1993 = arith.extui %sign3A_1992 : i1 to i32
        %sign3A_1994 = arith.subi %sign3A_1990, %sign3A_1993 : i32
        %sign3A_1995 = arith.constant 0 : i32
        %sign3A_1996 = arith.cmpi sgt, %jit3A_1986, %sign3A_1995 : i32
        %sign3A_1997 = arith.extui %sign3A_1996 : i1 to i32
        %sign3A_1998 = arith.constant 0 : i32
        %sign3A_1999 = arith.cmpi slt, %jit3A_1986, %sign3A_1998 : i32
        %sign3A_2000 = arith.extui %sign3A_1999 : i1 to i32
        %sign3A_2001 = arith.subi %sign3A_1997, %sign3A_2000 : i32
        %ne3A_2002 = arith.cmpi ne, %sign3A_1994, %sign3A_2001 : i32
        %rem3A_2003 = arith.remsi %add3A_1957, %jit3A_1986 : i32
        %ne3A_2004 = arith.constant 0 : i32
        %ne3A_2005 = arith.cmpi ne, %rem3A_2003, %ne3A_2004 : i32
        %and3A_2006 = arith.andi %ne3A_2002, %ne3A_2005 : i1
        %sub3A_2007 = arith.constant 1 : i32
        %sub3A_2008 = arith.subi %div3A_1987, %sub3A_2007 : i32
        %select_n3A_2009 = arith.select %and3A_2006, %sub3A_2008, %div3A_1987 : i32
        %jit3A_2010 = arith.constant 128 : i32
        %eq3A_2011 = arith.constant 0 : i32
        %eq3A_2012 = arith.cmpi eq, %jit3A_2010, %eq3A_2011 : i32
        %jit3A_2013 = arith.constant 1 : i32
        %select_n3A_2014 = arith.select %eq3A_2012, %jit3A_2013, %jit3A_2010 : i32
        %rem3A_2015 = arith.remsi %select_n3A_2009, %select_n3A_2014 : i32
        %ne3A_2016 = arith.constant 0 : i32
        %ne3A_2017 = arith.cmpi ne, %rem3A_2015, %ne3A_2016 : i32
        %lt3A_2018 = arith.constant 0 : i32
        %lt3A_2019 = arith.cmpi slt, %rem3A_2015, %lt3A_2018 : i32
        %lt3A_2020 = arith.constant 0 : i32
        %lt3A_2021 = arith.cmpi slt, %select_n3A_2014, %lt3A_2020 : i32
        %ne3A_2022 = arith.xori %lt3A_2019, %lt3A_2021 : i1
        %and3A_2023 = arith.andi %ne3A_2022, %ne3A_2017 : i1
        %add3A_2024 = arith.addi %rem3A_2015, %select_n3A_2014 : i32
        %select_n3A_2025 = arith.select %and3A_2023, %add3A_2024, %rem3A_2015 : i32
        %jit3A_2026 = arith.constant 2 : i32
        %eq3A_2027 = arith.constant 0 : i32
        %eq3A_2028 = arith.cmpi eq, %jit3A_2026, %eq3A_2027 : i32
        %jit3A_2029 = arith.constant 1 : i32
        %select_n3A_2030 = arith.select %eq3A_2028, %jit3A_2029, %jit3A_2026 : i32
        %rem3A_2031 = arith.remsi %add3A_1957, %select_n3A_2030 : i32
        %ne3A_2032 = arith.constant 0 : i32
        %ne3A_2033 = arith.cmpi ne, %rem3A_2031, %ne3A_2032 : i32
        %lt3A_2034 = arith.constant 0 : i32
        %lt3A_2035 = arith.cmpi slt, %rem3A_2031, %lt3A_2034 : i32
        %lt3A_2036 = arith.constant 0 : i32
        %lt3A_2037 = arith.cmpi slt, %select_n3A_2030, %lt3A_2036 : i32
        %ne3A_2038 = arith.xori %lt3A_2035, %lt3A_2037 : i1
        %and3A_2039 = arith.andi %ne3A_2038, %ne3A_2033 : i1
        %add3A_2040 = arith.addi %rem3A_2031, %select_n3A_2030 : i32
        %select_n3A_2041 = arith.select %and3A_2039, %add3A_2040, %rem3A_2031 : i32
        %mul3A_2042 = arith.constant 512 : i32
        %mul3A_2043 = arith.muli %select_n3A_2041, %mul3A_2042 : i32
        %dma_wait3A_2044 = arith.constant 0 : i32
        %dma_wait3A_2045 = tpu.memref_slice %arg5[%rem3A_1961, %dma_wait3A_2044] : memref<4x512xi32, #tpu.memory_space<vmem>> -> memref<1x512xi32, #tpu.memory_space<vmem>>
        %dma_wait3A_2046 = tpu.memref_squeeze %dma_wait3A_2045 : memref<1x512xi32, #tpu.memory_space<vmem>> -> memref<512xi32, #tpu.memory_space<vmem>>
        %dma_wait3A_2047 = tpu.memref_slice %arg2[%select_n3A_1985, %select_n3A_2025, %mul3A_2043] : memref<25x128x1024xi32, #tpu.memory_space<hbm>> -> memref<1x1x512xi32, #tpu.memory_space<hbm>>
        %dma_wait3A_2048 = tpu.memref_squeeze %dma_wait3A_2047 : memref<1x1x512xi32, #tpu.memory_space<hbm>> -> memref<512xi32, #tpu.memory_space<hbm>>
        %dma_wait3A_2049 = tpu.memref_slice %arg12[%rem3A_1961] : memref<4x!tpu.dma_semaphore, #tpu.memory_space<semaphore_mem>> -> memref<1x!tpu.dma_semaphore, #tpu.memory_space<semaphore_mem>>
        %dma_wait3A_2050 = tpu.memref_squeeze %dma_wait3A_2049 : memref<1x!tpu.dma_semaphore, #tpu.memory_space<semaphore_mem>> -> memref<!tpu.dma_semaphore, #tpu.memory_space<semaphore_mem>>
        %dma_wait3A_2051 = arith.constant 0 : i32
        %dma_wait3A_2052 = tpu.memref_slice %arg5[%rem3A_1961, %dma_wait3A_2051] : memref<4x512xi32, #tpu.memory_space<vmem>> -> memref<1x512xi32, #tpu.memory_space<vmem>>
        %dma_wait3A_2053 = tpu.memref_squeeze %dma_wait3A_2052 : memref<1x512xi32, #tpu.memory_space<vmem>> -> memref<512xi32, #tpu.memory_space<vmem>>
        %dma_wait3A_2054 = tpu.memref_slice %arg2[%select_n3A_1985, %select_n3A_2025, %mul3A_2043] : memref<25x128x1024xi32, #tpu.memory_space<hbm>> -> memref<1x1x512xi32, #tpu.memory_space<hbm>>
        %dma_wait3A_2055 = tpu.memref_squeeze %dma_wait3A_2054 : memref<1x1x512xi32, #tpu.memory_space<hbm>> -> memref<512xi32, #tpu.memory_space<hbm>>
        tpu.wait_dma2 semaphore(%dma_wait3A_2050 : memref<!tpu.dma_semaphore, #tpu.memory_space<semaphore_mem>>) src(%dma_wait3A_2055 : memref<512xi32, #tpu.memory_space<hbm>>) dst(%dma_wait3A_2053 : memref<512xi32, #tpu.memory_space<vmem>>)
        %add3A_2056 = arith.constant 2 : i32
        %add3A_2057 = arith.addi %add3A_1667, %add3A_2056 : i32
        %rem3A_2058 = arith.constant 4 : i32
        %rem3A_2059 = arith.remsi %add3A_2057, %rem3A_2058 : i32
        %dma_start3A_2060 = arith.constant 0 : i32
        %dma_start3A_2061 = arith.constant 0 : i32
        %dma_start3A_2062 = tpu.memref_slice %arg5[%rem3A_2059, %dma_start3A_2061] : memref<4x512xi32, #tpu.memory_space<vmem>> -> memref<1x512xi32, #tpu.memory_space<vmem>>
        %dma_start3A_2063 = tpu.memref_squeeze %dma_start3A_2062 : memref<1x512xi32, #tpu.memory_space<vmem>> -> memref<512xi32, #tpu.memory_space<vmem>>
        %dma_start3A_2064 = arith.constant 0 : i32
        %dma_start3A_2065 = arith.constant 0 : i32
        %dma_start3A_2066 = tpu.memref_slice %arg3[%dma_start3A_2064, %dma_start3A_2065] : memref<1000000x32xf32, #tpu.memory_space<hbm>> -> memref<1000000x32xf32, #tpu.memory_space<hbm>>
        %dma_start3A_2067 = tpu.memref_slice %arg13[%dma_start3A_2060] : memref<3x!tpu.dma_semaphore, #tpu.memory_space<semaphore_mem>> -> memref<1x!tpu.dma_semaphore, #tpu.memory_space<semaphore_mem>>
        %dma_start3A_2068 = tpu.memref_squeeze %dma_start3A_2067 : memref<1x!tpu.dma_semaphore, #tpu.memory_space<semaphore_mem>> -> memref<!tpu.dma_semaphore, #tpu.memory_space<semaphore_mem>>
        tpu.enqueue_indirect_dma source(%dma_start3A_2066 : memref<1000000x32xf32, #tpu.memory_space<hbm>>) target(%arg6 : memref<512x32xf32, #tpu.memory_space<vmem>>) offsets(%dma_start3A_2063 : memref<512xi32, #tpu.memory_space<vmem>>) semaphore(%dma_start3A_2068 : memref<!tpu.dma_semaphore, #tpu.memory_space<semaphore_mem>>)
      } else {
      }
      %ge3A_1694 = arith.constant 3 : i32
      %ge3A_1695 = arith.cmpi sge, %add3A_1667, %ge3A_1694 : i32
      %convert_element_type3A_1696 = arith.extui %ge3A_1695 : i1 to i32
      %cond3A_1697 = arith.constant 0 : i32
      %cond3A_1698 = arith.cmpi ne, %convert_element_type3A_1696, %cond3A_1697 : i32
      scf.if %cond3A_1698 {
        %sub3A_1956 = arith.constant 3 : i32
        %sub3A_1957 = arith.subi %add3A_1668, %sub3A_1956 : i32
        %jit3A_1958 = arith.constant 256 : i32
        %div3A_1959 = arith.divsi %sub3A_1957, %jit3A_1958 : i32
        %sign3A_1960 = arith.constant 0 : i32
        %sign3A_1961 = arith.cmpi sgt, %sub3A_1957, %sign3A_1960 : i32
        %sign3A_1962 = arith.extui %sign3A_1961 : i1 to i32
        %sign3A_1963 = arith.constant 0 : i32
        %sign3A_1964 = arith.cmpi slt, %sub3A_1957, %sign3A_1963 : i32
        %sign3A_1965 = arith.extui %sign3A_1964 : i1 to i32
        %sign3A_1966 = arith.subi %sign3A_1962, %sign3A_1965 : i32
        %sign3A_1967 = arith.constant 0 : i32
        %sign3A_1968 = arith.cmpi sgt, %jit3A_1958, %sign3A_1967 : i32
        %sign3A_1969 = arith.extui %sign3A_1968 : i1 to i32
        %sign3A_1970 = arith.constant 0 : i32
        %sign3A_1971 = arith.cmpi slt, %jit3A_1958, %sign3A_1970 : i32
        %sign3A_1972 = arith.extui %sign3A_1971 : i1 to i32
        %sign3A_1973 = arith.subi %sign3A_1969, %sign3A_1972 : i32
        %ne3A_1974 = arith.cmpi ne, %sign3A_1966, %sign3A_1973 : i32
        %rem3A_1975 = arith.remsi %sub3A_1957, %jit3A_1958 : i32
        %ne3A_1976 = arith.constant 0 : i32
        %ne3A_1977 = arith.cmpi ne, %rem3A_1975, %ne3A_1976 : i32
        %and3A_1978 = arith.andi %ne3A_1974, %ne3A_1977 : i1
        %sub3A_1979 = arith.constant 1 : i32
        %sub3A_1980 = arith.subi %div3A_1959, %sub3A_1979 : i32
        %select_n3A_1981 = arith.select %and3A_1978, %sub3A_1980, %div3A_1959 : i32
        %jit3A_1982 = arith.constant 2 : i32
        %div3A_1983 = arith.divsi %sub3A_1957, %jit3A_1982 : i32
        %sign3A_1984 = arith.constant 0 : i32
        %sign3A_1985 = arith.cmpi sgt, %sub3A_1957, %sign3A_1984 : i32
        %sign3A_1986 = arith.extui %sign3A_1985 : i1 to i32
        %sign3A_1987 = arith.constant 0 : i32
        %sign3A_1988 = arith.cmpi slt, %sub3A_1957, %sign3A_1987 : i32
        %sign3A_1989 = arith.extui %sign3A_1988 : i1 to i32
        %sign3A_1990 = arith.subi %sign3A_1986, %sign3A_1989 : i32
        %sign3A_1991 = arith.constant 0 : i32
        %sign3A_1992 = arith.cmpi sgt, %jit3A_1982, %sign3A_1991 : i32
        %sign3A_1993 = arith.extui %sign3A_1992 : i1 to i32
        %sign3A_1994 = arith.constant 0 : i32
        %sign3A_1995 = arith.cmpi slt, %jit3A_1982, %sign3A_1994 : i32
        %sign3A_1996 = arith.extui %sign3A_1995 : i1 to i32
        %sign3A_1997 = arith.subi %sign3A_1993, %sign3A_1996 : i32
        %ne3A_1998 = arith.cmpi ne, %sign3A_1990, %sign3A_1997 : i32
        %rem3A_1999 = arith.remsi %sub3A_1957, %jit3A_1982 : i32
        %ne3A_2000 = arith.constant 0 : i32
        %ne3A_2001 = arith.cmpi ne, %rem3A_1999, %ne3A_2000 : i32
        %and3A_2002 = arith.andi %ne3A_1998, %ne3A_2001 : i1
        %sub3A_2003 = arith.constant 1 : i32
        %sub3A_2004 = arith.subi %div3A_1983, %sub3A_2003 : i32
        %select_n3A_2005 = arith.select %and3A_2002, %sub3A_2004, %div3A_1983 : i32
        %jit3A_2006 = arith.constant 128 : i32
        %eq3A_2007 = arith.constant 0 : i32
        %eq3A_2008 = arith.cmpi eq, %jit3A_2006, %eq3A_2007 : i32
        %jit3A_2009 = arith.constant 1 : i32
        %select_n3A_2010 = arith.select %eq3A_2008, %jit3A_2009, %jit3A_2006 : i32
        %rem3A_2011 = arith.remsi %select_n3A_2005, %select_n3A_2010 : i32
        %ne3A_2012 = arith.constant 0 : i32
        %ne3A_2013 = arith.cmpi ne, %rem3A_2011, %ne3A_2012 : i32
        %lt3A_2014 = arith.constant 0 : i32
        %lt3A_2015 = arith.cmpi slt, %rem3A_2011, %lt3A_2014 : i32
        %lt3A_2016 = arith.constant 0 : i32
        %lt3A_2017 = arith.cmpi slt, %select_n3A_2010, %lt3A_2016 : i32
        %ne3A_2018 = arith.xori %lt3A_2015, %lt3A_2017 : i1
        %and3A_2019 = arith.andi %ne3A_2018, %ne3A_2013 : i1
        %add3A_2020 = arith.addi %rem3A_2011, %select_n3A_2010 : i32
        %select_n3A_2021 = arith.select %and3A_2019, %add3A_2020, %rem3A_2011 : i32
        %jit3A_2022 = arith.constant 2 : i32
        %eq3A_2023 = arith.constant 0 : i32
        %eq3A_2024 = arith.cmpi eq, %jit3A_2022, %eq3A_2023 : i32
        %jit3A_2025 = arith.constant 1 : i32
        %select_n3A_2026 = arith.select %eq3A_2024, %jit3A_2025, %jit3A_2022 : i32
        %rem3A_2027 = arith.remsi %sub3A_1957, %select_n3A_2026 : i32
        %ne3A_2028 = arith.constant 0 : i32
        %ne3A_2029 = arith.cmpi ne, %rem3A_2027, %ne3A_2028 : i32
        %lt3A_2030 = arith.constant 0 : i32
        %lt3A_2031 = arith.cmpi slt, %rem3A_2027, %lt3A_2030 : i32
        %lt3A_2032 = arith.constant 0 : i32
        %lt3A_2033 = arith.cmpi slt, %select_n3A_2026, %lt3A_2032 : i32
        %ne3A_2034 = arith.xori %lt3A_2031, %lt3A_2033 : i1
        %and3A_2035 = arith.andi %ne3A_2034, %ne3A_2029 : i1
        %add3A_2036 = arith.addi %rem3A_2027, %select_n3A_2026 : i32
        %select_n3A_2037 = arith.select %and3A_2035, %add3A_2036, %rem3A_2027 : i32
        %mul3A_2038 = arith.constant 8 : i32
        %mul3A_2039 = arith.muli %select_n3A_1981, %mul3A_2038 : i32
        %mul3A_2040 = arith.constant 4 : i32
        %mul3A_2041 = arith.muli %select_n3A_2037, %mul3A_2040 : i32
        %add3A_2042 = arith.addi %mul3A_2039, %mul3A_2041 : i32
        %dma_wait3A_2043 = arith.constant 1 : i32
        %dma_wait3A_2044 = arith.constant 0 : i32
        %dma_wait3A_2045 = arith.constant 0 : i32
        %dma_wait3A_2046 = arith.constant 0 : i32
        %dma_wait3A_2047 = arith.constant 0 : i32
        %dma_wait3A_2048 = tpu.memref_slice %arg10[%dma_wait3A_2044, %dma_wait3A_2045, %dma_wait3A_2046, %dma_wait3A_2047] : memref<4x4x8x129xf32, #tpu.memory_space<vmem>> -> memref<4x4x8x128xf32, #tpu.memory_space<vmem>>
        %dma_wait3A_2049 = arith.constant 0 : i32
        %dma_wait3A_2050 = arith.constant 0 : i32
        %dma_wait3A_2051 = arith.constant 0 : i32
        %dma_wait3A_2052 = tpu.memref_slice %arg4[%add3A_2042, %dma_wait3A_2049, %select_n3A_2021, %dma_wait3A_2050, %dma_wait3A_2051] : memref<200x4x128x8x128xf32, #tpu.memory_space<hbm>> -> memref<4x4x1x8x128xf32, #tpu.memory_space<hbm>>
        %dma_wait3A_2053 = tpu.memref_squeeze %dma_wait3A_2052 : memref<4x4x1x8x128xf32, #tpu.memory_space<hbm>> -> memref<4x4x8x128xf32, #tpu.memory_space<hbm>>
        %dma_wait3A_2054 = tpu.memref_slice %arg14[%dma_wait3A_2043] : memref<3x!tpu.dma_semaphore, #tpu.memory_space<semaphore_mem>> -> memref<1x!tpu.dma_semaphore, #tpu.memory_space<semaphore_mem>>
        %dma_wait3A_2055 = tpu.memref_squeeze %dma_wait3A_2054 : memref<1x!tpu.dma_semaphore, #tpu.memory_space<semaphore_mem>> -> memref<!tpu.dma_semaphore, #tpu.memory_space<semaphore_mem>>
        %dma_wait3A_2056 = arith.constant 0 : i32
        %dma_wait3A_2057 = arith.constant 0 : i32
        %dma_wait3A_2058 = arith.constant 0 : i32
        %dma_wait3A_2059 = tpu.memref_slice %arg4[%add3A_2042, %dma_wait3A_2056, %select_n3A_2021, %dma_wait3A_2057, %dma_wait3A_2058] : memref<200x4x128x8x128xf32, #tpu.memory_space<hbm>> -> memref<4x4x1x8x128xf32, #tpu.memory_space<hbm>>
        %dma_wait3A_2060 = tpu.memref_squeeze %dma_wait3A_2059 : memref<4x4x1x8x128xf32, #tpu.memory_space<hbm>> -> memref<4x4x8x128xf32, #tpu.memory_space<hbm>>
        %dma_wait3A_2061 = arith.constant 0 : i32
        %dma_wait3A_2062 = arith.constant 0 : i32
        %dma_wait3A_2063 = arith.constant 0 : i32
        %dma_wait3A_2064 = arith.constant 0 : i32
        %dma_wait3A_2065 = tpu.memref_slice %arg10[%dma_wait3A_2061, %dma_wait3A_2062, %dma_wait3A_2063, %dma_wait3A_2064] : memref<4x4x8x129xf32, #tpu.memory_space<vmem>> -> memref<4x4x8x128xf32, #tpu.memory_space<vmem>>
        tpu.wait_dma2 semaphore(%dma_wait3A_2055 : memref<!tpu.dma_semaphore, #tpu.memory_space<semaphore_mem>>) src(%dma_wait3A_2065 : memref<4x4x8x128xf32, #tpu.memory_space<vmem>>) dst(%dma_wait3A_2060 : memref<4x4x8x128xf32, #tpu.memory_space<hbm>>)
      } else {
      }
      %parallel_loop3A_1699 = arith.constant 0 : i32
      %parallel_loop3A_1700 = arith.constant 128 : i32
      %parallel_loop3A_1701 = arith.constant 1 : i32
      scf.for %parallel_loop3A_1956 = %parallel_loop3A_1699 to %parallel_loop3A_1700 step %parallel_loop3A_1701  : i32 {
        %parallel_loop3A_1957 = vector.broadcast %parallel_loop3A_1956 : i32 to vector<16xi32>
        %parallel_loop3A_1958 = arith.addi %broadcast_in_dim3A_3, %parallel_loop3A_1957 : vector<16xi32>
        %parallel_loop3A_1959 = arith.constant 0 : i32
        %parallel_loop3A_1960 = arith.addi %parallel_loop3A_1959, %parallel_loop3A_1956 : i32
        %parallel_loop3A_1961 = arith.index_cast %parallel_loop3A_1960 : i32 to index
        %parallel_loop3A_1962 = arith.constant 0 : index
        %parallel_loop3A_1963 = tpu.vector_load %arg7[%parallel_loop3A_1961, %parallel_loop3A_1962] {strides = array<i32>} : memref<512x32xf32, #tpu.memory_space<vmem>>, vector<16xf32>,
        %parallel_loop3A_1964 = arith.constant 0 : i32
        %parallel_loop3A_1965 = arith.constant 0 : i32
        %parallel_loop3A_1966 = arith.constant 0 : i32
        %parallel_loop3A_1967 = arith.constant 0 : i32
        %parallel_loop3A_1968 = tpu.memref_slice %arg10[%parallel_loop3A_1964, %parallel_loop3A_1965, %parallel_loop3A_1966, %parallel_loop3A_1967] : memref<4x4x8x129xf32, #tpu.memory_space<vmem>> -> memref<1x4x8x129xf32, #tpu.memory_space<vmem>>
        %parallel_loop3A_1969 = tpu.memref_squeeze %parallel_loop3A_1968 : memref<1x4x8x129xf32, #tpu.memory_space<vmem>> -> memref<4x8x129xf32, #tpu.memory_space<vmem>>
        tpu.vector_store_idx %parallel_loop3A_1969[%select_n3A, %select_n3A_86, %parallel_loop3A_1958], %parallel_loop3A_1963 : memref<4x8x129xf32, #tpu.memory_space<vmem>>[vector<16xi32>, vector<16xi32>, vector<16xi32>], vector<16xf32>,
        %parallel_loop3A_1970 = arith.constant 0 : i32
        %parallel_loop3A_1971 = arith.addi %parallel_loop3A_1970, %parallel_loop3A_1956 : i32
        %parallel_loop3A_1972 = arith.index_cast %parallel_loop3A_1971 : i32 to index
        %parallel_loop3A_1973 = arith.constant 16 : index
        %parallel_loop3A_1974 = tpu.vector_load %arg7[%parallel_loop3A_1972, %parallel_loop3A_1973] {strides = array<i32>} : memref<512x32xf32, #tpu.memory_space<vmem>>, vector<16xf32>,
        %parallel_loop3A_1975 = arith.constant 0 : i32
        %parallel_loop3A_1976 = arith.constant 0 : i32
        %parallel_loop3A_1977 = arith.constant 0 : i32
        %parallel_loop3A_1978 = arith.constant 0 : i32
        %parallel_loop3A_1979 = tpu.memref_slice %arg10[%parallel_loop3A_1975, %parallel_loop3A_1976, %parallel_loop3A_1977, %parallel_loop3A_1978] : memref<4x4x8x129xf32, #tpu.memory_space<vmem>> -> memref<1x4x8x129xf32, #tpu.memory_space<vmem>>
        %parallel_loop3A_1980 = tpu.memref_squeeze %parallel_loop3A_1979 : memref<1x4x8x129xf32, #tpu.memory_space<vmem>> -> memref<4x8x129xf32, #tpu.memory_space<vmem>>
        tpu.vector_store_idx %parallel_loop3A_1980[%select_n3A_63, %select_n3A_111, %parallel_loop3A_1958], %parallel_loop3A_1974 : memref<4x8x129xf32, #tpu.memory_space<vmem>>[vector<16xi32>, vector<16xi32>, vector<16xi32>], vector<16xf32>,
        %parallel_loop3A_1981 = arith.constant 128 : i32
        %parallel_loop3A_1982 = arith.addi %parallel_loop3A_1981, %parallel_loop3A_1956 : i32
        %parallel_loop3A_1983 = arith.index_cast %parallel_loop3A_1982 : i32 to index
        %parallel_loop3A_1984 = arith.constant 0 : index
        %parallel_loop3A_1985 = tpu.vector_load %arg7[%parallel_loop3A_1983, %parallel_loop3A_1984] {strides = array<i32>} : memref<512x32xf32, #tpu.memory_space<vmem>>, vector<16xf32>,
        %parallel_loop3A_1986 = arith.constant 1 : i32
        %parallel_loop3A_1987 = arith.constant 0 : i32
        %parallel_loop3A_1988 = arith.constant 0 : i32
        %parallel_loop3A_1989 = arith.constant 0 : i32
        %parallel_loop3A_1990 = tpu.memref_slice %arg10[%parallel_loop3A_1986, %parallel_loop3A_1987, %parallel_loop3A_1988, %parallel_loop3A_1989] : memref<4x4x8x129xf32, #tpu.memory_space<vmem>> -> memref<1x4x8x129xf32, #tpu.memory_space<vmem>>
        %parallel_loop3A_1991 = tpu.memref_squeeze %parallel_loop3A_1990 : memref<1x4x8x129xf32, #tpu.memory_space<vmem>> -> memref<4x8x129xf32, #tpu.memory_space<vmem>>
        tpu.vector_store_idx %parallel_loop3A_1991[%select_n3A, %select_n3A_86, %parallel_loop3A_1958], %parallel_loop3A_1985 : memref<4x8x129xf32, #tpu.memory_space<vmem>>[vector<16xi32>, vector<16xi32>, vector<16xi32>], vector<16xf32>,
        %parallel_loop3A_1992 = arith.constant 128 : i32
        %parallel_loop3A_1993 = arith.addi %parallel_loop3A_1992, %parallel_loop3A_1956 : i32
        %parallel_loop3A_1994 = arith.index_cast %parallel_loop3A_1993 : i32 to index
        %parallel_loop3A_1995 = arith.constant 16 : index
        %parallel_loop3A_1996 = tpu.vector_load %arg7[%parallel_loop3A_1994, %parallel_loop3A_1995] {strides = array<i32>} : memref<512x32xf32, #tpu.memory_space<vmem>>, vector<16xf32>,
        %parallel_loop3A_1997 = arith.constant 1 : i32
        %parallel_loop3A_1998 = arith.constant 0 : i32
        %parallel_loop3A_1999 = arith.constant 0 : i32
        %parallel_loop3A_2000 = arith.constant 0 : i32
        %parallel_loop3A_2001 = tpu.memref_slice %arg10[%parallel_loop3A_1997, %parallel_loop3A_1998, %parallel_loop3A_1999, %parallel_loop3A_2000] : memref<4x4x8x129xf32, #tpu.memory_space<vmem>> -> memref<1x4x8x129xf32, #tpu.memory_space<vmem>>
        %parallel_loop3A_2002 = tpu.memref_squeeze %parallel_loop3A_2001 : memref<1x4x8x129xf32, #tpu.memory_space<vmem>> -> memref<4x8x129xf32, #tpu.memory_space<vmem>>
        tpu.vector_store_idx %parallel_loop3A_2002[%select_n3A_63, %select_n3A_111, %parallel_loop3A_1958], %parallel_loop3A_1996 : memref<4x8x129xf32, #tpu.memory_space<vmem>>[vector<16xi32>, vector<16xi32>, vector<16xi32>], vector<16xf32>,
        %parallel_loop3A_2003 = arith.constant 256 : i32
        %parallel_loop3A_2004 = arith.addi %parallel_loop3A_2003, %parallel_loop3A_1956 : i32
        %parallel_loop3A_2005 = arith.index_cast %parallel_loop3A_2004 : i32 to index
        %parallel_loop3A_2006 = arith.constant 0 : index
        %parallel_loop3A_2007 = tpu.vector_load %arg7[%parallel_loop3A_2005, %parallel_loop3A_2006] {strides = array<i32>} : memref<512x32xf32, #tpu.memory_space<vmem>>, vector<16xf32>,
        %parallel_loop3A_2008 = arith.constant 2 : i32
        %parallel_loop3A_2009 = arith.constant 0 : i32
        %parallel_loop3A_2010 = arith.constant 0 : i32
        %parallel_loop3A_2011 = arith.constant 0 : i32
        %parallel_loop3A_2012 = tpu.memref_slice %arg10[%parallel_loop3A_2008, %parallel_loop3A_2009, %parallel_loop3A_2010, %parallel_loop3A_2011] : memref<4x4x8x129xf32, #tpu.memory_space<vmem>> -> memref<1x4x8x129xf32, #tpu.memory_space<vmem>>
        %parallel_loop3A_2013 = tpu.memref_squeeze %parallel_loop3A_2012 : memref<1x4x8x129xf32, #tpu.memory_space<vmem>> -> memref<4x8x129xf32, #tpu.memory_space<vmem>>
        tpu.vector_store_idx %parallel_loop3A_2013[%select_n3A, %select_n3A_86, %parallel_loop3A_1958], %parallel_loop3A_2007 : memref<4x8x129xf32, #tpu.memory_space<vmem>>[vector<16xi32>, vector<16xi32>, vector<16xi32>], vector<16xf32>,
        %parallel_loop3A_2014 = arith.constant 256 : i32
        %parallel_loop3A_2015 = arith.addi %parallel_loop3A_2014, %parallel_loop3A_1956 : i32
        %parallel_loop3A_2016 = arith.index_cast %parallel_loop3A_2015 : i32 to index
        %parallel_loop3A_2017 = arith.constant 16 : index
        %parallel_loop3A_2018 = tpu.vector_load %arg7[%parallel_loop3A_2016, %parallel_loop3A_2017] {strides = array<i32>} : memref<512x32xf32, #tpu.memory_space<vmem>>, vector<16xf32>,
        %parallel_loop3A_2019 = arith.constant 2 : i32
        %parallel_loop3A_2020 = arith.constant 0 : i32
        %parallel_loop3A_2021 = arith.constant 0 : i32
        %parallel_loop3A_2022 = arith.constant 0 : i32
        %parallel_loop3A_2023 = tpu.memref_slice %arg10[%parallel_loop3A_2019, %parallel_loop3A_2020, %parallel_loop3A_2021, %parallel_loop3A_2022] : memref<4x4x8x129xf32, #tpu.memory_space<vmem>> -> memref<1x4x8x129xf32, #tpu.memory_space<vmem>>
        %parallel_loop3A_2024 = tpu.memref_squeeze %parallel_loop3A_2023 : memref<1x4x8x129xf32, #tpu.memory_space<vmem>> -> memref<4x8x129xf32, #tpu.memory_space<vmem>>
        tpu.vector_store_idx %parallel_loop3A_2024[%select_n3A_63, %select_n3A_111, %parallel_loop3A_1958], %parallel_loop3A_2018 : memref<4x8x129xf32, #tpu.memory_space<vmem>>[vector<16xi32>, vector<16xi32>, vector<16xi32>], vector<16xf32>,
        %parallel_loop3A_2025 = arith.constant 384 : i32
        %parallel_loop3A_2026 = arith.addi %parallel_loop3A_2025, %parallel_loop3A_1956 : i32
        %parallel_loop3A_2027 = arith.index_cast %parallel_loop3A_2026 : i32 to index
        %parallel_loop3A_2028 = arith.constant 0 : index
        %parallel_loop3A_2029 = tpu.vector_load %arg7[%parallel_loop3A_2027, %parallel_loop3A_2028] {strides = array<i32>} : memref<512x32xf32, #tpu.memory_space<vmem>>, vector<16xf32>,
        %parallel_loop3A_2030 = arith.constant 3 : i32
        %parallel_loop3A_2031 = arith.constant 0 : i32
        %parallel_loop3A_2032 = arith.constant 0 : i32
        %parallel_loop3A_2033 = arith.constant 0 : i32
        %parallel_loop3A_2034 = tpu.memref_slice %arg10[%parallel_loop3A_2030, %parallel_loop3A_2031, %parallel_loop3A_2032, %parallel_loop3A_2033] : memref<4x4x8x129xf32, #tpu.memory_space<vmem>> -> memref<1x4x8x129xf32, #tpu.memory_space<vmem>>
        %parallel_loop3A_2035 = tpu.memref_squeeze %parallel_loop3A_2034 : memref<1x4x8x129xf32, #tpu.memory_space<vmem>> -> memref<4x8x129xf32, #tpu.memory_space<vmem>>
        tpu.vector_store_idx %parallel_loop3A_2035[%select_n3A, %select_n3A_86, %parallel_loop3A_1958], %parallel_loop3A_2029 : memref<4x8x129xf32, #tpu.memory_space<vmem>>[vector<16xi32>, vector<16xi32>, vector<16xi32>], vector<16xf32>,
        %parallel_loop3A_2036 = arith.constant 384 : i32
        %parallel_loop3A_2037 = arith.addi %parallel_loop3A_2036, %parallel_loop3A_1956 : i32
        %parallel_loop3A_2038 = arith.index_cast %parallel_loop3A_2037 : i32 to index
        %parallel_loop3A_2039 = arith.constant 16 : index
        %parallel_loop3A_2040 = tpu.vector_load %arg7[%parallel_loop3A_2038, %parallel_loop3A_2039] {strides = array<i32>} : memref<512x32xf32, #tpu.memory_space<vmem>>, vector<16xf32>,
        %parallel_loop3A_2041 = arith.constant 3 : i32
        %parallel_loop3A_2042 = arith.constant 0 : i32
        %parallel_loop3A_2043 = arith.constant 0 : i32
        %parallel_loop3A_2044 = arith.constant 0 : i32
        %parallel_loop3A_2045 = tpu.memref_slice %arg10[%parallel_loop3A_2041, %parallel_loop3A_2042, %parallel_loop3A_2043, %parallel_loop3A_2044] : memref<4x4x8x129xf32, #tpu.memory_space<vmem>> -> memref<1x4x8x129xf32, #tpu.memory_space<vmem>>
        %parallel_loop3A_2046 = tpu.memref_squeeze %parallel_loop3A_2045 : memref<1x4x8x129xf32, #tpu.memory_space<vmem>> -> memref<4x8x129xf32, #tpu.memory_space<vmem>>
        tpu.vector_store_idx %parallel_loop3A_2046[%select_n3A_63, %select_n3A_111, %parallel_loop3A_1958], %parallel_loop3A_2040 : memref<4x8x129xf32, #tpu.memory_space<vmem>>[vector<16xi32>, vector<16xi32>, vector<16xi32>], vector<16xf32>,
      } {sc.loop_unroll_factor = 8 : i64, sc.parallel_access}
      %jit3A_1702 = arith.constant 256 : i32
      %div3A_1703 = arith.divsi %add3A_1668, %jit3A_1702 : i32
      %sign3A_1704 = arith.constant 0 : i32
      %sign3A_1705 = arith.cmpi sgt, %add3A_1668, %sign3A_1704 : i32
      %sign3A_1706 = arith.extui %sign3A_1705 : i1 to i32
      %sign3A_1707 = arith.constant 0 : i32
      %sign3A_1708 = arith.cmpi slt, %add3A_1668, %sign3A_1707 : i32
      %sign3A_1709 = arith.extui %sign3A_1708 : i1 to i32
      %sign3A_1710 = arith.subi %sign3A_1706, %sign3A_1709 : i32
      %sign3A_1711 = arith.constant 0 : i32
      %sign3A_1712 = arith.cmpi sgt, %jit3A_1702, %sign3A_1711 : i32
      %sign3A_1713 = arith.extui %sign3A_1712 : i1 to i32
      %sign3A_1714 = arith.constant 0 : i32
      %sign3A_1715 = arith.cmpi slt, %jit3A_1702, %sign3A_1714 : i32
      %sign3A_1716 = arith.extui %sign3A_1715 : i1 to i32
      %sign3A_1717 = arith.subi %sign3A_1713, %sign3A_1716 : i32
      %ne3A_1718 = arith.cmpi ne, %sign3A_1710, %sign3A_1717 : i32
      %rem3A_1719 = arith.remsi %add3A_1668, %jit3A_1702 : i32
      %ne3A_1720 = arith.constant 0 : i32
      %ne3A_1721 = arith.cmpi ne, %rem3A_1719, %ne3A_1720 : i32
      %and3A_1722 = arith.andi %ne3A_1718, %ne3A_1721 : i1
      %sub3A_1723 = arith.constant 1 : i32
      %sub3A_1724 = arith.subi %div3A_1703, %sub3A_1723 : i32
      %select_n3A_1725 = arith.select %and3A_1722, %sub3A_1724, %div3A_1703 : i32
      %jit3A_1726 = arith.constant 2 : i32
      %div3A_1727 = arith.divsi %add3A_1668, %jit3A_1726 : i32
      %sign3A_1728 = arith.constant 0 : i32
      %sign3A_1729 = arith.cmpi sgt, %add3A_1668, %sign3A_1728 : i32
      %sign3A_1730 = arith.extui %sign3A_1729 : i1 to i32
      %sign3A_1731 = arith.constant 0 : i32
      %sign3A_1732 = arith.cmpi slt, %add3A_1668, %sign3A_1731 : i32
      %sign3A_1733 = arith.extui %sign3A_1732 : i1 to i32
      %sign3A_1734 = arith.subi %sign3A_1730, %sign3A_1733 : i32
      %sign3A_1735 = arith.constant 0 : i32
      %sign3A_1736 = arith.cmpi sgt, %jit3A_1726, %sign3A_1735 : i32
      %sign3A_1737 = arith.extui %sign3A_1736 : i1 to i32
      %sign3A_1738 = arith.constant 0 : i32
      %sign3A_1739 = arith.cmpi slt, %jit3A_1726, %sign3A_1738 : i32
      %sign3A_1740 = arith.extui %sign3A_1739 : i1 to i32
      %sign3A_1741 = arith.subi %sign3A_1737, %sign3A_1740 : i32
      %ne3A_1742 = arith.cmpi ne, %sign3A_1734, %sign3A_1741 : i32
      %rem3A_1743 = arith.remsi %add3A_1668, %jit3A_1726 : i32
      %ne3A_1744 = arith.constant 0 : i32
      %ne3A_1745 = arith.cmpi ne, %rem3A_1743, %ne3A_1744 : i32
      %and3A_1746 = arith.andi %ne3A_1742, %ne3A_1745 : i1
      %sub3A_1747 = arith.constant 1 : i32
      %sub3A_1748 = arith.subi %div3A_1727, %sub3A_1747 : i32
      %select_n3A_1749 = arith.select %and3A_1746, %sub3A_1748, %div3A_1727 : i32
      %jit3A_1750 = arith.constant 128 : i32
      %eq3A_1751 = arith.constant 0 : i32
      %eq3A_1752 = arith.cmpi eq, %jit3A_1750, %eq3A_1751 : i32
      %jit3A_1753 = arith.constant 1 : i32
      %select_n3A_1754 = arith.select %eq3A_1752, %jit3A_1753, %jit3A_1750 : i32
      %rem3A_1755 = arith.remsi %select_n3A_1749, %select_n3A_1754 : i32
      %ne3A_1756 = arith.constant 0 : i32
      %ne3A_1757 = arith.cmpi ne, %rem3A_1755, %ne3A_1756 : i32
      %lt3A_1758 = arith.constant 0 : i32
      %lt3A_1759 = arith.cmpi slt, %rem3A_1755, %lt3A_1758 : i32
      %lt3A_1760 = arith.constant 0 : i32
      %lt3A_1761 = arith.cmpi slt, %select_n3A_1754, %lt3A_1760 : i32
      %ne3A_1762 = arith.xori %lt3A_1759, %lt3A_1761 : i1
      %and3A_1763 = arith.andi %ne3A_1762, %ne3A_1757 : i1
      %add3A_1764 = arith.addi %rem3A_1755, %select_n3A_1754 : i32
      %select_n3A_1765 = arith.select %and3A_1763, %add3A_1764, %rem3A_1755 : i32
      %jit3A_1766 = arith.constant 2 : i32
      %eq3A_1767 = arith.constant 0 : i32
      %eq3A_1768 = arith.cmpi eq, %jit3A_1766, %eq3A_1767 : i32
      %jit3A_1769 = arith.constant 1 : i32
      %select_n3A_1770 = arith.select %eq3A_1768, %jit3A_1769, %jit3A_1766 : i32
      %rem3A_1771 = arith.remsi %add3A_1668, %select_n3A_1770 : i32
      %ne3A_1772 = arith.constant 0 : i32
      %ne3A_1773 = arith.cmpi ne, %rem3A_1771, %ne3A_1772 : i32
      %lt3A_1774 = arith.constant 0 : i32
      %lt3A_1775 = arith.cmpi slt, %rem3A_1771, %lt3A_1774 : i32
      %lt3A_1776 = arith.constant 0 : i32
      %lt3A_1777 = arith.cmpi slt, %select_n3A_1770, %lt3A_1776 : i32
      %ne3A_1778 = arith.xori %lt3A_1775, %lt3A_1777 : i1
      %and3A_1779 = arith.andi %ne3A_1778, %ne3A_1773 : i1
      %add3A_1780 = arith.addi %rem3A_1771, %select_n3A_1770 : i32
      %select_n3A_1781 = arith.select %and3A_1779, %add3A_1780, %rem3A_1771 : i32
      %mul3A_1782 = arith.constant 8 : i32
      %mul3A_1783 = arith.muli %select_n3A_1725, %mul3A_1782 : i32
      %mul3A_1784 = arith.constant 4 : i32
      %mul3A_1785 = arith.muli %select_n3A_1781, %mul3A_1784 : i32
      %add3A_1786 = arith.addi %mul3A_1783, %mul3A_1785 : i32
      %dma_start3A_1787 = arith.constant 1 : i32
      %dma_start3A_1788 = arith.constant 0 : i32
      %dma_start3A_1789 = arith.constant 0 : i32
      %dma_start3A_1790 = arith.constant 0 : i32
      %dma_start3A_1791 = arith.constant 0 : i32
      %dma_start3A_1792 = tpu.memref_slice %arg10[%dma_start3A_1788, %dma_start3A_1789, %dma_start3A_1790, %dma_start3A_1791] : memref<4x4x8x129xf32, #tpu.memory_space<vmem>> -> memref<4x4x8x128xf32, #tpu.memory_space<vmem>>
      %dma_start3A_1793 = arith.constant 0 : i32
      %dma_start3A_1794 = arith.constant 0 : i32
      %dma_start3A_1795 = arith.constant 0 : i32
      %dma_start3A_1796 = tpu.memref_slice %arg4[%add3A_1786, %dma_start3A_1793, %select_n3A_1765, %dma_start3A_1794, %dma_start3A_1795] : memref<200x4x128x8x128xf32, #tpu.memory_space<hbm>> -> memref<4x4x1x8x128xf32, #tpu.memory_space<hbm>>
      %dma_start3A_1797 = tpu.memref_squeeze %dma_start3A_1796 : memref<4x4x1x8x128xf32, #tpu.memory_space<hbm>> -> memref<4x4x8x128xf32, #tpu.memory_space<hbm>>
      %dma_start3A_1798 = tpu.memref_slice %arg14[%dma_start3A_1787] : memref<3x!tpu.dma_semaphore, #tpu.memory_space<semaphore_mem>> -> memref<1x!tpu.dma_semaphore, #tpu.memory_space<semaphore_mem>>
      %dma_start3A_1799 = tpu.memref_squeeze %dma_start3A_1798 : memref<1x!tpu.dma_semaphore, #tpu.memory_space<semaphore_mem>> -> memref<!tpu.dma_semaphore, #tpu.memory_space<semaphore_mem>>
      %dma_start3A_1800 = arith.constant 0 : i32
      %dma_start3A_1801 = arith.constant 0 : i32
      %dma_start3A_1802 = arith.constant 0 : i32
      %dma_start3A_1803 = tpu.memref_slice %arg4[%add3A_1786, %dma_start3A_1800, %select_n3A_1765, %dma_start3A_1801, %dma_start3A_1802] : memref<200x4x128x8x128xf32, #tpu.memory_space<hbm>> -> memref<4x4x1x8x128xf32, #tpu.memory_space<hbm>>
      %dma_start3A_1804 = tpu.memref_squeeze %dma_start3A_1803 : memref<4x4x1x8x128xf32, #tpu.memory_space<hbm>> -> memref<4x4x8x128xf32, #tpu.memory_space<hbm>>
      %dma_start3A_1805 = arith.constant 0 : i32
      %dma_start3A_1806 = arith.constant 0 : i32
      %dma_start3A_1807 = arith.constant 0 : i32
      %dma_start3A_1808 = arith.constant 0 : i32
      %dma_start3A_1809 = tpu.memref_slice %arg10[%dma_start3A_1805, %dma_start3A_1806, %dma_start3A_1807, %dma_start3A_1808] : memref<4x4x8x129xf32, #tpu.memory_space<vmem>> -> memref<4x4x8x128xf32, #tpu.memory_space<vmem>>
      tpu.enqueue_dma source(%dma_start3A_1809 : memref<4x4x8x128xf32, #tpu.memory_space<vmem>>) target(%dma_start3A_1804 : memref<4x4x8x128xf32, #tpu.memory_space<hbm>>) target_semaphore(%dma_start3A_1799 : memref<!tpu.dma_semaphore, #tpu.memory_space<semaphore_mem>>)
      %mul3A_1810 = arith.constant 3 : i32
      %mul3A_1811 = arith.muli %scan3A_1520, %mul3A_1810 : i32
      %add3A_1812 = arith.constant 2 : i32
      %add3A_1813 = arith.addi %mul3A_1811, %add3A_1812 : i32
      %add3A_1814 = arith.addi %mul3A_2, %add3A_1813 : i32
      %rem3A_1815 = arith.constant 4 : i32
      %rem3A_1816 = arith.remsi %add3A_1813, %rem3A_1815 : i32
      %dma_wait3A_1817 = arith.constant 2 : i32
      %dma_wait3A_1818 = arith.constant 0 : i32
      %dma_wait3A_1819 = tpu.memref_slice %arg5[%rem3A_1816, %dma_wait3A_1818] : memref<4x512xi32, #tpu.memory_space<vmem>> -> memref<1x512xi32, #tpu.memory_space<vmem>>
      %dma_wait3A_1820 = tpu.memref_squeeze %dma_wait3A_1819 : memref<1x512xi32, #tpu.memory_space<vmem>> -> memref<512xi32, #tpu.memory_space<vmem>>
      %dma_wait3A_1821 = arith.constant 0 : i32
      %dma_wait3A_1822 = arith.constant 0 : i32
      %dma_wait3A_1823 = tpu.memref_slice %arg3[%dma_wait3A_1821, %dma_wait3A_1822] : memref<1000000x32xf32, #tpu.memory_space<hbm>> -> memref<1000000x32xf32, #tpu.memory_space<hbm>>
      %dma_wait3A_1824 = tpu.memref_slice %arg13[%dma_wait3A_1817] : memref<3x!tpu.dma_semaphore, #tpu.memory_space<semaphore_mem>> -> memref<1x!tpu.dma_semaphore, #tpu.memory_space<semaphore_mem>>
      %dma_wait3A_1825 = tpu.memref_squeeze %dma_wait3A_1824 : memref<1x!tpu.dma_semaphore, #tpu.memory_space<semaphore_mem>> -> memref<!tpu.dma_semaphore, #tpu.memory_space<semaphore_mem>>
      tpu.wait_indirect_dma semaphore(%dma_wait3A_1825 : memref<!tpu.dma_semaphore, #tpu.memory_space<semaphore_mem>>) src(%dma_wait3A_1823 : memref<1000000x32xf32, #tpu.memory_space<hbm>>) dst(%arg8 : memref<512x32xf32, #tpu.memory_space<vmem>>)
      %add3A_1826 = arith.constant 4 : i32
      %add3A_1827 = arith.addi %add3A_1813, %add3A_1826 : i32
      %lt3A_1828 = arith.constant 200 : i32
      %lt3A_1829 = arith.cmpi slt, %add3A_1827, %lt3A_1828 : i32
      %convert_element_type3A_1830 = arith.extui %lt3A_1829 : i1 to i32
      %cond3A_1831 = arith.constant 0 : i32
      %cond3A_1832 = arith.cmpi ne, %convert_element_type3A_1830, %cond3A_1831 : i32
      scf.if %cond3A_1832 {
        %add3A_1956 = arith.constant 4 : i32
        %add3A_1957 = arith.addi %add3A_1814, %add3A_1956 : i32
        %rem3A_1958 = arith.constant 4 : i32
        %rem3A_1959 = arith.remsi %add3A_1813, %rem3A_1958 : i32
        %jit3A_1960 = arith.constant 256 : i32
        %div3A_1961 = arith.divsi %add3A_1957, %jit3A_1960 : i32
        %sign3A_1962 = arith.constant 0 : i32
        %sign3A_1963 = arith.cmpi sgt, %add3A_1957, %sign3A_1962 : i32
        %sign3A_1964 = arith.extui %sign3A_1963 : i1 to i32
        %sign3A_1965 = arith.constant 0 : i32
        %sign3A_1966 = arith.cmpi slt, %add3A_1957, %sign3A_1965 : i32
        %sign3A_1967 = arith.extui %sign3A_1966 : i1 to i32
        %sign3A_1968 = arith.subi %sign3A_1964, %sign3A_1967 : i32
        %sign3A_1969 = arith.constant 0 : i32
        %sign3A_1970 = arith.cmpi sgt, %jit3A_1960, %sign3A_1969 : i32
        %sign3A_1971 = arith.extui %sign3A_1970 : i1 to i32
        %sign3A_1972 = arith.constant 0 : i32
        %sign3A_1973 = arith.cmpi slt, %jit3A_1960, %sign3A_1972 : i32
        %sign3A_1974 = arith.extui %sign3A_1973 : i1 to i32
        %sign3A_1975 = arith.subi %sign3A_1971, %sign3A_1974 : i32
        %ne3A_1976 = arith.cmpi ne, %sign3A_1968, %sign3A_1975 : i32
        %rem3A_1977 = arith.remsi %add3A_1957, %jit3A_1960 : i32
        %ne3A_1978 = arith.constant 0 : i32
        %ne3A_1979 = arith.cmpi ne, %rem3A_1977, %ne3A_1978 : i32
        %and3A_1980 = arith.andi %ne3A_1976, %ne3A_1979 : i1
        %sub3A_1981 = arith.constant 1 : i32
        %sub3A_1982 = arith.subi %div3A_1961, %sub3A_1981 : i32
        %select_n3A_1983 = arith.select %and3A_1980, %sub3A_1982, %div3A_1961 : i32
        %jit3A_1984 = arith.constant 2 : i32
        %div3A_1985 = arith.divsi %add3A_1957, %jit3A_1984 : i32
        %sign3A_1986 = arith.constant 0 : i32
        %sign3A_1987 = arith.cmpi sgt, %add3A_1957, %sign3A_1986 : i32
        %sign3A_1988 = arith.extui %sign3A_1987 : i1 to i32
        %sign3A_1989 = arith.constant 0 : i32
        %sign3A_1990 = arith.cmpi slt, %add3A_1957, %sign3A_1989 : i32
        %sign3A_1991 = arith.extui %sign3A_1990 : i1 to i32
        %sign3A_1992 = arith.subi %sign3A_1988, %sign3A_1991 : i32
        %sign3A_1993 = arith.constant 0 : i32
        %sign3A_1994 = arith.cmpi sgt, %jit3A_1984, %sign3A_1993 : i32
        %sign3A_1995 = arith.extui %sign3A_1994 : i1 to i32
        %sign3A_1996 = arith.constant 0 : i32
        %sign3A_1997 = arith.cmpi slt, %jit3A_1984, %sign3A_1996 : i32
        %sign3A_1998 = arith.extui %sign3A_1997 : i1 to i32
        %sign3A_1999 = arith.subi %sign3A_1995, %sign3A_1998 : i32
        %ne3A_2000 = arith.cmpi ne, %sign3A_1992, %sign3A_1999 : i32
        %rem3A_2001 = arith.remsi %add3A_1957, %jit3A_1984 : i32
        %ne3A_2002 = arith.constant 0 : i32
        %ne3A_2003 = arith.cmpi ne, %rem3A_2001, %ne3A_2002 : i32
        %and3A_2004 = arith.andi %ne3A_2000, %ne3A_2003 : i1
        %sub3A_2005 = arith.constant 1 : i32
        %sub3A_2006 = arith.subi %div3A_1985, %sub3A_2005 : i32
        %select_n3A_2007 = arith.select %and3A_2004, %sub3A_2006, %div3A_1985 : i32
        %jit3A_2008 = arith.constant 128 : i32
        %eq3A_2009 = arith.constant 0 : i32
        %eq3A_2010 = arith.cmpi eq, %jit3A_2008, %eq3A_2009 : i32
        %jit3A_2011 = arith.constant 1 : i32
        %select_n3A_2012 = arith.select %eq3A_2010, %jit3A_2011, %jit3A_2008 : i32
        %rem3A_2013 = arith.remsi %select_n3A_2007, %select_n3A_2012 : i32
        %ne3A_2014 = arith.constant 0 : i32
        %ne3A_2015 = arith.cmpi ne, %rem3A_2013, %ne3A_2014 : i32
        %lt3A_2016 = arith.constant 0 : i32
        %lt3A_2017 = arith.cmpi slt, %rem3A_2013, %lt3A_2016 : i32
        %lt3A_2018 = arith.constant 0 : i32
        %lt3A_2019 = arith.cmpi slt, %select_n3A_2012, %lt3A_2018 : i32
        %ne3A_2020 = arith.xori %lt3A_2017, %lt3A_2019 : i1
        %and3A_2021 = arith.andi %ne3A_2020, %ne3A_2015 : i1
        %add3A_2022 = arith.addi %rem3A_2013, %select_n3A_2012 : i32
        %select_n3A_2023 = arith.select %and3A_2021, %add3A_2022, %rem3A_2013 : i32
        %jit3A_2024 = arith.constant 2 : i32
        %eq3A_2025 = arith.constant 0 : i32
        %eq3A_2026 = arith.cmpi eq, %jit3A_2024, %eq3A_2025 : i32
        %jit3A_2027 = arith.constant 1 : i32
        %select_n3A_2028 = arith.select %eq3A_2026, %jit3A_2027, %jit3A_2024 : i32
        %rem3A_2029 = arith.remsi %add3A_1957, %select_n3A_2028 : i32
        %ne3A_2030 = arith.constant 0 : i32
        %ne3A_2031 = arith.cmpi ne, %rem3A_2029, %ne3A_2030 : i32
        %lt3A_2032 = arith.constant 0 : i32
        %lt3A_2033 = arith.cmpi slt, %rem3A_2029, %lt3A_2032 : i32
        %lt3A_2034 = arith.constant 0 : i32
        %lt3A_2035 = arith.cmpi slt, %select_n3A_2028, %lt3A_2034 : i32
        %ne3A_2036 = arith.xori %lt3A_2033, %lt3A_2035 : i1
        %and3A_2037 = arith.andi %ne3A_2036, %ne3A_2031 : i1
        %add3A_2038 = arith.addi %rem3A_2029, %select_n3A_2028 : i32
        %select_n3A_2039 = arith.select %and3A_2037, %add3A_2038, %rem3A_2029 : i32
        %mul3A_2040 = arith.constant 512 : i32
        %mul3A_2041 = arith.muli %select_n3A_2039, %mul3A_2040 : i32
        %dma_start3A_2042 = arith.constant 0 : i32
        %dma_start3A_2043 = tpu.memref_slice %arg5[%rem3A_1959, %dma_start3A_2042] : memref<4x512xi32, #tpu.memory_space<vmem>> -> memref<1x512xi32, #tpu.memory_space<vmem>>
        %dma_start3A_2044 = tpu.memref_squeeze %dma_start3A_2043 : memref<1x512xi32, #tpu.memory_space<vmem>> -> memref<512xi32, #tpu.memory_space<vmem>>
        %dma_start3A_2045 = tpu.memref_slice %arg2[%select_n3A_1983, %select_n3A_2023, %mul3A_2041] : memref<25x128x1024xi32, #tpu.memory_space<hbm>> -> memref<1x1x512xi32, #tpu.memory_space<hbm>>
        %dma_start3A_2046 = tpu.memref_squeeze %dma_start3A_2045 : memref<1x1x512xi32, #tpu.memory_space<hbm>> -> memref<512xi32, #tpu.memory_space<hbm>>
        %dma_start3A_2047 = tpu.memref_slice %arg12[%rem3A_1959] : memref<4x!tpu.dma_semaphore, #tpu.memory_space<semaphore_mem>> -> memref<1x!tpu.dma_semaphore, #tpu.memory_space<semaphore_mem>>
        %dma_start3A_2048 = tpu.memref_squeeze %dma_start3A_2047 : memref<1x!tpu.dma_semaphore, #tpu.memory_space<semaphore_mem>> -> memref<!tpu.dma_semaphore, #tpu.memory_space<semaphore_mem>>
        %dma_start3A_2049 = arith.constant 0 : i32
        %dma_start3A_2050 = tpu.memref_slice %arg5[%rem3A_1959, %dma_start3A_2049] : memref<4x512xi32, #tpu.memory_space<vmem>> -> memref<1x512xi32, #tpu.memory_space<vmem>>
        %dma_start3A_2051 = tpu.memref_squeeze %dma_start3A_2050 : memref<1x512xi32, #tpu.memory_space<vmem>> -> memref<512xi32, #tpu.memory_space<vmem>>
        %dma_start3A_2052 = tpu.memref_slice %arg2[%select_n3A_1983, %select_n3A_2023, %mul3A_2041] : memref<25x128x1024xi32, #tpu.memory_space<hbm>> -> memref<1x1x512xi32, #tpu.memory_space<hbm>>
        %dma_start3A_2053 = tpu.memref_squeeze %dma_start3A_2052 : memref<1x1x512xi32, #tpu.memory_space<hbm>> -> memref<512xi32, #tpu.memory_space<hbm>>
        tpu.enqueue_dma source(%dma_start3A_2053 : memref<512xi32, #tpu.memory_space<hbm>>) target(%dma_start3A_2051 : memref<512xi32, #tpu.memory_space<vmem>>) target_semaphore(%dma_start3A_2048 : memref<!tpu.dma_semaphore, #tpu.memory_space<semaphore_mem>>)
      } else {
      }
      %add3A_1833 = arith.constant 2 : i32
      %add3A_1834 = arith.addi %add3A_1813, %add3A_1833 : i32
      %lt3A_1835 = arith.constant 200 : i32
      %lt3A_1836 = arith.cmpi slt, %add3A_1834, %lt3A_1835 : i32
      %convert_element_type3A_1837 = arith.extui %lt3A_1836 : i1 to i32
      %cond3A_1838 = arith.constant 0 : i32
      %cond3A_1839 = arith.cmpi ne, %convert_element_type3A_1837, %cond3A_1838 : i32
      scf.if %cond3A_1839 {
        %add3A_1956 = arith.constant 2 : i32
        %add3A_1957 = arith.addi %add3A_1814, %add3A_1956 : i32
        %add3A_1958 = arith.constant 2 : i32
        %add3A_1959 = arith.addi %add3A_1813, %add3A_1958 : i32
        %rem3A_1960 = arith.constant 4 : i32
        %rem3A_1961 = arith.remsi %add3A_1959, %rem3A_1960 : i32
        %jit3A_1962 = arith.constant 256 : i32
        %div3A_1963 = arith.divsi %add3A_1957, %jit3A_1962 : i32
        %sign3A_1964 = arith.constant 0 : i32
        %sign3A_1965 = arith.cmpi sgt, %add3A_1957, %sign3A_1964 : i32
        %sign3A_1966 = arith.extui %sign3A_1965 : i1 to i32
        %sign3A_1967 = arith.constant 0 : i32
        %sign3A_1968 = arith.cmpi slt, %add3A_1957, %sign3A_1967 : i32
        %sign3A_1969 = arith.extui %sign3A_1968 : i1 to i32
        %sign3A_1970 = arith.subi %sign3A_1966, %sign3A_1969 : i32
        %sign3A_1971 = arith.constant 0 : i32
        %sign3A_1972 = arith.cmpi sgt, %jit3A_1962, %sign3A_1971 : i32
        %sign3A_1973 = arith.extui %sign3A_1972 : i1 to i32
        %sign3A_1974 = arith.constant 0 : i32
        %sign3A_1975 = arith.cmpi slt, %jit3A_1962, %sign3A_1974 : i32
        %sign3A_1976 = arith.extui %sign3A_1975 : i1 to i32
        %sign3A_1977 = arith.subi %sign3A_1973, %sign3A_1976 : i32
        %ne3A_1978 = arith.cmpi ne, %sign3A_1970, %sign3A_1977 : i32
        %rem3A_1979 = arith.remsi %add3A_1957, %jit3A_1962 : i32
        %ne3A_1980 = arith.constant 0 : i32
        %ne3A_1981 = arith.cmpi ne, %rem3A_1979, %ne3A_1980 : i32
        %and3A_1982 = arith.andi %ne3A_1978, %ne3A_1981 : i1
        %sub3A_1983 = arith.constant 1 : i32
        %sub3A_1984 = arith.subi %div3A_1963, %sub3A_1983 : i32
        %select_n3A_1985 = arith.select %and3A_1982, %sub3A_1984, %div3A_1963 : i32
        %jit3A_1986 = arith.constant 2 : i32
        %div3A_1987 = arith.divsi %add3A_1957, %jit3A_1986 : i32
        %sign3A_1988 = arith.constant 0 : i32
        %sign3A_1989 = arith.cmpi sgt, %add3A_1957, %sign3A_1988 : i32
        %sign3A_1990 = arith.extui %sign3A_1989 : i1 to i32
        %sign3A_1991 = arith.constant 0 : i32
        %sign3A_1992 = arith.cmpi slt, %add3A_1957, %sign3A_1991 : i32
        %sign3A_1993 = arith.extui %sign3A_1992 : i1 to i32
        %sign3A_1994 = arith.subi %sign3A_1990, %sign3A_1993 : i32
        %sign3A_1995 = arith.constant 0 : i32
        %sign3A_1996 = arith.cmpi sgt, %jit3A_1986, %sign3A_1995 : i32
        %sign3A_1997 = arith.extui %sign3A_1996 : i1 to i32
        %sign3A_1998 = arith.constant 0 : i32
        %sign3A_1999 = arith.cmpi slt, %jit3A_1986, %sign3A_1998 : i32
        %sign3A_2000 = arith.extui %sign3A_1999 : i1 to i32
        %sign3A_2001 = arith.subi %sign3A_1997, %sign3A_2000 : i32
        %ne3A_2002 = arith.cmpi ne, %sign3A_1994, %sign3A_2001 : i32
        %rem3A_2003 = arith.remsi %add3A_1957, %jit3A_1986 : i32
        %ne3A_2004 = arith.constant 0 : i32
        %ne3A_2005 = arith.cmpi ne, %rem3A_2003, %ne3A_2004 : i32
        %and3A_2006 = arith.andi %ne3A_2002, %ne3A_2005 : i1
        %sub3A_2007 = arith.constant 1 : i32
        %sub3A_2008 = arith.subi %div3A_1987, %sub3A_2007 : i32
        %select_n3A_2009 = arith.select %and3A_2006, %sub3A_2008, %div3A_1987 : i32
        %jit3A_2010 = arith.constant 128 : i32
        %eq3A_2011 = arith.constant 0 : i32
        %eq3A_2012 = arith.cmpi eq, %jit3A_2010, %eq3A_2011 : i32
        %jit3A_2013 = arith.constant 1 : i32
        %select_n3A_2014 = arith.select %eq3A_2012, %jit3A_2013, %jit3A_2010 : i32
        %rem3A_2015 = arith.remsi %select_n3A_2009, %select_n3A_2014 : i32
        %ne3A_2016 = arith.constant 0 : i32
        %ne3A_2017 = arith.cmpi ne, %rem3A_2015, %ne3A_2016 : i32
        %lt3A_2018 = arith.constant 0 : i32
        %lt3A_2019 = arith.cmpi slt, %rem3A_2015, %lt3A_2018 : i32
        %lt3A_2020 = arith.constant 0 : i32
        %lt3A_2021 = arith.cmpi slt, %select_n3A_2014, %lt3A_2020 : i32
        %ne3A_2022 = arith.xori %lt3A_2019, %lt3A_2021 : i1
        %and3A_2023 = arith.andi %ne3A_2022, %ne3A_2017 : i1
        %add3A_2024 = arith.addi %rem3A_2015, %select_n3A_2014 : i32
        %select_n3A_2025 = arith.select %and3A_2023, %add3A_2024, %rem3A_2015 : i32
        %jit3A_2026 = arith.constant 2 : i32
        %eq3A_2027 = arith.constant 0 : i32
        %eq3A_2028 = arith.cmpi eq, %jit3A_2026, %eq3A_2027 : i32
        %jit3A_2029 = arith.constant 1 : i32
        %select_n3A_2030 = arith.select %eq3A_2028, %jit3A_2029, %jit3A_2026 : i32
        %rem3A_2031 = arith.remsi %add3A_1957, %select_n3A_2030 : i32
        %ne3A_2032 = arith.constant 0 : i32
        %ne3A_2033 = arith.cmpi ne, %rem3A_2031, %ne3A_2032 : i32
        %lt3A_2034 = arith.constant 0 : i32
        %lt3A_2035 = arith.cmpi slt, %rem3A_2031, %lt3A_2034 : i32
        %lt3A_2036 = arith.constant 0 : i32
        %lt3A_2037 = arith.cmpi slt, %select_n3A_2030, %lt3A_2036 : i32
        %ne3A_2038 = arith.xori %lt3A_2035, %lt3A_2037 : i1
        %and3A_2039 = arith.andi %ne3A_2038, %ne3A_2033 : i1
        %add3A_2040 = arith.addi %rem3A_2031, %select_n3A_2030 : i32
        %select_n3A_2041 = arith.select %and3A_2039, %add3A_2040, %rem3A_2031 : i32
        %mul3A_2042 = arith.constant 512 : i32
        %mul3A_2043 = arith.muli %select_n3A_2041, %mul3A_2042 : i32
        %dma_wait3A_2044 = arith.constant 0 : i32
        %dma_wait3A_2045 = tpu.memref_slice %arg5[%rem3A_1961, %dma_wait3A_2044] : memref<4x512xi32, #tpu.memory_space<vmem>> -> memref<1x512xi32, #tpu.memory_space<vmem>>
        %dma_wait3A_2046 = tpu.memref_squeeze %dma_wait3A_2045 : memref<1x512xi32, #tpu.memory_space<vmem>> -> memref<512xi32, #tpu.memory_space<vmem>>
        %dma_wait3A_2047 = tpu.memref_slice %arg2[%select_n3A_1985, %select_n3A_2025, %mul3A_2043] : memref<25x128x1024xi32, #tpu.memory_space<hbm>> -> memref<1x1x512xi32, #tpu.memory_space<hbm>>
        %dma_wait3A_2048 = tpu.memref_squeeze %dma_wait3A_2047 : memref<1x1x512xi32, #tpu.memory_space<hbm>> -> memref<512xi32, #tpu.memory_space<hbm>>
        %dma_wait3A_2049 = tpu.memref_slice %arg12[%rem3A_1961] : memref<4x!tpu.dma_semaphore, #tpu.memory_space<semaphore_mem>> -> memref<1x!tpu.dma_semaphore, #tpu.memory_space<semaphore_mem>>
        %dma_wait3A_2050 = tpu.memref_squeeze %dma_wait3A_2049 : memref<1x!tpu.dma_semaphore, #tpu.memory_space<semaphore_mem>> -> memref<!tpu.dma_semaphore, #tpu.memory_space<semaphore_mem>>
        %dma_wait3A_2051 = arith.constant 0 : i32
        %dma_wait3A_2052 = tpu.memref_slice %arg5[%rem3A_1961, %dma_wait3A_2051] : memref<4x512xi32, #tpu.memory_space<vmem>> -> memref<1x512xi32, #tpu.memory_space<vmem>>
        %dma_wait3A_2053 = tpu.memref_squeeze %dma_wait3A_2052 : memref<1x512xi32, #tpu.memory_space<vmem>> -> memref<512xi32, #tpu.memory_space<vmem>>
        %dma_wait3A_2054 = tpu.memref_slice %arg2[%select_n3A_1985, %select_n3A_2025, %mul3A_2043] : memref<25x128x1024xi32, #tpu.memory_space<hbm>> -> memref<1x1x512xi32, #tpu.memory_space<hbm>>
        %dma_wait3A_2055 = tpu.memref_squeeze %dma_wait3A_2054 : memref<1x1x512xi32, #tpu.memory_space<hbm>> -> memref<512xi32, #tpu.memory_space<hbm>>
        tpu.wait_dma2 semaphore(%dma_wait3A_2050 : memref<!tpu.dma_semaphore, #tpu.memory_space<semaphore_mem>>) src(%dma_wait3A_2055 : memref<512xi32, #tpu.memory_space<hbm>>) dst(%dma_wait3A_2053 : memref<512xi32, #tpu.memory_space<vmem>>)
        %add3A_2056 = arith.constant 2 : i32
        %add3A_2057 = arith.addi %add3A_1813, %add3A_2056 : i32
        %rem3A_2058 = arith.constant 4 : i32
        %rem3A_2059 = arith.remsi %add3A_2057, %rem3A_2058 : i32
        %dma_start3A_2060 = arith.constant 1 : i32
        %dma_start3A_2061 = arith.constant 0 : i32
        %dma_start3A_2062 = tpu.memref_slice %arg5[%rem3A_2059, %dma_start3A_2061] : memref<4x512xi32, #tpu.memory_space<vmem>> -> memref<1x512xi32, #tpu.memory_space<vmem>>
        %dma_start3A_2063 = tpu.memref_squeeze %dma_start3A_2062 : memref<1x512xi32, #tpu.memory_space<vmem>> -> memref<512xi32, #tpu.memory_space<vmem>>
        %dma_start3A_2064 = arith.constant 0 : i32
        %dma_start3A_2065 = arith.constant 0 : i32
        %dma_start3A_2066 = tpu.memref_slice %arg3[%dma_start3A_2064, %dma_start3A_2065] : memref<1000000x32xf32, #tpu.memory_space<hbm>> -> memref<1000000x32xf32, #tpu.memory_space<hbm>>
        %dma_start3A_2067 = tpu.memref_slice %arg13[%dma_start3A_2060] : memref<3x!tpu.dma_semaphore, #tpu.memory_space<semaphore_mem>> -> memref<1x!tpu.dma_semaphore, #tpu.memory_space<semaphore_mem>>
        %dma_start3A_2068 = tpu.memref_squeeze %dma_start3A_2067 : memref<1x!tpu.dma_semaphore, #tpu.memory_space<semaphore_mem>> -> memref<!tpu.dma_semaphore, #tpu.memory_space<semaphore_mem>>
        tpu.enqueue_indirect_dma source(%dma_start3A_2066 : memref<1000000x32xf32, #tpu.memory_space<hbm>>) target(%arg7 : memref<512x32xf32, #tpu.memory_space<vmem>>) offsets(%dma_start3A_2063 : memref<512xi32, #tpu.memory_space<vmem>>) semaphore(%dma_start3A_2068 : memref<!tpu.dma_semaphore, #tpu.memory_space<semaphore_mem>>)
      } else {
      }
      %ge3A_1840 = arith.constant 3 : i32
      %ge3A_1841 = arith.cmpi sge, %add3A_1813, %ge3A_1840 : i32
      %convert_element_type3A_1842 = arith.extui %ge3A_1841 : i1 to i32
      %cond3A_1843 = arith.constant 0 : i32
      %cond3A_1844 = arith.cmpi ne, %convert_element_type3A_1842, %cond3A_1843 : i32
      scf.if %cond3A_1844 {
        %sub3A_1956 = arith.constant 3 : i32
        %sub3A_1957 = arith.subi %add3A_1814, %sub3A_1956 : i32
        %jit3A_1958 = arith.constant 256 : i32
        %div3A_1959 = arith.divsi %sub3A_1957, %jit3A_1958 : i32
        %sign3A_1960 = arith.constant 0 : i32
        %sign3A_1961 = arith.cmpi sgt, %sub3A_1957, %sign3A_1960 : i32
        %sign3A_1962 = arith.extui %sign3A_1961 : i1 to i32
        %sign3A_1963 = arith.constant 0 : i32
        %sign3A_1964 = arith.cmpi slt, %sub3A_1957, %sign3A_1963 : i32
        %sign3A_1965 = arith.extui %sign3A_1964 : i1 to i32
        %sign3A_1966 = arith.subi %sign3A_1962, %sign3A_1965 : i32
        %sign3A_1967 = arith.constant 0 : i32
        %sign3A_1968 = arith.cmpi sgt, %jit3A_1958, %sign3A_1967 : i32
        %sign3A_1969 = arith.extui %sign3A_1968 : i1 to i32
        %sign3A_1970 = arith.constant 0 : i32
        %sign3A_1971 = arith.cmpi slt, %jit3A_1958, %sign3A_1970 : i32
        %sign3A_1972 = arith.extui %sign3A_1971 : i1 to i32
        %sign3A_1973 = arith.subi %sign3A_1969, %sign3A_1972 : i32
        %ne3A_1974 = arith.cmpi ne, %sign3A_1966, %sign3A_1973 : i32
        %rem3A_1975 = arith.remsi %sub3A_1957, %jit3A_1958 : i32
        %ne3A_1976 = arith.constant 0 : i32
        %ne3A_1977 = arith.cmpi ne, %rem3A_1975, %ne3A_1976 : i32
        %and3A_1978 = arith.andi %ne3A_1974, %ne3A_1977 : i1
        %sub3A_1979 = arith.constant 1 : i32
        %sub3A_1980 = arith.subi %div3A_1959, %sub3A_1979 : i32
        %select_n3A_1981 = arith.select %and3A_1978, %sub3A_1980, %div3A_1959 : i32
        %jit3A_1982 = arith.constant 2 : i32
        %div3A_1983 = arith.divsi %sub3A_1957, %jit3A_1982 : i32
        %sign3A_1984 = arith.constant 0 : i32
        %sign3A_1985 = arith.cmpi sgt, %sub3A_1957, %sign3A_1984 : i32
        %sign3A_1986 = arith.extui %sign3A_1985 : i1 to i32
        %sign3A_1987 = arith.constant 0 : i32
        %sign3A_1988 = arith.cmpi slt, %sub3A_1957, %sign3A_1987 : i32
        %sign3A_1989 = arith.extui %sign3A_1988 : i1 to i32
        %sign3A_1990 = arith.subi %sign3A_1986, %sign3A_1989 : i32
        %sign3A_1991 = arith.constant 0 : i32
        %sign3A_1992 = arith.cmpi sgt, %jit3A_1982, %sign3A_1991 : i32
        %sign3A_1993 = arith.extui %sign3A_1992 : i1 to i32
        %sign3A_1994 = arith.constant 0 : i32
        %sign3A_1995 = arith.cmpi slt, %jit3A_1982, %sign3A_1994 : i32
        %sign3A_1996 = arith.extui %sign3A_1995 : i1 to i32
        %sign3A_1997 = arith.subi %sign3A_1993, %sign3A_1996 : i32
        %ne3A_1998 = arith.cmpi ne, %sign3A_1990, %sign3A_1997 : i32
        %rem3A_1999 = arith.remsi %sub3A_1957, %jit3A_1982 : i32
        %ne3A_2000 = arith.constant 0 : i32
        %ne3A_2001 = arith.cmpi ne, %rem3A_1999, %ne3A_2000 : i32
        %and3A_2002 = arith.andi %ne3A_1998, %ne3A_2001 : i1
        %sub3A_2003 = arith.constant 1 : i32
        %sub3A_2004 = arith.subi %div3A_1983, %sub3A_2003 : i32
        %select_n3A_2005 = arith.select %and3A_2002, %sub3A_2004, %div3A_1983 : i32
        %jit3A_2006 = arith.constant 128 : i32
        %eq3A_2007 = arith.constant 0 : i32
        %eq3A_2008 = arith.cmpi eq, %jit3A_2006, %eq3A_2007 : i32
        %jit3A_2009 = arith.constant 1 : i32
        %select_n3A_2010 = arith.select %eq3A_2008, %jit3A_2009, %jit3A_2006 : i32
        %rem3A_2011 = arith.remsi %select_n3A_2005, %select_n3A_2010 : i32
        %ne3A_2012 = arith.constant 0 : i32
        %ne3A_2013 = arith.cmpi ne, %rem3A_2011, %ne3A_2012 : i32
        %lt3A_2014 = arith.constant 0 : i32
        %lt3A_2015 = arith.cmpi slt, %rem3A_2011, %lt3A_2014 : i32
        %lt3A_2016 = arith.constant 0 : i32
        %lt3A_2017 = arith.cmpi slt, %select_n3A_2010, %lt3A_2016 : i32
        %ne3A_2018 = arith.xori %lt3A_2015, %lt3A_2017 : i1
        %and3A_2019 = arith.andi %ne3A_2018, %ne3A_2013 : i1
        %add3A_2020 = arith.addi %rem3A_2011, %select_n3A_2010 : i32
        %select_n3A_2021 = arith.select %and3A_2019, %add3A_2020, %rem3A_2011 : i32
        %jit3A_2022 = arith.constant 2 : i32
        %eq3A_2023 = arith.constant 0 : i32
        %eq3A_2024 = arith.cmpi eq, %jit3A_2022, %eq3A_2023 : i32
        %jit3A_2025 = arith.constant 1 : i32
        %select_n3A_2026 = arith.select %eq3A_2024, %jit3A_2025, %jit3A_2022 : i32
        %rem3A_2027 = arith.remsi %sub3A_1957, %select_n3A_2026 : i32
        %ne3A_2028 = arith.constant 0 : i32
        %ne3A_2029 = arith.cmpi ne, %rem3A_2027, %ne3A_2028 : i32
        %lt3A_2030 = arith.constant 0 : i32
        %lt3A_2031 = arith.cmpi slt, %rem3A_2027, %lt3A_2030 : i32
        %lt3A_2032 = arith.constant 0 : i32
        %lt3A_2033 = arith.cmpi slt, %select_n3A_2026, %lt3A_2032 : i32
        %ne3A_2034 = arith.xori %lt3A_2031, %lt3A_2033 : i1
        %and3A_2035 = arith.andi %ne3A_2034, %ne3A_2029 : i1
        %add3A_2036 = arith.addi %rem3A_2027, %select_n3A_2026 : i32
        %select_n3A_2037 = arith.select %and3A_2035, %add3A_2036, %rem3A_2027 : i32
        %mul3A_2038 = arith.constant 8 : i32
        %mul3A_2039 = arith.muli %select_n3A_1981, %mul3A_2038 : i32
        %mul3A_2040 = arith.constant 4 : i32
        %mul3A_2041 = arith.muli %select_n3A_2037, %mul3A_2040 : i32
        %add3A_2042 = arith.addi %mul3A_2039, %mul3A_2041 : i32
        %dma_wait3A_2043 = arith.constant 2 : i32
        %dma_wait3A_2044 = arith.constant 0 : i32
        %dma_wait3A_2045 = arith.constant 0 : i32
        %dma_wait3A_2046 = arith.constant 0 : i32
        %dma_wait3A_2047 = arith.constant 0 : i32
        %dma_wait3A_2048 = tpu.memref_slice %arg11[%dma_wait3A_2044, %dma_wait3A_2045, %dma_wait3A_2046, %dma_wait3A_2047] : memref<4x4x8x129xf32, #tpu.memory_space<vmem>> -> memref<4x4x8x128xf32, #tpu.memory_space<vmem>>
        %dma_wait3A_2049 = arith.constant 0 : i32
        %dma_wait3A_2050 = arith.constant 0 : i32
        %dma_wait3A_2051 = arith.constant 0 : i32
        %dma_wait3A_2052 = tpu.memref_slice %arg4[%add3A_2042, %dma_wait3A_2049, %select_n3A_2021, %dma_wait3A_2050, %dma_wait3A_2051] : memref<200x4x128x8x128xf32, #tpu.memory_space<hbm>> -> memref<4x4x1x8x128xf32, #tpu.memory_space<hbm>>
        %dma_wait3A_2053 = tpu.memref_squeeze %dma_wait3A_2052 : memref<4x4x1x8x128xf32, #tpu.memory_space<hbm>> -> memref<4x4x8x128xf32, #tpu.memory_space<hbm>>
        %dma_wait3A_2054 = tpu.memref_slice %arg14[%dma_wait3A_2043] : memref<3x!tpu.dma_semaphore, #tpu.memory_space<semaphore_mem>> -> memref<1x!tpu.dma_semaphore, #tpu.memory_space<semaphore_mem>>
        %dma_wait3A_2055 = tpu.memref_squeeze %dma_wait3A_2054 : memref<1x!tpu.dma_semaphore, #tpu.memory_space<semaphore_mem>> -> memref<!tpu.dma_semaphore, #tpu.memory_space<semaphore_mem>>
        %dma_wait3A_2056 = arith.constant 0 : i32
        %dma_wait3A_2057 = arith.constant 0 : i32
        %dma_wait3A_2058 = arith.constant 0 : i32
        %dma_wait3A_2059 = tpu.memref_slice %arg4[%add3A_2042, %dma_wait3A_2056, %select_n3A_2021, %dma_wait3A_2057, %dma_wait3A_2058] : memref<200x4x128x8x128xf32, #tpu.memory_space<hbm>> -> memref<4x4x1x8x128xf32, #tpu.memory_space<hbm>>
        %dma_wait3A_2060 = tpu.memref_squeeze %dma_wait3A_2059 : memref<4x4x1x8x128xf32, #tpu.memory_space<hbm>> -> memref<4x4x8x128xf32, #tpu.memory_space<hbm>>
        %dma_wait3A_2061 = arith.constant 0 : i32
        %dma_wait3A_2062 = arith.constant 0 : i32
        %dma_wait3A_2063 = arith.constant 0 : i32
        %dma_wait3A_2064 = arith.constant 0 : i32
        %dma_wait3A_2065 = tpu.memref_slice %arg11[%dma_wait3A_2061, %dma_wait3A_2062, %dma_wait3A_2063, %dma_wait3A_2064] : memref<4x4x8x129xf32, #tpu.memory_space<vmem>> -> memref<4x4x8x128xf32, #tpu.memory_space<vmem>>
        tpu.wait_dma2 semaphore(%dma_wait3A_2055 : memref<!tpu.dma_semaphore, #tpu.memory_space<semaphore_mem>>) src(%dma_wait3A_2065 : memref<4x4x8x128xf32, #tpu.memory_space<vmem>>) dst(%dma_wait3A_2060 : memref<4x4x8x128xf32, #tpu.memory_space<hbm>>)
      } else {
      }
      %parallel_loop3A_1845 = arith.constant 0 : i32
      %parallel_loop3A_1846 = arith.constant 128 : i32
      %parallel_loop3A_1847 = arith.constant 1 : i32
      scf.for %parallel_loop3A_1956 = %parallel_loop3A_1845 to %parallel_loop3A_1846 step %parallel_loop3A_1847  : i32 {
        %parallel_loop3A_1957 = vector.broadcast %parallel_loop3A_1956 : i32 to vector<16xi32>
        %parallel_loop3A_1958 = arith.addi %broadcast_in_dim3A_3, %parallel_loop3A_1957 : vector<16xi32>
        %parallel_loop3A_1959 = arith.constant 0 : i32
        %parallel_loop3A_1960 = arith.addi %parallel_loop3A_1959, %parallel_loop3A_1956 : i32
        %parallel_loop3A_1961 = arith.index_cast %parallel_loop3A_1960 : i32 to index
        %parallel_loop3A_1962 = arith.constant 0 : index
        %parallel_loop3A_1963 = tpu.vector_load %arg8[%parallel_loop3A_1961, %parallel_loop3A_1962] {strides = array<i32>} : memref<512x32xf32, #tpu.memory_space<vmem>>, vector<16xf32>,
        %parallel_loop3A_1964 = arith.constant 0 : i32
        %parallel_loop3A_1965 = arith.constant 0 : i32
        %parallel_loop3A_1966 = arith.constant 0 : i32
        %parallel_loop3A_1967 = arith.constant 0 : i32
        %parallel_loop3A_1968 = tpu.memref_slice %arg11[%parallel_loop3A_1964, %parallel_loop3A_1965, %parallel_loop3A_1966, %parallel_loop3A_1967] : memref<4x4x8x129xf32, #tpu.memory_space<vmem>> -> memref<1x4x8x129xf32, #tpu.memory_space<vmem>>
        %parallel_loop3A_1969 = tpu.memref_squeeze %parallel_loop3A_1968 : memref<1x4x8x129xf32, #tpu.memory_space<vmem>> -> memref<4x8x129xf32, #tpu.memory_space<vmem>>
        tpu.vector_store_idx %parallel_loop3A_1969[%select_n3A, %select_n3A_86, %parallel_loop3A_1958], %parallel_loop3A_1963 : memref<4x8x129xf32, #tpu.memory_space<vmem>>[vector<16xi32>, vector<16xi32>, vector<16xi32>], vector<16xf32>,
        %parallel_loop3A_1970 = arith.constant 0 : i32
        %parallel_loop3A_1971 = arith.addi %parallel_loop3A_1970, %parallel_loop3A_1956 : i32
        %parallel_loop3A_1972 = arith.index_cast %parallel_loop3A_1971 : i32 to index
        %parallel_loop3A_1973 = arith.constant 16 : index
        %parallel_loop3A_1974 = tpu.vector_load %arg8[%parallel_loop3A_1972, %parallel_loop3A_1973] {strides = array<i32>} : memref<512x32xf32, #tpu.memory_space<vmem>>, vector<16xf32>,
        %parallel_loop3A_1975 = arith.constant 0 : i32
        %parallel_loop3A_1976 = arith.constant 0 : i32
        %parallel_loop3A_1977 = arith.constant 0 : i32
        %parallel_loop3A_1978 = arith.constant 0 : i32
        %parallel_loop3A_1979 = tpu.memref_slice %arg11[%parallel_loop3A_1975, %parallel_loop3A_1976, %parallel_loop3A_1977, %parallel_loop3A_1978] : memref<4x4x8x129xf32, #tpu.memory_space<vmem>> -> memref<1x4x8x129xf32, #tpu.memory_space<vmem>>
        %parallel_loop3A_1980 = tpu.memref_squeeze %parallel_loop3A_1979 : memref<1x4x8x129xf32, #tpu.memory_space<vmem>> -> memref<4x8x129xf32, #tpu.memory_space<vmem>>
        tpu.vector_store_idx %parallel_loop3A_1980[%select_n3A_63, %select_n3A_111, %parallel_loop3A_1958], %parallel_loop3A_1974 : memref<4x8x129xf32, #tpu.memory_space<vmem>>[vector<16xi32>, vector<16xi32>, vector<16xi32>], vector<16xf32>,
        %parallel_loop3A_1981 = arith.constant 128 : i32
        %parallel_loop3A_1982 = arith.addi %parallel_loop3A_1981, %parallel_loop3A_1956 : i32
        %parallel_loop3A_1983 = arith.index_cast %parallel_loop3A_1982 : i32 to index
        %parallel_loop3A_1984 = arith.constant 0 : index
        %parallel_loop3A_1985 = tpu.vector_load %arg8[%parallel_loop3A_1983, %parallel_loop3A_1984] {strides = array<i32>} : memref<512x32xf32, #tpu.memory_space<vmem>>, vector<16xf32>,
        %parallel_loop3A_1986 = arith.constant 1 : i32
        %parallel_loop3A_1987 = arith.constant 0 : i32
        %parallel_loop3A_1988 = arith.constant 0 : i32
        %parallel_loop3A_1989 = arith.constant 0 : i32
        %parallel_loop3A_1990 = tpu.memref_slice %arg11[%parallel_loop3A_1986, %parallel_loop3A_1987, %parallel_loop3A_1988, %parallel_loop3A_1989] : memref<4x4x8x129xf32, #tpu.memory_space<vmem>> -> memref<1x4x8x129xf32, #tpu.memory_space<vmem>>
        %parallel_loop3A_1991 = tpu.memref_squeeze %parallel_loop3A_1990 : memref<1x4x8x129xf32, #tpu.memory_space<vmem>> -> memref<4x8x129xf32, #tpu.memory_space<vmem>>
        tpu.vector_store_idx %parallel_loop3A_1991[%select_n3A, %select_n3A_86, %parallel_loop3A_1958], %parallel_loop3A_1985 : memref<4x8x129xf32, #tpu.memory_space<vmem>>[vector<16xi32>, vector<16xi32>, vector<16xi32>], vector<16xf32>,
        %parallel_loop3A_1992 = arith.constant 128 : i32
        %parallel_loop3A_1993 = arith.addi %parallel_loop3A_1992, %parallel_loop3A_1956 : i32
        %parallel_loop3A_1994 = arith.index_cast %parallel_loop3A_1993 : i32 to index
        %parallel_loop3A_1995 = arith.constant 16 : index
        %parallel_loop3A_1996 = tpu.vector_load %arg8[%parallel_loop3A_1994, %parallel_loop3A_1995] {strides = array<i32>} : memref<512x32xf32, #tpu.memory_space<vmem>>, vector<16xf32>,
        %parallel_loop3A_1997 = arith.constant 1 : i32
        %parallel_loop3A_1998 = arith.constant 0 : i32
        %parallel_loop3A_1999 = arith.constant 0 : i32
        %parallel_loop3A_2000 = arith.constant 0 : i32
        %parallel_loop3A_2001 = tpu.memref_slice %arg11[%parallel_loop3A_1997, %parallel_loop3A_1998, %parallel_loop3A_1999, %parallel_loop3A_2000] : memref<4x4x8x129xf32, #tpu.memory_space<vmem>> -> memref<1x4x8x129xf32, #tpu.memory_space<vmem>>
        %parallel_loop3A_2002 = tpu.memref_squeeze %parallel_loop3A_2001 : memref<1x4x8x129xf32, #tpu.memory_space<vmem>> -> memref<4x8x129xf32, #tpu.memory_space<vmem>>
        tpu.vector_store_idx %parallel_loop3A_2002[%select_n3A_63, %select_n3A_111, %parallel_loop3A_1958], %parallel_loop3A_1996 : memref<4x8x129xf32, #tpu.memory_space<vmem>>[vector<16xi32>, vector<16xi32>, vector<16xi32>], vector<16xf32>,
        %parallel_loop3A_2003 = arith.constant 256 : i32
        %parallel_loop3A_2004 = arith.addi %parallel_loop3A_2003, %parallel_loop3A_1956 : i32
        %parallel_loop3A_2005 = arith.index_cast %parallel_loop3A_2004 : i32 to index
        %parallel_loop3A_2006 = arith.constant 0 : index
        %parallel_loop3A_2007 = tpu.vector_load %arg8[%parallel_loop3A_2005, %parallel_loop3A_2006] {strides = array<i32>} : memref<512x32xf32, #tpu.memory_space<vmem>>, vector<16xf32>,
        %parallel_loop3A_2008 = arith.constant 2 : i32
        %parallel_loop3A_2009 = arith.constant 0 : i32
        %parallel_loop3A_2010 = arith.constant 0 : i32
        %parallel_loop3A_2011 = arith.constant 0 : i32
        %parallel_loop3A_2012 = tpu.memref_slice %arg11[%parallel_loop3A_2008, %parallel_loop3A_2009, %parallel_loop3A_2010, %parallel_loop3A_2011] : memref<4x4x8x129xf32, #tpu.memory_space<vmem>> -> memref<1x4x8x129xf32, #tpu.memory_space<vmem>>
        %parallel_loop3A_2013 = tpu.memref_squeeze %parallel_loop3A_2012 : memref<1x4x8x129xf32, #tpu.memory_space<vmem>> -> memref<4x8x129xf32, #tpu.memory_space<vmem>>
        tpu.vector_store_idx %parallel_loop3A_2013[%select_n3A, %select_n3A_86, %parallel_loop3A_1958], %parallel_loop3A_2007 : memref<4x8x129xf32, #tpu.memory_space<vmem>>[vector<16xi32>, vector<16xi32>, vector<16xi32>], vector<16xf32>,
        %parallel_loop3A_2014 = arith.constant 256 : i32
        %parallel_loop3A_2015 = arith.addi %parallel_loop3A_2014, %parallel_loop3A_1956 : i32
        %parallel_loop3A_2016 = arith.index_cast %parallel_loop3A_2015 : i32 to index
        %parallel_loop3A_2017 = arith.constant 16 : index
        %parallel_loop3A_2018 = tpu.vector_load %arg8[%parallel_loop3A_2016, %parallel_loop3A_2017] {strides = array<i32>} : memref<512x32xf32, #tpu.memory_space<vmem>>, vector<16xf32>,
        %parallel_loop3A_2019 = arith.constant 2 : i32
        %parallel_loop3A_2020 = arith.constant 0 : i32
        %parallel_loop3A_2021 = arith.constant 0 : i32
        %parallel_loop3A_2022 = arith.constant 0 : i32
        %parallel_loop3A_2023 = tpu.memref_slice %arg11[%parallel_loop3A_2019, %parallel_loop3A_2020, %parallel_loop3A_2021, %parallel_loop3A_2022] : memref<4x4x8x129xf32, #tpu.memory_space<vmem>> -> memref<1x4x8x129xf32, #tpu.memory_space<vmem>>
        %parallel_loop3A_2024 = tpu.memref_squeeze %parallel_loop3A_2023 : memref<1x4x8x129xf32, #tpu.memory_space<vmem>> -> memref<4x8x129xf32, #tpu.memory_space<vmem>>
        tpu.vector_store_idx %parallel_loop3A_2024[%select_n3A_63, %select_n3A_111, %parallel_loop3A_1958], %parallel_loop3A_2018 : memref<4x8x129xf32, #tpu.memory_space<vmem>>[vector<16xi32>, vector<16xi32>, vector<16xi32>], vector<16xf32>,
        %parallel_loop3A_2025 = arith.constant 384 : i32
        %parallel_loop3A_2026 = arith.addi %parallel_loop3A_2025, %parallel_loop3A_1956 : i32
        %parallel_loop3A_2027 = arith.index_cast %parallel_loop3A_2026 : i32 to index
        %parallel_loop3A_2028 = arith.constant 0 : index
        %parallel_loop3A_2029 = tpu.vector_load %arg8[%parallel_loop3A_2027, %parallel_loop3A_2028] {strides = array<i32>} : memref<512x32xf32, #tpu.memory_space<vmem>>, vector<16xf32>,
        %parallel_loop3A_2030 = arith.constant 3 : i32
        %parallel_loop3A_2031 = arith.constant 0 : i32
        %parallel_loop3A_2032 = arith.constant 0 : i32
        %parallel_loop3A_2033 = arith.constant 0 : i32
        %parallel_loop3A_2034 = tpu.memref_slice %arg11[%parallel_loop3A_2030, %parallel_loop3A_2031, %parallel_loop3A_2032, %parallel_loop3A_2033] : memref<4x4x8x129xf32, #tpu.memory_space<vmem>> -> memref<1x4x8x129xf32, #tpu.memory_space<vmem>>
        %parallel_loop3A_2035 = tpu.memref_squeeze %parallel_loop3A_2034 : memref<1x4x8x129xf32, #tpu.memory_space<vmem>> -> memref<4x8x129xf32, #tpu.memory_space<vmem>>
        tpu.vector_store_idx %parallel_loop3A_2035[%select_n3A, %select_n3A_86, %parallel_loop3A_1958], %parallel_loop3A_2029 : memref<4x8x129xf32, #tpu.memory_space<vmem>>[vector<16xi32>, vector<16xi32>, vector<16xi32>], vector<16xf32>,
        %parallel_loop3A_2036 = arith.constant 384 : i32
        %parallel_loop3A_2037 = arith.addi %parallel_loop3A_2036, %parallel_loop3A_1956 : i32
        %parallel_loop3A_2038 = arith.index_cast %parallel_loop3A_2037 : i32 to index
        %parallel_loop3A_2039 = arith.constant 16 : index
        %parallel_loop3A_2040 = tpu.vector_load %arg8[%parallel_loop3A_2038, %parallel_loop3A_2039] {strides = array<i32>} : memref<512x32xf32, #tpu.memory_space<vmem>>, vector<16xf32>,
        %parallel_loop3A_2041 = arith.constant 3 : i32
        %parallel_loop3A_2042 = arith.constant 0 : i32
        %parallel_loop3A_2043 = arith.constant 0 : i32
        %parallel_loop3A_2044 = arith.constant 0 : i32
        %parallel_loop3A_2045 = tpu.memref_slice %arg11[%parallel_loop3A_2041, %parallel_loop3A_2042, %parallel_loop3A_2043, %parallel_loop3A_2044] : memref<4x4x8x129xf32, #tpu.memory_space<vmem>> -> memref<1x4x8x129xf32, #tpu.memory_space<vmem>>
        %parallel_loop3A_2046 = tpu.memref_squeeze %parallel_loop3A_2045 : memref<1x4x8x129xf32, #tpu.memory_space<vmem>> -> memref<4x8x129xf32, #tpu.memory_space<vmem>>
        tpu.vector_store_idx %parallel_loop3A_2046[%select_n3A_63, %select_n3A_111, %parallel_loop3A_1958], %parallel_loop3A_2040 : memref<4x8x129xf32, #tpu.memory_space<vmem>>[vector<16xi32>, vector<16xi32>, vector<16xi32>], vector<16xf32>,
      } {sc.loop_unroll_factor = 8 : i64, sc.parallel_access}
      %jit3A_1848 = arith.constant 256 : i32
      %div3A_1849 = arith.divsi %add3A_1814, %jit3A_1848 : i32
      %sign3A_1850 = arith.constant 0 : i32
      %sign3A_1851 = arith.cmpi sgt, %add3A_1814, %sign3A_1850 : i32
      %sign3A_1852 = arith.extui %sign3A_1851 : i1 to i32
      %sign3A_1853 = arith.constant 0 : i32
      %sign3A_1854 = arith.cmpi slt, %add3A_1814, %sign3A_1853 : i32
      %sign3A_1855 = arith.extui %sign3A_1854 : i1 to i32
      %sign3A_1856 = arith.subi %sign3A_1852, %sign3A_1855 : i32
      %sign3A_1857 = arith.constant 0 : i32
      %sign3A_1858 = arith.cmpi sgt, %jit3A_1848, %sign3A_1857 : i32
      %sign3A_1859 = arith.extui %sign3A_1858 : i1 to i32
      %sign3A_1860 = arith.constant 0 : i32
      %sign3A_1861 = arith.cmpi slt, %jit3A_1848, %sign3A_1860 : i32
      %sign3A_1862 = arith.extui %sign3A_1861 : i1 to i32
      %sign3A_1863 = arith.subi %sign3A_1859, %sign3A_1862 : i32
      %ne3A_1864 = arith.cmpi ne, %sign3A_1856, %sign3A_1863 : i32
      %rem3A_1865 = arith.remsi %add3A_1814, %jit3A_1848 : i32
      %ne3A_1866 = arith.constant 0 : i32
      %ne3A_1867 = arith.cmpi ne, %rem3A_1865, %ne3A_1866 : i32
      %and3A_1868 = arith.andi %ne3A_1864, %ne3A_1867 : i1
      %sub3A_1869 = arith.constant 1 : i32
      %sub3A_1870 = arith.subi %div3A_1849, %sub3A_1869 : i32
      %select_n3A_1871 = arith.select %and3A_1868, %sub3A_1870, %div3A_1849 : i32
      %jit3A_1872 = arith.constant 2 : i32
      %div3A_1873 = arith.divsi %add3A_1814, %jit3A_1872 : i32
      %sign3A_1874 = arith.constant 0 : i32
      %sign3A_1875 = arith.cmpi sgt, %add3A_1814, %sign3A_1874 : i32
      %sign3A_1876 = arith.extui %sign3A_1875 : i1 to i32
      %sign3A_1877 = arith.constant 0 : i32
      %sign3A_1878 = arith.cmpi slt, %add3A_1814, %sign3A_1877 : i32
      %sign3A_1879 = arith.extui %sign3A_1878 : i1 to i32
      %sign3A_1880 = arith.subi %sign3A_1876, %sign3A_1879 : i32
      %sign3A_1881 = arith.constant 0 : i32
      %sign3A_1882 = arith.cmpi sgt, %jit3A_1872, %sign3A_1881 : i32
      %sign3A_1883 = arith.extui %sign3A_1882 : i1 to i32
      %sign3A_1884 = arith.constant 0 : i32
      %sign3A_1885 = arith.cmpi slt, %jit3A_1872, %sign3A_1884 : i32
      %sign3A_1886 = arith.extui %sign3A_1885 : i1 to i32
      %sign3A_1887 = arith.subi %sign3A_1883, %sign3A_1886 : i32
      %ne3A_1888 = arith.cmpi ne, %sign3A_1880, %sign3A_1887 : i32
      %rem3A_1889 = arith.remsi %add3A_1814, %jit3A_1872 : i32
      %ne3A_1890 = arith.constant 0 : i32
      %ne3A_1891 = arith.cmpi ne, %rem3A_1889, %ne3A_1890 : i32
      %and3A_1892 = arith.andi %ne3A_1888, %ne3A_1891 : i1
      %sub3A_1893 = arith.constant 1 : i32
      %sub3A_1894 = arith.subi %div3A_1873, %sub3A_1893 : i32
      %select_n3A_1895 = arith.select %and3A_1892, %sub3A_1894, %div3A_1873 : i32
      %jit3A_1896 = arith.constant 128 : i32
      %eq3A_1897 = arith.constant 0 : i32
      %eq3A_1898 = arith.cmpi eq, %jit3A_1896, %eq3A_1897 : i32
      %jit3A_1899 = arith.constant 1 : i32
      %select_n3A_1900 = arith.select %eq3A_1898, %jit3A_1899, %jit3A_1896 : i32
      %rem3A_1901 = arith.remsi %select_n3A_1895, %select_n3A_1900 : i32
      %ne3A_1902 = arith.constant 0 : i32
      %ne3A_1903 = arith.cmpi ne, %rem3A_1901, %ne3A_1902 : i32
      %lt3A_1904 = arith.constant 0 : i32
      %lt3A_1905 = arith.cmpi slt, %rem3A_1901, %lt3A_1904 : i32
      %lt3A_1906 = arith.constant 0 : i32
      %lt3A_1907 = arith.cmpi slt, %select_n3A_1900, %lt3A_1906 : i32
      %ne3A_1908 = arith.xori %lt3A_1905, %lt3A_1907 : i1
      %and3A_1909 = arith.andi %ne3A_1908, %ne3A_1903 : i1
      %add3A_1910 = arith.addi %rem3A_1901, %select_n3A_1900 : i32
      %select_n3A_1911 = arith.select %and3A_1909, %add3A_1910, %rem3A_1901 : i32
      %jit3A_1912 = arith.constant 2 : i32
      %eq3A_1913 = arith.constant 0 : i32
      %eq3A_1914 = arith.cmpi eq, %jit3A_1912, %eq3A_1913 : i32
      %jit3A_1915 = arith.constant 1 : i32
      %select_n3A_1916 = arith.select %eq3A_1914, %jit3A_1915, %jit3A_1912 : i32
      %rem3A_1917 = arith.remsi %add3A_1814, %select_n3A_1916 : i32
      %ne3A_1918 = arith.constant 0 : i32
      %ne3A_1919 = arith.cmpi ne, %rem3A_1917, %ne3A_1918 : i32
      %lt3A_1920 = arith.constant 0 : i32
      %lt3A_1921 = arith.cmpi slt, %rem3A_1917, %lt3A_1920 : i32
      %lt3A_1922 = arith.constant 0 : i32
      %lt3A_1923 = arith.cmpi slt, %select_n3A_1916, %lt3A_1922 : i32
      %ne3A_1924 = arith.xori %lt3A_1921, %lt3A_1923 : i1
      %and3A_1925 = arith.andi %ne3A_1924, %ne3A_1919 : i1
      %add3A_1926 = arith.addi %rem3A_1917, %select_n3A_1916 : i32
      %select_n3A_1927 = arith.select %and3A_1925, %add3A_1926, %rem3A_1917 : i32
      %mul3A_1928 = arith.constant 8 : i32
      %mul3A_1929 = arith.muli %select_n3A_1871, %mul3A_1928 : i32
      %mul3A_1930 = arith.constant 4 : i32
      %mul3A_1931 = arith.muli %select_n3A_1927, %mul3A_1930 : i32
      %add3A_1932 = arith.addi %mul3A_1929, %mul3A_1931 : i32
      %dma_start3A_1933 = arith.constant 2 : i32
      %dma_start3A_1934 = arith.constant 0 : i32
      %dma_start3A_1935 = arith.constant 0 : i32
      %dma_start3A_1936 = arith.constant 0 : i32
      %dma_start3A_1937 = arith.constant 0 : i32
      %dma_start3A_1938 = tpu.memref_slice %arg11[%dma_start3A_1934, %dma_start3A_1935, %dma_start3A_1936, %dma_start3A_1937] : memref<4x4x8x129xf32, #tpu.memory_space<vmem>> -> memref<4x4x8x128xf32, #tpu.memory_space<vmem>>
      %dma_start3A_1939 = arith.constant 0 : i32
      %dma_start3A_1940 = arith.constant 0 : i32
      %dma_start3A_1941 = arith.constant 0 : i32
      %dma_start3A_1942 = tpu.memref_slice %arg4[%add3A_1932, %dma_start3A_1939, %select_n3A_1911, %dma_start3A_1940, %dma_start3A_1941] : memref<200x4x128x8x128xf32, #tpu.memory_space<hbm>> -> memref<4x4x1x8x128xf32, #tpu.memory_space<hbm>>
      %dma_start3A_1943 = tpu.memref_squeeze %dma_start3A_1942 : memref<4x4x1x8x128xf32, #tpu.memory_space<hbm>> -> memref<4x4x8x128xf32, #tpu.memory_space<hbm>>
      %dma_start3A_1944 = tpu.memref_slice %arg14[%dma_start3A_1933] : memref<3x!tpu.dma_semaphore, #tpu.memory_space<semaphore_mem>> -> memref<1x!tpu.dma_semaphore, #tpu.memory_space<semaphore_mem>>
      %dma_start3A_1945 = tpu.memref_squeeze %dma_start3A_1944 : memref<1x!tpu.dma_semaphore, #tpu.memory_space<semaphore_mem>> -> memref<!tpu.dma_semaphore, #tpu.memory_space<semaphore_mem>>
      %dma_start3A_1946 = arith.constant 0 : i32
      %dma_start3A_1947 = arith.constant 0 : i32
      %dma_start3A_1948 = arith.constant 0 : i32
      %dma_start3A_1949 = tpu.memref_slice %arg4[%add3A_1932, %dma_start3A_1946, %select_n3A_1911, %dma_start3A_1947, %dma_start3A_1948] : memref<200x4x128x8x128xf32, #tpu.memory_space<hbm>> -> memref<4x4x1x8x128xf32, #tpu.memory_space<hbm>>
      %dma_start3A_1950 = tpu.memref_squeeze %dma_start3A_1949 : memref<4x4x1x8x128xf32, #tpu.memory_space<hbm>> -> memref<4x4x8x128xf32, #tpu.memory_space<hbm>>
      %dma_start3A_1951 = arith.constant 0 : i32
      %dma_start3A_1952 = arith.constant 0 : i32
      %dma_start3A_1953 = arith.constant 0 : i32
      %dma_start3A_1954 = arith.constant 0 : i32
      %dma_start3A_1955 = tpu.memref_slice %arg11[%dma_start3A_1951, %dma_start3A_1952, %dma_start3A_1953, %dma_start3A_1954] : memref<4x4x8x129xf32, #tpu.memory_space<vmem>> -> memref<4x4x8x128xf32, #tpu.memory_space<vmem>>
      tpu.enqueue_dma source(%dma_start3A_1955 : memref<4x4x8x128xf32, #tpu.memory_space<vmem>>) target(%dma_start3A_1950 : memref<4x4x8x128xf32, #tpu.memory_space<hbm>>) target_semaphore(%dma_start3A_1945 : memref<!tpu.dma_semaphore, #tpu.memory_space<semaphore_mem>>)
    }
    %scan3A_720 = arith.constant 66 : i32
    %add3A_721 = arith.constant 198 : i32
    %add3A_722 = arith.addi %mul3A_2, %add3A_721 : i32
    %rem3A_723 = arith.constant 198 : i32
    %rem3A_724 = arith.constant 4 : i32
    %rem3A_725 = arith.remsi %rem3A_723, %rem3A_724 : i32
    %dma_wait3A_726 = arith.constant 0 : i32
    %dma_wait3A_727 = arith.constant 0 : i32
    %dma_wait3A_728 = tpu.memref_slice %arg5[%rem3A_725, %dma_wait3A_727] : memref<4x512xi32, #tpu.memory_space<vmem>> -> memref<1x512xi32, #tpu.memory_space<vmem>>
    %dma_wait3A_729 = tpu.memref_squeeze %dma_wait3A_728 : memref<1x512xi32, #tpu.memory_space<vmem>> -> memref<512xi32, #tpu.memory_space<vmem>>
    %dma_wait3A_730 = arith.constant 0 : i32
    %dma_wait3A_731 = arith.constant 0 : i32
    %dma_wait3A_732 = tpu.memref_slice %arg3[%dma_wait3A_730, %dma_wait3A_731] : memref<1000000x32xf32, #tpu.memory_space<hbm>> -> memref<1000000x32xf32, #tpu.memory_space<hbm>>
    %dma_wait3A_733 = tpu.memref_slice %arg13[%dma_wait3A_726] : memref<3x!tpu.dma_semaphore, #tpu.memory_space<semaphore_mem>> -> memref<1x!tpu.dma_semaphore, #tpu.memory_space<semaphore_mem>>
    %dma_wait3A_734 = tpu.memref_squeeze %dma_wait3A_733 : memref<1x!tpu.dma_semaphore, #tpu.memory_space<semaphore_mem>> -> memref<!tpu.dma_semaphore, #tpu.memory_space<semaphore_mem>>
    tpu.wait_indirect_dma semaphore(%dma_wait3A_734 : memref<!tpu.dma_semaphore, #tpu.memory_space<semaphore_mem>>) src(%dma_wait3A_732 : memref<1000000x32xf32, #tpu.memory_space<hbm>>) dst(%arg6 : memref<512x32xf32, #tpu.memory_space<vmem>>)
    %sub3A_735 = arith.constant 3 : i32
    %sub3A_736 = arith.subi %add3A_722, %sub3A_735 : i32
    %jit3A_737 = arith.constant 256 : i32
    %div3A_738 = arith.divsi %sub3A_736, %jit3A_737 : i32
    %sign3A_739 = arith.constant 0 : i32
    %sign3A_740 = arith.cmpi sgt, %sub3A_736, %sign3A_739 : i32
    %sign3A_741 = arith.extui %sign3A_740 : i1 to i32
    %sign3A_742 = arith.constant 0 : i32
    %sign3A_743 = arith.cmpi slt, %sub3A_736, %sign3A_742 : i32
    %sign3A_744 = arith.extui %sign3A_743 : i1 to i32
    %sign3A_745 = arith.subi %sign3A_741, %sign3A_744 : i32
    %sign3A_746 = arith.constant 0 : i32
    %sign3A_747 = arith.cmpi sgt, %jit3A_737, %sign3A_746 : i32
    %sign3A_748 = arith.extui %sign3A_747 : i1 to i32
    %sign3A_749 = arith.constant 0 : i32
    %sign3A_750 = arith.cmpi slt, %jit3A_737, %sign3A_749 : i32
    %sign3A_751 = arith.extui %sign3A_750 : i1 to i32
    %sign3A_752 = arith.subi %sign3A_748, %sign3A_751 : i32
    %ne3A_753 = arith.cmpi ne, %sign3A_745, %sign3A_752 : i32
    %rem3A_754 = arith.remsi %sub3A_736, %jit3A_737 : i32
    %ne3A_755 = arith.constant 0 : i32
    %ne3A_756 = arith.cmpi ne, %rem3A_754, %ne3A_755 : i32
    %and3A_757 = arith.andi %ne3A_753, %ne3A_756 : i1
    %sub3A_758 = arith.constant 1 : i32
    %sub3A_759 = arith.subi %div3A_738, %sub3A_758 : i32
    %select_n3A_760 = arith.select %and3A_757, %sub3A_759, %div3A_738 : i32
    %jit3A_761 = arith.constant 2 : i32
    %div3A_762 = arith.divsi %sub3A_736, %jit3A_761 : i32
    %sign3A_763 = arith.constant 0 : i32
    %sign3A_764 = arith.cmpi sgt, %sub3A_736, %sign3A_763 : i32
    %sign3A_765 = arith.extui %sign3A_764 : i1 to i32
    %sign3A_766 = arith.constant 0 : i32
    %sign3A_767 = arith.cmpi slt, %sub3A_736, %sign3A_766 : i32
    %sign3A_768 = arith.extui %sign3A_767 : i1 to i32
    %sign3A_769 = arith.subi %sign3A_765, %sign3A_768 : i32
    %sign3A_770 = arith.constant 0 : i32
    %sign3A_771 = arith.cmpi sgt, %jit3A_761, %sign3A_770 : i32
    %sign3A_772 = arith.extui %sign3A_771 : i1 to i32
    %sign3A_773 = arith.constant 0 : i32
    %sign3A_774 = arith.cmpi slt, %jit3A_761, %sign3A_773 : i32
    %sign3A_775 = arith.extui %sign3A_774 : i1 to i32
    %sign3A_776 = arith.subi %sign3A_772, %sign3A_775 : i32
    %ne3A_777 = arith.cmpi ne, %sign3A_769, %sign3A_776 : i32
    %rem3A_778 = arith.remsi %sub3A_736, %jit3A_761 : i32
    %ne3A_779 = arith.constant 0 : i32
    %ne3A_780 = arith.cmpi ne, %rem3A_778, %ne3A_779 : i32
    %and3A_781 = arith.andi %ne3A_777, %ne3A_780 : i1
    %sub3A_782 = arith.constant 1 : i32
    %sub3A_783 = arith.subi %div3A_762, %sub3A_782 : i32
    %select_n3A_784 = arith.select %and3A_781, %sub3A_783, %div3A_762 : i32
    %jit3A_785 = arith.constant 128 : i32
    %eq3A_786 = arith.constant 0 : i32
    %eq3A_787 = arith.cmpi eq, %jit3A_785, %eq3A_786 : i32
    %jit3A_788 = arith.constant 1 : i32
    %select_n3A_789 = arith.select %eq3A_787, %jit3A_788, %jit3A_785 : i32
    %rem3A_790 = arith.remsi %select_n3A_784, %select_n3A_789 : i32
    %ne3A_791 = arith.constant 0 : i32
    %ne3A_792 = arith.cmpi ne, %rem3A_790, %ne3A_791 : i32
    %lt3A_793 = arith.constant 0 : i32
    %lt3A_794 = arith.cmpi slt, %rem3A_790, %lt3A_793 : i32
    %lt3A_795 = arith.constant 0 : i32
    %lt3A_796 = arith.cmpi slt, %select_n3A_789, %lt3A_795 : i32
    %ne3A_797 = arith.xori %lt3A_794, %lt3A_796 : i1
    %and3A_798 = arith.andi %ne3A_797, %ne3A_792 : i1
    %add3A_799 = arith.addi %rem3A_790, %select_n3A_789 : i32
    %select_n3A_800 = arith.select %and3A_798, %add3A_799, %rem3A_790 : i32
    %jit3A_801 = arith.constant 2 : i32
    %eq3A_802 = arith.constant 0 : i32
    %eq3A_803 = arith.cmpi eq, %jit3A_801, %eq3A_802 : i32
    %jit3A_804 = arith.constant 1 : i32
    %select_n3A_805 = arith.select %eq3A_803, %jit3A_804, %jit3A_801 : i32
    %rem3A_806 = arith.remsi %sub3A_736, %select_n3A_805 : i32
    %ne3A_807 = arith.constant 0 : i32
    %ne3A_808 = arith.cmpi ne, %rem3A_806, %ne3A_807 : i32
    %lt3A_809 = arith.constant 0 : i32
    %lt3A_810 = arith.cmpi slt, %rem3A_806, %lt3A_809 : i32
    %lt3A_811 = arith.constant 0 : i32
    %lt3A_812 = arith.cmpi slt, %select_n3A_805, %lt3A_811 : i32
    %ne3A_813 = arith.xori %lt3A_810, %lt3A_812 : i1
    %and3A_814 = arith.andi %ne3A_813, %ne3A_808 : i1
    %add3A_815 = arith.addi %rem3A_806, %select_n3A_805 : i32
    %select_n3A_816 = arith.select %and3A_814, %add3A_815, %rem3A_806 : i32
    %mul3A_817 = arith.constant 8 : i32
    %mul3A_818 = arith.muli %select_n3A_760, %mul3A_817 : i32
    %mul3A_819 = arith.constant 4 : i32
    %mul3A_820 = arith.muli %select_n3A_816, %mul3A_819 : i32
    %add3A_821 = arith.addi %mul3A_818, %mul3A_820 : i32
    %dma_wait3A_822 = arith.constant 0 : i32
    %dma_wait3A_823 = arith.constant 0 : i32
    %dma_wait3A_824 = arith.constant 0 : i32
    %dma_wait3A_825 = arith.constant 0 : i32
    %dma_wait3A_826 = arith.constant 0 : i32
    %dma_wait3A_827 = tpu.memref_slice %arg9[%dma_wait3A_823, %dma_wait3A_824, %dma_wait3A_825, %dma_wait3A_826] : memref<4x4x8x129xf32, #tpu.memory_space<vmem>> -> memref<4x4x8x128xf32, #tpu.memory_space<vmem>>
    %dma_wait3A_828 = arith.constant 0 : i32
    %dma_wait3A_829 = arith.constant 0 : i32
    %dma_wait3A_830 = arith.constant 0 : i32
    %dma_wait3A_831 = tpu.memref_slice %arg4[%add3A_821, %dma_wait3A_828, %select_n3A_800, %dma_wait3A_829, %dma_wait3A_830] : memref<200x4x128x8x128xf32, #tpu.memory_space<hbm>> -> memref<4x4x1x8x128xf32, #tpu.memory_space<hbm>>
    %dma_wait3A_832 = tpu.memref_squeeze %dma_wait3A_831 : memref<4x4x1x8x128xf32, #tpu.memory_space<hbm>> -> memref<4x4x8x128xf32, #tpu.memory_space<hbm>>
    %dma_wait3A_833 = tpu.memref_slice %arg14[%dma_wait3A_822] : memref<3x!tpu.dma_semaphore, #tpu.memory_space<semaphore_mem>> -> memref<1x!tpu.dma_semaphore, #tpu.memory_space<semaphore_mem>>
    %dma_wait3A_834 = tpu.memref_squeeze %dma_wait3A_833 : memref<1x!tpu.dma_semaphore, #tpu.memory_space<semaphore_mem>> -> memref<!tpu.dma_semaphore, #tpu.memory_space<semaphore_mem>>
    %dma_wait3A_835 = arith.constant 0 : i32
    %dma_wait3A_836 = arith.constant 0 : i32
    %dma_wait3A_837 = arith.constant 0 : i32
    %dma_wait3A_838 = tpu.memref_slice %arg4[%add3A_821, %dma_wait3A_835, %select_n3A_800, %dma_wait3A_836, %dma_wait3A_837] : memref<200x4x128x8x128xf32, #tpu.memory_space<hbm>> -> memref<4x4x1x8x128xf32, #tpu.memory_space<hbm>>
    %dma_wait3A_839 = tpu.memref_squeeze %dma_wait3A_838 : memref<4x4x1x8x128xf32, #tpu.memory_space<hbm>> -> memref<4x4x8x128xf32, #tpu.memory_space<hbm>>
    %dma_wait3A_840 = arith.constant 0 : i32
    %dma_wait3A_841 = arith.constant 0 : i32
    %dma_wait3A_842 = arith.constant 0 : i32
    %dma_wait3A_843 = arith.constant 0 : i32
    %dma_wait3A_844 = tpu.memref_slice %arg9[%dma_wait3A_840, %dma_wait3A_841, %dma_wait3A_842, %dma_wait3A_843] : memref<4x4x8x129xf32, #tpu.memory_space<vmem>> -> memref<4x4x8x128xf32, #tpu.memory_space<vmem>>
    tpu.wait_dma2 semaphore(%dma_wait3A_834 : memref<!tpu.dma_semaphore, #tpu.memory_space<semaphore_mem>>) src(%dma_wait3A_844 : memref<4x4x8x128xf32, #tpu.memory_space<vmem>>) dst(%dma_wait3A_839 : memref<4x4x8x128xf32, #tpu.memory_space<hbm>>)
    %parallel_loop3A = arith.constant 0 : i32
    %parallel_loop3A_845 = arith.constant 128 : i32
    %parallel_loop3A_846 = arith.constant 1 : i32
    scf.for %parallel_loop3A_1520 = %parallel_loop3A to %parallel_loop3A_845 step %parallel_loop3A_846  : i32 {
      %parallel_loop3A_1521 = vector.broadcast %parallel_loop3A_1520 : i32 to vector<16xi32>
      %parallel_loop3A_1522 = arith.addi %broadcast_in_dim3A_3, %parallel_loop3A_1521 : vector<16xi32>
      %parallel_loop3A_1523 = arith.constant 0 : i32
      %parallel_loop3A_1524 = arith.addi %parallel_loop3A_1523, %parallel_loop3A_1520 : i32
      %parallel_loop3A_1525 = arith.index_cast %parallel_loop3A_1524 : i32 to index
      %parallel_loop3A_1526 = arith.constant 0 : index
      %parallel_loop3A_1527 = tpu.vector_load %arg6[%parallel_loop3A_1525, %parallel_loop3A_1526] {strides = array<i32>} : memref<512x32xf32, #tpu.memory_space<vmem>>, vector<16xf32>,
      %parallel_loop3A_1528 = arith.constant 0 : i32
      %parallel_loop3A_1529 = arith.constant 0 : i32
      %parallel_loop3A_1530 = arith.constant 0 : i32
      %parallel_loop3A_1531 = arith.constant 0 : i32
      %parallel_loop3A_1532 = tpu.memref_slice %arg9[%parallel_loop3A_1528, %parallel_loop3A_1529, %parallel_loop3A_1530, %parallel_loop3A_1531] : memref<4x4x8x129xf32, #tpu.memory_space<vmem>> -> memref<1x4x8x129xf32, #tpu.memory_space<vmem>>
      %parallel_loop3A_1533 = tpu.memref_squeeze %parallel_loop3A_1532 : memref<1x4x8x129xf32, #tpu.memory_space<vmem>> -> memref<4x8x129xf32, #tpu.memory_space<vmem>>
      tpu.vector_store_idx %parallel_loop3A_1533[%select_n3A, %select_n3A_86, %parallel_loop3A_1522], %parallel_loop3A_1527 : memref<4x8x129xf32, #tpu.memory_space<vmem>>[vector<16xi32>, vector<16xi32>, vector<16xi32>], vector<16xf32>,
      %parallel_loop3A_1534 = arith.constant 0 : i32
      %parallel_loop3A_1535 = arith.addi %parallel_loop3A_1534, %parallel_loop3A_1520 : i32
      %parallel_loop3A_1536 = arith.index_cast %parallel_loop3A_1535 : i32 to index
      %parallel_loop3A_1537 = arith.constant 16 : index
      %parallel_loop3A_1538 = tpu.vector_load %arg6[%parallel_loop3A_1536, %parallel_loop3A_1537] {strides = array<i32>} : memref<512x32xf32, #tpu.memory_space<vmem>>, vector<16xf32>,
      %parallel_loop3A_1539 = arith.constant 0 : i32
      %parallel_loop3A_1540 = arith.constant 0 : i32
      %parallel_loop3A_1541 = arith.constant 0 : i32
      %parallel_loop3A_1542 = arith.constant 0 : i32
      %parallel_loop3A_1543 = tpu.memref_slice %arg9[%parallel_loop3A_1539, %parallel_loop3A_1540, %parallel_loop3A_1541, %parallel_loop3A_1542] : memref<4x4x8x129xf32, #tpu.memory_space<vmem>> -> memref<1x4x8x129xf32, #tpu.memory_space<vmem>>
      %parallel_loop3A_1544 = tpu.memref_squeeze %parallel_loop3A_1543 : memref<1x4x8x129xf32, #tpu.memory_space<vmem>> -> memref<4x8x129xf32, #tpu.memory_space<vmem>>
      tpu.vector_store_idx %parallel_loop3A_1544[%select_n3A_63, %select_n3A_111, %parallel_loop3A_1522], %parallel_loop3A_1538 : memref<4x8x129xf32, #tpu.memory_space<vmem>>[vector<16xi32>, vector<16xi32>, vector<16xi32>], vector<16xf32>,
      %parallel_loop3A_1545 = arith.constant 128 : i32
      %parallel_loop3A_1546 = arith.addi %parallel_loop3A_1545, %parallel_loop3A_1520 : i32
      %parallel_loop3A_1547 = arith.index_cast %parallel_loop3A_1546 : i32 to index
      %parallel_loop3A_1548 = arith.constant 0 : index
      %parallel_loop3A_1549 = tpu.vector_load %arg6[%parallel_loop3A_1547, %parallel_loop3A_1548] {strides = array<i32>} : memref<512x32xf32, #tpu.memory_space<vmem>>, vector<16xf32>,
      %parallel_loop3A_1550 = arith.constant 1 : i32
      %parallel_loop3A_1551 = arith.constant 0 : i32
      %parallel_loop3A_1552 = arith.constant 0 : i32
      %parallel_loop3A_1553 = arith.constant 0 : i32
      %parallel_loop3A_1554 = tpu.memref_slice %arg9[%parallel_loop3A_1550, %parallel_loop3A_1551, %parallel_loop3A_1552, %parallel_loop3A_1553] : memref<4x4x8x129xf32, #tpu.memory_space<vmem>> -> memref<1x4x8x129xf32, #tpu.memory_space<vmem>>
      %parallel_loop3A_1555 = tpu.memref_squeeze %parallel_loop3A_1554 : memref<1x4x8x129xf32, #tpu.memory_space<vmem>> -> memref<4x8x129xf32, #tpu.memory_space<vmem>>
      tpu.vector_store_idx %parallel_loop3A_1555[%select_n3A, %select_n3A_86, %parallel_loop3A_1522], %parallel_loop3A_1549 : memref<4x8x129xf32, #tpu.memory_space<vmem>>[vector<16xi32>, vector<16xi32>, vector<16xi32>], vector<16xf32>,
      %parallel_loop3A_1556 = arith.constant 128 : i32
      %parallel_loop3A_1557 = arith.addi %parallel_loop3A_1556, %parallel_loop3A_1520 : i32
      %parallel_loop3A_1558 = arith.index_cast %parallel_loop3A_1557 : i32 to index
      %parallel_loop3A_1559 = arith.constant 16 : index
      %parallel_loop3A_1560 = tpu.vector_load %arg6[%parallel_loop3A_1558, %parallel_loop3A_1559] {strides = array<i32>} : memref<512x32xf32, #tpu.memory_space<vmem>>, vector<16xf32>,
      %parallel_loop3A_1561 = arith.constant 1 : i32
      %parallel_loop3A_1562 = arith.constant 0 : i32
      %parallel_loop3A_1563 = arith.constant 0 : i32
      %parallel_loop3A_1564 = arith.constant 0 : i32
      %parallel_loop3A_1565 = tpu.memref_slice %arg9[%parallel_loop3A_1561, %parallel_loop3A_1562, %parallel_loop3A_1563, %parallel_loop3A_1564] : memref<4x4x8x129xf32, #tpu.memory_space<vmem>> -> memref<1x4x8x129xf32, #tpu.memory_space<vmem>>
      %parallel_loop3A_1566 = tpu.memref_squeeze %parallel_loop3A_1565 : memref<1x4x8x129xf32, #tpu.memory_space<vmem>> -> memref<4x8x129xf32, #tpu.memory_space<vmem>>
      tpu.vector_store_idx %parallel_loop3A_1566[%select_n3A_63, %select_n3A_111, %parallel_loop3A_1522], %parallel_loop3A_1560 : memref<4x8x129xf32, #tpu.memory_space<vmem>>[vector<16xi32>, vector<16xi32>, vector<16xi32>], vector<16xf32>,
      %parallel_loop3A_1567 = arith.constant 256 : i32
      %parallel_loop3A_1568 = arith.addi %parallel_loop3A_1567, %parallel_loop3A_1520 : i32
      %parallel_loop3A_1569 = arith.index_cast %parallel_loop3A_1568 : i32 to index
      %parallel_loop3A_1570 = arith.constant 0 : index
      %parallel_loop3A_1571 = tpu.vector_load %arg6[%parallel_loop3A_1569, %parallel_loop3A_1570] {strides = array<i32>} : memref<512x32xf32, #tpu.memory_space<vmem>>, vector<16xf32>,
      %parallel_loop3A_1572 = arith.constant 2 : i32
      %parallel_loop3A_1573 = arith.constant 0 : i32
      %parallel_loop3A_1574 = arith.constant 0 : i32
      %parallel_loop3A_1575 = arith.constant 0 : i32
      %parallel_loop3A_1576 = tpu.memref_slice %arg9[%parallel_loop3A_1572, %parallel_loop3A_1573, %parallel_loop3A_1574, %parallel_loop3A_1575] : memref<4x4x8x129xf32, #tpu.memory_space<vmem>> -> memref<1x4x8x129xf32, #tpu.memory_space<vmem>>
      %parallel_loop3A_1577 = tpu.memref_squeeze %parallel_loop3A_1576 : memref<1x4x8x129xf32, #tpu.memory_space<vmem>> -> memref<4x8x129xf32, #tpu.memory_space<vmem>>
      tpu.vector_store_idx %parallel_loop3A_1577[%select_n3A, %select_n3A_86, %parallel_loop3A_1522], %parallel_loop3A_1571 : memref<4x8x129xf32, #tpu.memory_space<vmem>>[vector<16xi32>, vector<16xi32>, vector<16xi32>], vector<16xf32>,
      %parallel_loop3A_1578 = arith.constant 256 : i32
      %parallel_loop3A_1579 = arith.addi %parallel_loop3A_1578, %parallel_loop3A_1520 : i32
      %parallel_loop3A_1580 = arith.index_cast %parallel_loop3A_1579 : i32 to index
      %parallel_loop3A_1581 = arith.constant 16 : index
      %parallel_loop3A_1582 = tpu.vector_load %arg6[%parallel_loop3A_1580, %parallel_loop3A_1581] {strides = array<i32>} : memref<512x32xf32, #tpu.memory_space<vmem>>, vector<16xf32>,
      %parallel_loop3A_1583 = arith.constant 2 : i32
      %parallel_loop3A_1584 = arith.constant 0 : i32
      %parallel_loop3A_1585 = arith.constant 0 : i32
      %parallel_loop3A_1586 = arith.constant 0 : i32
      %parallel_loop3A_1587 = tpu.memref_slice %arg9[%parallel_loop3A_1583, %parallel_loop3A_1584, %parallel_loop3A_1585, %parallel_loop3A_1586] : memref<4x4x8x129xf32, #tpu.memory_space<vmem>> -> memref<1x4x8x129xf32, #tpu.memory_space<vmem>>
      %parallel_loop3A_1588 = tpu.memref_squeeze %parallel_loop3A_1587 : memref<1x4x8x129xf32, #tpu.memory_space<vmem>> -> memref<4x8x129xf32, #tpu.memory_space<vmem>>
      tpu.vector_store_idx %parallel_loop3A_1588[%select_n3A_63, %select_n3A_111, %parallel_loop3A_1522], %parallel_loop3A_1582 : memref<4x8x129xf32, #tpu.memory_space<vmem>>[vector<16xi32>, vector<16xi32>, vector<16xi32>], vector<16xf32>,
      %parallel_loop3A_1589 = arith.constant 384 : i32
      %parallel_loop3A_1590 = arith.addi %parallel_loop3A_1589, %parallel_loop3A_1520 : i32
      %parallel_loop3A_1591 = arith.index_cast %parallel_loop3A_1590 : i32 to index
      %parallel_loop3A_1592 = arith.constant 0 : index
      %parallel_loop3A_1593 = tpu.vector_load %arg6[%parallel_loop3A_1591, %parallel_loop3A_1592] {strides = array<i32>} : memref<512x32xf32, #tpu.memory_space<vmem>>, vector<16xf32>,
      %parallel_loop3A_1594 = arith.constant 3 : i32
      %parallel_loop3A_1595 = arith.constant 0 : i32
      %parallel_loop3A_1596 = arith.constant 0 : i32
      %parallel_loop3A_1597 = arith.constant 0 : i32
      %parallel_loop3A_1598 = tpu.memref_slice %arg9[%parallel_loop3A_1594, %parallel_loop3A_1595, %parallel_loop3A_1596, %parallel_loop3A_1597] : memref<4x4x8x129xf32, #tpu.memory_space<vmem>> -> memref<1x4x8x129xf32, #tpu.memory_space<vmem>>
      %parallel_loop3A_1599 = tpu.memref_squeeze %parallel_loop3A_1598 : memref<1x4x8x129xf32, #tpu.memory_space<vmem>> -> memref<4x8x129xf32, #tpu.memory_space<vmem>>
      tpu.vector_store_idx %parallel_loop3A_1599[%select_n3A, %select_n3A_86, %parallel_loop3A_1522], %parallel_loop3A_1593 : memref<4x8x129xf32, #tpu.memory_space<vmem>>[vector<16xi32>, vector<16xi32>, vector<16xi32>], vector<16xf32>,
      %parallel_loop3A_1600 = arith.constant 384 : i32
      %parallel_loop3A_1601 = arith.addi %parallel_loop3A_1600, %parallel_loop3A_1520 : i32
      %parallel_loop3A_1602 = arith.index_cast %parallel_loop3A_1601 : i32 to index
      %parallel_loop3A_1603 = arith.constant 16 : index
      %parallel_loop3A_1604 = tpu.vector_load %arg6[%parallel_loop3A_1602, %parallel_loop3A_1603] {strides = array<i32>} : memref<512x32xf32, #tpu.memory_space<vmem>>, vector<16xf32>,
      %parallel_loop3A_1605 = arith.constant 3 : i32
      %parallel_loop3A_1606 = arith.constant 0 : i32
      %parallel_loop3A_1607 = arith.constant 0 : i32
      %parallel_loop3A_1608 = arith.constant 0 : i32
      %parallel_loop3A_1609 = tpu.memref_slice %arg9[%parallel_loop3A_1605, %parallel_loop3A_1606, %parallel_loop3A_1607, %parallel_loop3A_1608] : memref<4x4x8x129xf32, #tpu.memory_space<vmem>> -> memref<1x4x8x129xf32, #tpu.memory_space<vmem>>
      %parallel_loop3A_1610 = tpu.memref_squeeze %parallel_loop3A_1609 : memref<1x4x8x129xf32, #tpu.memory_space<vmem>> -> memref<4x8x129xf32, #tpu.memory_space<vmem>>
      tpu.vector_store_idx %parallel_loop3A_1610[%select_n3A_63, %select_n3A_111, %parallel_loop3A_1522], %parallel_loop3A_1604 : memref<4x8x129xf32, #tpu.memory_space<vmem>>[vector<16xi32>, vector<16xi32>, vector<16xi32>], vector<16xf32>,
    } {sc.loop_unroll_factor = 8 : i64, sc.parallel_access}
    %jit3A_847 = arith.constant 256 : i32
    %div3A_848 = arith.divsi %add3A_722, %jit3A_847 : i32
    %sign3A_849 = arith.constant 0 : i32
    %sign3A_850 = arith.cmpi sgt, %add3A_722, %sign3A_849 : i32
    %sign3A_851 = arith.extui %sign3A_850 : i1 to i32
    %sign3A_852 = arith.constant 0 : i32
    %sign3A_853 = arith.cmpi slt, %add3A_722, %sign3A_852 : i32
    %sign3A_854 = arith.extui %sign3A_853 : i1 to i32
    %sign3A_855 = arith.subi %sign3A_851, %sign3A_854 : i32
    %sign3A_856 = arith.constant 0 : i32
    %sign3A_857 = arith.cmpi sgt, %jit3A_847, %sign3A_856 : i32
    %sign3A_858 = arith.extui %sign3A_857 : i1 to i32
    %sign3A_859 = arith.constant 0 : i32
    %sign3A_860 = arith.cmpi slt, %jit3A_847, %sign3A_859 : i32
    %sign3A_861 = arith.extui %sign3A_860 : i1 to i32
    %sign3A_862 = arith.subi %sign3A_858, %sign3A_861 : i32
    %ne3A_863 = arith.cmpi ne, %sign3A_855, %sign3A_862 : i32
    %rem3A_864 = arith.remsi %add3A_722, %jit3A_847 : i32
    %ne3A_865 = arith.constant 0 : i32
    %ne3A_866 = arith.cmpi ne, %rem3A_864, %ne3A_865 : i32
    %and3A_867 = arith.andi %ne3A_863, %ne3A_866 : i1
    %sub3A_868 = arith.constant 1 : i32
    %sub3A_869 = arith.subi %div3A_848, %sub3A_868 : i32
    %select_n3A_870 = arith.select %and3A_867, %sub3A_869, %div3A_848 : i32
    %jit3A_871 = arith.constant 2 : i32
    %div3A_872 = arith.divsi %add3A_722, %jit3A_871 : i32
    %sign3A_873 = arith.constant 0 : i32
    %sign3A_874 = arith.cmpi sgt, %add3A_722, %sign3A_873 : i32
    %sign3A_875 = arith.extui %sign3A_874 : i1 to i32
    %sign3A_876 = arith.constant 0 : i32
    %sign3A_877 = arith.cmpi slt, %add3A_722, %sign3A_876 : i32
    %sign3A_878 = arith.extui %sign3A_877 : i1 to i32
    %sign3A_879 = arith.subi %sign3A_875, %sign3A_878 : i32
    %sign3A_880 = arith.constant 0 : i32
    %sign3A_881 = arith.cmpi sgt, %jit3A_871, %sign3A_880 : i32
    %sign3A_882 = arith.extui %sign3A_881 : i1 to i32
    %sign3A_883 = arith.constant 0 : i32
    %sign3A_884 = arith.cmpi slt, %jit3A_871, %sign3A_883 : i32
    %sign3A_885 = arith.extui %sign3A_884 : i1 to i32
    %sign3A_886 = arith.subi %sign3A_882, %sign3A_885 : i32
    %ne3A_887 = arith.cmpi ne, %sign3A_879, %sign3A_886 : i32
    %rem3A_888 = arith.remsi %add3A_722, %jit3A_871 : i32
    %ne3A_889 = arith.constant 0 : i32
    %ne3A_890 = arith.cmpi ne, %rem3A_888, %ne3A_889 : i32
    %and3A_891 = arith.andi %ne3A_887, %ne3A_890 : i1
    %sub3A_892 = arith.constant 1 : i32
    %sub3A_893 = arith.subi %div3A_872, %sub3A_892 : i32
    %select_n3A_894 = arith.select %and3A_891, %sub3A_893, %div3A_872 : i32
    %jit3A_895 = arith.constant 128 : i32
    %eq3A_896 = arith.constant 0 : i32
    %eq3A_897 = arith.cmpi eq, %jit3A_895, %eq3A_896 : i32
    %jit3A_898 = arith.constant 1 : i32
    %select_n3A_899 = arith.select %eq3A_897, %jit3A_898, %jit3A_895 : i32
    %rem3A_900 = arith.remsi %select_n3A_894, %select_n3A_899 : i32
    %ne3A_901 = arith.constant 0 : i32
    %ne3A_902 = arith.cmpi ne, %rem3A_900, %ne3A_901 : i32
    %lt3A_903 = arith.constant 0 : i32
    %lt3A_904 = arith.cmpi slt, %rem3A_900, %lt3A_903 : i32
    %lt3A_905 = arith.constant 0 : i32
    %lt3A_906 = arith.cmpi slt, %select_n3A_899, %lt3A_905 : i32
    %ne3A_907 = arith.xori %lt3A_904, %lt3A_906 : i1
    %and3A_908 = arith.andi %ne3A_907, %ne3A_902 : i1
    %add3A_909 = arith.addi %rem3A_900, %select_n3A_899 : i32
    %select_n3A_910 = arith.select %and3A_908, %add3A_909, %rem3A_900 : i32
    %jit3A_911 = arith.constant 2 : i32
    %eq3A_912 = arith.constant 0 : i32
    %eq3A_913 = arith.cmpi eq, %jit3A_911, %eq3A_912 : i32
    %jit3A_914 = arith.constant 1 : i32
    %select_n3A_915 = arith.select %eq3A_913, %jit3A_914, %jit3A_911 : i32
    %rem3A_916 = arith.remsi %add3A_722, %select_n3A_915 : i32
    %ne3A_917 = arith.constant 0 : i32
    %ne3A_918 = arith.cmpi ne, %rem3A_916, %ne3A_917 : i32
    %lt3A_919 = arith.constant 0 : i32
    %lt3A_920 = arith.cmpi slt, %rem3A_916, %lt3A_919 : i32
    %lt3A_921 = arith.constant 0 : i32
    %lt3A_922 = arith.cmpi slt, %select_n3A_915, %lt3A_921 : i32
    %ne3A_923 = arith.xori %lt3A_920, %lt3A_922 : i1
    %and3A_924 = arith.andi %ne3A_923, %ne3A_918 : i1
    %add3A_925 = arith.addi %rem3A_916, %select_n3A_915 : i32
    %select_n3A_926 = arith.select %and3A_924, %add3A_925, %rem3A_916 : i32
    %mul3A_927 = arith.constant 8 : i32
    %mul3A_928 = arith.muli %select_n3A_870, %mul3A_927 : i32
    %mul3A_929 = arith.constant 4 : i32
    %mul3A_930 = arith.muli %select_n3A_926, %mul3A_929 : i32
    %add3A_931 = arith.addi %mul3A_928, %mul3A_930 : i32
    %dma_start3A_932 = arith.constant 0 : i32
    %dma_start3A_933 = arith.constant 0 : i32
    %dma_start3A_934 = arith.constant 0 : i32
    %dma_start3A_935 = arith.constant 0 : i32
    %dma_start3A_936 = arith.constant 0 : i32
    %dma_start3A_937 = tpu.memref_slice %arg9[%dma_start3A_933, %dma_start3A_934, %dma_start3A_935, %dma_start3A_936] : memref<4x4x8x129xf32, #tpu.memory_space<vmem>> -> memref<4x4x8x128xf32, #tpu.memory_space<vmem>>
    %dma_start3A_938 = arith.constant 0 : i32
    %dma_start3A_939 = arith.constant 0 : i32
    %dma_start3A_940 = arith.constant 0 : i32
    %dma_start3A_941 = tpu.memref_slice %arg4[%add3A_931, %dma_start3A_938, %select_n3A_910, %dma_start3A_939, %dma_start3A_940] : memref<200x4x128x8x128xf32, #tpu.memory_space<hbm>> -> memref<4x4x1x8x128xf32, #tpu.memory_space<hbm>>
    %dma_start3A_942 = tpu.memref_squeeze %dma_start3A_941 : memref<4x4x1x8x128xf32, #tpu.memory_space<hbm>> -> memref<4x4x8x128xf32, #tpu.memory_space<hbm>>
    %dma_start3A_943 = tpu.memref_slice %arg14[%dma_start3A_932] : memref<3x!tpu.dma_semaphore, #tpu.memory_space<semaphore_mem>> -> memref<1x!tpu.dma_semaphore, #tpu.memory_space<semaphore_mem>>
    %dma_start3A_944 = tpu.memref_squeeze %dma_start3A_943 : memref<1x!tpu.dma_semaphore, #tpu.memory_space<semaphore_mem>> -> memref<!tpu.dma_semaphore, #tpu.memory_space<semaphore_mem>>
    %dma_start3A_945 = arith.constant 0 : i32
    %dma_start3A_946 = arith.constant 0 : i32
    %dma_start3A_947 = arith.constant 0 : i32
    %dma_start3A_948 = tpu.memref_slice %arg4[%add3A_931, %dma_start3A_945, %select_n3A_910, %dma_start3A_946, %dma_start3A_947] : memref<200x4x128x8x128xf32, #tpu.memory_space<hbm>> -> memref<4x4x1x8x128xf32, #tpu.memory_space<hbm>>
    %dma_start3A_949 = tpu.memref_squeeze %dma_start3A_948 : memref<4x4x1x8x128xf32, #tpu.memory_space<hbm>> -> memref<4x4x8x128xf32, #tpu.memory_space<hbm>>
    %dma_start3A_950 = arith.constant 0 : i32
    %dma_start3A_951 = arith.constant 0 : i32
    %dma_start3A_952 = arith.constant 0 : i32
    %dma_start3A_953 = arith.constant 0 : i32
    %dma_start3A_954 = tpu.memref_slice %arg9[%dma_start3A_950, %dma_start3A_951, %dma_start3A_952, %dma_start3A_953] : memref<4x4x8x129xf32, #tpu.memory_space<vmem>> -> memref<4x4x8x128xf32, #tpu.memory_space<vmem>>
    tpu.enqueue_dma source(%dma_start3A_954 : memref<4x4x8x128xf32, #tpu.memory_space<vmem>>) target(%dma_start3A_949 : memref<4x4x8x128xf32, #tpu.memory_space<hbm>>) target_semaphore(%dma_start3A_944 : memref<!tpu.dma_semaphore, #tpu.memory_space<semaphore_mem>>)
    %add3A_955 = arith.constant 199 : i32
    %add3A_956 = arith.addi %mul3A_2, %add3A_955 : i32
    %rem3A_957 = arith.constant 199 : i32
    %rem3A_958 = arith.constant 4 : i32
    %rem3A_959 = arith.remsi %rem3A_957, %rem3A_958 : i32
    %dma_wait3A_960 = arith.constant 1 : i32
    %dma_wait3A_961 = arith.constant 0 : i32
    %dma_wait3A_962 = tpu.memref_slice %arg5[%rem3A_959, %dma_wait3A_961] : memref<4x512xi32, #tpu.memory_space<vmem>> -> memref<1x512xi32, #tpu.memory_space<vmem>>
    %dma_wait3A_963 = tpu.memref_squeeze %dma_wait3A_962 : memref<1x512xi32, #tpu.memory_space<vmem>> -> memref<512xi32, #tpu.memory_space<vmem>>
    %dma_wait3A_964 = arith.constant 0 : i32
    %dma_wait3A_965 = arith.constant 0 : i32
    %dma_wait3A_966 = tpu.memref_slice %arg3[%dma_wait3A_964, %dma_wait3A_965] : memref<1000000x32xf32, #tpu.memory_space<hbm>> -> memref<1000000x32xf32, #tpu.memory_space<hbm>>
    %dma_wait3A_967 = tpu.memref_slice %arg13[%dma_wait3A_960] : memref<3x!tpu.dma_semaphore, #tpu.memory_space<semaphore_mem>> -> memref<1x!tpu.dma_semaphore, #tpu.memory_space<semaphore_mem>>
    %dma_wait3A_968 = tpu.memref_squeeze %dma_wait3A_967 : memref<1x!tpu.dma_semaphore, #tpu.memory_space<semaphore_mem>> -> memref<!tpu.dma_semaphore, #tpu.memory_space<semaphore_mem>>
    tpu.wait_indirect_dma semaphore(%dma_wait3A_968 : memref<!tpu.dma_semaphore, #tpu.memory_space<semaphore_mem>>) src(%dma_wait3A_966 : memref<1000000x32xf32, #tpu.memory_space<hbm>>) dst(%arg7 : memref<512x32xf32, #tpu.memory_space<vmem>>)
    %sub3A_969 = arith.constant 3 : i32
    %sub3A_970 = arith.subi %add3A_956, %sub3A_969 : i32
    %jit3A_971 = arith.constant 256 : i32
    %div3A_972 = arith.divsi %sub3A_970, %jit3A_971 : i32
    %sign3A_973 = arith.constant 0 : i32
    %sign3A_974 = arith.cmpi sgt, %sub3A_970, %sign3A_973 : i32
    %sign3A_975 = arith.extui %sign3A_974 : i1 to i32
    %sign3A_976 = arith.constant 0 : i32
    %sign3A_977 = arith.cmpi slt, %sub3A_970, %sign3A_976 : i32
    %sign3A_978 = arith.extui %sign3A_977 : i1 to i32
    %sign3A_979 = arith.subi %sign3A_975, %sign3A_978 : i32
    %sign3A_980 = arith.constant 0 : i32
    %sign3A_981 = arith.cmpi sgt, %jit3A_971, %sign3A_980 : i32
    %sign3A_982 = arith.extui %sign3A_981 : i1 to i32
    %sign3A_983 = arith.constant 0 : i32
    %sign3A_984 = arith.cmpi slt, %jit3A_971, %sign3A_983 : i32
    %sign3A_985 = arith.extui %sign3A_984 : i1 to i32
    %sign3A_986 = arith.subi %sign3A_982, %sign3A_985 : i32
    %ne3A_987 = arith.cmpi ne, %sign3A_979, %sign3A_986 : i32
    %rem3A_988 = arith.remsi %sub3A_970, %jit3A_971 : i32
    %ne3A_989 = arith.constant 0 : i32
    %ne3A_990 = arith.cmpi ne, %rem3A_988, %ne3A_989 : i32
    %and3A_991 = arith.andi %ne3A_987, %ne3A_990 : i1
    %sub3A_992 = arith.constant 1 : i32
    %sub3A_993 = arith.subi %div3A_972, %sub3A_992 : i32
    %select_n3A_994 = arith.select %and3A_991, %sub3A_993, %div3A_972 : i32
    %jit3A_995 = arith.constant 2 : i32
    %div3A_996 = arith.divsi %sub3A_970, %jit3A_995 : i32
    %sign3A_997 = arith.constant 0 : i32
    %sign3A_998 = arith.cmpi sgt, %sub3A_970, %sign3A_997 : i32
    %sign3A_999 = arith.extui %sign3A_998 : i1 to i32
    %sign3A_1000 = arith.constant 0 : i32
    %sign3A_1001 = arith.cmpi slt, %sub3A_970, %sign3A_1000 : i32
    %sign3A_1002 = arith.extui %sign3A_1001 : i1 to i32
    %sign3A_1003 = arith.subi %sign3A_999, %sign3A_1002 : i32
    %sign3A_1004 = arith.constant 0 : i32
    %sign3A_1005 = arith.cmpi sgt, %jit3A_995, %sign3A_1004 : i32
    %sign3A_1006 = arith.extui %sign3A_1005 : i1 to i32
    %sign3A_1007 = arith.constant 0 : i32
    %sign3A_1008 = arith.cmpi slt, %jit3A_995, %sign3A_1007 : i32
    %sign3A_1009 = arith.extui %sign3A_1008 : i1 to i32
    %sign3A_1010 = arith.subi %sign3A_1006, %sign3A_1009 : i32
    %ne3A_1011 = arith.cmpi ne, %sign3A_1003, %sign3A_1010 : i32
    %rem3A_1012 = arith.remsi %sub3A_970, %jit3A_995 : i32
    %ne3A_1013 = arith.constant 0 : i32
    %ne3A_1014 = arith.cmpi ne, %rem3A_1012, %ne3A_1013 : i32
    %and3A_1015 = arith.andi %ne3A_1011, %ne3A_1014 : i1
    %sub3A_1016 = arith.constant 1 : i32
    %sub3A_1017 = arith.subi %div3A_996, %sub3A_1016 : i32
    %select_n3A_1018 = arith.select %and3A_1015, %sub3A_1017, %div3A_996 : i32
    %jit3A_1019 = arith.constant 128 : i32
    %eq3A_1020 = arith.constant 0 : i32
    %eq3A_1021 = arith.cmpi eq, %jit3A_1019, %eq3A_1020 : i32
    %jit3A_1022 = arith.constant 1 : i32
    %select_n3A_1023 = arith.select %eq3A_1021, %jit3A_1022, %jit3A_1019 : i32
    %rem3A_1024 = arith.remsi %select_n3A_1018, %select_n3A_1023 : i32
    %ne3A_1025 = arith.constant 0 : i32
    %ne3A_1026 = arith.cmpi ne, %rem3A_1024, %ne3A_1025 : i32
    %lt3A_1027 = arith.constant 0 : i32
    %lt3A_1028 = arith.cmpi slt, %rem3A_1024, %lt3A_1027 : i32
    %lt3A_1029 = arith.constant 0 : i32
    %lt3A_1030 = arith.cmpi slt, %select_n3A_1023, %lt3A_1029 : i32
    %ne3A_1031 = arith.xori %lt3A_1028, %lt3A_1030 : i1
    %and3A_1032 = arith.andi %ne3A_1031, %ne3A_1026 : i1
    %add3A_1033 = arith.addi %rem3A_1024, %select_n3A_1023 : i32
    %select_n3A_1034 = arith.select %and3A_1032, %add3A_1033, %rem3A_1024 : i32
    %jit3A_1035 = arith.constant 2 : i32
    %eq3A_1036 = arith.constant 0 : i32
    %eq3A_1037 = arith.cmpi eq, %jit3A_1035, %eq3A_1036 : i32
    %jit3A_1038 = arith.constant 1 : i32
    %select_n3A_1039 = arith.select %eq3A_1037, %jit3A_1038, %jit3A_1035 : i32
    %rem3A_1040 = arith.remsi %sub3A_970, %select_n3A_1039 : i32
    %ne3A_1041 = arith.constant 0 : i32
    %ne3A_1042 = arith.cmpi ne, %rem3A_1040, %ne3A_1041 : i32
    %lt3A_1043 = arith.constant 0 : i32
    %lt3A_1044 = arith.cmpi slt, %rem3A_1040, %lt3A_1043 : i32
    %lt3A_1045 = arith.constant 0 : i32
    %lt3A_1046 = arith.cmpi slt, %select_n3A_1039, %lt3A_1045 : i32
    %ne3A_1047 = arith.xori %lt3A_1044, %lt3A_1046 : i1
    %and3A_1048 = arith.andi %ne3A_1047, %ne3A_1042 : i1
    %add3A_1049 = arith.addi %rem3A_1040, %select_n3A_1039 : i32
    %select_n3A_1050 = arith.select %and3A_1048, %add3A_1049, %rem3A_1040 : i32
    %mul3A_1051 = arith.constant 8 : i32
    %mul3A_1052 = arith.muli %select_n3A_994, %mul3A_1051 : i32
    %mul3A_1053 = arith.constant 4 : i32
    %mul3A_1054 = arith.muli %select_n3A_1050, %mul3A_1053 : i32
    %add3A_1055 = arith.addi %mul3A_1052, %mul3A_1054 : i32
    %dma_wait3A_1056 = arith.constant 1 : i32
    %dma_wait3A_1057 = arith.constant 0 : i32
    %dma_wait3A_1058 = arith.constant 0 : i32
    %dma_wait3A_1059 = arith.constant 0 : i32
    %dma_wait3A_1060 = arith.constant 0 : i32
    %dma_wait3A_1061 = tpu.memref_slice %arg10[%dma_wait3A_1057, %dma_wait3A_1058, %dma_wait3A_1059, %dma_wait3A_1060] : memref<4x4x8x129xf32, #tpu.memory_space<vmem>> -> memref<4x4x8x128xf32, #tpu.memory_space<vmem>>
    %dma_wait3A_1062 = arith.constant 0 : i32
    %dma_wait3A_1063 = arith.constant 0 : i32
    %dma_wait3A_1064 = arith.constant 0 : i32
    %dma_wait3A_1065 = tpu.memref_slice %arg4[%add3A_1055, %dma_wait3A_1062, %select_n3A_1034, %dma_wait3A_1063, %dma_wait3A_1064] : memref<200x4x128x8x128xf32, #tpu.memory_space<hbm>> -> memref<4x4x1x8x128xf32, #tpu.memory_space<hbm>>
    %dma_wait3A_1066 = tpu.memref_squeeze %dma_wait3A_1065 : memref<4x4x1x8x128xf32, #tpu.memory_space<hbm>> -> memref<4x4x8x128xf32, #tpu.memory_space<hbm>>
    %dma_wait3A_1067 = tpu.memref_slice %arg14[%dma_wait3A_1056] : memref<3x!tpu.dma_semaphore, #tpu.memory_space<semaphore_mem>> -> memref<1x!tpu.dma_semaphore, #tpu.memory_space<semaphore_mem>>
    %dma_wait3A_1068 = tpu.memref_squeeze %dma_wait3A_1067 : memref<1x!tpu.dma_semaphore, #tpu.memory_space<semaphore_mem>> -> memref<!tpu.dma_semaphore, #tpu.memory_space<semaphore_mem>>
    %dma_wait3A_1069 = arith.constant 0 : i32
    %dma_wait3A_1070 = arith.constant 0 : i32
    %dma_wait3A_1071 = arith.constant 0 : i32
    %dma_wait3A_1072 = tpu.memref_slice %arg4[%add3A_1055, %dma_wait3A_1069, %select_n3A_1034, %dma_wait3A_1070, %dma_wait3A_1071] : memref<200x4x128x8x128xf32, #tpu.memory_space<hbm>> -> memref<4x4x1x8x128xf32, #tpu.memory_space<hbm>>
    %dma_wait3A_1073 = tpu.memref_squeeze %dma_wait3A_1072 : memref<4x4x1x8x128xf32, #tpu.memory_space<hbm>> -> memref<4x4x8x128xf32, #tpu.memory_space<hbm>>
    %dma_wait3A_1074 = arith.constant 0 : i32
    %dma_wait3A_1075 = arith.constant 0 : i32
    %dma_wait3A_1076 = arith.constant 0 : i32
    %dma_wait3A_1077 = arith.constant 0 : i32
    %dma_wait3A_1078 = tpu.memref_slice %arg10[%dma_wait3A_1074, %dma_wait3A_1075, %dma_wait3A_1076, %dma_wait3A_1077] : memref<4x4x8x129xf32, #tpu.memory_space<vmem>> -> memref<4x4x8x128xf32, #tpu.memory_space<vmem>>
    tpu.wait_dma2 semaphore(%dma_wait3A_1068 : memref<!tpu.dma_semaphore, #tpu.memory_space<semaphore_mem>>) src(%dma_wait3A_1078 : memref<4x4x8x128xf32, #tpu.memory_space<vmem>>) dst(%dma_wait3A_1073 : memref<4x4x8x128xf32, #tpu.memory_space<hbm>>)
    %parallel_loop3A_1079 = arith.constant 0 : i32
    %parallel_loop3A_1080 = arith.constant 128 : i32
    %parallel_loop3A_1081 = arith.constant 1 : i32
    scf.for %parallel_loop3A_1520 = %parallel_loop3A_1079 to %parallel_loop3A_1080 step %parallel_loop3A_1081  : i32 {
      %parallel_loop3A_1521 = vector.broadcast %parallel_loop3A_1520 : i32 to vector<16xi32>
      %parallel_loop3A_1522 = arith.addi %broadcast_in_dim3A_3, %parallel_loop3A_1521 : vector<16xi32>
      %parallel_loop3A_1523 = arith.constant 0 : i32
      %parallel_loop3A_1524 = arith.addi %parallel_loop3A_1523, %parallel_loop3A_1520 : i32
      %parallel_loop3A_1525 = arith.index_cast %parallel_loop3A_1524 : i32 to index
      %parallel_loop3A_1526 = arith.constant 0 : index
      %parallel_loop3A_1527 = tpu.vector_load %arg7[%parallel_loop3A_1525, %parallel_loop3A_1526] {strides = array<i32>} : memref<512x32xf32, #tpu.memory_space<vmem>>, vector<16xf32>,
      %parallel_loop3A_1528 = arith.constant 0 : i32
      %parallel_loop3A_1529 = arith.constant 0 : i32
      %parallel_loop3A_1530 = arith.constant 0 : i32
      %parallel_loop3A_1531 = arith.constant 0 : i32
      %parallel_loop3A_1532 = tpu.memref_slice %arg10[%parallel_loop3A_1528, %parallel_loop3A_1529, %parallel_loop3A_1530, %parallel_loop3A_1531] : memref<4x4x8x129xf32, #tpu.memory_space<vmem>> -> memref<1x4x8x129xf32, #tpu.memory_space<vmem>>
      %parallel_loop3A_1533 = tpu.memref_squeeze %parallel_loop3A_1532 : memref<1x4x8x129xf32, #tpu.memory_space<vmem>> -> memref<4x8x129xf32, #tpu.memory_space<vmem>>
      tpu.vector_store_idx %parallel_loop3A_1533[%select_n3A, %select_n3A_86, %parallel_loop3A_1522], %parallel_loop3A_1527 : memref<4x8x129xf32, #tpu.memory_space<vmem>>[vector<16xi32>, vector<16xi32>, vector<16xi32>], vector<16xf32>,
      %parallel_loop3A_1534 = arith.constant 0 : i32
      %parallel_loop3A_1535 = arith.addi %parallel_loop3A_1534, %parallel_loop3A_1520 : i32
      %parallel_loop3A_1536 = arith.index_cast %parallel_loop3A_1535 : i32 to index
      %parallel_loop3A_1537 = arith.constant 16 : index
      %parallel_loop3A_1538 = tpu.vector_load %arg7[%parallel_loop3A_1536, %parallel_loop3A_1537] {strides = array<i32>} : memref<512x32xf32, #tpu.memory_space<vmem>>, vector<16xf32>,
      %parallel_loop3A_1539 = arith.constant 0 : i32
      %parallel_loop3A_1540 = arith.constant 0 : i32
      %parallel_loop3A_1541 = arith.constant 0 : i32
      %parallel_loop3A_1542 = arith.constant 0 : i32
      %parallel_loop3A_1543 = tpu.memref_slice %arg10[%parallel_loop3A_1539, %parallel_loop3A_1540, %parallel_loop3A_1541, %parallel_loop3A_1542] : memref<4x4x8x129xf32, #tpu.memory_space<vmem>> -> memref<1x4x8x129xf32, #tpu.memory_space<vmem>>
      %parallel_loop3A_1544 = tpu.memref_squeeze %parallel_loop3A_1543 : memref<1x4x8x129xf32, #tpu.memory_space<vmem>> -> memref<4x8x129xf32, #tpu.memory_space<vmem>>
      tpu.vector_store_idx %parallel_loop3A_1544[%select_n3A_63, %select_n3A_111, %parallel_loop3A_1522], %parallel_loop3A_1538 : memref<4x8x129xf32, #tpu.memory_space<vmem>>[vector<16xi32>, vector<16xi32>, vector<16xi32>], vector<16xf32>,
      %parallel_loop3A_1545 = arith.constant 128 : i32
      %parallel_loop3A_1546 = arith.addi %parallel_loop3A_1545, %parallel_loop3A_1520 : i32
      %parallel_loop3A_1547 = arith.index_cast %parallel_loop3A_1546 : i32 to index
      %parallel_loop3A_1548 = arith.constant 0 : index
      %parallel_loop3A_1549 = tpu.vector_load %arg7[%parallel_loop3A_1547, %parallel_loop3A_1548] {strides = array<i32>} : memref<512x32xf32, #tpu.memory_space<vmem>>, vector<16xf32>,
      %parallel_loop3A_1550 = arith.constant 1 : i32
      %parallel_loop3A_1551 = arith.constant 0 : i32
      %parallel_loop3A_1552 = arith.constant 0 : i32
      %parallel_loop3A_1553 = arith.constant 0 : i32
      %parallel_loop3A_1554 = tpu.memref_slice %arg10[%parallel_loop3A_1550, %parallel_loop3A_1551, %parallel_loop3A_1552, %parallel_loop3A_1553] : memref<4x4x8x129xf32, #tpu.memory_space<vmem>> -> memref<1x4x8x129xf32, #tpu.memory_space<vmem>>
      %parallel_loop3A_1555 = tpu.memref_squeeze %parallel_loop3A_1554 : memref<1x4x8x129xf32, #tpu.memory_space<vmem>> -> memref<4x8x129xf32, #tpu.memory_space<vmem>>
      tpu.vector_store_idx %parallel_loop3A_1555[%select_n3A, %select_n3A_86, %parallel_loop3A_1522], %parallel_loop3A_1549 : memref<4x8x129xf32, #tpu.memory_space<vmem>>[vector<16xi32>, vector<16xi32>, vector<16xi32>], vector<16xf32>,
      %parallel_loop3A_1556 = arith.constant 128 : i32
      %parallel_loop3A_1557 = arith.addi %parallel_loop3A_1556, %parallel_loop3A_1520 : i32
      %parallel_loop3A_1558 = arith.index_cast %parallel_loop3A_1557 : i32 to index
      %parallel_loop3A_1559 = arith.constant 16 : index
      %parallel_loop3A_1560 = tpu.vector_load %arg7[%parallel_loop3A_1558, %parallel_loop3A_1559] {strides = array<i32>} : memref<512x32xf32, #tpu.memory_space<vmem>>, vector<16xf32>,
      %parallel_loop3A_1561 = arith.constant 1 : i32
      %parallel_loop3A_1562 = arith.constant 0 : i32
      %parallel_loop3A_1563 = arith.constant 0 : i32
      %parallel_loop3A_1564 = arith.constant 0 : i32
      %parallel_loop3A_1565 = tpu.memref_slice %arg10[%parallel_loop3A_1561, %parallel_loop3A_1562, %parallel_loop3A_1563, %parallel_loop3A_1564] : memref<4x4x8x129xf32, #tpu.memory_space<vmem>> -> memref<1x4x8x129xf32, #tpu.memory_space<vmem>>
      %parallel_loop3A_1566 = tpu.memref_squeeze %parallel_loop3A_1565 : memref<1x4x8x129xf32, #tpu.memory_space<vmem>> -> memref<4x8x129xf32, #tpu.memory_space<vmem>>
      tpu.vector_store_idx %parallel_loop3A_1566[%select_n3A_63, %select_n3A_111, %parallel_loop3A_1522], %parallel_loop3A_1560 : memref<4x8x129xf32, #tpu.memory_space<vmem>>[vector<16xi32>, vector<16xi32>, vector<16xi32>], vector<16xf32>,
      %parallel_loop3A_1567 = arith.constant 256 : i32
      %parallel_loop3A_1568 = arith.addi %parallel_loop3A_1567, %parallel_loop3A_1520 : i32
      %parallel_loop3A_1569 = arith.index_cast %parallel_loop3A_1568 : i32 to index
      %parallel_loop3A_1570 = arith.constant 0 : index
      %parallel_loop3A_1571 = tpu.vector_load %arg7[%parallel_loop3A_1569, %parallel_loop3A_1570] {strides = array<i32>} : memref<512x32xf32, #tpu.memory_space<vmem>>, vector<16xf32>,
      %parallel_loop3A_1572 = arith.constant 2 : i32
      %parallel_loop3A_1573 = arith.constant 0 : i32
      %parallel_loop3A_1574 = arith.constant 0 : i32
      %parallel_loop3A_1575 = arith.constant 0 : i32
      %parallel_loop3A_1576 = tpu.memref_slice %arg10[%parallel_loop3A_1572, %parallel_loop3A_1573, %parallel_loop3A_1574, %parallel_loop3A_1575] : memref<4x4x8x129xf32, #tpu.memory_space<vmem>> -> memref<1x4x8x129xf32, #tpu.memory_space<vmem>>
      %parallel_loop3A_1577 = tpu.memref_squeeze %parallel_loop3A_1576 : memref<1x4x8x129xf32, #tpu.memory_space<vmem>> -> memref<4x8x129xf32, #tpu.memory_space<vmem>>
      tpu.vector_store_idx %parallel_loop3A_1577[%select_n3A, %select_n3A_86, %parallel_loop3A_1522], %parallel_loop3A_1571 : memref<4x8x129xf32, #tpu.memory_space<vmem>>[vector<16xi32>, vector<16xi32>, vector<16xi32>], vector<16xf32>,
      %parallel_loop3A_1578 = arith.constant 256 : i32
      %parallel_loop3A_1579 = arith.addi %parallel_loop3A_1578, %parallel_loop3A_1520 : i32
      %parallel_loop3A_1580 = arith.index_cast %parallel_loop3A_1579 : i32 to index
      %parallel_loop3A_1581 = arith.constant 16 : index
      %parallel_loop3A_1582 = tpu.vector_load %arg7[%parallel_loop3A_1580, %parallel_loop3A_1581] {strides = array<i32>} : memref<512x32xf32, #tpu.memory_space<vmem>>, vector<16xf32>,
      %parallel_loop3A_1583 = arith.constant 2 : i32
      %parallel_loop3A_1584 = arith.constant 0 : i32
      %parallel_loop3A_1585 = arith.constant 0 : i32
      %parallel_loop3A_1586 = arith.constant 0 : i32
      %parallel_loop3A_1587 = tpu.memref_slice %arg10[%parallel_loop3A_1583, %parallel_loop3A_1584, %parallel_loop3A_1585, %parallel_loop3A_1586] : memref<4x4x8x129xf32, #tpu.memory_space<vmem>> -> memref<1x4x8x129xf32, #tpu.memory_space<vmem>>
      %parallel_loop3A_1588 = tpu.memref_squeeze %parallel_loop3A_1587 : memref<1x4x8x129xf32, #tpu.memory_space<vmem>> -> memref<4x8x129xf32, #tpu.memory_space<vmem>>
      tpu.vector_store_idx %parallel_loop3A_1588[%select_n3A_63, %select_n3A_111, %parallel_loop3A_1522], %parallel_loop3A_1582 : memref<4x8x129xf32, #tpu.memory_space<vmem>>[vector<16xi32>, vector<16xi32>, vector<16xi32>], vector<16xf32>,
      %parallel_loop3A_1589 = arith.constant 384 : i32
      %parallel_loop3A_1590 = arith.addi %parallel_loop3A_1589, %parallel_loop3A_1520 : i32
      %parallel_loop3A_1591 = arith.index_cast %parallel_loop3A_1590 : i32 to index
      %parallel_loop3A_1592 = arith.constant 0 : index
      %parallel_loop3A_1593 = tpu.vector_load %arg7[%parallel_loop3A_1591, %parallel_loop3A_1592] {strides = array<i32>} : memref<512x32xf32, #tpu.memory_space<vmem>>, vector<16xf32>,
      %parallel_loop3A_1594 = arith.constant 3 : i32
      %parallel_loop3A_1595 = arith.constant 0 : i32
      %parallel_loop3A_1596 = arith.constant 0 : i32
      %parallel_loop3A_1597 = arith.constant 0 : i32
      %parallel_loop3A_1598 = tpu.memref_slice %arg10[%parallel_loop3A_1594, %parallel_loop3A_1595, %parallel_loop3A_1596, %parallel_loop3A_1597] : memref<4x4x8x129xf32, #tpu.memory_space<vmem>> -> memref<1x4x8x129xf32, #tpu.memory_space<vmem>>
      %parallel_loop3A_1599 = tpu.memref_squeeze %parallel_loop3A_1598 : memref<1x4x8x129xf32, #tpu.memory_space<vmem>> -> memref<4x8x129xf32, #tpu.memory_space<vmem>>
      tpu.vector_store_idx %parallel_loop3A_1599[%select_n3A, %select_n3A_86, %parallel_loop3A_1522], %parallel_loop3A_1593 : memref<4x8x129xf32, #tpu.memory_space<vmem>>[vector<16xi32>, vector<16xi32>, vector<16xi32>], vector<16xf32>,
      %parallel_loop3A_1600 = arith.constant 384 : i32
      %parallel_loop3A_1601 = arith.addi %parallel_loop3A_1600, %parallel_loop3A_1520 : i32
      %parallel_loop3A_1602 = arith.index_cast %parallel_loop3A_1601 : i32 to index
      %parallel_loop3A_1603 = arith.constant 16 : index
      %parallel_loop3A_1604 = tpu.vector_load %arg7[%parallel_loop3A_1602, %parallel_loop3A_1603] {strides = array<i32>} : memref<512x32xf32, #tpu.memory_space<vmem>>, vector<16xf32>,
      %parallel_loop3A_1605 = arith.constant 3 : i32
      %parallel_loop3A_1606 = arith.constant 0 : i32
      %parallel_loop3A_1607 = arith.constant 0 : i32
      %parallel_loop3A_1608 = arith.constant 0 : i32
      %parallel_loop3A_1609 = tpu.memref_slice %arg10[%parallel_loop3A_1605, %parallel_loop3A_1606, %parallel_loop3A_1607, %parallel_loop3A_1608] : memref<4x4x8x129xf32, #tpu.memory_space<vmem>> -> memref<1x4x8x129xf32, #tpu.memory_space<vmem>>
      %parallel_loop3A_1610 = tpu.memref_squeeze %parallel_loop3A_1609 : memref<1x4x8x129xf32, #tpu.memory_space<vmem>> -> memref<4x8x129xf32, #tpu.memory_space<vmem>>
      tpu.vector_store_idx %parallel_loop3A_1610[%select_n3A_63, %select_n3A_111, %parallel_loop3A_1522], %parallel_loop3A_1604 : memref<4x8x129xf32, #tpu.memory_space<vmem>>[vector<16xi32>, vector<16xi32>, vector<16xi32>], vector<16xf32>,
    } {sc.loop_unroll_factor = 8 : i64, sc.parallel_access}
    %jit3A_1082 = arith.constant 256 : i32
    %div3A_1083 = arith.divsi %add3A_956, %jit3A_1082 : i32
    %sign3A_1084 = arith.constant 0 : i32
    %sign3A_1085 = arith.cmpi sgt, %add3A_956, %sign3A_1084 : i32
    %sign3A_1086 = arith.extui %sign3A_1085 : i1 to i32
    %sign3A_1087 = arith.constant 0 : i32
    %sign3A_1088 = arith.cmpi slt, %add3A_956, %sign3A_1087 : i32
    %sign3A_1089 = arith.extui %sign3A_1088 : i1 to i32
    %sign3A_1090 = arith.subi %sign3A_1086, %sign3A_1089 : i32
    %sign3A_1091 = arith.constant 0 : i32
    %sign3A_1092 = arith.cmpi sgt, %jit3A_1082, %sign3A_1091 : i32
    %sign3A_1093 = arith.extui %sign3A_1092 : i1 to i32
    %sign3A_1094 = arith.constant 0 : i32
    %sign3A_1095 = arith.cmpi slt, %jit3A_1082, %sign3A_1094 : i32
    %sign3A_1096 = arith.extui %sign3A_1095 : i1 to i32
    %sign3A_1097 = arith.subi %sign3A_1093, %sign3A_1096 : i32
    %ne3A_1098 = arith.cmpi ne, %sign3A_1090, %sign3A_1097 : i32
    %rem3A_1099 = arith.remsi %add3A_956, %jit3A_1082 : i32
    %ne3A_1100 = arith.constant 0 : i32
    %ne3A_1101 = arith.cmpi ne, %rem3A_1099, %ne3A_1100 : i32
    %and3A_1102 = arith.andi %ne3A_1098, %ne3A_1101 : i1
    %sub3A_1103 = arith.constant 1 : i32
    %sub3A_1104 = arith.subi %div3A_1083, %sub3A_1103 : i32
    %select_n3A_1105 = arith.select %and3A_1102, %sub3A_1104, %div3A_1083 : i32
    %jit3A_1106 = arith.constant 2 : i32
    %div3A_1107 = arith.divsi %add3A_956, %jit3A_1106 : i32
    %sign3A_1108 = arith.constant 0 : i32
    %sign3A_1109 = arith.cmpi sgt, %add3A_956, %sign3A_1108 : i32
    %sign3A_1110 = arith.extui %sign3A_1109 : i1 to i32
    %sign3A_1111 = arith.constant 0 : i32
    %sign3A_1112 = arith.cmpi slt, %add3A_956, %sign3A_1111 : i32
    %sign3A_1113 = arith.extui %sign3A_1112 : i1 to i32
    %sign3A_1114 = arith.subi %sign3A_1110, %sign3A_1113 : i32
    %sign3A_1115 = arith.constant 0 : i32
    %sign3A_1116 = arith.cmpi sgt, %jit3A_1106, %sign3A_1115 : i32
    %sign3A_1117 = arith.extui %sign3A_1116 : i1 to i32
    %sign3A_1118 = arith.constant 0 : i32
    %sign3A_1119 = arith.cmpi slt, %jit3A_1106, %sign3A_1118 : i32
    %sign3A_1120 = arith.extui %sign3A_1119 : i1 to i32
    %sign3A_1121 = arith.subi %sign3A_1117, %sign3A_1120 : i32
    %ne3A_1122 = arith.cmpi ne, %sign3A_1114, %sign3A_1121 : i32
    %rem3A_1123 = arith.remsi %add3A_956, %jit3A_1106 : i32
    %ne3A_1124 = arith.constant 0 : i32
    %ne3A_1125 = arith.cmpi ne, %rem3A_1123, %ne3A_1124 : i32
    %and3A_1126 = arith.andi %ne3A_1122, %ne3A_1125 : i1
    %sub3A_1127 = arith.constant 1 : i32
    %sub3A_1128 = arith.subi %div3A_1107, %sub3A_1127 : i32
    %select_n3A_1129 = arith.select %and3A_1126, %sub3A_1128, %div3A_1107 : i32
    %jit3A_1130 = arith.constant 128 : i32
    %eq3A_1131 = arith.constant 0 : i32
    %eq3A_1132 = arith.cmpi eq, %jit3A_1130, %eq3A_1131 : i32
    %jit3A_1133 = arith.constant 1 : i32
    %select_n3A_1134 = arith.select %eq3A_1132, %jit3A_1133, %jit3A_1130 : i32
    %rem3A_1135 = arith.remsi %select_n3A_1129, %select_n3A_1134 : i32
    %ne3A_1136 = arith.constant 0 : i32
    %ne3A_1137 = arith.cmpi ne, %rem3A_1135, %ne3A_1136 : i32
    %lt3A_1138 = arith.constant 0 : i32
    %lt3A_1139 = arith.cmpi slt, %rem3A_1135, %lt3A_1138 : i32
    %lt3A_1140 = arith.constant 0 : i32
    %lt3A_1141 = arith.cmpi slt, %select_n3A_1134, %lt3A_1140 : i32
    %ne3A_1142 = arith.xori %lt3A_1139, %lt3A_1141 : i1
    %and3A_1143 = arith.andi %ne3A_1142, %ne3A_1137 : i1
    %add3A_1144 = arith.addi %rem3A_1135, %select_n3A_1134 : i32
    %select_n3A_1145 = arith.select %and3A_1143, %add3A_1144, %rem3A_1135 : i32
    %jit3A_1146 = arith.constant 2 : i32
    %eq3A_1147 = arith.constant 0 : i32
    %eq3A_1148 = arith.cmpi eq, %jit3A_1146, %eq3A_1147 : i32
    %jit3A_1149 = arith.constant 1 : i32
    %select_n3A_1150 = arith.select %eq3A_1148, %jit3A_1149, %jit3A_1146 : i32
    %rem3A_1151 = arith.remsi %add3A_956, %select_n3A_1150 : i32
    %ne3A_1152 = arith.constant 0 : i32
    %ne3A_1153 = arith.cmpi ne, %rem3A_1151, %ne3A_1152 : i32
    %lt3A_1154 = arith.constant 0 : i32
    %lt3A_1155 = arith.cmpi slt, %rem3A_1151, %lt3A_1154 : i32
    %lt3A_1156 = arith.constant 0 : i32
    %lt3A_1157 = arith.cmpi slt, %select_n3A_1150, %lt3A_1156 : i32
    %ne3A_1158 = arith.xori %lt3A_1155, %lt3A_1157 : i1
    %and3A_1159 = arith.andi %ne3A_1158, %ne3A_1153 : i1
    %add3A_1160 = arith.addi %rem3A_1151, %select_n3A_1150 : i32
    %select_n3A_1161 = arith.select %and3A_1159, %add3A_1160, %rem3A_1151 : i32
    %mul3A_1162 = arith.constant 8 : i32
    %mul3A_1163 = arith.muli %select_n3A_1105, %mul3A_1162 : i32
    %mul3A_1164 = arith.constant 4 : i32
    %mul3A_1165 = arith.muli %select_n3A_1161, %mul3A_1164 : i32
    %add3A_1166 = arith.addi %mul3A_1163, %mul3A_1165 : i32
    %dma_start3A_1167 = arith.constant 1 : i32
    %dma_start3A_1168 = arith.constant 0 : i32
    %dma_start3A_1169 = arith.constant 0 : i32
    %dma_start3A_1170 = arith.constant 0 : i32
    %dma_start3A_1171 = arith.constant 0 : i32
    %dma_start3A_1172 = tpu.memref_slice %arg10[%dma_start3A_1168, %dma_start3A_1169, %dma_start3A_1170, %dma_start3A_1171] : memref<4x4x8x129xf32, #tpu.memory_space<vmem>> -> memref<4x4x8x128xf32, #tpu.memory_space<vmem>>
    %dma_start3A_1173 = arith.constant 0 : i32
    %dma_start3A_1174 = arith.constant 0 : i32
    %dma_start3A_1175 = arith.constant 0 : i32
    %dma_start3A_1176 = tpu.memref_slice %arg4[%add3A_1166, %dma_start3A_1173, %select_n3A_1145, %dma_start3A_1174, %dma_start3A_1175] : memref<200x4x128x8x128xf32, #tpu.memory_space<hbm>> -> memref<4x4x1x8x128xf32, #tpu.memory_space<hbm>>
    %dma_start3A_1177 = tpu.memref_squeeze %dma_start3A_1176 : memref<4x4x1x8x128xf32, #tpu.memory_space<hbm>> -> memref<4x4x8x128xf32, #tpu.memory_space<hbm>>
    %dma_start3A_1178 = tpu.memref_slice %arg14[%dma_start3A_1167] : memref<3x!tpu.dma_semaphore, #tpu.memory_space<semaphore_mem>> -> memref<1x!tpu.dma_semaphore, #tpu.memory_space<semaphore_mem>>
    %dma_start3A_1179 = tpu.memref_squeeze %dma_start3A_1178 : memref<1x!tpu.dma_semaphore, #tpu.memory_space<semaphore_mem>> -> memref<!tpu.dma_semaphore, #tpu.memory_space<semaphore_mem>>
    %dma_start3A_1180 = arith.constant 0 : i32
    %dma_start3A_1181 = arith.constant 0 : i32
    %dma_start3A_1182 = arith.constant 0 : i32
    %dma_start3A_1183 = tpu.memref_slice %arg4[%add3A_1166, %dma_start3A_1180, %select_n3A_1145, %dma_start3A_1181, %dma_start3A_1182] : memref<200x4x128x8x128xf32, #tpu.memory_space<hbm>> -> memref<4x4x1x8x128xf32, #tpu.memory_space<hbm>>
    %dma_start3A_1184 = tpu.memref_squeeze %dma_start3A_1183 : memref<4x4x1x8x128xf32, #tpu.memory_space<hbm>> -> memref<4x4x8x128xf32, #tpu.memory_space<hbm>>
    %dma_start3A_1185 = arith.constant 0 : i32
    %dma_start3A_1186 = arith.constant 0 : i32
    %dma_start3A_1187 = arith.constant 0 : i32
    %dma_start3A_1188 = arith.constant 0 : i32
    %dma_start3A_1189 = tpu.memref_slice %arg10[%dma_start3A_1185, %dma_start3A_1186, %dma_start3A_1187, %dma_start3A_1188] : memref<4x4x8x129xf32, #tpu.memory_space<vmem>> -> memref<4x4x8x128xf32, #tpu.memory_space<vmem>>
    tpu.enqueue_dma source(%dma_start3A_1189 : memref<4x4x8x128xf32, #tpu.memory_space<vmem>>) target(%dma_start3A_1184 : memref<4x4x8x128xf32, #tpu.memory_space<hbm>>) target_semaphore(%dma_start3A_1179 : memref<!tpu.dma_semaphore, #tpu.memory_space<semaphore_mem>>)
    %add3A_1190 = arith.constant 197 : i32
    %add3A_1191 = arith.addi %mul3A_2, %add3A_1190 : i32
    %jit3A_1192 = arith.constant 256 : i32
    %div3A_1193 = arith.divsi %add3A_1191, %jit3A_1192 : i32
    %sign3A_1194 = arith.constant 0 : i32
    %sign3A_1195 = arith.cmpi sgt, %add3A_1191, %sign3A_1194 : i32
    %sign3A_1196 = arith.extui %sign3A_1195 : i1 to i32
    %sign3A_1197 = arith.constant 0 : i32
    %sign3A_1198 = arith.cmpi slt, %add3A_1191, %sign3A_1197 : i32
    %sign3A_1199 = arith.extui %sign3A_1198 : i1 to i32
    %sign3A_1200 = arith.subi %sign3A_1196, %sign3A_1199 : i32
    %sign3A_1201 = arith.constant 0 : i32
    %sign3A_1202 = arith.cmpi sgt, %jit3A_1192, %sign3A_1201 : i32
    %sign3A_1203 = arith.extui %sign3A_1202 : i1 to i32
    %sign3A_1204 = arith.constant 0 : i32
    %sign3A_1205 = arith.cmpi slt, %jit3A_1192, %sign3A_1204 : i32
    %sign3A_1206 = arith.extui %sign3A_1205 : i1 to i32
    %sign3A_1207 = arith.subi %sign3A_1203, %sign3A_1206 : i32
    %ne3A_1208 = arith.cmpi ne, %sign3A_1200, %sign3A_1207 : i32
    %rem3A_1209 = arith.remsi %add3A_1191, %jit3A_1192 : i32
    %ne3A_1210 = arith.constant 0 : i32
    %ne3A_1211 = arith.cmpi ne, %rem3A_1209, %ne3A_1210 : i32
    %and3A_1212 = arith.andi %ne3A_1208, %ne3A_1211 : i1
    %sub3A_1213 = arith.constant 1 : i32
    %sub3A_1214 = arith.subi %div3A_1193, %sub3A_1213 : i32
    %select_n3A_1215 = arith.select %and3A_1212, %sub3A_1214, %div3A_1193 : i32
    %jit3A_1216 = arith.constant 2 : i32
    %div3A_1217 = arith.divsi %add3A_1191, %jit3A_1216 : i32
    %sign3A_1218 = arith.constant 0 : i32
    %sign3A_1219 = arith.cmpi sgt, %add3A_1191, %sign3A_1218 : i32
    %sign3A_1220 = arith.extui %sign3A_1219 : i1 to i32
    %sign3A_1221 = arith.constant 0 : i32
    %sign3A_1222 = arith.cmpi slt, %add3A_1191, %sign3A_1221 : i32
    %sign3A_1223 = arith.extui %sign3A_1222 : i1 to i32
    %sign3A_1224 = arith.subi %sign3A_1220, %sign3A_1223 : i32
    %sign3A_1225 = arith.constant 0 : i32
    %sign3A_1226 = arith.cmpi sgt, %jit3A_1216, %sign3A_1225 : i32
    %sign3A_1227 = arith.extui %sign3A_1226 : i1 to i32
    %sign3A_1228 = arith.constant 0 : i32
    %sign3A_1229 = arith.cmpi slt, %jit3A_1216, %sign3A_1228 : i32
    %sign3A_1230 = arith.extui %sign3A_1229 : i1 to i32
    %sign3A_1231 = arith.subi %sign3A_1227, %sign3A_1230 : i32
    %ne3A_1232 = arith.cmpi ne, %sign3A_1224, %sign3A_1231 : i32
    %rem3A_1233 = arith.remsi %add3A_1191, %jit3A_1216 : i32
    %ne3A_1234 = arith.constant 0 : i32
    %ne3A_1235 = arith.cmpi ne, %rem3A_1233, %ne3A_1234 : i32
    %and3A_1236 = arith.andi %ne3A_1232, %ne3A_1235 : i1
    %sub3A_1237 = arith.constant 1 : i32
    %sub3A_1238 = arith.subi %div3A_1217, %sub3A_1237 : i32
    %select_n3A_1239 = arith.select %and3A_1236, %sub3A_1238, %div3A_1217 : i32
    %jit3A_1240 = arith.constant 128 : i32
    %eq3A_1241 = arith.constant 0 : i32
    %eq3A_1242 = arith.cmpi eq, %jit3A_1240, %eq3A_1241 : i32
    %jit3A_1243 = arith.constant 1 : i32
    %select_n3A_1244 = arith.select %eq3A_1242, %jit3A_1243, %jit3A_1240 : i32
    %rem3A_1245 = arith.remsi %select_n3A_1239, %select_n3A_1244 : i32
    %ne3A_1246 = arith.constant 0 : i32
    %ne3A_1247 = arith.cmpi ne, %rem3A_1245, %ne3A_1246 : i32
    %lt3A_1248 = arith.constant 0 : i32
    %lt3A_1249 = arith.cmpi slt, %rem3A_1245, %lt3A_1248 : i32
    %lt3A_1250 = arith.constant 0 : i32
    %lt3A_1251 = arith.cmpi slt, %select_n3A_1244, %lt3A_1250 : i32
    %ne3A_1252 = arith.xori %lt3A_1249, %lt3A_1251 : i1
    %and3A_1253 = arith.andi %ne3A_1252, %ne3A_1247 : i1
    %add3A_1254 = arith.addi %rem3A_1245, %select_n3A_1244 : i32
    %select_n3A_1255 = arith.select %and3A_1253, %add3A_1254, %rem3A_1245 : i32
    %jit3A_1256 = arith.constant 2 : i32
    %eq3A_1257 = arith.constant 0 : i32
    %eq3A_1258 = arith.cmpi eq, %jit3A_1256, %eq3A_1257 : i32
    %jit3A_1259 = arith.constant 1 : i32
    %select_n3A_1260 = arith.select %eq3A_1258, %jit3A_1259, %jit3A_1256 : i32
    %rem3A_1261 = arith.remsi %add3A_1191, %select_n3A_1260 : i32
    %ne3A_1262 = arith.constant 0 : i32
    %ne3A_1263 = arith.cmpi ne, %rem3A_1261, %ne3A_1262 : i32
    %lt3A_1264 = arith.constant 0 : i32
    %lt3A_1265 = arith.cmpi slt, %rem3A_1261, %lt3A_1264 : i32
    %lt3A_1266 = arith.constant 0 : i32
    %lt3A_1267 = arith.cmpi slt, %select_n3A_1260, %lt3A_1266 : i32
    %ne3A_1268 = arith.xori %lt3A_1265, %lt3A_1267 : i1
    %and3A_1269 = arith.andi %ne3A_1268, %ne3A_1263 : i1
    %add3A_1270 = arith.addi %rem3A_1261, %select_n3A_1260 : i32
    %select_n3A_1271 = arith.select %and3A_1269, %add3A_1270, %rem3A_1261 : i32
    %mul3A_1272 = arith.constant 8 : i32
    %mul3A_1273 = arith.muli %select_n3A_1215, %mul3A_1272 : i32
    %mul3A_1274 = arith.constant 4 : i32
    %mul3A_1275 = arith.muli %select_n3A_1271, %mul3A_1274 : i32
    %add3A_1276 = arith.addi %mul3A_1273, %mul3A_1275 : i32
    %dma_wait3A_1277 = arith.constant 2 : i32
    %dma_wait3A_1278 = arith.constant 0 : i32
    %dma_wait3A_1279 = arith.constant 0 : i32
    %dma_wait3A_1280 = arith.constant 0 : i32
    %dma_wait3A_1281 = arith.constant 0 : i32
    %dma_wait3A_1282 = tpu.memref_slice %arg11[%dma_wait3A_1278, %dma_wait3A_1279, %dma_wait3A_1280, %dma_wait3A_1281] : memref<4x4x8x129xf32, #tpu.memory_space<vmem>> -> memref<4x4x8x128xf32, #tpu.memory_space<vmem>>
    %dma_wait3A_1283 = arith.constant 0 : i32
    %dma_wait3A_1284 = arith.constant 0 : i32
    %dma_wait3A_1285 = arith.constant 0 : i32
    %dma_wait3A_1286 = tpu.memref_slice %arg4[%add3A_1276, %dma_wait3A_1283, %select_n3A_1255, %dma_wait3A_1284, %dma_wait3A_1285] : memref<200x4x128x8x128xf32, #tpu.memory_space<hbm>> -> memref<4x4x1x8x128xf32, #tpu.memory_space<hbm>>
    %dma_wait3A_1287 = tpu.memref_squeeze %dma_wait3A_1286 : memref<4x4x1x8x128xf32, #tpu.memory_space<hbm>> -> memref<4x4x8x128xf32, #tpu.memory_space<hbm>>
    %dma_wait3A_1288 = tpu.memref_slice %arg14[%dma_wait3A_1277] : memref<3x!tpu.dma_semaphore, #tpu.memory_space<semaphore_mem>> -> memref<1x!tpu.dma_semaphore, #tpu.memory_space<semaphore_mem>>
    %dma_wait3A_1289 = tpu.memref_squeeze %dma_wait3A_1288 : memref<1x!tpu.dma_semaphore, #tpu.memory_space<semaphore_mem>> -> memref<!tpu.dma_semaphore, #tpu.memory_space<semaphore_mem>>
    %dma_wait3A_1290 = arith.constant 0 : i32
    %dma_wait3A_1291 = arith.constant 0 : i32
    %dma_wait3A_1292 = arith.constant 0 : i32
    %dma_wait3A_1293 = tpu.memref_slice %arg4[%add3A_1276, %dma_wait3A_1290, %select_n3A_1255, %dma_wait3A_1291, %dma_wait3A_1292] : memref<200x4x128x8x128xf32, #tpu.memory_space<hbm>> -> memref<4x4x1x8x128xf32, #tpu.memory_space<hbm>>
    %dma_wait3A_1294 = tpu.memref_squeeze %dma_wait3A_1293 : memref<4x4x1x8x128xf32, #tpu.memory_space<hbm>> -> memref<4x4x8x128xf32, #tpu.memory_space<hbm>>
    %dma_wait3A_1295 = arith.constant 0 : i32
    %dma_wait3A_1296 = arith.constant 0 : i32
    %dma_wait3A_1297 = arith.constant 0 : i32
    %dma_wait3A_1298 = arith.constant 0 : i32
    %dma_wait3A_1299 = tpu.memref_slice %arg11[%dma_wait3A_1295, %dma_wait3A_1296, %dma_wait3A_1297, %dma_wait3A_1298] : memref<4x4x8x129xf32, #tpu.memory_space<vmem>> -> memref<4x4x8x128xf32, #tpu.memory_space<vmem>>
    tpu.wait_dma2 semaphore(%dma_wait3A_1289 : memref<!tpu.dma_semaphore, #tpu.memory_space<semaphore_mem>>) src(%dma_wait3A_1299 : memref<4x4x8x128xf32, #tpu.memory_space<vmem>>) dst(%dma_wait3A_1294 : memref<4x4x8x128xf32, #tpu.memory_space<hbm>>)
    %add3A_1300 = arith.constant 198 : i32
    %add3A_1301 = arith.addi %mul3A_2, %add3A_1300 : i32
    %jit3A_1302 = arith.constant 256 : i32
    %div3A_1303 = arith.divsi %add3A_1301, %jit3A_1302 : i32
    %sign3A_1304 = arith.constant 0 : i32
    %sign3A_1305 = arith.cmpi sgt, %add3A_1301, %sign3A_1304 : i32
    %sign3A_1306 = arith.extui %sign3A_1305 : i1 to i32
    %sign3A_1307 = arith.constant 0 : i32
    %sign3A_1308 = arith.cmpi slt, %add3A_1301, %sign3A_1307 : i32
    %sign3A_1309 = arith.extui %sign3A_1308 : i1 to i32
    %sign3A_1310 = arith.subi %sign3A_1306, %sign3A_1309 : i32
    %sign3A_1311 = arith.constant 0 : i32
    %sign3A_1312 = arith.cmpi sgt, %jit3A_1302, %sign3A_1311 : i32
    %sign3A_1313 = arith.extui %sign3A_1312 : i1 to i32
    %sign3A_1314 = arith.constant 0 : i32
    %sign3A_1315 = arith.cmpi slt, %jit3A_1302, %sign3A_1314 : i32
    %sign3A_1316 = arith.extui %sign3A_1315 : i1 to i32
    %sign3A_1317 = arith.subi %sign3A_1313, %sign3A_1316 : i32
    %ne3A_1318 = arith.cmpi ne, %sign3A_1310, %sign3A_1317 : i32
    %rem3A_1319 = arith.remsi %add3A_1301, %jit3A_1302 : i32
    %ne3A_1320 = arith.constant 0 : i32
    %ne3A_1321 = arith.cmpi ne, %rem3A_1319, %ne3A_1320 : i32
    %and3A_1322 = arith.andi %ne3A_1318, %ne3A_1321 : i1
    %sub3A_1323 = arith.constant 1 : i32
    %sub3A_1324 = arith.subi %div3A_1303, %sub3A_1323 : i32
    %select_n3A_1325 = arith.select %and3A_1322, %sub3A_1324, %div3A_1303 : i32
    %jit3A_1326 = arith.constant 2 : i32
    %div3A_1327 = arith.divsi %add3A_1301, %jit3A_1326 : i32
    %sign3A_1328 = arith.constant 0 : i32
    %sign3A_1329 = arith.cmpi sgt, %add3A_1301, %sign3A_1328 : i32
    %sign3A_1330 = arith.extui %sign3A_1329 : i1 to i32
    %sign3A_1331 = arith.constant 0 : i32
    %sign3A_1332 = arith.cmpi slt, %add3A_1301, %sign3A_1331 : i32
    %sign3A_1333 = arith.extui %sign3A_1332 : i1 to i32
    %sign3A_1334 = arith.subi %sign3A_1330, %sign3A_1333 : i32
    %sign3A_1335 = arith.constant 0 : i32
    %sign3A_1336 = arith.cmpi sgt, %jit3A_1326, %sign3A_1335 : i32
    %sign3A_1337 = arith.extui %sign3A_1336 : i1 to i32
    %sign3A_1338 = arith.constant 0 : i32
    %sign3A_1339 = arith.cmpi slt, %jit3A_1326, %sign3A_1338 : i32
    %sign3A_1340 = arith.extui %sign3A_1339 : i1 to i32
    %sign3A_1341 = arith.subi %sign3A_1337, %sign3A_1340 : i32
    %ne3A_1342 = arith.cmpi ne, %sign3A_1334, %sign3A_1341 : i32
    %rem3A_1343 = arith.remsi %add3A_1301, %jit3A_1326 : i32
    %ne3A_1344 = arith.constant 0 : i32
    %ne3A_1345 = arith.cmpi ne, %rem3A_1343, %ne3A_1344 : i32
    %and3A_1346 = arith.andi %ne3A_1342, %ne3A_1345 : i1
    %sub3A_1347 = arith.constant 1 : i32
    %sub3A_1348 = arith.subi %div3A_1327, %sub3A_1347 : i32
    %select_n3A_1349 = arith.select %and3A_1346, %sub3A_1348, %div3A_1327 : i32
    %jit3A_1350 = arith.constant 128 : i32
    %eq3A_1351 = arith.constant 0 : i32
    %eq3A_1352 = arith.cmpi eq, %jit3A_1350, %eq3A_1351 : i32
    %jit3A_1353 = arith.constant 1 : i32
    %select_n3A_1354 = arith.select %eq3A_1352, %jit3A_1353, %jit3A_1350 : i32
    %rem3A_1355 = arith.remsi %select_n3A_1349, %select_n3A_1354 : i32
    %ne3A_1356 = arith.constant 0 : i32
    %ne3A_1357 = arith.cmpi ne, %rem3A_1355, %ne3A_1356 : i32
    %lt3A_1358 = arith.constant 0 : i32
    %lt3A_1359 = arith.cmpi slt, %rem3A_1355, %lt3A_1358 : i32
    %lt3A_1360 = arith.constant 0 : i32
    %lt3A_1361 = arith.cmpi slt, %select_n3A_1354, %lt3A_1360 : i32
    %ne3A_1362 = arith.xori %lt3A_1359, %lt3A_1361 : i1
    %and3A_1363 = arith.andi %ne3A_1362, %ne3A_1357 : i1
    %add3A_1364 = arith.addi %rem3A_1355, %select_n3A_1354 : i32
    %select_n3A_1365 = arith.select %and3A_1363, %add3A_1364, %rem3A_1355 : i32
    %jit3A_1366 = arith.constant 2 : i32
    %eq3A_1367 = arith.constant 0 : i32
    %eq3A_1368 = arith.cmpi eq, %jit3A_1366, %eq3A_1367 : i32
    %jit3A_1369 = arith.constant 1 : i32
    %select_n3A_1370 = arith.select %eq3A_1368, %jit3A_1369, %jit3A_1366 : i32
    %rem3A_1371 = arith.remsi %add3A_1301, %select_n3A_1370 : i32
    %ne3A_1372 = arith.constant 0 : i32
    %ne3A_1373 = arith.cmpi ne, %rem3A_1371, %ne3A_1372 : i32
    %lt3A_1374 = arith.constant 0 : i32
    %lt3A_1375 = arith.cmpi slt, %rem3A_1371, %lt3A_1374 : i32
    %lt3A_1376 = arith.constant 0 : i32
    %lt3A_1377 = arith.cmpi slt, %select_n3A_1370, %lt3A_1376 : i32
    %ne3A_1378 = arith.xori %lt3A_1375, %lt3A_1377 : i1
    %and3A_1379 = arith.andi %ne3A_1378, %ne3A_1373 : i1
    %add3A_1380 = arith.addi %rem3A_1371, %select_n3A_1370 : i32
    %select_n3A_1381 = arith.select %and3A_1379, %add3A_1380, %rem3A_1371 : i32
    %mul3A_1382 = arith.constant 8 : i32
    %mul3A_1383 = arith.muli %select_n3A_1325, %mul3A_1382 : i32
    %mul3A_1384 = arith.constant 4 : i32
    %mul3A_1385 = arith.muli %select_n3A_1381, %mul3A_1384 : i32
    %add3A_1386 = arith.addi %mul3A_1383, %mul3A_1385 : i32
    %dma_wait3A_1387 = arith.constant 0 : i32
    %dma_wait3A_1388 = arith.constant 0 : i32
    %dma_wait3A_1389 = arith.constant 0 : i32
    %dma_wait3A_1390 = arith.constant 0 : i32
    %dma_wait3A_1391 = arith.constant 0 : i32
    %dma_wait3A_1392 = tpu.memref_slice %arg9[%dma_wait3A_1388, %dma_wait3A_1389, %dma_wait3A_1390, %dma_wait3A_1391] : memref<4x4x8x129xf32, #tpu.memory_space<vmem>> -> memref<4x4x8x128xf32, #tpu.memory_space<vmem>>
    %dma_wait3A_1393 = arith.constant 0 : i32
    %dma_wait3A_1394 = arith.constant 0 : i32
    %dma_wait3A_1395 = arith.constant 0 : i32
    %dma_wait3A_1396 = tpu.memref_slice %arg4[%add3A_1386, %dma_wait3A_1393, %select_n3A_1365, %dma_wait3A_1394, %dma_wait3A_1395] : memref<200x4x128x8x128xf32, #tpu.memory_space<hbm>> -> memref<4x4x1x8x128xf32, #tpu.memory_space<hbm>>
    %dma_wait3A_1397 = tpu.memref_squeeze %dma_wait3A_1396 : memref<4x4x1x8x128xf32, #tpu.memory_space<hbm>> -> memref<4x4x8x128xf32, #tpu.memory_space<hbm>>
    %dma_wait3A_1398 = tpu.memref_slice %arg14[%dma_wait3A_1387] : memref<3x!tpu.dma_semaphore, #tpu.memory_space<semaphore_mem>> -> memref<1x!tpu.dma_semaphore, #tpu.memory_space<semaphore_mem>>
    %dma_wait3A_1399 = tpu.memref_squeeze %dma_wait3A_1398 : memref<1x!tpu.dma_semaphore, #tpu.memory_space<semaphore_mem>> -> memref<!tpu.dma_semaphore, #tpu.memory_space<semaphore_mem>>
    %dma_wait3A_1400 = arith.constant 0 : i32
    %dma_wait3A_1401 = arith.constant 0 : i32
    %dma_wait3A_1402 = arith.constant 0 : i32
    %dma_wait3A_1403 = tpu.memref_slice %arg4[%add3A_1386, %dma_wait3A_1400, %select_n3A_1365, %dma_wait3A_1401, %dma_wait3A_1402] : memref<200x4x128x8x128xf32, #tpu.memory_space<hbm>> -> memref<4x4x1x8x128xf32, #tpu.memory_space<hbm>>
    %dma_wait3A_1404 = tpu.memref_squeeze %dma_wait3A_1403 : memref<4x4x1x8x128xf32, #tpu.memory_space<hbm>> -> memref<4x4x8x128xf32, #tpu.memory_space<hbm>>
    %dma_wait3A_1405 = arith.constant 0 : i32
    %dma_wait3A_1406 = arith.constant 0 : i32
    %dma_wait3A_1407 = arith.constant 0 : i32
    %dma_wait3A_1408 = arith.constant 0 : i32
    %dma_wait3A_1409 = tpu.memref_slice %arg9[%dma_wait3A_1405, %dma_wait3A_1406, %dma_wait3A_1407, %dma_wait3A_1408] : memref<4x4x8x129xf32, #tpu.memory_space<vmem>> -> memref<4x4x8x128xf32, #tpu.memory_space<vmem>>
    tpu.wait_dma2 semaphore(%dma_wait3A_1399 : memref<!tpu.dma_semaphore, #tpu.memory_space<semaphore_mem>>) src(%dma_wait3A_1409 : memref<4x4x8x128xf32, #tpu.memory_space<vmem>>) dst(%dma_wait3A_1404 : memref<4x4x8x128xf32, #tpu.memory_space<hbm>>)
    %add3A_1410 = arith.constant 199 : i32
    %add3A_1411 = arith.addi %mul3A_2, %add3A_1410 : i32
    %jit3A_1412 = arith.constant 256 : i32
    %div3A_1413 = arith.divsi %add3A_1411, %jit3A_1412 : i32
    %sign3A_1414 = arith.constant 0 : i32
    %sign3A_1415 = arith.cmpi sgt, %add3A_1411, %sign3A_1414 : i32
    %sign3A_1416 = arith.extui %sign3A_1415 : i1 to i32
    %sign3A_1417 = arith.constant 0 : i32
    %sign3A_1418 = arith.cmpi slt, %add3A_1411, %sign3A_1417 : i32
    %sign3A_1419 = arith.extui %sign3A_1418 : i1 to i32
    %sign3A_1420 = arith.subi %sign3A_1416, %sign3A_1419 : i32
    %sign3A_1421 = arith.constant 0 : i32
    %sign3A_1422 = arith.cmpi sgt, %jit3A_1412, %sign3A_1421 : i32
    %sign3A_1423 = arith.extui %sign3A_1422 : i1 to i32
    %sign3A_1424 = arith.constant 0 : i32
    %sign3A_1425 = arith.cmpi slt, %jit3A_1412, %sign3A_1424 : i32
    %sign3A_1426 = arith.extui %sign3A_1425 : i1 to i32
    %sign3A_1427 = arith.subi %sign3A_1423, %sign3A_1426 : i32
    %ne3A_1428 = arith.cmpi ne, %sign3A_1420, %sign3A_1427 : i32
    %rem3A_1429 = arith.remsi %add3A_1411, %jit3A_1412 : i32
    %ne3A_1430 = arith.constant 0 : i32
    %ne3A_1431 = arith.cmpi ne, %rem3A_1429, %ne3A_1430 : i32
    %and3A_1432 = arith.andi %ne3A_1428, %ne3A_1431 : i1
    %sub3A_1433 = arith.constant 1 : i32
    %sub3A_1434 = arith.subi %div3A_1413, %sub3A_1433 : i32
    %select_n3A_1435 = arith.select %and3A_1432, %sub3A_1434, %div3A_1413 : i32
    %jit3A_1436 = arith.constant 2 : i32
    %div3A_1437 = arith.divsi %add3A_1411, %jit3A_1436 : i32
    %sign3A_1438 = arith.constant 0 : i32
    %sign3A_1439 = arith.cmpi sgt, %add3A_1411, %sign3A_1438 : i32
    %sign3A_1440 = arith.extui %sign3A_1439 : i1 to i32
    %sign3A_1441 = arith.constant 0 : i32
    %sign3A_1442 = arith.cmpi slt, %add3A_1411, %sign3A_1441 : i32
    %sign3A_1443 = arith.extui %sign3A_1442 : i1 to i32
    %sign3A_1444 = arith.subi %sign3A_1440, %sign3A_1443 : i32
    %sign3A_1445 = arith.constant 0 : i32
    %sign3A_1446 = arith.cmpi sgt, %jit3A_1436, %sign3A_1445 : i32
    %sign3A_1447 = arith.extui %sign3A_1446 : i1 to i32
    %sign3A_1448 = arith.constant 0 : i32
    %sign3A_1449 = arith.cmpi slt, %jit3A_1436, %sign3A_1448 : i32
    %sign3A_1450 = arith.extui %sign3A_1449 : i1 to i32
    %sign3A_1451 = arith.subi %sign3A_1447, %sign3A_1450 : i32
    %ne3A_1452 = arith.cmpi ne, %sign3A_1444, %sign3A_1451 : i32
    %rem3A_1453 = arith.remsi %add3A_1411, %jit3A_1436 : i32
    %ne3A_1454 = arith.constant 0 : i32
    %ne3A_1455 = arith.cmpi ne, %rem3A_1453, %ne3A_1454 : i32
    %and3A_1456 = arith.andi %ne3A_1452, %ne3A_1455 : i1
    %sub3A_1457 = arith.constant 1 : i32
    %sub3A_1458 = arith.subi %div3A_1437, %sub3A_1457 : i32
    %select_n3A_1459 = arith.select %and3A_1456, %sub3A_1458, %div3A_1437 : i32
    %jit3A_1460 = arith.constant 128 : i32
    %eq3A_1461 = arith.constant 0 : i32
    %eq3A_1462 = arith.cmpi eq, %jit3A_1460, %eq3A_1461 : i32
    %jit3A_1463 = arith.constant 1 : i32
    %select_n3A_1464 = arith.select %eq3A_1462, %jit3A_1463, %jit3A_1460 : i32
    %rem3A_1465 = arith.remsi %select_n3A_1459, %select_n3A_1464 : i32
    %ne3A_1466 = arith.constant 0 : i32
    %ne3A_1467 = arith.cmpi ne, %rem3A_1465, %ne3A_1466 : i32
    %lt3A_1468 = arith.constant 0 : i32
    %lt3A_1469 = arith.cmpi slt, %rem3A_1465, %lt3A_1468 : i32
    %lt3A_1470 = arith.constant 0 : i32
    %lt3A_1471 = arith.cmpi slt, %select_n3A_1464, %lt3A_1470 : i32
    %ne3A_1472 = arith.xori %lt3A_1469, %lt3A_1471 : i1
    %and3A_1473 = arith.andi %ne3A_1472, %ne3A_1467 : i1
    %add3A_1474 = arith.addi %rem3A_1465, %select_n3A_1464 : i32
    %select_n3A_1475 = arith.select %and3A_1473, %add3A_1474, %rem3A_1465 : i32
    %jit3A_1476 = arith.constant 2 : i32
    %eq3A_1477 = arith.constant 0 : i32
    %eq3A_1478 = arith.cmpi eq, %jit3A_1476, %eq3A_1477 : i32
    %jit3A_1479 = arith.constant 1 : i32
    %select_n3A_1480 = arith.select %eq3A_1478, %jit3A_1479, %jit3A_1476 : i32
    %rem3A_1481 = arith.remsi %add3A_1411, %select_n3A_1480 : i32
    %ne3A_1482 = arith.constant 0 : i32
    %ne3A_1483 = arith.cmpi ne, %rem3A_1481, %ne3A_1482 : i32
    %lt3A_1484 = arith.constant 0 : i32
    %lt3A_1485 = arith.cmpi slt, %rem3A_1481, %lt3A_1484 : i32
    %lt3A_1486 = arith.constant 0 : i32
    %lt3A_1487 = arith.cmpi slt, %select_n3A_1480, %lt3A_1486 : i32
    %ne3A_1488 = arith.xori %lt3A_1485, %lt3A_1487 : i1
    %and3A_1489 = arith.andi %ne3A_1488, %ne3A_1483 : i1
    %add3A_1490 = arith.addi %rem3A_1481, %select_n3A_1480 : i32
    %select_n3A_1491 = arith.select %and3A_1489, %add3A_1490, %rem3A_1481 : i32
    %mul3A_1492 = arith.constant 8 : i32
    %mul3A_1493 = arith.muli %select_n3A_1435, %mul3A_1492 : i32
    %mul3A_1494 = arith.constant 4 : i32
    %mul3A_1495 = arith.muli %select_n3A_1491, %mul3A_1494 : i32
    %add3A_1496 = arith.addi %mul3A_1493, %mul3A_1495 : i32
    %dma_wait3A_1497 = arith.constant 1 : i32
    %dma_wait3A_1498 = arith.constant 0 : i32
    %dma_wait3A_1499 = arith.constant 0 : i32
    %dma_wait3A_1500 = arith.constant 0 : i32
    %dma_wait3A_1501 = arith.constant 0 : i32
    %dma_wait3A_1502 = tpu.memref_slice %arg10[%dma_wait3A_1498, %dma_wait3A_1499, %dma_wait3A_1500, %dma_wait3A_1501] : memref<4x4x8x129xf32, #tpu.memory_space<vmem>> -> memref<4x4x8x128xf32, #tpu.memory_space<vmem>>
    %dma_wait3A_1503 = arith.constant 0 : i32
    %dma_wait3A_1504 = arith.constant 0 : i32
    %dma_wait3A_1505 = arith.constant 0 : i32
    %dma_wait3A_1506 = tpu.memref_slice %arg4[%add3A_1496, %dma_wait3A_1503, %select_n3A_1475, %dma_wait3A_1504, %dma_wait3A_1505] : memref<200x4x128x8x128xf32, #tpu.memory_space<hbm>> -> memref<4x4x1x8x128xf32, #tpu.memory_space<hbm>>
    %dma_wait3A_1507 = tpu.memref_squeeze %dma_wait3A_1506 : memref<4x4x1x8x128xf32, #tpu.memory_space<hbm>> -> memref<4x4x8x128xf32, #tpu.memory_space<hbm>>
    %dma_wait3A_1508 = tpu.memref_slice %arg14[%dma_wait3A_1497] : memref<3x!tpu.dma_semaphore, #tpu.memory_space<semaphore_mem>> -> memref<1x!tpu.dma_semaphore, #tpu.memory_space<semaphore_mem>>
    %dma_wait3A_1509 = tpu.memref_squeeze %dma_wait3A_1508 : memref<1x!tpu.dma_semaphore, #tpu.memory_space<semaphore_mem>> -> memref<!tpu.dma_semaphore, #tpu.memory_space<semaphore_mem>>
    %dma_wait3A_1510 = arith.constant 0 : i32
    %dma_wait3A_1511 = arith.constant 0 : i32
    %dma_wait3A_1512 = arith.constant 0 : i32
    %dma_wait3A_1513 = tpu.memref_slice %arg4[%add3A_1496, %dma_wait3A_1510, %select_n3A_1475, %dma_wait3A_1511, %dma_wait3A_1512] : memref<200x4x128x8x128xf32, #tpu.memory_space<hbm>> -> memref<4x4x1x8x128xf32, #tpu.memory_space<hbm>>
    %dma_wait3A_1514 = tpu.memref_squeeze %dma_wait3A_1513 : memref<4x4x1x8x128xf32, #tpu.memory_space<hbm>> -> memref<4x4x8x128xf32, #tpu.memory_space<hbm>>
    %dma_wait3A_1515 = arith.constant 0 : i32
    %dma_wait3A_1516 = arith.constant 0 : i32
    %dma_wait3A_1517 = arith.constant 0 : i32
    %dma_wait3A_1518 = arith.constant 0 : i32
    %dma_wait3A_1519 = tpu.memref_slice %arg10[%dma_wait3A_1515, %dma_wait3A_1516, %dma_wait3A_1517, %dma_wait3A_1518] : memref<4x4x8x129xf32, #tpu.memory_space<vmem>> -> memref<4x4x8x128xf32, #tpu.memory_space<vmem>>
    tpu.wait_dma2 semaphore(%dma_wait3A_1509 : memref<!tpu.dma_semaphore, #tpu.memory_space<semaphore_mem>>) src(%dma_wait3A_1519 : memref<4x4x8x128xf32, #tpu.memory_space<vmem>>) dst(%dma_wait3A_1514 : memref<4x4x8x128xf32, #tpu.memory_space<hbm>>)
    return
  }
}

</mosaic_0001>

<sc_bundles>
// kernel: _embedding_sc.3.cloned.1.call-start
scs
__scs_entry_jumppad:
0x0: {  	(pc) =	sbr.rel $0x88, $3  }
0x1: {  	(tag) =	ssettag $0x0;
	lr =	simm.s32 $0x1  }
0x2: {  	[smem:$0x3F9F] =	sst lr;
	_ =	strace $0xD0000000  }
0x3: {  	_ = 	snop  }
0x4: {  	_ = 	snop  }
0x5: {  	_ = 	snop  }
0x6: {  	_ = 	snop  }
0x7: {  	_ = 	snop  }
__scs_overlays_trampoline_lowered:
0x8: {  	[smem:$0x3FAE] =	sst s0  }
0x9: {  	[smem:$0x3FAF] =	sst s1  }
0xa: {  	[smem:$0x3FB0] =	sst s2  }
0xb: {  	[smem:$0x3FB1] =	sst s3  }
0xc: {  	[smem:$0x3FB2] =	sst s4  }
0xd: {  	[smem:$0x3FB3] =	sst s5  }
0xe: {  	[smem:$0x3FB4] =	sst s6  }
0xf: {  	[smem:$0x3FB5] =	sst s7  }
0x10: {  	[smem:$0x3FB6] =	sst s8  }
0x11: {  	[smem:$0x3FB7] =	sst s9;
	s0 =	simm.s32 @!p0 $0x0  }
0x12: {  	s1 =	sld [smem:$0x3F9D];
	s0 =	simm.s32 @p0 $0x1  }
0x13: {  	[smem:$0x3FB8] =	sst s0;
	s0 =	simm.s32 @!p1 $0x0  }
0x14: {  	s2 =	sld [smem:$0x3F9C];
	s0 =	simm.s32 @p1 $0x1  }
0x15: {  	[smem:$0x3FB9] =	sst s0;
	s0 =	simm.s32 @!p2 $0x0  }
0x16: {  	s3 =	sld [smem:$0x3FDB];
	s0 =	simm.s32 @p2 $0x1  }
0x17: {  	s4 =	simm.s32 $0x1BF5;
	[smem:$0x3FBB] =	sst s0  }
0x18: {  	s0 =	sld [smem:$0x3F9E];
	_ =	swait.ge [sflag:s4], $0x0  }
0x19: {  	s7 =	sld [smem:$0x3F9F]  }
0x1a: {  	s8 =	sadd.s32 $0xFFFFE003, lr  }
0x1b: {  	s9 =	sadd.s32 $0xFFFFFEF7, lr;
	s5 =	simm.s32 $0xFFFFFFFF;
	p2 =	slt.u32 s8, $0xFFFFF086  }
0x1c: {  	p1 =	slt.u32 s9, $0xF7A;
	s5 =	simm.s32 @!p2 $0x0  }
0x1d: {  	s5 =	simm.s32 @p1 $0x1;
	p0 =	seq.s32 s7, s2  }
0x1e: {  	s7 =	smul.u32 @!p0 $0xF7A, s2;
	p2 =	seq.s32 @!p0 s5, $0x0  }
0x1f: {  	s9 =	smul.u32 $0xF7A, s1;
	s8 =	simm.s32 @!p0 $0x1BF5;
	p2 =	por !p2, p0  }
0x20: {  	[sflag:s8] =	ssyncset.s32 @!p0 $0xFFFFF086;
	s6 =	sadd.s32 @!p0 s3, s7;
	s7 =	simm.s32 @!p0 $0x108  }
0x21: {  	s3 =	sadd.s32 s3, s9;
	s6 =	sadd.s32 @!p0 $0x88, s6;
	s7 =	simm.s32 @p2 $0x1082  }
0x22: {  	[simem:s7], [sflag:s8] =	dma.local @!p0 [hbm:s6], $0xF7A  }
0x23: {  	s9 =	sor.u32 $0xD0000000, s2;
	s6 =	simm.s32 $0x108;
	_ =	swait.ge @!p0 [sflag:s8], $0x0  }
0x24: {  	s3 =	sadd.s32 $0x88, s3;
	s6 =	simm.s32 @!p1 $0x1082;
	[sflag:s4] =	ssyncset.s32 $0xFFFFF086  }
0x25: {  	[simem:s6], [sflag:s4] =	dma.local [hbm:s3], $0xF7A  }
0x26: {  	[smem:$0x3F9F] =	sst s1;
	(tag) =	ssettag s2;
	_ =	strace s9  }
0x27: {  	s1 =	sld [smem:$0x3FAF]  }
0x28: {  	s2 =	sld [smem:$0x3FB0]  }
0x29: {  	s4 =	sld [smem:$0x3FB2]  }
0x2a: {  	p0 =	seq.s32 s5, $0x0;
	s5 =	sld [smem:$0x3FB3]  }
0x2b: {  	s6 =	sld [smem:$0x3FB4]  }
0x2c: {  	s7 =	sld [smem:$0x3FB5]  }
0x2d: {  	s3 =	simm.s32 $0x108;
	s8 =	sld [smem:$0x3FB6]  }
0x2e: {  	s3 =	simm.s32 @!p0 $0x1082;
	s9 =	sld [smem:$0x3FB7]  }
0x2f: {  	lr =	sadd.s32 s0, s3;
	s0 =	sld [smem:$0x3FAE]  }
0x30: {  	s3 =	sld [smem:$0x3FB1]  }
0x31: {  	[smem:$0x3FBA] =	sst s10  }
0x32: {  	s10 =	sld [smem:$0x3FB8];
	_ =	sdelay $0x3  }
0x33: {  	p0 =	seq.s32 s10, $0x1;
	s10 =	sld [smem:$0x3FBA];
	_ =	sdelay $0x3  }
0x34: {  	[smem:$0x3FBA] =	sst s10  }
0x35: {  	s10 =	sld [smem:$0x3FB9];
	_ =	sdelay $0x3  }
0x36: {  	p1 =	seq.s32 s10, $0x1;
	s10 =	sld [smem:$0x3FBA];
	_ =	sdelay $0x3  }
0x37: {  	[smem:$0x3FBA] =	sst s10  }
0x38: {  	s10 =	sld [smem:$0x3FBB]  }
0x39: {  	_ = 	snop;
	(pc) =	sbr.ind lr, $3  }
0x3a: {  	_ = 	snop  }
0x3b: {  	_ = 	snop  }
0x3c: {  	p2 =	seq.s32 s10, $0x1;
	s10 =	sld [smem:$0x3FBA]  }
0x3d: {  	_ =	shalt  }
0x3e: {  	_ =	shalt  }
0x3f: {  	_ =	shalt  }
0x40: {  	_ =	shalt  }
0x41: {  	_ =	shalt  }
0x42: {  	_ =	shalt  }
0x43: {  	_ =	shalt  }
0x44: {  	_ =	shalt  }
0x45: {  	_ =	shalt  }
0x46: {  	_ =	shalt  }
0x47: {  	_ =	shalt  }
0x48: {  	_ =	shalt  }
0x49: {  	_ =	shalt  }
0x4a: {  	_ =	shalt  }
0x4b: {  	_ =	shalt  }
0x4c: {  	_ =	shalt  }
0x4d: {  	_ =	shalt  }
0x4e: {  	_ =	shalt  }
0x4f: {  	_ =	shalt  }
0x50: {  	_ =	shalt  }
0x51: {  	_ =	shalt  }
0x52: {  	_ =	shalt  }
0x53: {  	_ =	shalt  }
0x54: {  	_ =	shalt  }
0x55: {  	_ =	shalt  }
0x56: {  	_ =	shalt  }
0x57: {  	_ =	shalt  }
0x58: {  	_ =	shalt  }
0x59: {  	_ =	shalt  }
0x5a: {  	_ =	shalt  }
0x5b: {  	_ =	shalt  }
0x5c: {  	_ =	shalt  }
0x5d: {  	_ =	shalt  }
0x5e: {  	_ =	shalt  }
0x5f: {  	_ =	shalt  }
0x60: {  	_ =	shalt  }
0x61: {  	_ =	shalt  }
0x62: {  	_ =	shalt  }
0x63: {  	_ =	shalt  }
0x64: {  	_ =	shalt  }
0x65: {  	_ =	shalt  }
0x66: {  	_ =	shalt  }
0x67: {  	_ =	shalt  }
0x68: {  	_ =	shalt  }
0x69: {  	_ =	shalt  }
0x6a: {  	_ =	shalt  }
0x6b: {  	_ =	shalt  }
0x6c: {  	_ =	shalt  }
0x6d: {  	_ =	shalt  }
0x6e: {  	_ =	shalt  }
0x6f: {  	_ =	shalt  }
0x70: {  	_ =	shalt  }
0x71: {  	_ =	shalt  }
0x72: {  	_ =	shalt  }
0x73: {  	_ =	shalt  }
0x74: {  	_ =	shalt  }
0x75: {  	_ =	shalt  }
0x76: {  	_ =	shalt  }
0x77: {  	_ =	shalt  }
0x78: {  	_ =	shalt  }
0x79: {  	_ =	shalt  }
0x7a: {  	_ =	shalt  }
0x7b: {  	_ =	shalt  }
0x7c: {  	_ =	shalt  }
0x7d: {  	_ =	shalt  }
0x7e: {  	_ =	shalt  }
0x7f: {  	_ =	shalt  }
0x80: {  	_ =	shalt  }
0x81: {  	_ =	shalt  }
0x82: {  	_ =	shalt  }
0x83: {  	_ =	shalt  }
0x84: {  	_ =	shalt  }
0x85: {  	_ =	shalt  }
0x86: {  	_ =	shalt  }
0x87: {  	_ =	shalt  }
.Lfunc_end0:
.L_simem_size_0:
called_computation_lowered:
.L_overlay_start_0:
0x88: {  	s2 =	sld [smem:$0x3FD9]  }
0x89: {  	s3 =	sld [smem:$0x3FFE];
	_ =	sdelay $0x1  }
0x8a: {  	s1 =	srdreg.scid  }
0x8b: {  	s0 =	sand.u32 $0x1, s1  }
0x8c: {  	s17 =	sshll.u32 s0, $0xA;
	s2 =	sadd.s32 s3, s2  }
0x8d: {  	s2 =	sadd.s32 s2, s17  }
0x8e: {  	[smem:$0x3FC6] =	sst s2  }
0x8f: {  	_ = 	snop  }
0x90: {  	s2 =	sld [smem:$0x3FD0];
	(tm) =	ssettm $0x1  }
0x91: {  	s18 =	sld [smem:$0x3FFB];
	_ =	sdelay $0x3  }
0x92: {  	_ =	strace s18  }
0x93: {  	s3 =	sld [smem:$0x3FFC];
	_ =	sdelay $0x3  }
0x94: {  	_ =	strace s3  }
0x95: {  	s3 =	sld [smem:$0x3FFD];
	_ =	sdelay $0x3  }
0x96: {  	_ =	strace s3  }
0x97: {  	_ =	strace $0x8FFFFFFF  }
0x98: {  	s19 =	sld [smem:$0x3FDB];
	_ =	sdelay $0x1  }
0x99: {  	s4 =	simm.s32 $_scs_section_size  }
0x9a: {  	s5 =	simm.s32 $_size__tile_overlayer_lowered;
	s6 =	simm.s32 $_tile_overlayer_lowered  }
0x9b: {  	s22 =	simm.s32 $0x1BFF;
	s21 =	sshll.u32 s6, $0x1;
	s3 =	sadd.s32 s4, s19  }
0x9c: {  	s7 =	simm.s32 $0x0;
	s20 =	sshll.u32 s5, $0x1;
	s5 =	sadd.s32 s21, s3  }
0x9d: {  	[timem:s7], [sflag:s22] =	dma.local [hbm:s5], s20  }
0x9e: {  	_ =	swait.ge [sflag:s22], s20  }
0x9f: {  	s4 =	ssub.s32 $0x0, s20;
	[sflag:s22] =	ssyncset.done $0x0  }
0xa0: {  	[sflag:s22] =	ssyncadd.s32 s4;
	_ =	sdelay $0x1  }
0xa1: {  	s23 =	simm.s32 $0x1B8B  }
0xa2: {  	_ =	swait.ge [sflag:s23], $0x1  }
0xa3: {  	[sflag:s23] =	ssyncset.done $0x0  }
0xa4: {  	s25 =	simm.s32 $0x1B8E;
	s24 =	sld [smem:$0x3FFE];
	[sflag:s23] =	ssyncadd.s32 $0xFFFFFFFF  }
0xa5: {  	s26 =	simm.s32 $execute0_lowered;
	[smem:$0x3FD2] =	sst s25  }
0xa6: {  	s5 =	sshll.u32 s26, $0x1;
	_ =	strace $0x80000046;
	[dreg:$0x1] =	wrdreg $0xFFFFFFFF  }
0xa7: {  	s28 =	simm.s32 $_size_execute0_lowered;
	s3 =	sadd.s32 s3, s5;
	[dreg:$0x0] =	wrdreg $0x0  }
0xa8: {  	s5 =	sshll.u32 s28, $0x1;
	[dreg:$0x2] =	wrdreg s3  }
0xa9: {  	[dreg:$0x3] =	wrdreg s5  }
0xaa: {  	[dreg:$0x4] =	wrdreg $0xC0  }
0xab: {  	_ =	task [dreg:s7], $0x5FFFF  }
0xac: {  	[dreg:$0x1] =	wrdreg $0xFFFFFFFF  }
0xad: {  	[dreg:$0x0] =	wrdreg $0x60  }
0xae: {  	[dreg:$0x2] =	wrdreg s24  }
0xaf: {  	[dreg:$0x3] =	wrdreg s2  }
0xb0: {  	[dreg:$0x4] =	wrdreg $0x9  }
0xb1: {  	_ =	task.clear_ibuf [dreg:s7], $0x5FFFF;
	_ =	strace $0x90000046  }
0xb2: {  	s29 =	simm.s32 $0x9;
	_ =	strace $0x80000048  }
0xb3: {  	_ =	swait.ge [sflag:s29], $0x1  }
0xb4: {  	[sflag:s29] =	ssyncadd.s32 $0xFFFFFFFF  }
0xb5: {  	_ =	strace $0x90000048  }
0xb6: {  	_ =	sfence  }
0xb7: {  	s30 =	sld [smem:$0x0];
	_ =	sdelay $0x2  }
0xb8: {  	s31 =	sshll.u32 s1, $0xD;
	s1 =	sshrl.u32 s1, $0x2  }
0xb9: {  	s3 =	sand.u32 $0x4000, s31;
	s1 =	sadd.s32 s1, s30  }
0xba: {  	s0 =	sor.u32 s3, s0;
	s1 =	sshll.u32 s1, $0x11  }
0xbb: {  	s0 =	sor.u32 s1, s0  }
0xbc: {  	s0 =	sadd.s32 $0x8F2B, s0  }
0xbd: {  	[sflag:s0] =	ssyncadd.remote.s32 $0x1  }
0xbe: {  	_ =	sfence.sel $0xFFFF  }
0xbf: {  	[dreg:$0x0] =	wrdreg $0xFFFFFFFF;
	(pc) =	sbr.abs _section_cstart, $3  }
0xc0: {  	[dreg:$0x1] =	wrdreg $0xFFFFFFFF  }
0xc1: {  	_ =	task.clear_ibuf [dreg:s7], $0x2FFFF;
	_ =	strace $0x9FFFFFFF  }
0xc2: {  	(tm) =	ssettm $0x7FFFFFFF  }
0xc3: {  	_ =	shalt  }
tec
execute0_lowered:
.L_overlay_start_1:
0x0: {  	(tag) =	ssettag $0x1  }
0x1: {  	s0 =	rddreg [dreg:$0x0];
	s1 =	srdreg.scid  }
0x2: {  	s2 =	stileid.u32;
	s9 =	rddreg [dreg:$0x1]  }
0x3: {  	s3 =	simm.s32 $0x0;
	s29 =	simm.s32 $0x10C00;
	s30 =	simm.s32 $0x11D00  }
0x4: {  	s31 =	simm.s32 $0x12E00;
	s1 =	sand.u32 $0x1, s1;
	s2 =	sshll.u32 s2, $0x1  }
0x5: {  	s15 =	simm.s32 $0x15000;
	s16 =	simm.s32 $0x16100;
	s2 =	sor.u32 s1, s2  }
0x6: {  	s28 =	simm.s32 $0x200;
	[smem:$0x7FF] =	sst s3;
	s6 =	smul.u32 $0x3200, s2  }
0x7: {  	s4 =	sadd.s32 $0x600, s0;
	s1 =	ssub.s32 $0x2, s1;
	s5 =	smul.u32 $0xC8, s2  }
0x8: {  	s7 =	sadd.s32 $0xF42A00, s0;
	_ =	strace $0x80000047;
	s8 =	sshrl.u32 s1, $0x1  }
0x9: {  	s18 =	ssub.s32 s1, s8;
	s17 =	sadd.s32 s4, s6;
	s22 =	sadd.s32 $0xC7, s5  }
0xa: {  	s23 =	sadd.s32 $0xC6, s5;
	s0 =	smax.u32 s18, $0x1;
	[dreg:$0x3] =	wrdreg s17  }
0xb: {  	s19 =	sadd.s32 $0x40, s17;
	s20 =	sadd.s32 $0x80, s17;
	[dreg:$0x9] =	wrdreg s0  }
0xc: {  	s21 =	sadd.s32 $0xC0, s17;
	s24 =	sshll.u32 s22, $0xB;
	[dreg:$0x4] =	wrdreg s19  }
0xd: {  	v0 =	vlaneseq.u32;
	s1 =	sshll.u32 s22, $0x6;
	s25 =	sshll.u32 s23, $0x6;
	[dreg:$0x5] =	wrdreg s20  }
0xe: {  	v1 =	vimm.s32 $0x0;
	vm0 =	vcmask $0x300;
	v0 =	vmul.u32 $0x88, v0;
	s2 =	sshll.u32 s23, $0xB;
	s23 =	simm.s32 $0xC800;
	[dreg:$0x6] =	wrdreg s21  }
0xf: {  	v1 =	vsel vm0, $0x3, v1;
	s6 =	sand.u32 $0x1F80000, s24;
	s1 =	sand.u32 $0x3F80, s1;
	s8 =	sand.u32 $0x3F80, s25  }
0x10: {  	v2 =	vadd.s32 $0x880, v0;
	v3 =	vor.u32 $0x1, v0;
	v4 =	vadd.s32 $0x881, v0;
	s2 =	sand.u32 $0x1F80000, s2;
	s24 =	simm.s32 $0xD900;
	s25 =	simm.s32 $0xEA00  }
0x11: {  	v5 =	vor.u32 $0x2, v0;
	v6 =	vadd.s32 $0x882, v0;
	v7 =	vor.u32 $0x3, v0;
	s1 =	sor.u32 s1, s6;
	s26 =	sadd.s32 s9, s8;
	s8 =	simm.s32 $0x17200  }
0x12: {  	v8 =	vadd.s32 $0x883, v0;
	v9 =	vor.u32 $0x4, v0;
	v10 =	vadd.s32 $0x884, v0;
	s1 =	sadd.s32 s1, s9;
	s2 =	sadd.s32 s2, s26;
	s26 =	simm.s32 $0xFB00  }
0x13: {  	v11 =	vor.u32 $0x5, v0;
	v12 =	vadd.s32 $0x885, v0;
	v13 =	vor.u32 $0x6, v0;
	s9 =	simm.s32 $0x18300;
	[dreg:$0x7] =	wrdreg s2;
	s1 =	sadd.s32 $0x40000, s1  }
0x14: {  	v14 =	vadd.s32 $0x886, v0;
	v15 =	vor.u32 $0x7, v0;
	v16 =	vadd.s32 $0x887, v0;
	s2 =	simm.s32 $0x0;
	[dreg:$0x8] =	wrdreg s1;
	s1 =	simm.s32 $0x13F00  }
.LBB2_1:
0x15: {  	[dreg:$0xa] =	wrdreg s2  }
0x16: {  	s0 =	rddreg [dreg:$0x3]  }
0x17: {  	[tilespmem:s3], [sflag:$0x1] =	stream.linear.gather [hbm4b:s0+s3], $0x200, $0x38;
	[tilespmem:$0x19400] =	vst v63  }
0x18: {  	s12 =	rddreg [dreg:$0x4];
	s13 =	simm.s32 $0x200  }
0x19: {  	[tilespmem:s13], [sflag:$0x2] =	stream.linear.gather [hbm4b:s12+s3], $0x200, $0x38;
	[tilespmem:$0x19400] =	vst v63  }
0x1a: {  	s14 =	rddreg [dreg:$0x5];
	s6 =	simm.s32 $0x400  }
0x1b: {  	[tilespmem:s6], [sflag:$0x3] =	stream.linear.gather [hbm4b:s14+s3], $0x200, $0x38;
	[tilespmem:$0x19400] =	vst v63  }
0x1c: {  	s17 =	rddreg [dreg:$0x6];
	s18 =	simm.s32 $0x600;
	s19 =	simm.s32 $0x1  }
0x1d: {  	[tilespmem:s18], [sflag:$0x4] =	stream.linear.gather [hbm4b:s17+s3], $0x200, $0x38;
	[tilespmem:$0x19400] =	vst v63  }
0x1e: {  	_ =	swait.ge [sflag:s19], $0x200  }
0x1f: {  	[sflag:s19] =	ssyncset.done $0x0  }
0x20: {  	s20 =	simm.s32 $0x800;
	s21 =	simm.s32 $0x2;
	[sflag:s19] =	ssyncadd.s32 $0xFFFFFE00  }
0x21: {  	[tilespmem:s20], [sflag:$0x5] =	stream.indirect.gather [hbm4b:s7+s13], $0x20, s3, s13, $0xb8;
	[tilespmem:$0x19400] =	vst v63  }
0x22: {  	_ =	swait.ge [sflag:s21], $0x200  }
0x23: {  	[sflag:s21] =	ssyncset.done $0x0  }
0x24: {  	s22 =	simm.s32 $0x4800;
	s19 =	simm.s32 $0x0;
	[sflag:s21] =	ssyncadd.s32 $0xFFFFFE00  }
0x25: {  	[tilespmem:s22], [sflag:$0x6] =	stream.indirect.gather [hbm4b:s7+s13], $0x20, s13, s13, $0xb8;
	[tilespmem:$0x19400] =	vst v63  }
.LBB2_2:
0x26: {  	s22 =	smul.u32 $0x3, s19;
	s6 =	simm.s32 $0x5;
	s2 =	sshll.u32 s19, $0x6  }
0x27: {  	s14 =	simm.s32 $0x0;
	s20 =	simm.s32 $0x1;
	p0 =	seq.s32 s19, $0x0  }
0x28: {  	_ =	swait.ge [sflag:s6], $0x4000;
	s2 =	sand.u32 $0x40, s2;
	v17 =	vmov s14;
	s14 =	simm.s32 $0x3  }
0x29: {  	v18 =	vmov s20;
	s20 =	simm.s32 $0x4;
	s18 =	sadd.s32 s5, s22;
	[sflag:s6] =	ssyncset.done $0x0  }
0x2a: {  	s10 =	sand.u32 $0x3, s22;
	s13 =	sadd.s32 s4, s2;
	s0 =	sshll.u32 s18, $0x6  }
0x2b: {  	s12 =	sadd.s32 $0x2, s22;
	[sflag:s6] =	ssyncadd.s32 $0xFFFFC000;
	s0 =	sadd.s32 $0x100, s0  }
0x2c: {  	s6 =	sshll.u32 s10, $0x9;
	s21 =	sand.u32 $0x3, s12;
	s0 =	sand.u32 $0xFFFFF80, s0  }
0x2d: {  	s10 =	sadd.s32 $0x1, s10;
	s17 =	sadd.s32 $0x1, s21;
	s0 =	sadd.s32 s0, s13  }
0x2e: {  	[tilespmem:s6], [sflag:s10] =	stream.linear.gather [hbm4b:s0+s3], $0x200, $0x38;
	[tilespmem:$0x19400] =	vst v63  }
0x2f: {  	s2 =	simm.s32 $0x8800;
	v20 =	vmov s14;
	s14 =	simm.s32 $0x5;
	_ =	swait.ge [sflag:s17], $0x200  }
0x30: {  	s11 =	sshll.u32 s21, $0x9;
	s21 =	simm.s32 $0x2;
	[sflag:s17] =	ssyncset.done $0x0  }
0x31: {  	v17 =	vshrl.u32 v17, $0x3;
	v21 =	vmov s20;
	s20 =	simm.s32 $0x6;
	v19 =	vmov s21;
	s21 =	simm.s32 $0x7;
	[sflag:s17] =	ssyncadd.s32 $0xFFFFFE00  }
0x32: {  	v18 =	vshrl.u32 v18, $0x3;
	v23 =	vmov s14;
	v22 =	vmov s21;
	[tilespmem:s2], [sflag:$0x7] =	stream.indirect.gather [hbm4b:s7+s28], $0x20, s11, s28, $0xb8;
	[tilespmem:$0x19400] =	vst v63  }
0x33: {  	v24 =	vmov s20;
	v17 =	vshll.u32 v17, v1;
	v22 =	vshrl.u32 v22, $0x3;
	s2 =	simm.s32 @!p0 $0x8  }
0x34: {  	v20 =	vshrl.u32 v20, $0x3;
	v28 =	vbroadcast v17, $0x0;
	v22 =	vshll.u32 v22, v1;
	_ =	swait.ge @!p0 [sflag:s2], $0x4000  }
0x35: {  	v17 =	vshll.u32 v18, v1;
	v18 =	vshrl.u32 v21, $0x3;
	v22 =	vbroadcast v22, $0x0;
	[sflag:s2] =	ssyncset.done @!p0 $0x0  }
0x36: {  	s20 =	simm.s32 $0x2800;
	v20 =	vshll.u32 v20, v1;
	v23 =	vshrl.u32 v23, $0x3;
	v19 =	vshrl.u32 v19, $0x3;
	[sflag:s2] =	ssyncadd.s32 @!p0 $0xFFFFC000  }
0x37: {  	v21 =	vbroadcast v17, $0x0;
	v19 =	vshll.u32 v19, v1;
	v29 =	vadd.s32 v15, v22;
	v25 =	vld [tilespmem:s20+$0xFFFFE0E0]  }
0x38: {  	v24 =	vshrl.u32 v24, $0x3;
	v17 =	vadd.s32 v0, v28;
	v19 =	vbroadcast v19, $0x0;
	v26 =	vld [tilespmem:s20+$0xFFFFE000]  }
0x39: {  	v20 =	vbroadcast v20, $0x0;
	v18 =	vshll.u32 v18, v1;
	v31 =	vadd.s32 v3, v21;
	v30 =	vld [tilespmem:s20+$0xFFFFE020]  }
0x3a: {  	v23 =	vshll.u32 v23, v1;
	v18 =	vbroadcast v18, $0x0;
	v33 =	vadd.s32 v5, v19;
	v32 =	vld [tilespmem:s20+$0xFFFFE040]  }
0x3b: {  	v37 =	vbroadcast v23, $0x0;
	v23 =	vshll.u32 v24, v1;
	v35 =	vadd.s32 v7, v20;
	v34 =	vld [tilespmem:s20+$0xFFFFE060]  }
0x3c: {  	v38 =	vbroadcast v23, $0x0;
	v27 =	vadd.s32 v9, v18;
	v36 =	vld [tilespmem:s20+$0xFFFFE080];
	[tilespmem:v29+s23+$0x0] =	vst.idx.msk $0xffff, v25  }
0x3d: {  	v40 =	vadd.s32 v16, v22;
	v22 =	vld [tilespmem:s20+$0xFFFFE0A0];
	[tilespmem:v17+s23+$0x0] =	vst.idx.msk $0xffff, v26;
	v26 =	vadd.s32 v11, v37  }
0x3e: {  	[tilespmem:v31+s23+$0x0] =	vst.idx.msk $0xffff, v30;
	v30 =	vld [tilespmem:s20+$0xFFFFE0C0];
	v25 =	vadd.s32 v13, v38  }
0x3f: {  	[tilespmem:v33+s23+$0x0] =	vst.idx.msk $0xffff, v32;
	v39 =	vld [tilespmem:s20+$0xFFFFE0F0]  }
0x40: {  	v24 =	vadd.s32 v4, v21;
	[tilespmem:v35+s23+$0x0] =	vst.idx.msk $0xffff, v34;
	v61 =	vld [tilespmem:s20+$0xFFFFE030]  }
0x41: {  	v23 =	vadd.s32 v6, v19;
	[tilespmem:v27+s23+$0x0] =	vst.idx.msk $0xffff, v36;
	v62 =	vld [tilespmem:s20+$0xFFFFE050]  }
0x42: {  	v21 =	vadd.s32 v8, v20;
	v63 =	vld [tilespmem:s20+$0xFFFFE070];
	[tilespmem:v26+s23+$0x0] =	vst.idx.msk $0xffff, v22  }
0x43: {  	v41 =	vld [tilespmem:s20+$0xFFFFE090];
	v22 =	vadd.s32 v10, v18;
	[tilespmem:v25+s23+$0x0] =	vst.idx.msk $0xffff, v30  }
0x44: {  	v20 =	vadd.s32 v12, v37;
	[tilespmem:v40+s23+$0x0] =	vst.idx.msk $0xffff, v39;
	v30 =	vld [tilespmem:s20+$0xFFFFE0B0]  }
0x45: {  	[tilespmem:v24+s23+$0x0] =	vst.idx.msk $0xffff, v61;
	v39 =	vld [tilespmem:s20+$0xFFFFF0E0]  }
0x46: {  	v44 =	vld [tilespmem:s20+$0xFFFFE010];
	v18 =	vadd.s32 v2, v28;
	[tilespmem:v23+s23+$0x0] =	vst.idx.msk $0xffff, v62  }
0x47: {  	v19 =	vadd.s32 v14, v38;
	v43 =	vld [tilespmem:s20+$0xFFFFE0D0];
	[tilespmem:v21+s23+$0x0] =	vst.idx.msk $0xffff, v63  }
0x48: {  	v28 =	vld [tilespmem:s20+$0xFFFFF020];
	[tilespmem:v22+s23+$0x0] =	vst.idx.msk $0xffff, v41  }
0x49: {  	v46 =	vld [tilespmem:s20+$0xFFFFF040];
	[tilespmem:v20+s23+$0x0] =	vst.idx.msk $0xffff, v30  }
0x4a: {  	v30 =	vld [tilespmem:s20+$0xFFFFF060];
	[tilespmem:v29+s24+$0x0] =	vst.idx.msk $0xffff, v39  }
0x4b: {  	[tilespmem:v18+s23+$0x0] =	vst.idx.msk $0xffff, v44;
	v45 =	vld [tilespmem:s20+$0xFFFFF0F0]  }
0x4c: {  	[tilespmem:v19+s23+$0x0] =	vst.idx.msk $0xffff, v43;
	v47 =	vld [tilespmem:s20+$0xFFFFF080]  }
0x4d: {  	v49 =	vld [tilespmem:s20+$0xFFFFF000];
	[tilespmem:v31+s24+$0x0] =	vst.idx.msk $0xffff, v28  }
0x4e: {  	v28 =	vld [tilespmem:s20+$0xFFFFF0A0];
	[tilespmem:v33+s24+$0x0] =	vst.idx.msk $0xffff, v46  }
0x4f: {  	v48 =	vld [tilespmem:s20+$0xFFFFF0C0];
	[tilespmem:v35+s24+$0x0] =	vst.idx.msk $0xffff, v30  }
0x50: {  	v50 =	vld [tilespmem:s20+$0xFFFFF050];
	[tilespmem:v40+s24+$0x0] =	vst.idx.msk $0xffff, v45  }
0x51: {  	[tilespmem:v27+s24+$0x0] =	vst.idx.msk $0xffff, v47;
	v36 =	vld [tilespmem:s20+$0xE0]  }
0x52: {  	v30 =	vld [tilespmem:s20+$0xFFFFF030];
	[tilespmem:v17+s24+$0x0] =	vst.idx.msk $0xffff, v49  }
0x53: {  	[tilespmem:v26+s24+$0x0] =	vst.idx.msk $0xffff, v28;
	v28 =	vld [tilespmem:s20+$0xFFFFF070]  }
0x54: {  	[tilespmem:v25+s24+$0x0] =	vst.idx.msk $0xffff, v48;
	v51 =	vld [tilespmem:s20+$0xFFFFF090]  }
0x55: {  	v37 =	vld [tilespmem:s20+$0xFFFFF010];
	[tilespmem:v23+s24+$0x0] =	vst.idx.msk $0xffff, v50  }
0x56: {  	v52 =	vld [tilespmem:s20+$0xFFFFF0D0];
	[tilespmem:v29+s25+$0x0] =	vst.idx.msk $0xffff, v36  }
0x57: {  	[tilespmem:v24+s24+$0x0] =	vst.idx.msk $0xffff, v30;
	v36 =	vld [tilespmem:s20+$0xF0]  }
0x58: {  	v30 =	vld [tilespmem:s20+$0xFFFFF0B0];
	[tilespmem:v21+s24+$0x0] =	vst.idx.msk $0xffff, v28  }
0x59: {  	v53 =	vld [tilespmem:s20+$0x40];
	[tilespmem:v22+s24+$0x0] =	vst.idx.msk $0xffff, v51  }
0x5a: {  	v28 =	vld [tilespmem:s20+$0x20];
	[tilespmem:v18+s24+$0x0] =	vst.idx.msk $0xffff, v37  }
0x5b: {  	v54 =	vld [tilespmem:s20+$0x60];
	[tilespmem:v19+s24+$0x0] =	vst.idx.msk $0xffff, v52  }
0x5c: {  	v55 =	vld [tilespmem:s20+$0x80];
	[tilespmem:v40+s25+$0x0] =	vst.idx.msk $0xffff, v36  }
0x5d: {  	[tilespmem:v20+s24+$0x0] =	vst.idx.msk $0xffff, v30;
	v30 =	vld [tilespmem:s20+$0x10E0]  }
0x5e: {  	v37 =	vld [tilespmem:s20+$0x0];
	[tilespmem:v33+s25+$0x0] =	vst.idx.msk $0xffff, v53  }
0x5f: {  	v56 =	vld [tilespmem:s20+$0xC0];
	[tilespmem:v31+s25+$0x0] =	vst.idx.msk $0xffff, v28  }
0x60: {  	v28 =	vld [tilespmem:s20+$0xA0];
	[tilespmem:v35+s25+$0x0] =	vst.idx.msk $0xffff, v54  }
0x61: {  	v57 =	vld [tilespmem:s20+$0x50];
	[tilespmem:v27+s25+$0x0] =	vst.idx.msk $0xffff, v55  }
0x62: {  	[tilespmem:v29+s26+$0x0] =	vst.idx.msk $0xffff, v30;
	v30 =	vld [tilespmem:s20+$0x30]  }
0x63: {  	[tilespmem:v17+s25+$0x0] =	vst.idx.msk $0xffff, v37;
	v29 =	vld [tilespmem:s20+$0x10F0]  }
0x64: {  	[tilespmem:v25+s25+$0x0] =	vst.idx.msk $0xffff, v56;
	v58 =	vld [tilespmem:s20+$0x90]  }
0x65: {  	[tilespmem:v26+s25+$0x0] =	vst.idx.msk $0xffff, v28;
	v28 =	vld [tilespmem:s20+$0x70]  }
0x66: {  	[tilespmem:v23+s25+$0x0] =	vst.idx.msk $0xffff, v57;
	v59 =	vld [tilespmem:s20+$0xB0]  }
0x67: {  	[tilespmem:v24+s25+$0x0] =	vst.idx.msk $0xffff, v30;
	v30 =	vld [tilespmem:s20+$0x10]  }
0x68: {  	[tilespmem:v40+s26+$0x0] =	vst.idx.msk $0xffff, v29;
	v29 =	vld [tilespmem:s20+$0xD0]  }
0x69: {  	[tilespmem:v22+s25+$0x0] =	vst.idx.msk $0xffff, v58;
	v60 =	vld [tilespmem:s20+$0x1020]  }
0x6a: {  	v61 =	vld [tilespmem:s20+$0x1040];
	[tilespmem:v21+s25+$0x0] =	vst.idx.msk $0xffff, v28  }
0x6b: {  	v63 =	vld [tilespmem:s20+$0x1080];
	[tilespmem:v20+s25+$0x0] =	vst.idx.msk $0xffff, v59  }
0x6c: {  	v62 =	vld [tilespmem:s20+$0x1060];
	[tilespmem:v18+s25+$0x0] =	vst.idx.msk $0xffff, v30  }
0x6d: {  	v32 =	vld [tilespmem:s20+$0x10A0];
	[tilespmem:v19+s25+$0x0] =	vst.idx.msk $0xffff, v29  }
0x6e: {  	[tilespmem:v31+s26+$0x0] =	vst.idx.msk $0xffff, v60;
	v31 =	vld [tilespmem:s20+$0x10C0]  }
0x6f: {  	s14 =	simm.s32 $0xA;
	s21 =	simm.s32 $0x9;
	[tilespmem:v33+s26+$0x0] =	vst.idx.msk $0xffff, v61;
	v28 =	vld [tilespmem:s20+$0x1000]  }
0x70: {  	s2 =	simm.s32 $0x8;
	v34 =	vmov s14;
	v33 =	vmov s21;
	s21 =	simm.s32 $0xB;
	[tilespmem:v27+s26+$0x0] =	vst.idx.msk $0xffff, v63;
	v30 =	vld [tilespmem:s20+$0x1030]  }
0x71: {  	s0 =	simm.s32 $0x10;
	s14 =	simm.s32 $0xF;
	v36 =	vmov s2;
	[tilespmem:v35+s26+$0x0] =	vst.idx.msk $0xffff, v62;
	v35 =	vmov s21;
	s21 =	simm.s32 $0xC;
	v29 =	vld [tilespmem:s20+$0x1050]  }
.LBB2_3:
0x72: {  	p1 =	slt.u32 s0, $0x78;
	v27 =	vshrl.u32 v36, $0x3;
	v36 =	vmov s21;
	s21 =	sadd.s32 $0x5, s2;
	s2 =	sadd.s32 $0x6, s2;
	v37 =	vmov s14;
	v38 =	vld [tilespmem:s20+$0x1070];
	[tilespmem:v26+s26+$0x0] =	vst.idx.msk $0xffff, v32  }
0x73: {  	v26 =	vmov s21;
	v32 =	vmov s2;
	v37 =	vshrl.u32 v37, $0x3;
	v39 =	vld [tilespmem:s20+$0x1090];
	[tilespmem:v25+s26+$0x0] =	vst.idx.msk $0xffff, v31;
	s2 =	smov.u32 s0  }
0x74: {  	v25 =	vshll.u32 v27, v1;
	v27 =	vshrl.u32 v33, $0x3;
	v31 =	vshll.u32 v37, v1;
	[tilespmem:v17+s26+$0x0] =	vst.idx.msk $0xffff, v28;
	v33 =	vld [tilespmem:s20+$0x10B0]  }
0x75: {  	v17 =	vshrl.u32 v34, $0x3;
	v28 =	vshrl.u32 v35, $0x3;
	v34 =	vbroadcast v31, $0x0;
	[tilespmem:v24+s26+$0x0] =	vst.idx.msk $0xffff, v30;
	v24 =	vld [tilespmem:s20+$0x10D0]  }
0x76: {  	v35 =	vbroadcast v25, $0x0;
	v25 =	vshll.u32 v27, v1;
	v27 =	vshrl.u32 v36, $0x3;
	v36 =	vld [tilespmem:s20+$0x1010];
	[tilespmem:v23+s26+$0x0] =	vst.idx.msk $0xffff, v29;
	s20 =	sadd.s32 $0x100, s20  }
0x77: {  	v23 =	vbroadcast v25, $0x0;
	v25 =	vshll.u32 v17, v1;
	v37 =	vld [tilespmem:s20+$0xFFFFE0E0];
	v31 =	vadd.s32 v15, v34;
	[tilespmem:v21+s26+$0x0] =	vst.idx.msk $0xffff, v38  }
0x78: {  	v17 =	vadd.s32 v0, v35;
	v38 =	vbroadcast v25, $0x0;
	v25 =	vshll.u32 v28, v1;
	v21 =	vld [tilespmem:s20+$0xFFFFE000];
	[tilespmem:v22+s26+$0x0] =	vst.idx.msk $0xffff, v39  }
0x79: {  	v28 =	vadd.s32 v3, v23;
	v39 =	vbroadcast v25, $0x0;
	v25 =	vshll.u32 v27, v1;
	v22 =	vld [tilespmem:s20+$0xFFFFE020];
	[tilespmem:v20+s26+$0x0] =	vst.idx.msk $0xffff, v33  }
0x7a: {  	v30 =	vadd.s32 v5, v38;
	v33 =	vbroadcast v25, $0x0;
	v25 =	vshrl.u32 v26, $0x3;
	v20 =	vld [tilespmem:s20+$0xFFFFE040];
	[tilespmem:v19+s26+$0x0] =	vst.idx.msk $0xffff, v24  }
0x7b: {  	v29 =	vadd.s32 v7, v39;
	v24 =	vshll.u32 v25, v1;
	v25 =	vshrl.u32 v32, $0x3;
	v19 =	vld [tilespmem:s20+$0xFFFFE060];
	[tilespmem:v18+s26+$0x0] =	vst.idx.msk $0xffff, v36  }
0x7c: {  	v27 =	vadd.s32 v9, v33;
	v36 =	vbroadcast v24, $0x0;
	v24 =	vshll.u32 v25, v1;
	v18 =	vld [tilespmem:s20+$0xFFFFE080];
	[tilespmem:v31+s23+$0x0] =	vst.idx.msk $0xffff, v37  }
0x7d: {  	v32 =	vadd.s32 v16, v34;
	v37 =	vbroadcast v24, $0x0;
	[tilespmem:v17+s23+$0x0] =	vst.idx.msk $0xffff, v21;
	v40 =	vld [tilespmem:s20+$0xFFFFE0F0]  }
0x7e: {  	v26 =	vadd.s32 v11, v36;
	[tilespmem:v28+s23+$0x0] =	vst.idx.msk $0xffff, v22;
	v22 =	vld [tilespmem:s20+$0xFFFFE0A0]  }
0x7f: {  	v25 =	vadd.s32 v13, v37;
	[tilespmem:v30+s23+$0x0] =	vst.idx.msk $0xffff, v20;
	v20 =	vld [tilespmem:s20+$0xFFFFE0C0]  }
0x80: {  	v24 =	vadd.s32 v4, v23;
	v34 =	vld [tilespmem:s20+$0xFFFFE030];
	[tilespmem:v29+s23+$0x0] =	vst.idx.msk $0xffff, v19  }
0x81: {  	v23 =	vadd.s32 v6, v38;
	v19 =	vld [tilespmem:s20+$0xFFFFE050];
	[tilespmem:v27+s23+$0x0] =	vst.idx.msk $0xffff, v18  }
0x82: {  	v21 =	vadd.s32 v8, v39;
	v38 =	vld [tilespmem:s20+$0xFFFFE070];
	[tilespmem:v32+s23+$0x0] =	vst.idx.msk $0xffff, v40  }
0x83: {  	[tilespmem:v26+s23+$0x0] =	vst.idx.msk $0xffff, v22;
	v39 =	vld [tilespmem:s20+$0xFFFFF0E0]  }
0x84: {  	v22 =	vadd.s32 v10, v33;
	v40 =	vld [tilespmem:s20+$0xFFFFE090];
	[tilespmem:v25+s23+$0x0] =	vst.idx.msk $0xffff, v20  }
0x85: {  	v20 =	vadd.s32 v12, v36;
	[tilespmem:v24+s23+$0x0] =	vst.idx.msk $0xffff, v34;
	v33 =	vld [tilespmem:s20+$0xFFFFE0B0]  }
0x86: {  	[tilespmem:v23+s23+$0x0] =	vst.idx.msk $0xffff, v19;
	v34 =	vld [tilespmem:s20+$0xFFFFE0D0];
	v19 =	vadd.s32 v14, v37  }
0x87: {  	v18 =	vadd.s32 v2, v35;
	v36 =	vld [tilespmem:s20+$0xFFFFE010];
	[tilespmem:v21+s23+$0x0] =	vst.idx.msk $0xffff, v38  }
0x88: {  	v35 =	vld [tilespmem:s20+$0xFFFFF020];
	[tilespmem:v31+s24+$0x0] =	vst.idx.msk $0xffff, v39  }
0x89: {  	[tilespmem:v22+s23+$0x0] =	vst.idx.msk $0xffff, v40;
	v37 =	vld [tilespmem:s20+$0xFFFFF0F0]  }
0x8a: {  	v38 =	vld [tilespmem:s20+$0xFFFFF040];
	[tilespmem:v20+s23+$0x0] =	vst.idx.msk $0xffff, v33  }
0x8b: {  	v33 =	vld [tilespmem:s20+$0xFFFFF060];
	[tilespmem:v19+s23+$0x0] =	vst.idx.msk $0xffff, v34  }
0x8c: {  	[tilespmem:v18+s23+$0x0] =	vst.idx.msk $0xffff, v36;
	v34 =	vld [tilespmem:s20+$0xFFFFF080]  }
0x8d: {  	[tilespmem:v28+s24+$0x0] =	vst.idx.msk $0xffff, v35;
	v35 =	vld [tilespmem:s20+$0xFFFFF0A0]  }
0x8e: {  	v36 =	vld [tilespmem:s20+$0xFFFFF0C0];
	[tilespmem:v32+s24+$0x0] =	vst.idx.msk $0xffff, v37  }
0x8f: {  	[tilespmem:v30+s24+$0x0] =	vst.idx.msk $0xffff, v38;
	v37 =	vld [tilespmem:s20+$0xE0]  }
0x90: {  	v38 =	vld [tilespmem:s20+$0xFFFFF000];
	[tilespmem:v29+s24+$0x0] =	vst.idx.msk $0xffff, v33  }
0x91: {  	v33 =	vld [tilespmem:s20+$0xFFFFF030];
	[tilespmem:v27+s24+$0x0] =	vst.idx.msk $0xffff, v34  }
0x92: {  	v34 =	vld [tilespmem:s20+$0xFFFFF050];
	[tilespmem:v26+s24+$0x0] =	vst.idx.msk $0xffff, v35  }
0x93: {  	v35 =	vld [tilespmem:s20+$0xFFFFF070];
	[tilespmem:v25+s24+$0x0] =	vst.idx.msk $0xffff, v36  }
0x94: {  	v36 =	vld [tilespmem:s20+$0xFFFFF090];
	[tilespmem:v31+s25+$0x0] =	vst.idx.msk $0xffff, v37  }
0x95: {  	[tilespmem:v17+s24+$0x0] =	vst.idx.msk $0xffff, v38;
	v37 =	vld [tilespmem:s20+$0xF0]  }
0x96: {  	[tilespmem:v24+s24+$0x0] =	vst.idx.msk $0xffff, v33;
	v33 =	vld [tilespmem:s20+$0xFFFFF0B0]  }
0x97: {  	[tilespmem:v23+s24+$0x0] =	vst.idx.msk $0xffff, v34;
	v34 =	vld [tilespmem:s20+$0xFFFFF0D0]  }
0x98: {  	v38 =	vld [tilespmem:s20+$0xFFFFF010];
	[tilespmem:v21+s24+$0x0] =	vst.idx.msk $0xffff, v35  }
0x99: {  	v35 =	vld [tilespmem:s20+$0x20];
	[tilespmem:v22+s24+$0x0] =	vst.idx.msk $0xffff, v36  }
0x9a: {  	v36 =	vld [tilespmem:s20+$0x40];
	[tilespmem:v32+s25+$0x0] =	vst.idx.msk $0xffff, v37  }
0x9b: {  	[tilespmem:v20+s24+$0x0] =	vst.idx.msk $0xffff, v33;
	v33 =	vld [tilespmem:s20+$0x10E0]  }
0x9c: {  	v37 =	vld [tilespmem:s20+$0x60];
	[tilespmem:v19+s24+$0x0] =	vst.idx.msk $0xffff, v34  }
0x9d: {  	[tilespmem:v18+s24+$0x0] =	vst.idx.msk $0xffff, v38;
	v34 =	vld [tilespmem:s20+$0x80]  }
0x9e: {  	[tilespmem:v28+s25+$0x0] =	vst.idx.msk $0xffff, v35;
	v35 =	vld [tilespmem:s20+$0xA0]  }
0x9f: {  	[tilespmem:v30+s25+$0x0] =	vst.idx.msk $0xffff, v36;
	v36 =	vld [tilespmem:s20+$0xC0]  }
0xa0: {  	v38 =	vld [tilespmem:s20+$0x0];
	[tilespmem:v31+s26+$0x0] =	vst.idx.msk $0xffff, v33  }
0xa1: {  	[tilespmem:v29+s25+$0x0] =	vst.idx.msk $0xffff, v37;
	v31 =	vld [tilespmem:s20+$0x10F0]  }
0xa2: {  	v33 =	vld [tilespmem:s20+$0x30];
	[tilespmem:v27+s25+$0x0] =	vst.idx.msk $0xffff, v34  }
0xa3: {  	v34 =	vld [tilespmem:s20+$0x50];
	[tilespmem:v26+s25+$0x0] =	vst.idx.msk $0xffff, v35  }
0xa4: {  	v35 =	vld [tilespmem:s20+$0x70];
	[tilespmem:v25+s25+$0x0] =	vst.idx.msk $0xffff, v36  }
0xa5: {  	[tilespmem:v17+s25+$0x0] =	vst.idx.msk $0xffff, v38;
	v36 =	vld [tilespmem:s20+$0x90]  }
0xa6: {  	v37 =	vld [tilespmem:s20+$0xB0];
	[tilespmem:v32+s26+$0x0] =	vst.idx.msk $0xffff, v31  }
0xa7: {  	[tilespmem:v24+s25+$0x0] =	vst.idx.msk $0xffff, v33;
	v31 =	vld [tilespmem:s20+$0xD0]  }
0xa8: {  	v32 =	vld [tilespmem:s20+$0x10];
	[tilespmem:v23+s25+$0x0] =	vst.idx.msk $0xffff, v34  }
0xa9: {  	v33 =	vld [tilespmem:s20+$0x1020];
	[tilespmem:v21+s25+$0x0] =	vst.idx.msk $0xffff, v35  }
0xaa: {  	v34 =	vld [tilespmem:s20+$0x1040];
	[tilespmem:v22+s25+$0x0] =	vst.idx.msk $0xffff, v36  }
0xab: {  	v35 =	vld [tilespmem:s20+$0x1060];
	[tilespmem:v20+s25+$0x0] =	vst.idx.msk $0xffff, v37  }
0xac: {  	v37 =	vld [tilespmem:s20+$0x1080];
	[tilespmem:v19+s25+$0x0] =	vst.idx.msk $0xffff, v31  }
.Ltmp0:
0xad: {  	[tilespmem:v18+s25+$0x0] =	vst.idx.msk $0xffff, v32;
	v32 =	vld [tilespmem:s20+$0x10A0];
	(pc) =	sbr.rel @p1 .LBB2_3-.Ltmp0, $4  }
0xae: {  	[tilespmem:v28+s26+$0x0] =	vst.idx.msk $0xffff, v33;
	v31 =	vld [tilespmem:s20+$0x10C0]  }
0xaf: {  	s14 =	sadd.s32 $0x1, s0;
	v28 =	vld [tilespmem:s20+$0x1000];
	[tilespmem:v30+s26+$0x0] =	vst.idx.msk $0xffff, v34  }
0xb0: {  	s21 =	sadd.s32 $0x3, s0;
	v36 =	vmov s0;
	v33 =	vmov s14;
	s14 =	sadd.s32 $0x2, s0;
	v30 =	vld [tilespmem:s20+$0x1030];
	[tilespmem:v29+s26+$0x0] =	vst.idx.msk $0xffff, v35  }
0xb1: {  	s0 =	sadd.s32 $0x8, s0;
	v34 =	vmov s14;
	s14 =	sadd.s32 $0x7, s2;
	v35 =	vmov s21;
	s21 =	sadd.s32 $0x4, s2;
	v29 =	vld [tilespmem:s20+$0x1050];
	[tilespmem:v27+s26+$0x0] =	vst.idx.msk $0xffff, v37  }
0xb2: {  	_ =	sdelay $0x2  }
0xb3: {  	v27 =	vshrl.u32 v36, $0x3;
	v61 =	vmov s21  }
0xb4: {  	s0 =	sadd.s32 $0x5, s2;
	s21 =	sadd.s32 $0x6, s2;
	v37 =	vmov s14;
	v38 =	vld [tilespmem:s20+$0x1070];
	[tilespmem:v26+s26+$0x0] =	vst.idx.msk $0xffff, v32;
	v43 =	vshrl.u32 v33, $0x3;
	v46 =	vshrl.u32 v35, $0x3  }
0xb5: {  	v39 =	vld [tilespmem:s20+$0x1090];
	v62 =	vmov s0;
	v63 =	vmov s21;
	v37 =	vshrl.u32 v37, $0x3;
	[tilespmem:v25+s26+$0x0] =	vst.idx.msk $0xffff, v31  }
0xb6: {  	v42 =	vshll.u32 v27, v1;
	v45 =	vld [tilespmem:s20+$0x10B0];
	v27 =	vshll.u32 v43, v1;
	v48 =	vshrl.u32 v61, $0x3;
	[tilespmem:v17+s26+$0x0] =	vst.idx.msk $0xffff, v28  }
0xb7: {  	v44 =	vshll.u32 v37, v1;
	v17 =	vshrl.u32 v34, $0x3;
	v47 =	vld [tilespmem:s20+$0x10D0];
	v25 =	vbroadcast v42, $0x0;
	[tilespmem:v24+s26+$0x0] =	vst.idx.msk $0xffff, v30  }
0xb8: {  	s21 =	sadd.s32 $0x100, s20;
	v50 =	vbroadcast v27, $0x0;
	v26 =	vshrl.u32 v62, $0x3;
	v32 =	vshrl.u32 v63, $0x3;
	v49 =	vld [tilespmem:s20+$0x1010];
	[tilespmem:v23+s26+$0x0] =	vst.idx.msk $0xffff, v29  }
0xb9: {  	v54 =	vld [tilespmem:s21+$0xFFFFE000];
	v31 =	vbroadcast v44, $0x0;
	v51 =	vshll.u32 v17, v1;
	v17 =	vadd.s32 v0, v25;
	[tilespmem:v21+s26+$0x0] =	vst.idx.msk $0xffff, v38  }
0xba: {  	v55 =	vld [tilespmem:s21+$0xFFFFE020];
	v26 =	vshll.u32 v26, v1;
	v27 =	vbroadcast v51, $0x0;
	v36 =	vadd.s32 v3, v50;
	[tilespmem:v22+s26+$0x0] =	vst.idx.msk $0xffff, v39  }
0xbb: {  	v52 =	vld [tilespmem:s21+$0xFFFFE0E0];
	v32 =	vshll.u32 v32, v1;
	v26 =	vbroadcast v26, $0x0;
	v53 =	vadd.s32 v15, v31;
	[tilespmem:v20+s26+$0x0] =	vst.idx.msk $0xffff, v45  }
0xbc: {  	v33 =	vshll.u32 v46, v1;
	v56 =	vld [tilespmem:s21+$0xFFFFE040];
	v57 =	vbroadcast v32, $0x0;
	v28 =	vadd.s32 v5, v27;
	[tilespmem:v19+s26+$0x0] =	vst.idx.msk $0xffff, v47  }
0xbd: {  	v33 =	vbroadcast v33, $0x0;
	v58 =	vld [tilespmem:s21+$0xFFFFE0A0];
	v30 =	vshll.u32 v48, v1;
	v32 =	vadd.s32 v11, v26;
	[tilespmem:v18+s26+$0x0] =	vst.idx.msk $0xffff, v49  }
0xbe: {  	v59 =	vld [tilespmem:s21+$0xFFFFE0C0];
	v30 =	vbroadcast v30, $0x0;
	v37 =	vadd.s32 v13, v57;
	[tilespmem:v17+s23+$0x0] =	vst.idx.msk $0xffff, v54  }
0xbf: {  	v24 =	vadd.s32 v7, v33;
	v19 =	vld [tilespmem:s21+$0xFFFFE060];
	[tilespmem:v36+s23+$0x0] =	vst.idx.msk $0xffff, v55  }
0xc0: {  	v34 =	vadd.s32 v9, v30;
	v18 =	vld [tilespmem:s21+$0xFFFFE080];
	[tilespmem:v53+s23+$0x0] =	vst.idx.msk $0xffff, v52  }
0xc1: {  	v23 =	vadd.s32 v4, v50;
	v60 =	vld [tilespmem:s21+$0xFFFFE030];
	[tilespmem:v28+s23+$0x0] =	vst.idx.msk $0xffff, v56  }
0xc2: {  	v31 =	vadd.s32 v16, v31;
	v29 =	vld [tilespmem:s21+$0xFFFFE0F0];
	[tilespmem:v32+s23+$0x0] =	vst.idx.msk $0xffff, v58  }
0xc3: {  	v25 =	vadd.s32 v2, v25;
	v40 =	vld [tilespmem:s21+$0xFFFFE010];
	[tilespmem:v37+s23+$0x0] =	vst.idx.msk $0xffff, v59  }
0xc4: {  	v27 =	vadd.s32 v6, v27;
	[tilespmem:v24+s23+$0x0] =	vst.idx.msk $0xffff, v19;
	v19 =	vld [tilespmem:s21+$0xFFFFE050]  }
0xc5: {  	v26 =	vadd.s32 v12, v26;
	v63 =	vld [tilespmem:s21+$0xFFFFE0B0];
	[tilespmem:v34+s23+$0x0] =	vst.idx.msk $0xffff, v18  }
0xc6: {  	v33 =	vadd.s32 v8, v33;
	v18 =	vld [tilespmem:s21+$0xFFFFE070];
	[tilespmem:v23+s23+$0x0] =	vst.idx.msk $0xffff, v60  }
0xc7: {  	v30 =	vadd.s32 v10, v30;
	v62 =	vld [tilespmem:s21+$0xFFFFE090];
	[tilespmem:v31+s23+$0x0] =	vst.idx.msk $0xffff, v29  }
0xc8: {  	[tilespmem:v25+s23+$0x0] =	vst.idx.msk $0xffff, v40;
	v61 =	vld [tilespmem:s21+$0xFFFFF0E0]  }
0xc9: {  	v21 =	vadd.s32 v14, v57;
	[tilespmem:v27+s23+$0x0] =	vst.idx.msk $0xffff, v19;
	v19 =	vld [tilespmem:s21+$0xFFFFE0D0]  }
0xca: {  	v44 =	vld [tilespmem:s21+$0xFFFFF000];
	[tilespmem:v26+s23+$0x0] =	vst.idx.msk $0xffff, v63  }
0xcb: {  	[tilespmem:v33+s23+$0x0] =	vst.idx.msk $0xffff, v18;
	v18 =	vld [tilespmem:s21+$0xFFFFF020]  }
0xcc: {  	v41 =	vld [tilespmem:s21+$0xFFFFF040];
	[tilespmem:v30+s23+$0x0] =	vst.idx.msk $0xffff, v62  }
0xcd: {  	v42 =	vld [tilespmem:s21+$0xFFFFF060];
	[tilespmem:v53+s24+$0x0] =	vst.idx.msk $0xffff, v61  }
0xce: {  	[tilespmem:v21+s23+$0x0] =	vst.idx.msk $0xffff, v19;
	v19 =	vld [tilespmem:s21+$0xFFFFF080]  }
0xcf: {  	[tilespmem:v17+s24+$0x0] =	vst.idx.msk $0xffff, v44;
	v22 =	vld [tilespmem:s21+$0xFFFFF0F0]  }
0xd0: {  	[tilespmem:v36+s24+$0x0] =	vst.idx.msk $0xffff, v18;
	v18 =	vld [tilespmem:s21+$0xFFFFF0A0]  }
0xd1: {  	v29 =	vld [tilespmem:s21+$0xFFFFF010];
	[tilespmem:v28+s24+$0x0] =	vst.idx.msk $0xffff, v41  }
0xd2: {  	v43 =	vld [tilespmem:s21+$0xFFFFF0C0];
	[tilespmem:v24+s24+$0x0] =	vst.idx.msk $0xffff, v42  }
0xd3: {  	v45 =	vld [tilespmem:s21+$0xFFFFF030];
	[tilespmem:v34+s24+$0x0] =	vst.idx.msk $0xffff, v19  }
0xd4: {  	v19 =	vld [tilespmem:s21+$0xFFFFF050];
	[tilespmem:v31+s24+$0x0] =	vst.idx.msk $0xffff, v22  }
0xd5: {  	[tilespmem:v32+s24+$0x0] =	vst.idx.msk $0xffff, v18;
	v18 =	vld [tilespmem:s21+$0xFFFFF070]  }
0xd6: {  	[tilespmem:v25+s24+$0x0] =	vst.idx.msk $0xffff, v29;
	v22 =	vld [tilespmem:s21+$0xE0]  }
0xd7: {  	[tilespmem:v37+s24+$0x0] =	vst.idx.msk $0xffff, v43;
	v46 =	vld [tilespmem:s21+$0xFFFFF090]  }
0xd8: {  	v52 =	vld [tilespmem:s21+$0x0];
	[tilespmem:v23+s24+$0x0] =	vst.idx.msk $0xffff, v45  }
0xd9: {  	v47 =	vld [tilespmem:s21+$0xFFFFF0B0];
	[tilespmem:v27+s24+$0x0] =	vst.idx.msk $0xffff, v19  }
0xda: {  	v19 =	vld [tilespmem:s21+$0xFFFFF0D0];
	[tilespmem:v33+s24+$0x0] =	vst.idx.msk $0xffff, v18  }
0xdb: {  	v18 =	vld [tilespmem:s21+$0x20];
	[tilespmem:v53+s25+$0x0] =	vst.idx.msk $0xffff, v22  }
0xdc: {  	[tilespmem:v30+s24+$0x0] =	vst.idx.msk $0xffff, v46;
	v22 =	vld [tilespmem:s21+$0xF0]  }
0xdd: {  	v48 =	vld [tilespmem:s21+$0x40];
	[tilespmem:v17+s25+$0x0] =	vst.idx.msk $0xffff, v52  }
0xde: {  	[tilespmem:v26+s24+$0x0] =	vst.idx.msk $0xffff, v47;
	v57 =	vld [tilespmem:s21+$0x10]  }
0xdf: {  	v50 =	vld [tilespmem:s21+$0x60];
	[tilespmem:v21+s24+$0x0] =	vst.idx.msk $0xffff, v19  }
0xe0: {  	v19 =	vld [tilespmem:s21+$0x80];
	[tilespmem:v36+s25+$0x0] =	vst.idx.msk $0xffff, v18  }
0xe1: {  	v18 =	vld [tilespmem:s21+$0xA0];
	[tilespmem:v31+s25+$0x0] =	vst.idx.msk $0xffff, v22  }
0xe2: {  	[tilespmem:v28+s25+$0x0] =	vst.idx.msk $0xffff, v48;
	v49 =	vld [tilespmem:s21+$0x10E0]  }
0xe3: {  	v51 =	vld [tilespmem:s21+$0xC0];
	[tilespmem:v25+s25+$0x0] =	vst.idx.msk $0xffff, v57  }
0xe4: {  	[tilespmem:v24+s25+$0x0] =	vst.idx.msk $0xffff, v50;
	v22 =	vld [tilespmem:s21+$0x1000]  }
0xe5: {  	[tilespmem:v34+s25+$0x0] =	vst.idx.msk $0xffff, v19;
	v19 =	vld [tilespmem:s21+$0x50]  }
0xe6: {  	[tilespmem:v32+s25+$0x0] =	vst.idx.msk $0xffff, v18;
	v18 =	vld [tilespmem:s21+$0x70]  }
0xe7: {  	[tilespmem:v53+s26+$0x0] =	vst.idx.msk $0xffff, v49;
	v53 =	vld [tilespmem:s21+$0x30]  }
0xe8: {  	[tilespmem:v37+s25+$0x0] =	vst.idx.msk $0xffff, v51;
	v54 =	vld [tilespmem:s21+$0x90]  }
0xe9: {  	v55 =	vld [tilespmem:s21+$0xB0];
	[tilespmem:v17+s26+$0x0] =	vst.idx.msk $0xffff, v22  }
0xea: {  	v56 =	vld [tilespmem:s21+$0xD0];
	[tilespmem:v27+s25+$0x0] =	vst.idx.msk $0xffff, v19  }
0xeb: {  	[tilespmem:v33+s25+$0x0] =	vst.idx.msk $0xffff, v18;
	v18 =	vld [tilespmem:s21+$0x1040]  }
0xec: {  	v20 =	vld [tilespmem:s21+$0x10F0];
	[tilespmem:v23+s25+$0x0] =	vst.idx.msk $0xffff, v53  }
0xed: {  	[tilespmem:v30+s25+$0x0] =	vst.idx.msk $0xffff, v54;
	v19 =	vld [tilespmem:s21+$0x1020]  }
0xee: {  	v58 =	vld [tilespmem:s21+$0x1060];
	[tilespmem:v26+s25+$0x0] =	vst.idx.msk $0xffff, v55  }
0xef: {  	v59 =	vld [tilespmem:s21+$0x1080];
	[tilespmem:v21+s25+$0x0] =	vst.idx.msk $0xffff, v56  }
0xf0: {  	v60 =	vld [tilespmem:s21+$0x10A0];
	[tilespmem:v28+s26+$0x0] =	vst.idx.msk $0xffff, v18  }
0xf1: {  	[tilespmem:v31+s26+$0x0] =	vst.idx.msk $0xffff, v20;
	v61 =	vld [tilespmem:s21+$0x1050]  }
0xf2: {  	[tilespmem:v36+s26+$0x0] =	vst.idx.msk $0xffff, v19;
	v19 =	vld [tilespmem:s21+$0x10C0]  }
0xf3: {  	s14 =	sand.u32 $0x1, s22;
	[tilespmem:v24+s26+$0x0] =	vst.idx.msk $0xffff, v58;
	v18 =	vld [tilespmem:s21+$0x1030]  }
0xf4: {  	p1 =	seq.s32 s18, $0x0;
	p2 =	seq.s32 s14, $0x1;
	[tilespmem:v34+s26+$0x0] =	vst.idx.msk $0xffff, v59;
	v62 =	vld [tilespmem:s21+$0x1070]  }
0xf5: {  	p1 =	por !p1, !p2;
	[tilespmem:v32+s26+$0x0] =	vst.idx.msk $0xffff, v60;
	v63 =	vld [tilespmem:s21+$0x1090]  }
0xf6: {  	s2 =	simm.s32 $0x1;
	p1 =	por !p1, !p1;
	v17 =	vld [tilespmem:s21+$0x10B0];
	[tilespmem:v27+s26+$0x0] =	vst.idx.msk $0xffff, v61  }
0xf7: {  	s14 =	sshrl.u32 s18, $0x1;
	s2 =	simm.s32 @!p1 $0x0;
	[tilespmem:v37+s26+$0x0] =	vst.idx.msk $0xffff, v19;
	v19 =	vld [tilespmem:s21+$0x1010]  }
0xf8: {  	s20 =	sshll.u32 s18, $0xE;
	s2 =	ssub.s32 s14, s2;
	[tilespmem:v23+s26+$0x0] =	vst.idx.msk $0xffff, v18;
	v18 =	vld [tilespmem:s21+$0x10D0];
	s21 =	sshll.u32 s19, $0x15  }
0xf9: {  	s0 =	sand.u32 $0x7FC00000, s20;
	s2 =	sshll.u32 s2, $0xA;
	[tilespmem:v33+s26+$0x0] =	vst.idx.msk $0xffff, v62;
	s18 =	sand.u32 $0x200000, s21  }
0xfa: {  	s2 =	sand.u32 $0x1FC00, s2;
	[tilespmem:v30+s26+$0x0] =	vst.idx.msk $0xffff, v63;
	s0 =	sor.u32 s18, s0  }
0xfb: {  	[tilespmem:v26+s26+$0x0] =	vst.idx.msk $0xffff, v17;
	s0 =	sor.u32 s2, s0  }
0xfc: {  	s20 =	rddreg [dreg:$0x1];
	s0 =	sshrl.u32 s0, $0x3;
	[tilespmem:v25+s26+$0x0] =	vst.idx.msk $0xffff, v19  }
0xfd: {  	s21 =	simm.s32 $0xC800;
	[tilespmem:v21+s26+$0x0] =	vst.idx.msk $0xffff, v18;
	s2 =	sadd.s32 s20, s0  }
0xfe: {  	[hbm4b:s2+s3] =	stream.linear.scatter [tilespmem:s21], [sflag:$0x8], $0x80, $0x38;
	[tilespmem:$0x19400] =	vst v63  }
0xff: {  	s14 =	simm.s32 $0xC888;
	s18 =	sadd.s32 $0x10, s2  }
0x100: {  	[hbm4b:s18+s3] =	stream.linear.scatter [tilespmem:s14], [sflag:$0x8], $0x80, $0x38;
	[tilespmem:$0x19400] =	vst v63  }
0x101: {  	s20 =	simm.s32 $0xC910;
	s21 =	sadd.s32 $0x20, s2  }
0x102: {  	[hbm4b:s21+s3] =	stream.linear.scatter [tilespmem:s20], [sflag:$0x8], $0x80, $0x38;
	[tilespmem:$0x19400] =	vst v63  }
0x103: {  	s14 =	simm.s32 $0xC998;
	s18 =	sadd.s32 $0x30, s2  }
0x104: {  	[hbm4b:s18+s3] =	stream.linear.scatter [tilespmem:s14], [sflag:$0x8], $0x80, $0x38;
	[tilespmem:$0x19400] =	vst v63  }
0x105: {  	s20 =	simm.s32 $0xCA20;
	s21 =	sadd.s32 $0x40, s2  }
0x106: {  	[hbm4b:s21+s3] =	stream.linear.scatter [tilespmem:s20], [sflag:$0x8], $0x80, $0x38;
	[tilespmem:$0x19400] =	vst v63  }
0x107: {  	s0 =	simm.s32 $0x440;
	s14 =	simm.s32 $0xCAA8;
	s18 =	sadd.s32 $0x50, s2  }
0x108: {  	[hbm4b:s18+s3] =	stream.linear.scatter [tilespmem:s14], [sflag:$0x8], $0x80, $0x38;
	[tilespmem:$0x19400] =	vst v63  }
0x109: {  	s20 =	simm.s32 $0xCB30;
	s21 =	sadd.s32 $0x60, s2;
	s14 =	simm.s32 $0x2200  }
0x10a: {  	[hbm4b:s21+s3] =	stream.linear.scatter [tilespmem:s20], [sflag:$0x8], $0x80, $0x38;
	[tilespmem:$0x19400] =	vst v63  }
0x10b: {  	s18 =	simm.s32 $0xCBB8;
	s20 =	sadd.s32 $0x70, s2;
	s2 =	sadd.s32 $0x4000, s2  }
.LBB2_5:
0x10c: {  	[hbm4b:s20+s3] =	stream.linear.scatter [tilespmem:s18], [sflag:$0x8], $0x80, $0x38;
	[tilespmem:$0x19400] =	vst v63  }
0x10d: {  	s18 =	smov.u32 s0;
	s0 =	smov.u32 s14  }
0x10e: {  	s21 =	sadd.s32 $0x1100, s14;
	s0 =	sshra.s32 s0, $0x2;
	s20 =	sadd.s32 $0xC800, s18  }
0x10f: {  	[hbm4b:s2+s3] =	stream.linear.scatter [tilespmem:s20], [sflag:$0x8], $0x80, $0x38;
	[tilespmem:$0x19400] =	vst v63  }
0x110: {  	p1 =	sne.s32 s14, $0xFF00;
	s14 =	sadd.s32 $0xC888, s18;
	s20 =	sadd.s32 $0x10, s2  }
0x111: {  	[hbm4b:s20+s3] =	stream.linear.scatter [tilespmem:s14], [sflag:$0x8], $0x80, $0x38;
	[tilespmem:$0x19400] =	vst v63  }
0x112: {  	s14 =	sadd.s32 $0xC910, s18;
	s20 =	sadd.s32 $0x20, s2  }
0x113: {  	[hbm4b:s20+s3] =	stream.linear.scatter [tilespmem:s14], [sflag:$0x8], $0x80, $0x38;
	[tilespmem:$0x19400] =	vst v63  }
0x114: {  	s14 =	sadd.s32 $0xC998, s18;
	s20 =	sadd.s32 $0x30, s2  }
0x115: {  	[hbm4b:s20+s3] =	stream.linear.scatter [tilespmem:s14], [sflag:$0x8], $0x80, $0x38;
	[tilespmem:$0x19400] =	vst v63  }
0x116: {  	s14 =	sadd.s32 $0xCA20, s18;
	s20 =	sadd.s32 $0x40, s2  }
0x117: {  	[hbm4b:s20+s3] =	stream.linear.scatter [tilespmem:s14], [sflag:$0x8], $0x80, $0x38;
	[tilespmem:$0x19400] =	vst v63  }
.Ltmp1:
0x118: {  	s14 =	sadd.s32 $0xCAA8, s18;
	s20 =	sadd.s32 $0x50, s2;
	(pc) =	sbr.rel @p1 .LBB2_5-.Ltmp1, $4  }
0x119: {  	[hbm4b:s20+s3] =	stream.linear.scatter [tilespmem:s14], [sflag:$0x8], $0x80, $0x38;
	[tilespmem:$0x19400] =	vst v63  }
0x11a: {  	s14 =	sadd.s32 $0xCB30, s18;
	s20 =	sadd.s32 $0x60, s2;
	s18 =	sadd.s32 $0xCBB8, s18  }
0x11b: {  	[hbm4b:s20+s3] =	stream.linear.scatter [tilespmem:s14], [sflag:$0x8], $0x80, $0x38;
	[tilespmem:$0x19400] =	vst v63  }
0x11c: {  	s20 =	sadd.s32 $0x70, s2;
	s2 =	sadd.s32 $0x4000, s2;
	s14 =	smov.u32 s21  }
0x11d: {  	[hbm4b:s20+s3] =	stream.linear.scatter [tilespmem:s18], [sflag:$0x8], $0x80, $0x38;
	[tilespmem:$0x19400] =	vst v63  }
0x11e: {  	s14 =	sadd.s32 $0xC800, s0  }
0x11f: {  	[hbm4b:s2+s3] =	stream.linear.scatter [tilespmem:s14], [sflag:$0x8], $0x80, $0x38;
	[tilespmem:$0x19400] =	vst v63  }
0x120: {  	s20 =	sadd.s32 $0xC888, s0;
	s21 =	sadd.s32 $0x10, s2  }
0x121: {  	[hbm4b:s21+s3] =	stream.linear.scatter [tilespmem:s20], [sflag:$0x8], $0x80, $0x38;
	[tilespmem:$0x19400] =	vst v63  }
0x122: {  	s20 =	sadd.s32 $0xC910, s0;
	s21 =	sadd.s32 $0x20, s2  }
0x123: {  	[hbm4b:s21+s3] =	stream.linear.scatter [tilespmem:s20], [sflag:$0x8], $0x80, $0x38;
	[tilespmem:$0x19400] =	vst v63  }
0x124: {  	s20 =	sadd.s32 $0xC998, s0;
	s21 =	sadd.s32 $0x30, s2  }
0x125: {  	[hbm4b:s21+s3] =	stream.linear.scatter [tilespmem:s20], [sflag:$0x8], $0x80, $0x38;
	[tilespmem:$0x19400] =	vst v63  }
0x126: {  	s20 =	sadd.s32 $0xCA20, s0;
	s21 =	sadd.s32 $0x40, s2  }
0x127: {  	[hbm4b:s21+s3] =	stream.linear.scatter [tilespmem:s20], [sflag:$0x8], $0x80, $0x38;
	[tilespmem:$0x19400] =	vst v63  }
0x128: {  	s20 =	sadd.s32 $0xCAA8, s0;
	s21 =	sadd.s32 $0x50, s2  }
0x129: {  	[hbm4b:s21+s3] =	stream.linear.scatter [tilespmem:s20], [sflag:$0x8], $0x80, $0x38;
	[tilespmem:$0x19400] =	vst v63  }
0x12a: {  	s20 =	sadd.s32 $0xCB30, s0;
	s21 =	sadd.s32 $0x60, s2  }
0x12b: {  	[hbm4b:s21+s3] =	stream.linear.scatter [tilespmem:s20], [sflag:$0x8], $0x80, $0x38;
	[tilespmem:$0x19400] =	vst v63  }
0x12c: {  	s20 =	sadd.s32 $0xCBB8, s0;
	s21 =	sadd.s32 $0x70, s2;
	s2 =	simm.s32 $0x6  }
0x12d: {  	[hbm4b:s21+s3] =	stream.linear.scatter [tilespmem:s20], [sflag:$0x8], $0x80, $0x38;
	[tilespmem:$0x19400] =	vst v63  }
0x12e: {  	s18 =	sadd.s32 $0x1, s22;
	_ =	swait.ge [sflag:s2], $0x4000  }
0x12f: {  	p1 =	seq.s32 s19, $0x41;
	s20 =	sadd.s32 s5, s18;
	[sflag:s2] =	ssyncset.done $0x0  }
0x130: {  	s0 =	sshll.u32 @!p1 s20, $0x6;
	[sflag:s2] =	ssyncadd.s32 $0xFFFFC000;
	s2 =	sshll.u32 @!p1 s18, $0x6  }
0x131: {  	s14 =	sand.u32 @!p1 $0x3, s18;
	s0 =	sadd.s32 @!p1 $0x100, s0;
	s2 =	sand.u32 @!p1 $0x40, s2  }
0x132: {  	s21 =	sshll.u32 @!p1 s14, $0x9;
	s0 =	sand.u32 @!p1 $0xFFFFF80, s0;
	s2 =	sadd.s32 @!p1 s4, s2  }
0x133: {  	s14 =	sadd.s32 @!p1 $0x1, s14;
	s0 =	sadd.s32 @!p1 s0, s2;
	s2 =	simm.s32 @!p1 $0x0  }
0x134: {  	[tilespmem:s21], [sflag:s14] =	stream.linear.gather @!p1 [hbm4b:s0+s2], $0x200, $0x38;
	[tilespmem:$0x19400] =	vst v63  }
0x135: {  	s14 =	sadd.s32 $0xFFFFFFFF, s22  }
0x136: {  	s2 =	simm.s32 $0x0;
	s0 =	sand.u32 $0x3, s14  }
0x137: {  	s14 =	simm.s32 $0x1;
	v17 =	vmov s2;
	s21 =	sadd.s32 $0x1, s0  }
0x138: {  	s2 =	simm.s32 $0x4;
	v18 =	vmov s14;
	s14 =	simm.s32 $0x7;
	v17 =	vshrl.u32 v17, $0x3;
	_ =	swait.ge [sflag:s21], $0x200  }
0x139: {  	s22 =	simm.s32 $0x800;
	s0 =	sshll.u32 s0, $0x9;
	v21 =	vmov s2;
	v22 =	vmov s14;
	v17 =	vshll.u32 v17, v1;
	[sflag:s21] =	ssyncset.done $0x0  }
0x13a: {  	s2 =	simm.s32 @!p0 $0x9;
	v18 =	vshrl.u32 v18, $0x3;
	v22 =	vshrl.u32 v22, $0x3;
	v28 =	vbroadcast v17, $0x0;
	[sflag:s21] =	ssyncadd.s32 $0xFFFFFE00;
	s21 =	simm.s32 $0x2  }
0x13b: {  	v17 =	vshll.u32 v18, v1;
	v18 =	vshrl.u32 v21, $0x3;
	v22 =	vshll.u32 v22, v1;
	[tilespmem:s22], [sflag:$0x5] =	stream.indirect.gather [hbm4b:s7+s28], $0x20, s0, s28, $0xb8;
	[tilespmem:$0x19400] =	vst v63  }
0x13c: {  	v21 =	vbroadcast v17, $0x0;
	v18 =	vshll.u32 v18, v1;
	s22 =	simm.s32 $0x3;
	v19 =	vmov s21;
	_ =	swait.ge @!p0 [sflag:s2], $0x4000  }
0x13d: {  	s21 =	simm.s32 $0x5;
	v22 =	vbroadcast v22, $0x0;
	v17 =	vadd.s32 v0, v28;
	v20 =	vmov s22;
	s22 =	simm.s32 $0x6;
	[sflag:s2] =	ssyncset.done @!p0 $0x0  }
0x13e: {  	v18 =	vbroadcast v18, $0x0;
	v23 =	vmov s21;
	v24 =	vmov s22;
	s22 =	simm.s32 $0x6800;
	[sflag:s2] =	ssyncadd.s32 @!p0 $0xFFFFC000  }
0x13f: {  	v19 =	vshrl.u32 v19, $0x3;
	v31 =	vadd.s32 v3, v21;
	v29 =	vadd.s32 v15, v22;
	v25 =	vld [tilespmem:s22+$0xFFFFE0E0]  }
0x140: {  	v20 =	vshrl.u32 v20, $0x3;
	v19 =	vshll.u32 v19, v1;
	v23 =	vshrl.u32 v23, $0x3;
	v26 =	vld [tilespmem:s22+$0xFFFFE000]  }
0x141: {  	v27 =	vadd.s32 v9, v18;
	v19 =	vbroadcast v19, $0x0;
	v20 =	vshll.u32 v20, v1;
	v30 =	vld [tilespmem:s22+$0xFFFFE020]  }
0x142: {  	v23 =	vshll.u32 v23, v1;
	v24 =	vshrl.u32 v24, $0x3;
	v20 =	vbroadcast v20, $0x0;
	v36 =	vld [tilespmem:s22+$0xFFFFE080]  }
0x143: {  	v32 =	vld [tilespmem:s22+$0xFFFFE040];
	v37 =	vbroadcast v23, $0x0;
	v23 =	vshll.u32 v24, v1;
	v33 =	vadd.s32 v5, v19  }
0x144: {  	v34 =	vld [tilespmem:s22+$0xFFFFE060];
	v38 =	vbroadcast v23, $0x0;
	v35 =	vadd.s32 v7, v20;
	[tilespmem:v29+s29+$0x0] =	vst.idx.msk $0xffff, v25  }
0x145: {  	v40 =	vadd.s32 v16, v22;
	v22 =	vld [tilespmem:s22+$0xFFFFE0A0];
	[tilespmem:v17+s29+$0x0] =	vst.idx.msk $0xffff, v26;
	v26 =	vadd.s32 v11, v37  }
0x146: {  	[tilespmem:v31+s29+$0x0] =	vst.idx.msk $0xffff, v30;
	v30 =	vld [tilespmem:s22+$0xFFFFE0C0];
	v25 =	vadd.s32 v13, v38  }
0x147: {  	[tilespmem:v27+s29+$0x0] =	vst.idx.msk $0xffff, v36;
	v39 =	vld [tilespmem:s22+$0xFFFFE0F0]  }
0x148: {  	v24 =	vadd.s32 v4, v21;
	[tilespmem:v33+s29+$0x0] =	vst.idx.msk $0xffff, v32;
	v61 =	vld [tilespmem:s22+$0xFFFFE030]  }
0x149: {  	v23 =	vadd.s32 v6, v19;
	[tilespmem:v35+s29+$0x0] =	vst.idx.msk $0xffff, v34;
	v62 =	vld [tilespmem:s22+$0xFFFFE050]  }
0x14a: {  	v21 =	vadd.s32 v8, v20;
	v63 =	vld [tilespmem:s22+$0xFFFFE070];
	[tilespmem:v26+s29+$0x0] =	vst.idx.msk $0xffff, v22  }
0x14b: {  	v41 =	vld [tilespmem:s22+$0xFFFFE090];
	v22 =	vadd.s32 v10, v18;
	[tilespmem:v25+s29+$0x0] =	vst.idx.msk $0xffff, v30  }
0x14c: {  	v20 =	vadd.s32 v12, v37;
	[tilespmem:v40+s29+$0x0] =	vst.idx.msk $0xffff, v39;
	v30 =	vld [tilespmem:s22+$0xFFFFE0B0]  }
0x14d: {  	[tilespmem:v24+s29+$0x0] =	vst.idx.msk $0xffff, v61;
	v39 =	vld [tilespmem:s22+$0xFFFFF0E0]  }
0x14e: {  	v44 =	vld [tilespmem:s22+$0xFFFFE010];
	v18 =	vadd.s32 v2, v28;
	[tilespmem:v23+s29+$0x0] =	vst.idx.msk $0xffff, v62  }
0x14f: {  	v19 =	vadd.s32 v14, v38;
	v43 =	vld [tilespmem:s22+$0xFFFFE0D0];
	[tilespmem:v21+s29+$0x0] =	vst.idx.msk $0xffff, v63  }
0x150: {  	v28 =	vld [tilespmem:s22+$0xFFFFF020];
	[tilespmem:v22+s29+$0x0] =	vst.idx.msk $0xffff, v41  }
0x151: {  	v46 =	vld [tilespmem:s22+$0xFFFFF040];
	[tilespmem:v20+s29+$0x0] =	vst.idx.msk $0xffff, v30  }
0x152: {  	v30 =	vld [tilespmem:s22+$0xFFFFF060];
	[tilespmem:v29+s30+$0x0] =	vst.idx.msk $0xffff, v39  }
0x153: {  	[tilespmem:v18+s29+$0x0] =	vst.idx.msk $0xffff, v44;
	v45 =	vld [tilespmem:s22+$0xFFFFF0F0]  }
0x154: {  	[tilespmem:v19+s29+$0x0] =	vst.idx.msk $0xffff, v43;
	v47 =	vld [tilespmem:s22+$0xFFFFF080]  }
0x155: {  	v49 =	vld [tilespmem:s22+$0xFFFFF000];
	[tilespmem:v31+s30+$0x0] =	vst.idx.msk $0xffff, v28  }
0x156: {  	v28 =	vld [tilespmem:s22+$0xFFFFF0A0];
	[tilespmem:v33+s30+$0x0] =	vst.idx.msk $0xffff, v46  }
0x157: {  	v48 =	vld [tilespmem:s22+$0xFFFFF0C0];
	[tilespmem:v35+s30+$0x0] =	vst.idx.msk $0xffff, v30  }
0x158: {  	v50 =	vld [tilespmem:s22+$0xFFFFF050];
	[tilespmem:v40+s30+$0x0] =	vst.idx.msk $0xffff, v45  }
0x159: {  	[tilespmem:v27+s30+$0x0] =	vst.idx.msk $0xffff, v47;
	v36 =	vld [tilespmem:s22+$0xE0]  }
0x15a: {  	v30 =	vld [tilespmem:s22+$0xFFFFF030];
	[tilespmem:v17+s30+$0x0] =	vst.idx.msk $0xffff, v49  }
0x15b: {  	[tilespmem:v26+s30+$0x0] =	vst.idx.msk $0xffff, v28;
	v28 =	vld [tilespmem:s22+$0xFFFFF070]  }
0x15c: {  	[tilespmem:v25+s30+$0x0] =	vst.idx.msk $0xffff, v48;
	v51 =	vld [tilespmem:s22+$0xFFFFF090]  }
0x15d: {  	v37 =	vld [tilespmem:s22+$0xFFFFF010];
	[tilespmem:v23+s30+$0x0] =	vst.idx.msk $0xffff, v50  }
0x15e: {  	v52 =	vld [tilespmem:s22+$0xFFFFF0D0];
	[tilespmem:v29+s31+$0x0] =	vst.idx.msk $0xffff, v36  }
0x15f: {  	[tilespmem:v24+s30+$0x0] =	vst.idx.msk $0xffff, v30;
	v36 =	vld [tilespmem:s22+$0xF0]  }
0x160: {  	v30 =	vld [tilespmem:s22+$0xFFFFF0B0];
	[tilespmem:v21+s30+$0x0] =	vst.idx.msk $0xffff, v28  }
0x161: {  	v53 =	vld [tilespmem:s22+$0x40];
	[tilespmem:v22+s30+$0x0] =	vst.idx.msk $0xffff, v51  }
0x162: {  	v28 =	vld [tilespmem:s22+$0x20];
	[tilespmem:v18+s30+$0x0] =	vst.idx.msk $0xffff, v37  }
0x163: {  	v54 =	vld [tilespmem:s22+$0x60];
	[tilespmem:v19+s30+$0x0] =	vst.idx.msk $0xffff, v52  }
0x164: {  	v55 =	vld [tilespmem:s22+$0x80];
	[tilespmem:v40+s31+$0x0] =	vst.idx.msk $0xffff, v36  }
0x165: {  	[tilespmem:v20+s30+$0x0] =	vst.idx.msk $0xffff, v30;
	v30 =	vld [tilespmem:s22+$0x10E0]  }
0x166: {  	v37 =	vld [tilespmem:s22+$0x0];
	[tilespmem:v33+s31+$0x0] =	vst.idx.msk $0xffff, v53  }
0x167: {  	v56 =	vld [tilespmem:s22+$0xC0];
	[tilespmem:v31+s31+$0x0] =	vst.idx.msk $0xffff, v28  }
0x168: {  	v28 =	vld [tilespmem:s22+$0xA0];
	[tilespmem:v35+s31+$0x0] =	vst.idx.msk $0xffff, v54  }
0x169: {  	v57 =	vld [tilespmem:s22+$0x50];
	[tilespmem:v27+s31+$0x0] =	vst.idx.msk $0xffff, v55  }
0x16a: {  	[tilespmem:v29+s1+$0x0] =	vst.idx.msk $0xffff, v30;
	v30 =	vld [tilespmem:s22+$0x30]  }
0x16b: {  	[tilespmem:v17+s31+$0x0] =	vst.idx.msk $0xffff, v37;
	v29 =	vld [tilespmem:s22+$0x10F0]  }
0x16c: {  	[tilespmem:v25+s31+$0x0] =	vst.idx.msk $0xffff, v56;
	v58 =	vld [tilespmem:s22+$0x90]  }
0x16d: {  	[tilespmem:v26+s31+$0x0] =	vst.idx.msk $0xffff, v28;
	v28 =	vld [tilespmem:s22+$0x70]  }
0x16e: {  	[tilespmem:v23+s31+$0x0] =	vst.idx.msk $0xffff, v57;
	v59 =	vld [tilespmem:s22+$0xB0]  }
0x16f: {  	[tilespmem:v24+s31+$0x0] =	vst.idx.msk $0xffff, v30;
	v30 =	vld [tilespmem:s22+$0x10]  }
0x170: {  	[tilespmem:v40+s1+$0x0] =	vst.idx.msk $0xffff, v29;
	v29 =	vld [tilespmem:s22+$0xD0]  }
0x171: {  	[tilespmem:v22+s31+$0x0] =	vst.idx.msk $0xffff, v58;
	v60 =	vld [tilespmem:s22+$0x1020]  }
0x172: {  	v61 =	vld [tilespmem:s22+$0x1040];
	[tilespmem:v21+s31+$0x0] =	vst.idx.msk $0xffff, v28  }
0x173: {  	v63 =	vld [tilespmem:s22+$0x1080];
	[tilespmem:v20+s31+$0x0] =	vst.idx.msk $0xffff, v59  }
0x174: {  	v62 =	vld [tilespmem:s22+$0x1060];
	[tilespmem:v18+s31+$0x0] =	vst.idx.msk $0xffff, v30  }
0x175: {  	v32 =	vld [tilespmem:s22+$0x10A0];
	[tilespmem:v19+s31+$0x0] =	vst.idx.msk $0xffff, v29  }
0x176: {  	[tilespmem:v31+s1+$0x0] =	vst.idx.msk $0xffff, v60;
	v31 =	vld [tilespmem:s22+$0x10C0]  }
0x177: {  	s14 =	simm.s32 $0xA;
	s21 =	simm.s32 $0x9;
	[tilespmem:v33+s1+$0x0] =	vst.idx.msk $0xffff, v61;
	v28 =	vld [tilespmem:s22+$0x1000]  }
0x178: {  	s2 =	simm.s32 $0x8;
	v34 =	vmov s14;
	v33 =	vmov s21;
	s21 =	simm.s32 $0xB;
	[tilespmem:v27+s1+$0x0] =	vst.idx.msk $0xffff, v63;
	v30 =	vld [tilespmem:s22+$0x1030]  }
0x179: {  	s0 =	simm.s32 $0x10;
	s14 =	simm.s32 $0xF;
	v36 =	vmov s2;
	[tilespmem:v35+s1+$0x0] =	vst.idx.msk $0xffff, v62;
	v35 =	vmov s21;
	s21 =	simm.s32 $0xC;
	v29 =	vld [tilespmem:s22+$0x1050]  }
.LBB2_7:
0x17a: {  	p2 =	slt.u32 s0, $0x78;
	v27 =	vshrl.u32 v36, $0x3;
	v36 =	vmov s21;
	s21 =	sadd.s32 $0x5, s2;
	s2 =	sadd.s32 $0x6, s2;
	v37 =	vmov s14;
	v38 =	vld [tilespmem:s22+$0x1070];
	[tilespmem:v26+s1+$0x0] =	vst.idx.msk $0xffff, v32  }
0x17b: {  	v26 =	vmov s21;
	v32 =	vmov s2;
	v37 =	vshrl.u32 v37, $0x3;
	v39 =	vld [tilespmem:s22+$0x1090];
	[tilespmem:v25+s1+$0x0] =	vst.idx.msk $0xffff, v31;
	s2 =	smov.u32 s0  }
0x17c: {  	v25 =	vshll.u32 v27, v1;
	v27 =	vshrl.u32 v33, $0x3;
	v31 =	vshll.u32 v37, v1;
	[tilespmem:v17+s1+$0x0] =	vst.idx.msk $0xffff, v28;
	v33 =	vld [tilespmem:s22+$0x10B0]  }
0x17d: {  	v17 =	vshrl.u32 v34, $0x3;
	v28 =	vshrl.u32 v35, $0x3;
	v34 =	vbroadcast v31, $0x0;
	[tilespmem:v24+s1+$0x0] =	vst.idx.msk $0xffff, v30;
	v24 =	vld [tilespmem:s22+$0x10D0]  }
0x17e: {  	v35 =	vbroadcast v25, $0x0;
	v25 =	vshll.u32 v27, v1;
	v27 =	vshrl.u32 v36, $0x3;
	v36 =	vld [tilespmem:s22+$0x1010];
	[tilespmem:v23+s1+$0x0] =	vst.idx.msk $0xffff, v29;
	s22 =	sadd.s32 $0x100, s22  }
0x17f: {  	v23 =	vbroadcast v25, $0x0;
	v25 =	vshll.u32 v17, v1;
	v37 =	vld [tilespmem:s22+$0xFFFFE0E0];
	v31 =	vadd.s32 v15, v34;
	[tilespmem:v21+s1+$0x0] =	vst.idx.msk $0xffff, v38  }
0x180: {  	v17 =	vadd.s32 v0, v35;
	v38 =	vbroadcast v25, $0x0;
	v25 =	vshll.u32 v28, v1;
	v21 =	vld [tilespmem:s22+$0xFFFFE000];
	[tilespmem:v22+s1+$0x0] =	vst.idx.msk $0xffff, v39  }
0x181: {  	v28 =	vadd.s32 v3, v23;
	v39 =	vbroadcast v25, $0x0;
	v25 =	vshll.u32 v27, v1;
	v22 =	vld [tilespmem:s22+$0xFFFFE020];
	[tilespmem:v20+s1+$0x0] =	vst.idx.msk $0xffff, v33  }
0x182: {  	v30 =	vadd.s32 v5, v38;
	v33 =	vbroadcast v25, $0x0;
	v25 =	vshrl.u32 v26, $0x3;
	v20 =	vld [tilespmem:s22+$0xFFFFE040];
	[tilespmem:v19+s1+$0x0] =	vst.idx.msk $0xffff, v24  }
0x183: {  	v29 =	vadd.s32 v7, v39;
	v24 =	vshll.u32 v25, v1;
	v25 =	vshrl.u32 v32, $0x3;
	v19 =	vld [tilespmem:s22+$0xFFFFE060];
	[tilespmem:v18+s1+$0x0] =	vst.idx.msk $0xffff, v36  }
0x184: {  	v27 =	vadd.s32 v9, v33;
	v36 =	vbroadcast v24, $0x0;
	v24 =	vshll.u32 v25, v1;
	v18 =	vld [tilespmem:s22+$0xFFFFE080];
	[tilespmem:v31+s29+$0x0] =	vst.idx.msk $0xffff, v37  }
0x185: {  	v32 =	vadd.s32 v16, v34;
	v37 =	vbroadcast v24, $0x0;
	[tilespmem:v17+s29+$0x0] =	vst.idx.msk $0xffff, v21;
	v40 =	vld [tilespmem:s22+$0xFFFFE0F0]  }
0x186: {  	v26 =	vadd.s32 v11, v36;
	[tilespmem:v28+s29+$0x0] =	vst.idx.msk $0xffff, v22;
	v22 =	vld [tilespmem:s22+$0xFFFFE0A0]  }
0x187: {  	v25 =	vadd.s32 v13, v37;
	[tilespmem:v30+s29+$0x0] =	vst.idx.msk $0xffff, v20;
	v20 =	vld [tilespmem:s22+$0xFFFFE0C0]  }
0x188: {  	v24 =	vadd.s32 v4, v23;
	v34 =	vld [tilespmem:s22+$0xFFFFE030];
	[tilespmem:v29+s29+$0x0] =	vst.idx.msk $0xffff, v19  }
0x189: {  	v23 =	vadd.s32 v6, v38;
	v19 =	vld [tilespmem:s22+$0xFFFFE050];
	[tilespmem:v27+s29+$0x0] =	vst.idx.msk $0xffff, v18  }
0x18a: {  	v21 =	vadd.s32 v8, v39;
	v38 =	vld [tilespmem:s22+$0xFFFFE070];
	[tilespmem:v32+s29+$0x0] =	vst.idx.msk $0xffff, v40  }
0x18b: {  	[tilespmem:v26+s29+$0x0] =	vst.idx.msk $0xffff, v22;
	v39 =	vld [tilespmem:s22+$0xFFFFF0E0]  }
0x18c: {  	v22 =	vadd.s32 v10, v33;
	v40 =	vld [tilespmem:s22+$0xFFFFE090];
	[tilespmem:v25+s29+$0x0] =	vst.idx.msk $0xffff, v20  }
0x18d: {  	v20 =	vadd.s32 v12, v36;
	[tilespmem:v24+s29+$0x0] =	vst.idx.msk $0xffff, v34;
	v33 =	vld [tilespmem:s22+$0xFFFFE0B0]  }
0x18e: {  	[tilespmem:v23+s29+$0x0] =	vst.idx.msk $0xffff, v19;
	v34 =	vld [tilespmem:s22+$0xFFFFE0D0];
	v19 =	vadd.s32 v14, v37  }
0x18f: {  	v18 =	vadd.s32 v2, v35;
	v36 =	vld [tilespmem:s22+$0xFFFFE010];
	[tilespmem:v21+s29+$0x0] =	vst.idx.msk $0xffff, v38  }
0x190: {  	v35 =	vld [tilespmem:s22+$0xFFFFF020];
	[tilespmem:v31+s30+$0x0] =	vst.idx.msk $0xffff, v39  }
0x191: {  	[tilespmem:v22+s29+$0x0] =	vst.idx.msk $0xffff, v40;
	v37 =	vld [tilespmem:s22+$0xFFFFF0F0]  }
0x192: {  	v38 =	vld [tilespmem:s22+$0xFFFFF040];
	[tilespmem:v20+s29+$0x0] =	vst.idx.msk $0xffff, v33  }
0x193: {  	v33 =	vld [tilespmem:s22+$0xFFFFF060];
	[tilespmem:v19+s29+$0x0] =	vst.idx.msk $0xffff, v34  }
0x194: {  	[tilespmem:v18+s29+$0x0] =	vst.idx.msk $0xffff, v36;
	v34 =	vld [tilespmem:s22+$0xFFFFF080]  }
0x195: {  	[tilespmem:v28+s30+$0x0] =	vst.idx.msk $0xffff, v35;
	v35 =	vld [tilespmem:s22+$0xFFFFF0A0]  }
0x196: {  	v36 =	vld [tilespmem:s22+$0xFFFFF0C0];
	[tilespmem:v32+s30+$0x0] =	vst.idx.msk $0xffff, v37  }
0x197: {  	[tilespmem:v30+s30+$0x0] =	vst.idx.msk $0xffff, v38;
	v37 =	vld [tilespmem:s22+$0xE0]  }
0x198: {  	v38 =	vld [tilespmem:s22+$0xFFFFF000];
	[tilespmem:v29+s30+$0x0] =	vst.idx.msk $0xffff, v33  }
0x199: {  	v33 =	vld [tilespmem:s22+$0xFFFFF030];
	[tilespmem:v27+s30+$0x0] =	vst.idx.msk $0xffff, v34  }
0x19a: {  	v34 =	vld [tilespmem:s22+$0xFFFFF050];
	[tilespmem:v26+s30+$0x0] =	vst.idx.msk $0xffff, v35  }
0x19b: {  	v35 =	vld [tilespmem:s22+$0xFFFFF070];
	[tilespmem:v25+s30+$0x0] =	vst.idx.msk $0xffff, v36  }
0x19c: {  	v36 =	vld [tilespmem:s22+$0xFFFFF090];
	[tilespmem:v31+s31+$0x0] =	vst.idx.msk $0xffff, v37  }
0x19d: {  	[tilespmem:v17+s30+$0x0] =	vst.idx.msk $0xffff, v38;
	v37 =	vld [tilespmem:s22+$0xF0]  }
0x19e: {  	[tilespmem:v24+s30+$0x0] =	vst.idx.msk $0xffff, v33;
	v33 =	vld [tilespmem:s22+$0xFFFFF0B0]  }
0x19f: {  	[tilespmem:v23+s30+$0x0] =	vst.idx.msk $0xffff, v34;
	v34 =	vld [tilespmem:s22+$0xFFFFF0D0]  }
0x1a0: {  	v38 =	vld [tilespmem:s22+$0xFFFFF010];
	[tilespmem:v21+s30+$0x0] =	vst.idx.msk $0xffff, v35  }
0x1a1: {  	v35 =	vld [tilespmem:s22+$0x20];
	[tilespmem:v22+s30+$0x0] =	vst.idx.msk $0xffff, v36  }
0x1a2: {  	v36 =	vld [tilespmem:s22+$0x40];
	[tilespmem:v32+s31+$0x0] =	vst.idx.msk $0xffff, v37  }
0x1a3: {  	[tilespmem:v20+s30+$0x0] =	vst.idx.msk $0xffff, v33;
	v33 =	vld [tilespmem:s22+$0x10E0]  }
0x1a4: {  	v37 =	vld [tilespmem:s22+$0x60];
	[tilespmem:v19+s30+$0x0] =	vst.idx.msk $0xffff, v34  }
0x1a5: {  	[tilespmem:v18+s30+$0x0] =	vst.idx.msk $0xffff, v38;
	v34 =	vld [tilespmem:s22+$0x80]  }
0x1a6: {  	[tilespmem:v28+s31+$0x0] =	vst.idx.msk $0xffff, v35;
	v35 =	vld [tilespmem:s22+$0xA0]  }
0x1a7: {  	[tilespmem:v30+s31+$0x0] =	vst.idx.msk $0xffff, v36;
	v36 =	vld [tilespmem:s22+$0xC0]  }
0x1a8: {  	v38 =	vld [tilespmem:s22+$0x0];
	[tilespmem:v31+s1+$0x0] =	vst.idx.msk $0xffff, v33  }
0x1a9: {  	[tilespmem:v29+s31+$0x0] =	vst.idx.msk $0xffff, v37;
	v31 =	vld [tilespmem:s22+$0x10F0]  }
0x1aa: {  	v33 =	vld [tilespmem:s22+$0x30];
	[tilespmem:v27+s31+$0x0] =	vst.idx.msk $0xffff, v34  }
0x1ab: {  	v34 =	vld [tilespmem:s22+$0x50];
	[tilespmem:v26+s31+$0x0] =	vst.idx.msk $0xffff, v35  }
0x1ac: {  	v35 =	vld [tilespmem:s22+$0x70];
	[tilespmem:v25+s31+$0x0] =	vst.idx.msk $0xffff, v36  }
0x1ad: {  	[tilespmem:v17+s31+$0x0] =	vst.idx.msk $0xffff, v38;
	v36 =	vld [tilespmem:s22+$0x90]  }
0x1ae: {  	v37 =	vld [tilespmem:s22+$0xB0];
	[tilespmem:v32+s1+$0x0] =	vst.idx.msk $0xffff, v31  }
0x1af: {  	[tilespmem:v24+s31+$0x0] =	vst.idx.msk $0xffff, v33;
	v31 =	vld [tilespmem:s22+$0xD0]  }
0x1b0: {  	v32 =	vld [tilespmem:s22+$0x10];
	[tilespmem:v23+s31+$0x0] =	vst.idx.msk $0xffff, v34  }
0x1b1: {  	v33 =	vld [tilespmem:s22+$0x1020];
	[tilespmem:v21+s31+$0x0] =	vst.idx.msk $0xffff, v35  }
0x1b2: {  	v34 =	vld [tilespmem:s22+$0x1040];
	[tilespmem:v22+s31+$0x0] =	vst.idx.msk $0xffff, v36  }
0x1b3: {  	v35 =	vld [tilespmem:s22+$0x1060];
	[tilespmem:v20+s31+$0x0] =	vst.idx.msk $0xffff, v37  }
0x1b4: {  	v37 =	vld [tilespmem:s22+$0x1080];
	[tilespmem:v19+s31+$0x0] =	vst.idx.msk $0xffff, v31  }
.Ltmp2:
0x1b5: {  	[tilespmem:v18+s31+$0x0] =	vst.idx.msk $0xffff, v32;
	v32 =	vld [tilespmem:s22+$0x10A0];
	(pc) =	sbr.rel @p2 .LBB2_7-.Ltmp2, $4  }
0x1b6: {  	[tilespmem:v28+s1+$0x0] =	vst.idx.msk $0xffff, v33;
	v31 =	vld [tilespmem:s22+$0x10C0]  }
0x1b7: {  	s14 =	sadd.s32 $0x1, s0;
	v28 =	vld [tilespmem:s22+$0x1000];
	[tilespmem:v30+s1+$0x0] =	vst.idx.msk $0xffff, v34  }
0x1b8: {  	s21 =	sadd.s32 $0x3, s0;
	v36 =	vmov s0;
	v33 =	vmov s14;
	s14 =	sadd.s32 $0x2, s0;
	v30 =	vld [tilespmem:s22+$0x1030];
	[tilespmem:v29+s1+$0x0] =	vst.idx.msk $0xffff, v35  }
0x1b9: {  	s0 =	sadd.s32 $0x8, s0;
	v34 =	vmov s14;
	s14 =	sadd.s32 $0x7, s2;
	v35 =	vmov s21;
	s21 =	sadd.s32 $0x4, s2;
	v29 =	vld [tilespmem:s22+$0x1050];
	[tilespmem:v27+s1+$0x0] =	vst.idx.msk $0xffff, v37  }
0x1ba: {  	_ =	sdelay $0x2  }
0x1bb: {  	v27 =	vshrl.u32 v36, $0x3;
	v61 =	vmov s21  }
0x1bc: {  	s0 =	sadd.s32 $0x5, s2;
	s21 =	sadd.s32 $0x6, s2;
	v37 =	vmov s14;
	v38 =	vld [tilespmem:s22+$0x1070];
	[tilespmem:v26+s1+$0x0] =	vst.idx.msk $0xffff, v32;
	v43 =	vshrl.u32 v33, $0x3;
	v46 =	vshrl.u32 v35, $0x3  }
0x1bd: {  	v39 =	vld [tilespmem:s22+$0x1090];
	v62 =	vmov s0;
	v63 =	vmov s21;
	v37 =	vshrl.u32 v37, $0x3;
	[tilespmem:v25+s1+$0x0] =	vst.idx.msk $0xffff, v31  }
0x1be: {  	v42 =	vshll.u32 v27, v1;
	v45 =	vld [tilespmem:s22+$0x10B0];
	v27 =	vshll.u32 v43, v1;
	v48 =	vshrl.u32 v61, $0x3;
	[tilespmem:v17+s1+$0x0] =	vst.idx.msk $0xffff, v28  }
0x1bf: {  	v44 =	vshll.u32 v37, v1;
	v17 =	vshrl.u32 v34, $0x3;
	v47 =	vld [tilespmem:s22+$0x10D0];
	v25 =	vbroadcast v42, $0x0;
	[tilespmem:v24+s1+$0x0] =	vst.idx.msk $0xffff, v30  }
0x1c0: {  	s2 =	sadd.s32 $0x100, s22;
	v50 =	vbroadcast v27, $0x0;
	v26 =	vshrl.u32 v62, $0x3;
	v32 =	vshrl.u32 v63, $0x3;
	v49 =	vld [tilespmem:s22+$0x1010];
	[tilespmem:v23+s1+$0x0] =	vst.idx.msk $0xffff, v29  }
0x1c1: {  	v54 =	vld [tilespmem:s2+$0xFFFFE000];
	v31 =	vbroadcast v44, $0x0;
	v51 =	vshll.u32 v17, v1;
	v17 =	vadd.s32 v0, v25;
	[tilespmem:v21+s1+$0x0] =	vst.idx.msk $0xffff, v38  }
0x1c2: {  	v55 =	vld [tilespmem:s2+$0xFFFFE020];
	v26 =	vshll.u32 v26, v1;
	v27 =	vbroadcast v51, $0x0;
	v36 =	vadd.s32 v3, v50;
	[tilespmem:v22+s1+$0x0] =	vst.idx.msk $0xffff, v39  }
0x1c3: {  	v52 =	vld [tilespmem:s2+$0xFFFFE0E0];
	v32 =	vshll.u32 v32, v1;
	v26 =	vbroadcast v26, $0x0;
	v53 =	vadd.s32 v15, v31;
	[tilespmem:v20+s1+$0x0] =	vst.idx.msk $0xffff, v45  }
0x1c4: {  	v33 =	vshll.u32 v46, v1;
	v56 =	vld [tilespmem:s2+$0xFFFFE040];
	v57 =	vbroadcast v32, $0x0;
	v28 =	vadd.s32 v5, v27;
	[tilespmem:v19+s1+$0x0] =	vst.idx.msk $0xffff, v47  }
0x1c5: {  	v58 =	vld [tilespmem:s2+$0xFFFFE0A0];
	v33 =	vbroadcast v33, $0x0;
	v30 =	vshll.u32 v48, v1;
	v32 =	vadd.s32 v11, v26;
	[tilespmem:v18+s1+$0x0] =	vst.idx.msk $0xffff, v49  }
0x1c6: {  	v59 =	vld [tilespmem:s2+$0xFFFFE0C0];
	v30 =	vbroadcast v30, $0x0;
	v37 =	vadd.s32 v13, v57;
	[tilespmem:v17+s29+$0x0] =	vst.idx.msk $0xffff, v54  }
0x1c7: {  	v24 =	vadd.s32 v7, v33;
	v19 =	vld [tilespmem:s2+$0xFFFFE060];
	[tilespmem:v36+s29+$0x0] =	vst.idx.msk $0xffff, v55  }
0x1c8: {  	v34 =	vadd.s32 v9, v30;
	v18 =	vld [tilespmem:s2+$0xFFFFE080];
	[tilespmem:v53+s29+$0x0] =	vst.idx.msk $0xffff, v52  }
0x1c9: {  	v23 =	vadd.s32 v4, v50;
	v60 =	vld [tilespmem:s2+$0xFFFFE030];
	[tilespmem:v28+s29+$0x0] =	vst.idx.msk $0xffff, v56  }
0x1ca: {  	v31 =	vadd.s32 v16, v31;
	v29 =	vld [tilespmem:s2+$0xFFFFE0F0];
	[tilespmem:v32+s29+$0x0] =	vst.idx.msk $0xffff, v58  }
0x1cb: {  	v25 =	vadd.s32 v2, v25;
	v40 =	vld [tilespmem:s2+$0xFFFFE010];
	[tilespmem:v37+s29+$0x0] =	vst.idx.msk $0xffff, v59  }
0x1cc: {  	v27 =	vadd.s32 v6, v27;
	[tilespmem:v24+s29+$0x0] =	vst.idx.msk $0xffff, v19;
	v19 =	vld [tilespmem:s2+$0xFFFFE050]  }
0x1cd: {  	v26 =	vadd.s32 v12, v26;
	v63 =	vld [tilespmem:s2+$0xFFFFE0B0];
	[tilespmem:v34+s29+$0x0] =	vst.idx.msk $0xffff, v18  }
0x1ce: {  	v33 =	vadd.s32 v8, v33;
	v18 =	vld [tilespmem:s2+$0xFFFFE070];
	[tilespmem:v23+s29+$0x0] =	vst.idx.msk $0xffff, v60  }
0x1cf: {  	v30 =	vadd.s32 v10, v30;
	v62 =	vld [tilespmem:s2+$0xFFFFE090];
	[tilespmem:v31+s29+$0x0] =	vst.idx.msk $0xffff, v29  }
0x1d0: {  	[tilespmem:v25+s29+$0x0] =	vst.idx.msk $0xffff, v40;
	v61 =	vld [tilespmem:s2+$0xFFFFF0E0]  }
0x1d1: {  	v21 =	vadd.s32 v14, v57;
	[tilespmem:v27+s29+$0x0] =	vst.idx.msk $0xffff, v19;
	v19 =	vld [tilespmem:s2+$0xFFFFE0D0]  }
0x1d2: {  	v44 =	vld [tilespmem:s2+$0xFFFFF000];
	[tilespmem:v26+s29+$0x0] =	vst.idx.msk $0xffff, v63  }
0x1d3: {  	[tilespmem:v33+s29+$0x0] =	vst.idx.msk $0xffff, v18;
	v18 =	vld [tilespmem:s2+$0xFFFFF020]  }
0x1d4: {  	v41 =	vld [tilespmem:s2+$0xFFFFF040];
	[tilespmem:v30+s29+$0x0] =	vst.idx.msk $0xffff, v62  }
0x1d5: {  	v42 =	vld [tilespmem:s2+$0xFFFFF060];
	[tilespmem:v53+s30+$0x0] =	vst.idx.msk $0xffff, v61  }
0x1d6: {  	[tilespmem:v21+s29+$0x0] =	vst.idx.msk $0xffff, v19;
	v19 =	vld [tilespmem:s2+$0xFFFFF080]  }
0x1d7: {  	[tilespmem:v17+s30+$0x0] =	vst.idx.msk $0xffff, v44;
	v22 =	vld [tilespmem:s2+$0xFFFFF0F0]  }
0x1d8: {  	[tilespmem:v36+s30+$0x0] =	vst.idx.msk $0xffff, v18;
	v18 =	vld [tilespmem:s2+$0xFFFFF0A0]  }
0x1d9: {  	v29 =	vld [tilespmem:s2+$0xFFFFF010];
	[tilespmem:v28+s30+$0x0] =	vst.idx.msk $0xffff, v41  }
0x1da: {  	v43 =	vld [tilespmem:s2+$0xFFFFF0C0];
	[tilespmem:v24+s30+$0x0] =	vst.idx.msk $0xffff, v42  }
0x1db: {  	v45 =	vld [tilespmem:s2+$0xFFFFF030];
	[tilespmem:v34+s30+$0x0] =	vst.idx.msk $0xffff, v19  }
0x1dc: {  	v19 =	vld [tilespmem:s2+$0xFFFFF050];
	[tilespmem:v31+s30+$0x0] =	vst.idx.msk $0xffff, v22  }
0x1dd: {  	[tilespmem:v32+s30+$0x0] =	vst.idx.msk $0xffff, v18;
	v18 =	vld [tilespmem:s2+$0xFFFFF070]  }
0x1de: {  	[tilespmem:v25+s30+$0x0] =	vst.idx.msk $0xffff, v29;
	v22 =	vld [tilespmem:s2+$0xE0]  }
0x1df: {  	[tilespmem:v37+s30+$0x0] =	vst.idx.msk $0xffff, v43;
	v46 =	vld [tilespmem:s2+$0xFFFFF090]  }
0x1e0: {  	v52 =	vld [tilespmem:s2+$0x0];
	[tilespmem:v23+s30+$0x0] =	vst.idx.msk $0xffff, v45  }
0x1e1: {  	v47 =	vld [tilespmem:s2+$0xFFFFF0B0];
	[tilespmem:v27+s30+$0x0] =	vst.idx.msk $0xffff, v19  }
0x1e2: {  	v19 =	vld [tilespmem:s2+$0xFFFFF0D0];
	[tilespmem:v33+s30+$0x0] =	vst.idx.msk $0xffff, v18  }
0x1e3: {  	v18 =	vld [tilespmem:s2+$0x20];
	[tilespmem:v53+s31+$0x0] =	vst.idx.msk $0xffff, v22  }
0x1e4: {  	[tilespmem:v30+s30+$0x0] =	vst.idx.msk $0xffff, v46;
	v22 =	vld [tilespmem:s2+$0xF0]  }
0x1e5: {  	v48 =	vld [tilespmem:s2+$0x40];
	[tilespmem:v17+s31+$0x0] =	vst.idx.msk $0xffff, v52  }
0x1e6: {  	[tilespmem:v26+s30+$0x0] =	vst.idx.msk $0xffff, v47;
	v57 =	vld [tilespmem:s2+$0x10]  }
0x1e7: {  	v50 =	vld [tilespmem:s2+$0x60];
	[tilespmem:v21+s30+$0x0] =	vst.idx.msk $0xffff, v19  }
0x1e8: {  	v19 =	vld [tilespmem:s2+$0x80];
	[tilespmem:v36+s31+$0x0] =	vst.idx.msk $0xffff, v18  }
0x1e9: {  	v18 =	vld [tilespmem:s2+$0xA0];
	[tilespmem:v31+s31+$0x0] =	vst.idx.msk $0xffff, v22  }
0x1ea: {  	[tilespmem:v28+s31+$0x0] =	vst.idx.msk $0xffff, v48;
	v49 =	vld [tilespmem:s2+$0x10E0]  }
0x1eb: {  	v51 =	vld [tilespmem:s2+$0xC0];
	[tilespmem:v25+s31+$0x0] =	vst.idx.msk $0xffff, v57  }
0x1ec: {  	[tilespmem:v24+s31+$0x0] =	vst.idx.msk $0xffff, v50;
	v22 =	vld [tilespmem:s2+$0x1000]  }
0x1ed: {  	[tilespmem:v34+s31+$0x0] =	vst.idx.msk $0xffff, v19;
	v19 =	vld [tilespmem:s2+$0x50]  }
0x1ee: {  	[tilespmem:v32+s31+$0x0] =	vst.idx.msk $0xffff, v18;
	v18 =	vld [tilespmem:s2+$0x70]  }
0x1ef: {  	[tilespmem:v53+s1+$0x0] =	vst.idx.msk $0xffff, v49;
	v53 =	vld [tilespmem:s2+$0x30]  }
0x1f0: {  	[tilespmem:v37+s31+$0x0] =	vst.idx.msk $0xffff, v51;
	v54 =	vld [tilespmem:s2+$0x90]  }
0x1f1: {  	v55 =	vld [tilespmem:s2+$0xB0];
	[tilespmem:v17+s1+$0x0] =	vst.idx.msk $0xffff, v22  }
0x1f2: {  	v56 =	vld [tilespmem:s2+$0xD0];
	[tilespmem:v27+s31+$0x0] =	vst.idx.msk $0xffff, v19  }
0x1f3: {  	[tilespmem:v33+s31+$0x0] =	vst.idx.msk $0xffff, v18;
	v18 =	vld [tilespmem:s2+$0x1040]  }
0x1f4: {  	v20 =	vld [tilespmem:s2+$0x10F0];
	[tilespmem:v23+s31+$0x0] =	vst.idx.msk $0xffff, v53  }
0x1f5: {  	[tilespmem:v30+s31+$0x0] =	vst.idx.msk $0xffff, v54;
	v19 =	vld [tilespmem:s2+$0x1020]  }
0x1f6: {  	v58 =	vld [tilespmem:s2+$0x1060];
	[tilespmem:v26+s31+$0x0] =	vst.idx.msk $0xffff, v55  }
0x1f7: {  	v59 =	vld [tilespmem:s2+$0x1080];
	[tilespmem:v21+s31+$0x0] =	vst.idx.msk $0xffff, v56  }
0x1f8: {  	v60 =	vld [tilespmem:s2+$0x10A0];
	[tilespmem:v28+s1+$0x0] =	vst.idx.msk $0xffff, v18  }
0x1f9: {  	[tilespmem:v31+s1+$0x0] =	vst.idx.msk $0xffff, v20;
	v61 =	vld [tilespmem:s2+$0x1050]  }
0x1fa: {  	[tilespmem:v36+s1+$0x0] =	vst.idx.msk $0xffff, v19;
	v19 =	vld [tilespmem:s2+$0x10C0]  }
0x1fb: {  	[tilespmem:v24+s1+$0x0] =	vst.idx.msk $0xffff, v58;
	v18 =	vld [tilespmem:s2+$0x1030]  }
0x1fc: {  	[tilespmem:v34+s1+$0x0] =	vst.idx.msk $0xffff, v59;
	v62 =	vld [tilespmem:s2+$0x1070]  }
0x1fd: {  	[tilespmem:v32+s1+$0x0] =	vst.idx.msk $0xffff, v60;
	v63 =	vld [tilespmem:s2+$0x1090]  }
0x1fe: {  	v17 =	vld [tilespmem:s2+$0x10B0];
	[tilespmem:v27+s1+$0x0] =	vst.idx.msk $0xffff, v61  }
0x1ff: {  	[tilespmem:v37+s1+$0x0] =	vst.idx.msk $0xffff, v19;
	v19 =	vld [tilespmem:s2+$0x1010]  }
0x200: {  	[tilespmem:v23+s1+$0x0] =	vst.idx.msk $0xffff, v18;
	v18 =	vld [tilespmem:s2+$0x10D0]  }
0x201: {  	s14 =	sshll.u32 s20, $0xB;
	[tilespmem:v33+s1+$0x0] =	vst.idx.msk $0xffff, v62  }
0x202: {  	s18 =	sshll.u32 s18, $0x12;
	s21 =	sshll.u32 s20, $0x6;
	s0 =	sand.u32 $0xFF80000, s14;
	[tilespmem:v30+s1+$0x0] =	vst.idx.msk $0xffff, v63  }
0x203: {  	s14 =	sand.u32 $0x3F80, s21;
	s22 =	rddreg [dreg:$0x1];
	[tilespmem:v26+s1+$0x0] =	vst.idx.msk $0xffff, v17;
	s2 =	sand.u32 $0x40000, s18  }
0x204: {  	s0 =	sor.u32 s0, s2;
	s2 =	sadd.s32 s22, s14;
	[tilespmem:v25+s1+$0x0] =	vst.idx.msk $0xffff, v19  }
0x205: {  	s14 =	simm.s32 $0x10C00;
	s2 =	sadd.s32 s0, s2;
	[tilespmem:v21+s1+$0x0] =	vst.idx.msk $0xffff, v18  }
0x206: {  	[hbm4b:s2+s3] =	stream.linear.scatter [tilespmem:s14], [sflag:$0x9], $0x80, $0x38;
	[tilespmem:$0x19400] =	vst v63  }
0x207: {  	s18 =	simm.s32 $0x10C88;
	s20 =	sadd.s32 $0x10, s2  }
0x208: {  	[hbm4b:s20+s3] =	stream.linear.scatter [tilespmem:s18], [sflag:$0x9], $0x80, $0x38;
	[tilespmem:$0x19400] =	vst v63  }
0x209: {  	s21 =	simm.s32 $0x10D10;
	s0 =	simm.s32 $0x440;
	s22 =	sadd.s32 $0x20, s2  }
0x20a: {  	[hbm4b:s22+s3] =	stream.linear.scatter [tilespmem:s21], [sflag:$0x9], $0x80, $0x38;
	[tilespmem:$0x19400] =	vst v63  }
0x20b: {  	s14 =	simm.s32 $0x2200;
	s18 =	simm.s32 $0x10D98;
	s20 =	sadd.s32 $0x30, s2  }
0x20c: {  	[hbm4b:s20+s3] =	stream.linear.scatter [tilespmem:s18], [sflag:$0x9], $0x80, $0x38;
	[tilespmem:$0x19400] =	vst v63  }
0x20d: {  	s21 =	simm.s32 $0x10E20;
	s22 =	sadd.s32 $0x40, s2;
	s18 =	simm.s32 $0x10EA8  }
0x20e: {  	[hbm4b:s22+s3] =	stream.linear.scatter [tilespmem:s21], [sflag:$0x9], $0x80, $0x38;
	[tilespmem:$0x19400] =	vst v63  }
0x20f: {  	s20 =	sadd.s32 $0x50, s2;
	s21 =	simm.s32 $0x10F30;
	s22 =	sadd.s32 $0x60, s2  }
0x210: {  	[hbm4b:s20+s3] =	stream.linear.scatter [tilespmem:s18], [sflag:$0x9], $0x80, $0x38;
	[tilespmem:$0x19400] =	vst v63  }
0x211: {  	s18 =	simm.s32 $0x10FB8;
	s20 =	sadd.s32 $0x70, s2;
	s2 =	sadd.s32 $0x4000, s2  }
0x212: {  	[hbm4b:s22+s3] =	stream.linear.scatter [tilespmem:s21], [sflag:$0x9], $0x80, $0x38;
	[tilespmem:$0x19400] =	vst v63  }
.LBB2_9:
0x213: {  	[hbm4b:s20+s3] =	stream.linear.scatter [tilespmem:s18], [sflag:$0x9], $0x80, $0x38;
	[tilespmem:$0x19400] =	vst v63  }
0x214: {  	s18 =	smov.u32 s0;
	s0 =	smov.u32 s14  }
0x215: {  	s21 =	sadd.s32 $0x1100, s14;
	s0 =	sshra.s32 s0, $0x2;
	s20 =	sadd.s32 $0x10C00, s18  }
0x216: {  	[hbm4b:s2+s3] =	stream.linear.scatter [tilespmem:s20], [sflag:$0x9], $0x80, $0x38;
	[tilespmem:$0x19400] =	vst v63  }
0x217: {  	p2 =	sne.s32 s14, $0xFF00;
	s14 =	sadd.s32 $0x10C88, s18;
	s20 =	sadd.s32 $0x10, s2  }
0x218: {  	[hbm4b:s20+s3] =	stream.linear.scatter [tilespmem:s14], [sflag:$0x9], $0x80, $0x38;
	[tilespmem:$0x19400] =	vst v63  }
0x219: {  	s14 =	sadd.s32 $0x10D10, s18;
	s20 =	sadd.s32 $0x20, s2  }
0x21a: {  	[hbm4b:s20+s3] =	stream.linear.scatter [tilespmem:s14], [sflag:$0x9], $0x80, $0x38;
	[tilespmem:$0x19400] =	vst v63  }
0x21b: {  	s14 =	sadd.s32 $0x10D98, s18;
	s20 =	sadd.s32 $0x30, s2  }
0x21c: {  	[hbm4b:s20+s3] =	stream.linear.scatter [tilespmem:s14], [sflag:$0x9], $0x80, $0x38;
	[tilespmem:$0x19400] =	vst v63  }
0x21d: {  	s14 =	sadd.s32 $0x10E20, s18;
	s20 =	sadd.s32 $0x40, s2  }
0x21e: {  	[hbm4b:s20+s3] =	stream.linear.scatter [tilespmem:s14], [sflag:$0x9], $0x80, $0x38;
	[tilespmem:$0x19400] =	vst v63  }
.Ltmp3:
0x21f: {  	s14 =	sadd.s32 $0x10EA8, s18;
	s20 =	sadd.s32 $0x50, s2;
	(pc) =	sbr.rel @p2 .LBB2_9-.Ltmp3, $4  }
0x220: {  	[hbm4b:s20+s3] =	stream.linear.scatter [tilespmem:s14], [sflag:$0x9], $0x80, $0x38;
	[tilespmem:$0x19400] =	vst v63  }
0x221: {  	s14 =	sadd.s32 $0x10F30, s18;
	s20 =	sadd.s32 $0x60, s2;
	s18 =	sadd.s32 $0x10FB8, s18  }
0x222: {  	[hbm4b:s20+s3] =	stream.linear.scatter [tilespmem:s14], [sflag:$0x9], $0x80, $0x38;
	[tilespmem:$0x19400] =	vst v63  }
0x223: {  	s20 =	sadd.s32 $0x70, s2;
	s2 =	sadd.s32 $0x4000, s2;
	s14 =	smov.u32 s21  }
0x224: {  	[hbm4b:s20+s3] =	stream.linear.scatter [tilespmem:s18], [sflag:$0x9], $0x80, $0x38;
	[tilespmem:$0x19400] =	vst v63  }
0x225: {  	s14 =	sadd.s32 $0x10C00, s0  }
0x226: {  	[hbm4b:s2+s3] =	stream.linear.scatter [tilespmem:s14], [sflag:$0x9], $0x80, $0x38;
	[tilespmem:$0x19400] =	vst v63  }
0x227: {  	s18 =	sadd.s32 $0x10C88, s0;
	s20 =	sadd.s32 $0x10, s2  }
0x228: {  	[hbm4b:s20+s3] =	stream.linear.scatter [tilespmem:s18], [sflag:$0x9], $0x80, $0x38;
	[tilespmem:$0x19400] =	vst v63  }
0x229: {  	s21 =	sadd.s32 $0x10D10, s0;
	s22 =	sadd.s32 $0x20, s2  }
0x22a: {  	[hbm4b:s22+s3] =	stream.linear.scatter [tilespmem:s21], [sflag:$0x9], $0x80, $0x38;
	[tilespmem:$0x19400] =	vst v63  }
0x22b: {  	s18 =	sadd.s32 $0x10D98, s0;
	s20 =	sadd.s32 $0x30, s2  }
0x22c: {  	[hbm4b:s20+s3] =	stream.linear.scatter [tilespmem:s18], [sflag:$0x9], $0x80, $0x38;
	[tilespmem:$0x19400] =	vst v63  }
0x22d: {  	s21 =	sadd.s32 $0x10E20, s0;
	s22 =	sadd.s32 $0x40, s2  }
0x22e: {  	[hbm4b:s22+s3] =	stream.linear.scatter [tilespmem:s21], [sflag:$0x9], $0x80, $0x38;
	[tilespmem:$0x19400] =	vst v63  }
0x22f: {  	s12 =	sadd.s32 s5, s12;
	s18 =	sadd.s32 $0x10EA8, s0;
	s20 =	sadd.s32 $0x50, s2  }
0x230: {  	[hbm4b:s20+s3] =	stream.linear.scatter [tilespmem:s18], [sflag:$0x9], $0x80, $0x38;
	[tilespmem:$0x19400] =	vst v63  }
0x231: {  	s21 =	sadd.s32 $0x10F30, s0;
	s22 =	sadd.s32 $0x60, s2;
	s18 =	sadd.s32 $0x10FB8, s0  }
0x232: {  	[hbm4b:s22+s3] =	stream.linear.scatter [tilespmem:s21], [sflag:$0x9], $0x80, $0x38;
	[tilespmem:$0x19400] =	vst v63  }
0x233: {  	s20 =	sadd.s32 $0x70, s2;
	s0 =	sshll.u32 @!p1 s12, $0x6;
	s21 =	simm.s32 $0x7  }
0x234: {  	[hbm4b:s20+s3] =	stream.linear.scatter [tilespmem:s18], [sflag:$0x9], $0x80, $0x38;
	[tilespmem:$0x19400] =	vst v63  }
0x235: {  	s14 =	simm.s32 $0x7;
	s0 =	sadd.s32 @!p1 $0x100, s0;
	_ =	swait.ge [sflag:s21], $0x4000  }
0x236: {  	v22 =	vmov s14;
	s0 =	sand.u32 @!p1 $0xFFFFF80, s0;
	[sflag:s21] =	ssyncset.done $0x0  }
0x237: {  	v22 =	vshrl.u32 v22, $0x3;
	s2 =	simm.s32 @!p1 $0x0;
	s0 =	sadd.s32 @!p1 s0, s13;
	[sflag:s21] =	ssyncadd.s32 $0xFFFFC000  }
0x238: {  	v22 =	vshll.u32 v22, v1;
	[tilespmem:s11], [sflag:s17] =	stream.linear.gather @!p1 [hbm4b:s0+s2], $0x200, $0x38;
	[tilespmem:$0x19400] =	vst v63  }
0x239: {  	v22 =	vbroadcast v22, $0x0;
	s22 =	simm.s32 $0x4800;
	s13 =	simm.s32 $0x4;
	_ =	swait.ge [sflag:s10], $0x200  }
0x23a: {  	s2 =	simm.s32 $0x0;
	s11 =	simm.s32 $0x3;
	[sflag:s10] =	ssyncset.done $0x0  }
0x23b: {  	v29 =	vadd.s32 v15, v22;
	s17 =	simm.s32 $0x5;
	v17 =	vmov s2;
	v20 =	vmov s11;
	s2 =	simm.s32 @!p0 $0xA;
	[sflag:s10] =	ssyncadd.s32 $0xFFFFFE00  }
0x23c: {  	v21 =	vmov s13;
	v17 =	vshrl.u32 v17, $0x3;
	v20 =	vshrl.u32 v20, $0x3;
	[tilespmem:s22], [sflag:$0x6] =	stream.indirect.gather [hbm4b:s7+s28], $0x20, s6, s28, $0xb8;
	[tilespmem:$0x19400] =	vst v63  }
0x23d: {  	v23 =	vmov s17;
	s10 =	simm.s32 $0x2;
	v17 =	vshll.u32 v17, v1;
	v20 =	vshll.u32 v20, v1;
	s6 =	simm.s32 $0x1;
	_ =	swait.ge @!p0 [sflag:s2], $0x4000  }
0x23e: {  	v19 =	vmov s10;
	v28 =	vbroadcast v17, $0x0;
	v18 =	vmov s6;
	[sflag:s2] =	ssyncset.done @!p0 $0x0  }
0x23f: {  	v20 =	vbroadcast v20, $0x0;
	v19 =	vshrl.u32 v19, $0x3;
	s6 =	simm.s32 $0xA800;
	v18 =	vshrl.u32 v18, $0x3;
	[sflag:s2] =	ssyncadd.s32 @!p0 $0xFFFFC000  }
0x240: {  	v19 =	vshll.u32 v19, v1;
	v17 =	vshll.u32 v18, v1;
	v18 =	vshrl.u32 v21, $0x3;
	v25 =	vld [tilespmem:s6+$0xFFFFE0E0]  }
0x241: {  	v19 =	vbroadcast v19, $0x0;
	v21 =	vbroadcast v17, $0x0;
	v26 =	vld [tilespmem:s6+$0xFFFFE000];
	v17 =	vadd.s32 v0, v28  }
0x242: {  	v23 =	vshrl.u32 v23, $0x3;
	v35 =	vadd.s32 v7, v20;
	v18 =	vshll.u32 v18, v1;
	v34 =	vld [tilespmem:s6+$0xFFFFE060]  }
0x243: {  	s18 =	simm.s32 $0x6;
	v23 =	vshll.u32 v23, v1;
	v32 =	vld [tilespmem:s6+$0xFFFFE040];
	v33 =	vadd.s32 v5, v19;
	v18 =	vbroadcast v18, $0x0  }
0x244: {  	v24 =	vmov s18;
	v37 =	vbroadcast v23, $0x0;
	v30 =	vld [tilespmem:s6+$0xFFFFE020];
	v31 =	vadd.s32 v3, v21  }
0x245: {  	v40 =	vadd.s32 v16, v22;
	v24 =	vshrl.u32 v24, $0x3;
	v36 =	vld [tilespmem:s6+$0xFFFFE080];
	v27 =	vadd.s32 v9, v18;
	[tilespmem:v29+s15+$0x0] =	vst.idx.msk $0xffff, v25  }
0x246: {  	v23 =	vshll.u32 v24, v1;
	v22 =	vld [tilespmem:s6+$0xFFFFE0A0];
	[tilespmem:v17+s15+$0x0] =	vst.idx.msk $0xffff, v26;
	v26 =	vadd.s32 v11, v37  }
0x247: {  	v38 =	vbroadcast v23, $0x0;
	[tilespmem:v35+s15+$0x0] =	vst.idx.msk $0xffff, v34;
	v39 =	vld [tilespmem:s6+$0xFFFFE0F0]  }
0x248: {  	v24 =	vadd.s32 v4, v21;
	v21 =	vadd.s32 v8, v20;
	[tilespmem:v33+s15+$0x0] =	vst.idx.msk $0xffff, v32;
	v63 =	vld [tilespmem:s6+$0xFFFFE070]  }
0x249: {  	v25 =	vadd.s32 v13, v38;
	[tilespmem:v31+s15+$0x0] =	vst.idx.msk $0xffff, v30;
	v30 =	vld [tilespmem:s6+$0xFFFFE0C0]  }
0x24a: {  	v23 =	vadd.s32 v6, v19;
	v62 =	vld [tilespmem:s6+$0xFFFFE050];
	[tilespmem:v27+s15+$0x0] =	vst.idx.msk $0xffff, v36  }
0x24b: {  	v61 =	vld [tilespmem:s6+$0xFFFFE030];
	[tilespmem:v26+s15+$0x0] =	vst.idx.msk $0xffff, v22  }
0x24c: {  	v41 =	vld [tilespmem:s6+$0xFFFFE090];
	v22 =	vadd.s32 v10, v18;
	[tilespmem:v40+s15+$0x0] =	vst.idx.msk $0xffff, v39  }
0x24d: {  	v44 =	vld [tilespmem:s6+$0xFFFFE010];
	v18 =	vadd.s32 v2, v28;
	[tilespmem:v21+s15+$0x0] =	vst.idx.msk $0xffff, v63  }
0x24e: {  	v39 =	vld [tilespmem:s6+$0xFFFFF0E0];
	[tilespmem:v25+s15+$0x0] =	vst.idx.msk $0xffff, v30  }
0x24f: {  	v20 =	vadd.s32 v12, v37;
	v30 =	vld [tilespmem:s6+$0xFFFFE0B0];
	[tilespmem:v23+s15+$0x0] =	vst.idx.msk $0xffff, v62  }
0x250: {  	v19 =	vadd.s32 v14, v38;
	[tilespmem:v24+s15+$0x0] =	vst.idx.msk $0xffff, v61;
	v43 =	vld [tilespmem:s6+$0xFFFFE0D0]  }
0x251: {  	v46 =	vld [tilespmem:s6+$0xFFFFF040];
	[tilespmem:v22+s15+$0x0] =	vst.idx.msk $0xffff, v41  }
0x252: {  	v28 =	vld [tilespmem:s6+$0xFFFFF020];
	[tilespmem:v18+s15+$0x0] =	vst.idx.msk $0xffff, v44  }
0x253: {  	v47 =	vld [tilespmem:s6+$0xFFFFF080];
	[tilespmem:v29+s16+$0x0] =	vst.idx.msk $0xffff, v39  }
0x254: {  	[tilespmem:v20+s15+$0x0] =	vst.idx.msk $0xffff, v30;
	v45 =	vld [tilespmem:s6+$0xFFFFF0F0]  }
0x255: {  	v49 =	vld [tilespmem:s6+$0xFFFFF000];
	[tilespmem:v19+s15+$0x0] =	vst.idx.msk $0xffff, v43  }
0x256: {  	v30 =	vld [tilespmem:s6+$0xFFFFF060];
	[tilespmem:v33+s16+$0x0] =	vst.idx.msk $0xffff, v46  }
0x257: {  	[tilespmem:v31+s16+$0x0] =	vst.idx.msk $0xffff, v28;
	v28 =	vld [tilespmem:s6+$0xFFFFF0A0]  }
0x258: {  	v48 =	vld [tilespmem:s6+$0xFFFFF0C0];
	[tilespmem:v27+s16+$0x0] =	vst.idx.msk $0xffff, v47  }
0x259: {  	v50 =	vld [tilespmem:s6+$0xFFFFF050];
	[tilespmem:v40+s16+$0x0] =	vst.idx.msk $0xffff, v45  }
0x25a: {  	[tilespmem:v17+s16+$0x0] =	vst.idx.msk $0xffff, v49;
	v36 =	vld [tilespmem:s6+$0xE0]  }
0x25b: {  	[tilespmem:v35+s16+$0x0] =	vst.idx.msk $0xffff, v30;
	v30 =	vld [tilespmem:s6+$0xFFFFF030]  }
0x25c: {  	v51 =	vld [tilespmem:s6+$0xFFFFF090];
	[tilespmem:v26+s16+$0x0] =	vst.idx.msk $0xffff, v28  }
0x25d: {  	v37 =	vld [tilespmem:s6+$0xFFFFF010];
	[tilespmem:v25+s16+$0x0] =	vst.idx.msk $0xffff, v48  }
0x25e: {  	v28 =	vld [tilespmem:s6+$0xFFFFF070];
	[tilespmem:v23+s16+$0x0] =	vst.idx.msk $0xffff, v50  }
0x25f: {  	v52 =	vld [tilespmem:s6+$0xFFFFF0D0];
	[tilespmem:v29+s8+$0x0] =	vst.idx.msk $0xffff, v36  }
0x260: {  	[tilespmem:v24+s16+$0x0] =	vst.idx.msk $0xffff, v30;
	v36 =	vld [tilespmem:s6+$0xF0]  }
0x261: {  	v30 =	vld [tilespmem:s6+$0xFFFFF0B0];
	[tilespmem:v22+s16+$0x0] =	vst.idx.msk $0xffff, v51  }
0x262: {  	v53 =	vld [tilespmem:s6+$0x40];
	[tilespmem:v18+s16+$0x0] =	vst.idx.msk $0xffff, v37  }
0x263: {  	v55 =	vld [tilespmem:s6+$0x80];
	[tilespmem:v21+s16+$0x0] =	vst.idx.msk $0xffff, v28  }
0x264: {  	v28 =	vld [tilespmem:s6+$0x20];
	[tilespmem:v19+s16+$0x0] =	vst.idx.msk $0xffff, v52  }
0x265: {  	v37 =	vld [tilespmem:s6+$0x0];
	[tilespmem:v40+s8+$0x0] =	vst.idx.msk $0xffff, v36  }
0x266: {  	[tilespmem:v20+s16+$0x0] =	vst.idx.msk $0xffff, v30;
	v30 =	vld [tilespmem:s6+$0x10E0]  }
0x267: {  	v54 =	vld [tilespmem:s6+$0x60];
	[tilespmem:v33+s8+$0x0] =	vst.idx.msk $0xffff, v53  }
0x268: {  	v56 =	vld [tilespmem:s6+$0xC0];
	[tilespmem:v27+s8+$0x0] =	vst.idx.msk $0xffff, v55  }
0x269: {  	[tilespmem:v31+s8+$0x0] =	vst.idx.msk $0xffff, v28;
	v28 =	vld [tilespmem:s6+$0xA0]  }
0x26a: {  	v57 =	vld [tilespmem:s6+$0x50];
	[tilespmem:v17+s8+$0x0] =	vst.idx.msk $0xffff, v37  }
0x26b: {  	[tilespmem:v29+s9+$0x0] =	vst.idx.msk $0xffff, v30;
	v30 =	vld [tilespmem:s6+$0x30]  }
0x26c: {  	[tilespmem:v35+s8+$0x0] =	vst.idx.msk $0xffff, v54;
	v29 =	vld [tilespmem:s6+$0x10F0]  }
0x26d: {  	v58 =	vld [tilespmem:s6+$0x90];
	[tilespmem:v25+s8+$0x0] =	vst.idx.msk $0xffff, v56  }
0x26e: {  	[tilespmem:v26+s8+$0x0] =	vst.idx.msk $0xffff, v28;
	v28 =	vld [tilespmem:s6+$0x70]  }
0x26f: {  	[tilespmem:v23+s8+$0x0] =	vst.idx.msk $0xffff, v57;
	v59 =	vld [tilespmem:s6+$0xB0]  }
0x270: {  	[tilespmem:v24+s8+$0x0] =	vst.idx.msk $0xffff, v30;
	v30 =	vld [tilespmem:s6+$0x10]  }
0x271: {  	[tilespmem:v40+s9+$0x0] =	vst.idx.msk $0xffff, v29;
	v29 =	vld [tilespmem:s6+$0xD0]  }
0x272: {  	[tilespmem:v22+s8+$0x0] =	vst.idx.msk $0xffff, v58;
	v60 =	vld [tilespmem:s6+$0x1020]  }
0x273: {  	v61 =	vld [tilespmem:s6+$0x1040];
	[tilespmem:v21+s8+$0x0] =	vst.idx.msk $0xffff, v28  }
0x274: {  	v63 =	vld [tilespmem:s6+$0x1080];
	[tilespmem:v20+s8+$0x0] =	vst.idx.msk $0xffff, v59  }
0x275: {  	v62 =	vld [tilespmem:s6+$0x1060];
	[tilespmem:v18+s8+$0x0] =	vst.idx.msk $0xffff, v30  }
0x276: {  	v32 =	vld [tilespmem:s6+$0x10A0];
	[tilespmem:v19+s8+$0x0] =	vst.idx.msk $0xffff, v29  }
0x277: {  	[tilespmem:v31+s9+$0x0] =	vst.idx.msk $0xffff, v60;
	v31 =	vld [tilespmem:s6+$0x10C0]  }
0x278: {  	s21 =	simm.s32 $0xA;
	s2 =	simm.s32 $0x8;
	[tilespmem:v33+s9+$0x0] =	vst.idx.msk $0xffff, v61;
	v28 =	vld [tilespmem:s6+$0x1000]  }
0x279: {  	s20 =	simm.s32 $0x9;
	s22 =	simm.s32 $0xB;
	v34 =	vmov s21;
	v36 =	vmov s2;
	[tilespmem:v27+s9+$0x0] =	vst.idx.msk $0xffff, v63;
	v30 =	vld [tilespmem:s6+$0x1030]  }
0x27a: {  	s0 =	simm.s32 $0x10;
	s11 =	simm.s32 $0xC;
	s10 =	simm.s32 $0xF;
	v33 =	vmov s20;
	[tilespmem:v35+s9+$0x0] =	vst.idx.msk $0xffff, v62;
	v35 =	vmov s22;
	v29 =	vld [tilespmem:s6+$0x1050]  }
.LBB2_11:
0x27b: {  	p0 =	slt.u32 s0, $0x78;
	v27 =	vshrl.u32 v36, $0x3;
	v36 =	vmov s11;
	s11 =	sadd.s32 $0x5, s2;
	s2 =	sadd.s32 $0x6, s2;
	v37 =	vmov s10;
	v38 =	vld [tilespmem:s6+$0x1070];
	[tilespmem:v26+s9+$0x0] =	vst.idx.msk $0xffff, v32  }
0x27c: {  	v26 =	vmov s11;
	v32 =	vmov s2;
	v37 =	vshrl.u32 v37, $0x3;
	v39 =	vld [tilespmem:s6+$0x1090];
	[tilespmem:v25+s9+$0x0] =	vst.idx.msk $0xffff, v31;
	s2 =	smov.u32 s0  }
0x27d: {  	v25 =	vshll.u32 v27, v1;
	v27 =	vshrl.u32 v33, $0x3;
	v31 =	vshll.u32 v37, v1;
	[tilespmem:v17+s9+$0x0] =	vst.idx.msk $0xffff, v28;
	v33 =	vld [tilespmem:s6+$0x10B0]  }
0x27e: {  	v17 =	vshrl.u32 v34, $0x3;
	v28 =	vshrl.u32 v35, $0x3;
	v34 =	vbroadcast v31, $0x0;
	[tilespmem:v24+s9+$0x0] =	vst.idx.msk $0xffff, v30;
	v24 =	vld [tilespmem:s6+$0x10D0]  }
0x27f: {  	v35 =	vbroadcast v25, $0x0;
	v25 =	vshll.u32 v27, v1;
	v27 =	vshrl.u32 v36, $0x3;
	v36 =	vld [tilespmem:s6+$0x1010];
	[tilespmem:v23+s9+$0x0] =	vst.idx.msk $0xffff, v29;
	s6 =	sadd.s32 $0x100, s6  }
0x280: {  	v23 =	vbroadcast v25, $0x0;
	v25 =	vshll.u32 v17, v1;
	v37 =	vld [tilespmem:s6+$0xFFFFE0E0];
	v31 =	vadd.s32 v15, v34;
	[tilespmem:v21+s9+$0x0] =	vst.idx.msk $0xffff, v38  }
0x281: {  	v17 =	vadd.s32 v0, v35;
	v38 =	vbroadcast v25, $0x0;
	v25 =	vshll.u32 v28, v1;
	v21 =	vld [tilespmem:s6+$0xFFFFE000];
	[tilespmem:v22+s9+$0x0] =	vst.idx.msk $0xffff, v39  }
0x282: {  	v28 =	vadd.s32 v3, v23;
	v39 =	vbroadcast v25, $0x0;
	v25 =	vshll.u32 v27, v1;
	v22 =	vld [tilespmem:s6+$0xFFFFE020];
	[tilespmem:v20+s9+$0x0] =	vst.idx.msk $0xffff, v33  }
0x283: {  	v30 =	vadd.s32 v5, v38;
	v33 =	vbroadcast v25, $0x0;
	v25 =	vshrl.u32 v26, $0x3;
	v20 =	vld [tilespmem:s6+$0xFFFFE040];
	[tilespmem:v19+s9+$0x0] =	vst.idx.msk $0xffff, v24  }
0x284: {  	v29 =	vadd.s32 v7, v39;
	v24 =	vshll.u32 v25, v1;
	v25 =	vshrl.u32 v32, $0x3;
	v19 =	vld [tilespmem:s6+$0xFFFFE060];
	[tilespmem:v18+s9+$0x0] =	vst.idx.msk $0xffff, v36  }
0x285: {  	v27 =	vadd.s32 v9, v33;
	v36 =	vbroadcast v24, $0x0;
	v24 =	vshll.u32 v25, v1;
	v18 =	vld [tilespmem:s6+$0xFFFFE080];
	[tilespmem:v31+s15+$0x0] =	vst.idx.msk $0xffff, v37  }
0x286: {  	v32 =	vadd.s32 v16, v34;
	v37 =	vbroadcast v24, $0x0;
	[tilespmem:v17+s15+$0x0] =	vst.idx.msk $0xffff, v21;
	v40 =	vld [tilespmem:s6+$0xFFFFE0F0]  }
0x287: {  	v26 =	vadd.s32 v11, v36;
	[tilespmem:v28+s15+$0x0] =	vst.idx.msk $0xffff, v22;
	v22 =	vld [tilespmem:s6+$0xFFFFE0A0]  }
0x288: {  	v25 =	vadd.s32 v13, v37;
	[tilespmem:v30+s15+$0x0] =	vst.idx.msk $0xffff, v20;
	v20 =	vld [tilespmem:s6+$0xFFFFE0C0]  }
0x289: {  	v24 =	vadd.s32 v4, v23;
	v34 =	vld [tilespmem:s6+$0xFFFFE030];
	[tilespmem:v29+s15+$0x0] =	vst.idx.msk $0xffff, v19  }
0x28a: {  	v23 =	vadd.s32 v6, v38;
	v19 =	vld [tilespmem:s6+$0xFFFFE050];
	[tilespmem:v27+s15+$0x0] =	vst.idx.msk $0xffff, v18  }
0x28b: {  	v21 =	vadd.s32 v8, v39;
	v38 =	vld [tilespmem:s6+$0xFFFFE070];
	[tilespmem:v32+s15+$0x0] =	vst.idx.msk $0xffff, v40  }
0x28c: {  	[tilespmem:v26+s15+$0x0] =	vst.idx.msk $0xffff, v22;
	v39 =	vld [tilespmem:s6+$0xFFFFF0E0]  }
0x28d: {  	v22 =	vadd.s32 v10, v33;
	v40 =	vld [tilespmem:s6+$0xFFFFE090];
	[tilespmem:v25+s15+$0x0] =	vst.idx.msk $0xffff, v20  }
0x28e: {  	v20 =	vadd.s32 v12, v36;
	[tilespmem:v24+s15+$0x0] =	vst.idx.msk $0xffff, v34;
	v33 =	vld [tilespmem:s6+$0xFFFFE0B0]  }
0x28f: {  	[tilespmem:v23+s15+$0x0] =	vst.idx.msk $0xffff, v19;
	v34 =	vld [tilespmem:s6+$0xFFFFE0D0];
	v19 =	vadd.s32 v14, v37  }
0x290: {  	v18 =	vadd.s32 v2, v35;
	v36 =	vld [tilespmem:s6+$0xFFFFE010];
	[tilespmem:v21+s15+$0x0] =	vst.idx.msk $0xffff, v38  }
0x291: {  	v35 =	vld [tilespmem:s6+$0xFFFFF020];
	[tilespmem:v31+s16+$0x0] =	vst.idx.msk $0xffff, v39  }
0x292: {  	[tilespmem:v22+s15+$0x0] =	vst.idx.msk $0xffff, v40;
	v37 =	vld [tilespmem:s6+$0xFFFFF0F0]  }
0x293: {  	v38 =	vld [tilespmem:s6+$0xFFFFF040];
	[tilespmem:v20+s15+$0x0] =	vst.idx.msk $0xffff, v33  }
0x294: {  	v33 =	vld [tilespmem:s6+$0xFFFFF060];
	[tilespmem:v19+s15+$0x0] =	vst.idx.msk $0xffff, v34  }
0x295: {  	[tilespmem:v18+s15+$0x0] =	vst.idx.msk $0xffff, v36;
	v34 =	vld [tilespmem:s6+$0xFFFFF080]  }
0x296: {  	[tilespmem:v28+s16+$0x0] =	vst.idx.msk $0xffff, v35;
	v35 =	vld [tilespmem:s6+$0xFFFFF0A0]  }
0x297: {  	v36 =	vld [tilespmem:s6+$0xFFFFF0C0];
	[tilespmem:v32+s16+$0x0] =	vst.idx.msk $0xffff, v37  }
0x298: {  	[tilespmem:v30+s16+$0x0] =	vst.idx.msk $0xffff, v38;
	v37 =	vld [tilespmem:s6+$0xE0]  }
0x299: {  	v38 =	vld [tilespmem:s6+$0xFFFFF000];
	[tilespmem:v29+s16+$0x0] =	vst.idx.msk $0xffff, v33  }
0x29a: {  	v33 =	vld [tilespmem:s6+$0xFFFFF030];
	[tilespmem:v27+s16+$0x0] =	vst.idx.msk $0xffff, v34  }
0x29b: {  	v34 =	vld [tilespmem:s6+$0xFFFFF050];
	[tilespmem:v26+s16+$0x0] =	vst.idx.msk $0xffff, v35  }
0x29c: {  	v35 =	vld [tilespmem:s6+$0xFFFFF070];
	[tilespmem:v25+s16+$0x0] =	vst.idx.msk $0xffff, v36  }
0x29d: {  	v36 =	vld [tilespmem:s6+$0xFFFFF090];
	[tilespmem:v31+s8+$0x0] =	vst.idx.msk $0xffff, v37  }
0x29e: {  	[tilespmem:v17+s16+$0x0] =	vst.idx.msk $0xffff, v38;
	v37 =	vld [tilespmem:s6+$0xF0]  }
0x29f: {  	[tilespmem:v24+s16+$0x0] =	vst.idx.msk $0xffff, v33;
	v33 =	vld [tilespmem:s6+$0xFFFFF0B0]  }
0x2a0: {  	[tilespmem:v23+s16+$0x0] =	vst.idx.msk $0xffff, v34;
	v34 =	vld [tilespmem:s6+$0xFFFFF0D0]  }
0x2a1: {  	v38 =	vld [tilespmem:s6+$0xFFFFF010];
	[tilespmem:v21+s16+$0x0] =	vst.idx.msk $0xffff, v35  }
0x2a2: {  	v35 =	vld [tilespmem:s6+$0x20];
	[tilespmem:v22+s16+$0x0] =	vst.idx.msk $0xffff, v36  }
0x2a3: {  	v36 =	vld [tilespmem:s6+$0x40];
	[tilespmem:v32+s8+$0x0] =	vst.idx.msk $0xffff, v37  }
0x2a4: {  	[tilespmem:v20+s16+$0x0] =	vst.idx.msk $0xffff, v33;
	v33 =	vld [tilespmem:s6+$0x10E0]  }
0x2a5: {  	v37 =	vld [tilespmem:s6+$0x60];
	[tilespmem:v19+s16+$0x0] =	vst.idx.msk $0xffff, v34  }
0x2a6: {  	[tilespmem:v18+s16+$0x0] =	vst.idx.msk $0xffff, v38;
	v34 =	vld [tilespmem:s6+$0x80]  }
0x2a7: {  	[tilespmem:v28+s8+$0x0] =	vst.idx.msk $0xffff, v35;
	v35 =	vld [tilespmem:s6+$0xA0]  }
0x2a8: {  	[tilespmem:v30+s8+$0x0] =	vst.idx.msk $0xffff, v36;
	v36 =	vld [tilespmem:s6+$0xC0]  }
0x2a9: {  	v38 =	vld [tilespmem:s6+$0x0];
	[tilespmem:v31+s9+$0x0] =	vst.idx.msk $0xffff, v33  }
0x2aa: {  	[tilespmem:v29+s8+$0x0] =	vst.idx.msk $0xffff, v37;
	v31 =	vld [tilespmem:s6+$0x10F0]  }
0x2ab: {  	v33 =	vld [tilespmem:s6+$0x30];
	[tilespmem:v27+s8+$0x0] =	vst.idx.msk $0xffff, v34  }
0x2ac: {  	v34 =	vld [tilespmem:s6+$0x50];
	[tilespmem:v26+s8+$0x0] =	vst.idx.msk $0xffff, v35  }
0x2ad: {  	v35 =	vld [tilespmem:s6+$0x70];
	[tilespmem:v25+s8+$0x0] =	vst.idx.msk $0xffff, v36  }
0x2ae: {  	[tilespmem:v17+s8+$0x0] =	vst.idx.msk $0xffff, v38;
	v36 =	vld [tilespmem:s6+$0x90]  }
0x2af: {  	v37 =	vld [tilespmem:s6+$0xB0];
	[tilespmem:v32+s9+$0x0] =	vst.idx.msk $0xffff, v31  }
0x2b0: {  	[tilespmem:v24+s8+$0x0] =	vst.idx.msk $0xffff, v33;
	v31 =	vld [tilespmem:s6+$0xD0]  }
0x2b1: {  	v32 =	vld [tilespmem:s6+$0x10];
	[tilespmem:v23+s8+$0x0] =	vst.idx.msk $0xffff, v34  }
0x2b2: {  	v33 =	vld [tilespmem:s6+$0x1020];
	[tilespmem:v21+s8+$0x0] =	vst.idx.msk $0xffff, v35  }
0x2b3: {  	v34 =	vld [tilespmem:s6+$0x1040];
	[tilespmem:v22+s8+$0x0] =	vst.idx.msk $0xffff, v36  }
0x2b4: {  	v35 =	vld [tilespmem:s6+$0x1060];
	[tilespmem:v20+s8+$0x0] =	vst.idx.msk $0xffff, v37  }
0x2b5: {  	v37 =	vld [tilespmem:s6+$0x1080];
	[tilespmem:v19+s8+$0x0] =	vst.idx.msk $0xffff, v31  }
.Ltmp4:
0x2b6: {  	[tilespmem:v18+s8+$0x0] =	vst.idx.msk $0xffff, v32;
	v32 =	vld [tilespmem:s6+$0x10A0];
	(pc) =	sbr.rel @p0 .LBB2_11-.Ltmp4, $4  }
0x2b7: {  	[tilespmem:v28+s9+$0x0] =	vst.idx.msk $0xffff, v33;
	v31 =	vld [tilespmem:s6+$0x10C0]  }
0x2b8: {  	s10 =	sadd.s32 $0x1, s0;
	v28 =	vld [tilespmem:s6+$0x1000];
	[tilespmem:v30+s9+$0x0] =	vst.idx.msk $0xffff, v34  }
0x2b9: {  	s11 =	sadd.s32 $0x3, s0;
	v36 =	vmov s0;
	v33 =	vmov s10;
	s10 =	sadd.s32 $0x2, s0;
	v30 =	vld [tilespmem:s6+$0x1030];
	[tilespmem:v29+s9+$0x0] =	vst.idx.msk $0xffff, v35  }
0x2ba: {  	s0 =	sadd.s32 $0x8, s0;
	v34 =	vmov s10;
	s10 =	sadd.s32 $0x7, s2;
	v35 =	vmov s11;
	s11 =	sadd.s32 $0x4, s2;
	v29 =	vld [tilespmem:s6+$0x1050];
	[tilespmem:v27+s9+$0x0] =	vst.idx.msk $0xffff, v37  }
0x2bb: {  	_ =	sdelay $0x2  }
0x2bc: {  	v27 =	vshrl.u32 v36, $0x3;
	v61 =	vmov s11  }
0x2bd: {  	s0 =	sadd.s32 $0x5, s2;
	s22 =	sadd.s32 $0x6, s2;
	v37 =	vmov s10;
	v38 =	vld [tilespmem:s6+$0x1070];
	[tilespmem:v26+s9+$0x0] =	vst.idx.msk $0xffff, v32;
	v43 =	vshrl.u32 v33, $0x3;
	v46 =	vshrl.u32 v35, $0x3  }
0x2be: {  	v39 =	vld [tilespmem:s6+$0x1090];
	v62 =	vmov s0;
	v63 =	vmov s22;
	v37 =	vshrl.u32 v37, $0x3;
	[tilespmem:v25+s9+$0x0] =	vst.idx.msk $0xffff, v31  }
0x2bf: {  	v42 =	vshll.u32 v27, v1;
	v45 =	vld [tilespmem:s6+$0x10B0];
	v27 =	vshll.u32 v43, v1;
	v48 =	vshrl.u32 v61, $0x3;
	[tilespmem:v17+s9+$0x0] =	vst.idx.msk $0xffff, v28  }
0x2c0: {  	v44 =	vshll.u32 v37, v1;
	v17 =	vshrl.u32 v34, $0x3;
	v47 =	vld [tilespmem:s6+$0x10D0];
	v25 =	vbroadcast v42, $0x0;
	[tilespmem:v24+s9+$0x0] =	vst.idx.msk $0xffff, v30  }
0x2c1: {  	s11 =	sadd.s32 $0x100, s6;
	v50 =	vbroadcast v27, $0x0;
	v26 =	vshrl.u32 v62, $0x3;
	v32 =	vshrl.u32 v63, $0x3;
	v49 =	vld [tilespmem:s6+$0x1010];
	[tilespmem:v23+s9+$0x0] =	vst.idx.msk $0xffff, v29  }
0x2c2: {  	v54 =	vld [tilespmem:s11+$0xFFFFE000];
	v31 =	vbroadcast v44, $0x0;
	v51 =	vshll.u32 v17, v1;
	v17 =	vadd.s32 v0, v25;
	[tilespmem:v21+s9+$0x0] =	vst.idx.msk $0xffff, v38  }
0x2c3: {  	v55 =	vld [tilespmem:s11+$0xFFFFE020];
	v26 =	vshll.u32 v26, v1;
	v27 =	vbroadcast v51, $0x0;
	v36 =	vadd.s32 v3, v50;
	[tilespmem:v22+s9+$0x0] =	vst.idx.msk $0xffff, v39  }
0x2c4: {  	v52 =	vld [tilespmem:s11+$0xFFFFE0E0];
	v32 =	vshll.u32 v32, v1;
	v26 =	vbroadcast v26, $0x0;
	v53 =	vadd.s32 v15, v31;
	[tilespmem:v20+s9+$0x0] =	vst.idx.msk $0xffff, v45  }
0x2c5: {  	v33 =	vshll.u32 v46, v1;
	v56 =	vld [tilespmem:s11+$0xFFFFE040];
	v57 =	vbroadcast v32, $0x0;
	v28 =	vadd.s32 v5, v27;
	[tilespmem:v19+s9+$0x0] =	vst.idx.msk $0xffff, v47  }
0x2c6: {  	v58 =	vld [tilespmem:s11+$0xFFFFE0A0];
	v33 =	vbroadcast v33, $0x0;
	v30 =	vshll.u32 v48, v1;
	v32 =	vadd.s32 v11, v26;
	[tilespmem:v18+s9+$0x0] =	vst.idx.msk $0xffff, v49  }
0x2c7: {  	v59 =	vld [tilespmem:s11+$0xFFFFE0C0];
	v30 =	vbroadcast v30, $0x0;
	v37 =	vadd.s32 v13, v57;
	[tilespmem:v17+s15+$0x0] =	vst.idx.msk $0xffff, v54  }
0x2c8: {  	v24 =	vadd.s32 v7, v33;
	v19 =	vld [tilespmem:s11+$0xFFFFE060];
	[tilespmem:v36+s15+$0x0] =	vst.idx.msk $0xffff, v55  }
0x2c9: {  	v34 =	vadd.s32 v9, v30;
	v18 =	vld [tilespmem:s11+$0xFFFFE080];
	[tilespmem:v53+s15+$0x0] =	vst.idx.msk $0xffff, v52  }
0x2ca: {  	v23 =	vadd.s32 v4, v50;
	v60 =	vld [tilespmem:s11+$0xFFFFE030];
	[tilespmem:v28+s15+$0x0] =	vst.idx.msk $0xffff, v56  }
0x2cb: {  	v31 =	vadd.s32 v16, v31;
	v29 =	vld [tilespmem:s11+$0xFFFFE0F0];
	[tilespmem:v32+s15+$0x0] =	vst.idx.msk $0xffff, v58  }
0x2cc: {  	v25 =	vadd.s32 v2, v25;
	v40 =	vld [tilespmem:s11+$0xFFFFE010];
	[tilespmem:v37+s15+$0x0] =	vst.idx.msk $0xffff, v59  }
0x2cd: {  	v27 =	vadd.s32 v6, v27;
	[tilespmem:v24+s15+$0x0] =	vst.idx.msk $0xffff, v19;
	v19 =	vld [tilespmem:s11+$0xFFFFE050]  }
0x2ce: {  	v26 =	vadd.s32 v12, v26;
	v63 =	vld [tilespmem:s11+$0xFFFFE0B0];
	[tilespmem:v34+s15+$0x0] =	vst.idx.msk $0xffff, v18  }
0x2cf: {  	v33 =	vadd.s32 v8, v33;
	v18 =	vld [tilespmem:s11+$0xFFFFE070];
	[tilespmem:v23+s15+$0x0] =	vst.idx.msk $0xffff, v60  }
0x2d0: {  	v30 =	vadd.s32 v10, v30;
	v62 =	vld [tilespmem:s11+$0xFFFFE090];
	[tilespmem:v31+s15+$0x0] =	vst.idx.msk $0xffff, v29  }
0x2d1: {  	[tilespmem:v25+s15+$0x0] =	vst.idx.msk $0xffff, v40;
	v61 =	vld [tilespmem:s11+$0xFFFFF0E0]  }
0x2d2: {  	v21 =	vadd.s32 v14, v57;
	[tilespmem:v27+s15+$0x0] =	vst.idx.msk $0xffff, v19;
	v19 =	vld [tilespmem:s11+$0xFFFFE0D0]  }
0x2d3: {  	v44 =	vld [tilespmem:s11+$0xFFFFF000];
	[tilespmem:v26+s15+$0x0] =	vst.idx.msk $0xffff, v63  }
0x2d4: {  	[tilespmem:v33+s15+$0x0] =	vst.idx.msk $0xffff, v18;
	v18 =	vld [tilespmem:s11+$0xFFFFF020]  }
0x2d5: {  	v41 =	vld [tilespmem:s11+$0xFFFFF040];
	[tilespmem:v30+s15+$0x0] =	vst.idx.msk $0xffff, v62  }
0x2d6: {  	v42 =	vld [tilespmem:s11+$0xFFFFF060];
	[tilespmem:v53+s16+$0x0] =	vst.idx.msk $0xffff, v61  }
0x2d7: {  	[tilespmem:v21+s15+$0x0] =	vst.idx.msk $0xffff, v19;
	v19 =	vld [tilespmem:s11+$0xFFFFF080]  }
0x2d8: {  	[tilespmem:v17+s16+$0x0] =	vst.idx.msk $0xffff, v44;
	v22 =	vld [tilespmem:s11+$0xFFFFF0F0]  }
0x2d9: {  	[tilespmem:v36+s16+$0x0] =	vst.idx.msk $0xffff, v18;
	v18 =	vld [tilespmem:s11+$0xFFFFF0A0]  }
0x2da: {  	v29 =	vld [tilespmem:s11+$0xFFFFF010];
	[tilespmem:v28+s16+$0x0] =	vst.idx.msk $0xffff, v41  }
0x2db: {  	v43 =	vld [tilespmem:s11+$0xFFFFF0C0];
	[tilespmem:v24+s16+$0x0] =	vst.idx.msk $0xffff, v42  }
0x2dc: {  	v45 =	vld [tilespmem:s11+$0xFFFFF030];
	[tilespmem:v34+s16+$0x0] =	vst.idx.msk $0xffff, v19  }
0x2dd: {  	v19 =	vld [tilespmem:s11+$0xFFFFF050];
	[tilespmem:v31+s16+$0x0] =	vst.idx.msk $0xffff, v22  }
0x2de: {  	[tilespmem:v32+s16+$0x0] =	vst.idx.msk $0xffff, v18;
	v18 =	vld [tilespmem:s11+$0xFFFFF070]  }
0x2df: {  	[tilespmem:v25+s16+$0x0] =	vst.idx.msk $0xffff, v29;
	v22 =	vld [tilespmem:s11+$0xE0]  }
0x2e0: {  	[tilespmem:v37+s16+$0x0] =	vst.idx.msk $0xffff, v43;
	v46 =	vld [tilespmem:s11+$0xFFFFF090]  }
0x2e1: {  	v52 =	vld [tilespmem:s11+$0x0];
	[tilespmem:v23+s16+$0x0] =	vst.idx.msk $0xffff, v45  }
0x2e2: {  	v47 =	vld [tilespmem:s11+$0xFFFFF0B0];
	[tilespmem:v27+s16+$0x0] =	vst.idx.msk $0xffff, v19  }
0x2e3: {  	v19 =	vld [tilespmem:s11+$0xFFFFF0D0];
	[tilespmem:v33+s16+$0x0] =	vst.idx.msk $0xffff, v18  }
0x2e4: {  	v18 =	vld [tilespmem:s11+$0x20];
	[tilespmem:v53+s8+$0x0] =	vst.idx.msk $0xffff, v22  }
0x2e5: {  	[tilespmem:v30+s16+$0x0] =	vst.idx.msk $0xffff, v46;
	v22 =	vld [tilespmem:s11+$0xF0]  }
0x2e6: {  	v48 =	vld [tilespmem:s11+$0x40];
	[tilespmem:v17+s8+$0x0] =	vst.idx.msk $0xffff, v52  }
0x2e7: {  	[tilespmem:v26+s16+$0x0] =	vst.idx.msk $0xffff, v47;
	v57 =	vld [tilespmem:s11+$0x10]  }
0x2e8: {  	v50 =	vld [tilespmem:s11+$0x60];
	[tilespmem:v21+s16+$0x0] =	vst.idx.msk $0xffff, v19  }
0x2e9: {  	v19 =	vld [tilespmem:s11+$0x80];
	[tilespmem:v36+s8+$0x0] =	vst.idx.msk $0xffff, v18  }
0x2ea: {  	v18 =	vld [tilespmem:s11+$0xA0];
	[tilespmem:v31+s8+$0x0] =	vst.idx.msk $0xffff, v22  }
0x2eb: {  	[tilespmem:v28+s8+$0x0] =	vst.idx.msk $0xffff, v48;
	v49 =	vld [tilespmem:s11+$0x10E0]  }
0x2ec: {  	v51 =	vld [tilespmem:s11+$0xC0];
	[tilespmem:v25+s8+$0x0] =	vst.idx.msk $0xffff, v57  }
0x2ed: {  	[tilespmem:v24+s8+$0x0] =	vst.idx.msk $0xffff, v50;
	v22 =	vld [tilespmem:s11+$0x1000]  }
0x2ee: {  	[tilespmem:v34+s8+$0x0] =	vst.idx.msk $0xffff, v19;
	v19 =	vld [tilespmem:s11+$0x50]  }
0x2ef: {  	[tilespmem:v32+s8+$0x0] =	vst.idx.msk $0xffff, v18;
	v18 =	vld [tilespmem:s11+$0x70]  }
0x2f0: {  	[tilespmem:v53+s9+$0x0] =	vst.idx.msk $0xffff, v49;
	v53 =	vld [tilespmem:s11+$0x30]  }
0x2f1: {  	[tilespmem:v37+s8+$0x0] =	vst.idx.msk $0xffff, v51;
	v54 =	vld [tilespmem:s11+$0x90]  }
0x2f2: {  	v55 =	vld [tilespmem:s11+$0xB0];
	[tilespmem:v17+s9+$0x0] =	vst.idx.msk $0xffff, v22  }
0x2f3: {  	v56 =	vld [tilespmem:s11+$0xD0];
	[tilespmem:v27+s8+$0x0] =	vst.idx.msk $0xffff, v19  }
0x2f4: {  	[tilespmem:v33+s8+$0x0] =	vst.idx.msk $0xffff, v18;
	v18 =	vld [tilespmem:s11+$0x1040]  }
0x2f5: {  	v20 =	vld [tilespmem:s11+$0x10F0];
	[tilespmem:v23+s8+$0x0] =	vst.idx.msk $0xffff, v53  }
0x2f6: {  	[tilespmem:v30+s8+$0x0] =	vst.idx.msk $0xffff, v54;
	v19 =	vld [tilespmem:s11+$0x1020]  }
0x2f7: {  	v58 =	vld [tilespmem:s11+$0x1060];
	[tilespmem:v26+s8+$0x0] =	vst.idx.msk $0xffff, v55  }
0x2f8: {  	v59 =	vld [tilespmem:s11+$0x1080];
	[tilespmem:v21+s8+$0x0] =	vst.idx.msk $0xffff, v56  }
0x2f9: {  	v60 =	vld [tilespmem:s11+$0x10A0];
	[tilespmem:v28+s9+$0x0] =	vst.idx.msk $0xffff, v18  }
0x2fa: {  	[tilespmem:v31+s9+$0x0] =	vst.idx.msk $0xffff, v20;
	v61 =	vld [tilespmem:s11+$0x1050]  }
0x2fb: {  	[tilespmem:v36+s9+$0x0] =	vst.idx.msk $0xffff, v19;
	v19 =	vld [tilespmem:s11+$0x10C0]  }
0x2fc: {  	[tilespmem:v24+s9+$0x0] =	vst.idx.msk $0xffff, v58;
	v18 =	vld [tilespmem:s11+$0x1030]  }
0x2fd: {  	[tilespmem:v34+s9+$0x0] =	vst.idx.msk $0xffff, v59;
	v62 =	vld [tilespmem:s11+$0x1070]  }
0x2fe: {  	[tilespmem:v32+s9+$0x0] =	vst.idx.msk $0xffff, v60;
	v63 =	vld [tilespmem:s11+$0x1090]  }
0x2ff: {  	v17 =	vld [tilespmem:s11+$0x10B0];
	[tilespmem:v27+s9+$0x0] =	vst.idx.msk $0xffff, v61  }
0x300: {  	[tilespmem:v37+s9+$0x0] =	vst.idx.msk $0xffff, v19;
	v19 =	vld [tilespmem:s11+$0x1010]  }
0x301: {  	[tilespmem:v23+s9+$0x0] =	vst.idx.msk $0xffff, v18;
	v18 =	vld [tilespmem:s11+$0x10D0]  }
0x302: {  	s13 =	sshll.u32 s12, $0xB;
	[tilespmem:v33+s9+$0x0] =	vst.idx.msk $0xffff, v62  }
0x303: {  	s14 =	sshll.u32 s19, $0x12;
	s17 =	sshll.u32 s12, $0x6;
	s18 =	rddreg [dreg:$0x1];
	[tilespmem:v30+s9+$0x0] =	vst.idx.msk $0xffff, v63  }
0x304: {  	s0 =	sand.u32 $0xFF80000, s13;
	s2 =	sand.u32 $0x40000, s14;
	s6 =	sand.u32 $0x3F80, s17;
	[tilespmem:v26+s9+$0x0] =	vst.idx.msk $0xffff, v17  }
0x305: {  	s0 =	sor.u32 s0, s2;
	s2 =	sadd.s32 s18, s6;
	[tilespmem:v25+s9+$0x0] =	vst.idx.msk $0xffff, v19  }
0x306: {  	s20 =	simm.s32 $0x15000;
	s2 =	sadd.s32 s0, s2;
	[tilespmem:v21+s9+$0x0] =	vst.idx.msk $0xffff, v18  }
0x307: {  	[hbm4b:s2+s3] =	stream.linear.scatter [tilespmem:s20], [sflag:$0xA], $0x80, $0x38;
	[tilespmem:$0x19400] =	vst v63  }
0x308: {  	s21 =	simm.s32 $0x15088;
	s22 =	sadd.s32 $0x10, s2  }
0x309: {  	[hbm4b:s22+s3] =	stream.linear.scatter [tilespmem:s21], [sflag:$0xA], $0x80, $0x38;
	[tilespmem:$0x19400] =	vst v63  }
0x30a: {  	s10 =	simm.s32 $0x15110;
	s12 =	simm.s32 $0x15198;
	s11 =	sadd.s32 $0x20, s2  }
0x30b: {  	[hbm4b:s11+s3] =	stream.linear.scatter [tilespmem:s10], [sflag:$0xA], $0x80, $0x38;
	[tilespmem:$0x19400] =	vst v63  }
0x30c: {  	s14 =	simm.s32 $0x15220;
	s18 =	simm.s32 $0x152A8;
	s13 =	sadd.s32 $0x30, s2  }
0x30d: {  	[hbm4b:s13+s3] =	stream.linear.scatter [tilespmem:s12], [sflag:$0xA], $0x80, $0x38;
	[tilespmem:$0x19400] =	vst v63  }
0x30e: {  	s6 =	simm.s32 $0x2200;
	s0 =	simm.s32 $0x440;
	s17 =	sadd.s32 $0x40, s2  }
0x30f: {  	[hbm4b:s17+s3] =	stream.linear.scatter [tilespmem:s14], [sflag:$0xA], $0x80, $0x38;
	[tilespmem:$0x19400] =	vst v63  }
0x310: {  	s20 =	sadd.s32 $0x50, s2;
	s21 =	simm.s32 $0x15330;
	s22 =	sadd.s32 $0x60, s2  }
0x311: {  	[hbm4b:s20+s3] =	stream.linear.scatter [tilespmem:s18], [sflag:$0xA], $0x80, $0x38;
	[tilespmem:$0x19400] =	vst v63  }
0x312: {  	s10 =	simm.s32 $0x153B8;
	s11 =	sadd.s32 $0x70, s2;
	s2 =	sadd.s32 $0x4000, s2  }
0x313: {  	[hbm4b:s22+s3] =	stream.linear.scatter [tilespmem:s21], [sflag:$0xA], $0x80, $0x38;
	[tilespmem:$0x19400] =	vst v63  }
.LBB2_13:
0x314: {  	[hbm4b:s11+s3] =	stream.linear.scatter [tilespmem:s10], [sflag:$0xA], $0x80, $0x38;
	[tilespmem:$0x19400] =	vst v63  }
0x315: {  	s10 =	smov.u32 s0;
	s0 =	smov.u32 s6  }
0x316: {  	s12 =	sadd.s32 $0x1100, s6;
	s0 =	sshra.s32 s0, $0x2;
	s11 =	sadd.s32 $0x15000, s10  }
0x317: {  	[hbm4b:s2+s3] =	stream.linear.scatter [tilespmem:s11], [sflag:$0xA], $0x80, $0x38;
	[tilespmem:$0x19400] =	vst v63  }
0x318: {  	p0 =	sne.s32 s6, $0xFF00;
	s6 =	sadd.s32 $0x15088, s10;
	s11 =	sadd.s32 $0x10, s2  }
0x319: {  	[hbm4b:s11+s3] =	stream.linear.scatter [tilespmem:s6], [sflag:$0xA], $0x80, $0x38;
	[tilespmem:$0x19400] =	vst v63  }
0x31a: {  	s6 =	sadd.s32 $0x15110, s10;
	s11 =	sadd.s32 $0x20, s2  }
0x31b: {  	[hbm4b:s11+s3] =	stream.linear.scatter [tilespmem:s6], [sflag:$0xA], $0x80, $0x38;
	[tilespmem:$0x19400] =	vst v63  }
0x31c: {  	s6 =	sadd.s32 $0x15198, s10;
	s11 =	sadd.s32 $0x30, s2  }
0x31d: {  	[hbm4b:s11+s3] =	stream.linear.scatter [tilespmem:s6], [sflag:$0xA], $0x80, $0x38;
	[tilespmem:$0x19400] =	vst v63  }
0x31e: {  	s6 =	sadd.s32 $0x15220, s10;
	s11 =	sadd.s32 $0x40, s2  }
0x31f: {  	[hbm4b:s11+s3] =	stream.linear.scatter [tilespmem:s6], [sflag:$0xA], $0x80, $0x38;
	[tilespmem:$0x19400] =	vst v63  }
.Ltmp5:
0x320: {  	s6 =	sadd.s32 $0x152A8, s10;
	s11 =	sadd.s32 $0x50, s2;
	(pc) =	sbr.rel @p0 .LBB2_13-.Ltmp5, $4  }
0x321: {  	[hbm4b:s11+s3] =	stream.linear.scatter [tilespmem:s6], [sflag:$0xA], $0x80, $0x38;
	[tilespmem:$0x19400] =	vst v63  }
0x322: {  	s6 =	sadd.s32 $0x15330, s10;
	s11 =	sadd.s32 $0x60, s2;
	s10 =	sadd.s32 $0x153B8, s10  }
0x323: {  	[hbm4b:s11+s3] =	stream.linear.scatter [tilespmem:s6], [sflag:$0xA], $0x80, $0x38;
	[tilespmem:$0x19400] =	vst v63  }
0x324: {  	s11 =	sadd.s32 $0x70, s2;
	s2 =	sadd.s32 $0x4000, s2;
	s6 =	smov.u32 s12  }
0x325: {  	[hbm4b:s11+s3] =	stream.linear.scatter [tilespmem:s10], [sflag:$0xA], $0x80, $0x38;
	[tilespmem:$0x19400] =	vst v63  }
0x326: {  	s6 =	sadd.s32 $0x15000, s0  }
0x327: {  	[hbm4b:s2+s3] =	stream.linear.scatter [tilespmem:s6], [sflag:$0xA], $0x80, $0x38;
	[tilespmem:$0x19400] =	vst v63  }
0x328: {  	s18 =	sadd.s32 $0x15088, s0;
	s20 =	sadd.s32 $0x10, s2  }
0x329: {  	[hbm4b:s20+s3] =	stream.linear.scatter [tilespmem:s18], [sflag:$0xA], $0x80, $0x38;
	[tilespmem:$0x19400] =	vst v63  }
0x32a: {  	s21 =	sadd.s32 $0x15110, s0;
	s22 =	sadd.s32 $0x20, s2  }
0x32b: {  	[hbm4b:s22+s3] =	stream.linear.scatter [tilespmem:s21], [sflag:$0xA], $0x80, $0x38;
	[tilespmem:$0x19400] =	vst v63  }
0x32c: {  	s10 =	sadd.s32 $0x15198, s0;
	s11 =	sadd.s32 $0x30, s2  }
0x32d: {  	[hbm4b:s11+s3] =	stream.linear.scatter [tilespmem:s10], [sflag:$0xA], $0x80, $0x38;
	[tilespmem:$0x19400] =	vst v63  }
0x32e: {  	s12 =	sadd.s32 $0x15220, s0;
	s13 =	sadd.s32 $0x40, s2;
	s19 =	sadd.s32 $0x1, s19  }
0x32f: {  	[hbm4b:s13+s3] =	stream.linear.scatter [tilespmem:s12], [sflag:$0xA], $0x80, $0x38;
	[tilespmem:$0x19400] =	vst v63  }
0x330: {  	s14 =	sadd.s32 $0x152A8, s0;
	s17 =	sadd.s32 $0x50, s2;
	p0 =	sne.s32 s19, $0x42  }
0x331: {  	[hbm4b:s17+s3] =	stream.linear.scatter [tilespmem:s14], [sflag:$0xA], $0x80, $0x38;
	[tilespmem:$0x19400] =	vst v63  }
.Ltmp6:
0x332: {  	_ = 	snop;
	(pc) =	sbr.rel @p0 .LBB2_2-.Ltmp6, $4  }
0x333: {  	s18 =	sadd.s32 $0x15330, s0;
	s20 =	sadd.s32 $0x60, s2  }
0x334: {  	[hbm4b:s20+s3] =	stream.linear.scatter [tilespmem:s18], [sflag:$0xA], $0x80, $0x38;
	[tilespmem:$0x19400] =	vst v63  }
0x335: {  	s21 =	sadd.s32 $0x153B8, s0;
	s22 =	sadd.s32 $0x70, s2  }
0x336: {  	[hbm4b:s22+s3] =	stream.linear.scatter [tilespmem:s21], [sflag:$0xA], $0x80, $0x38;
	[tilespmem:$0x19400] =	vst v63  }
0x337: {  	s0 =	simm.s32 $0x0  }
0x338: {  	s2 =	simm.s32 $0x1;
	s13 =	simm.s32 $0x2;
	s6 =	simm.s32 $0x3  }
0x339: {  	s10 =	simm.s32 $0x5;
	s14 =	simm.s32 $0x4;
	s17 =	simm.s32 $0x7;
	v17 =	vmov s0;
	v18 =	vmov s2;
	v19 =	vmov s13  }
0x33a: {  	s18 =	simm.s32 $0x5;
	s19 =	simm.s32 $0x6;
	_ =	swait.ge [sflag:s10], $0x4000;
	v20 =	vmov s6;
	v21 =	vmov s14;
	v22 =	vmov s17  }
0x33b: {  	v23 =	vmov s18;
	v24 =	vmov s19;
	[sflag:s10] =	ssyncset.done $0x0;
	v17 =	vshrl.u32 v17, $0x3  }
0x33c: {  	s13 =	simm.s32 $0x8;
	v22 =	vshrl.u32 v22, $0x3;
	v18 =	vshrl.u32 v18, $0x3;
	v19 =	vshrl.u32 v19, $0x3;
	[sflag:s10] =	ssyncadd.s32 $0xFFFFC000  }
0x33d: {  	v20 =	vshrl.u32 v20, $0x3;
	v23 =	vshrl.u32 v23, $0x3;
	v22 =	vshll.u32 v22, v1;
	_ =	swait.ge [sflag:s13], $0x4000  }
0x33e: {  	v24 =	vshrl.u32 v24, $0x3;
	v17 =	vshll.u32 v17, v1;
	v22 =	vbroadcast v22, $0x0;
	[sflag:s13] =	ssyncset.done $0x0  }
0x33f: {  	s6 =	simm.s32 $0x2800;
	v19 =	vshll.u32 v19, v1;
	v28 =	vbroadcast v17, $0x0;
	v17 =	vshll.u32 v18, v1;
	[sflag:s13] =	ssyncadd.s32 $0xFFFFC000  }
0x340: {  	v18 =	vshrl.u32 v21, $0x3;
	v21 =	vbroadcast v17, $0x0;
	v29 =	vadd.s32 v15, v22;
	v25 =	vld [tilespmem:s6+$0xFFFFE0E0]  }
0x341: {  	v20 =	vshll.u32 v20, v1;
	v19 =	vbroadcast v19, $0x0;
	v17 =	vadd.s32 v0, v28;
	v26 =	vld [tilespmem:s6+$0xFFFFE000]  }
0x342: {  	v20 =	vbroadcast v20, $0x0;
	v18 =	vshll.u32 v18, v1;
	v30 =	vld [tilespmem:s6+$0xFFFFE020];
	v31 =	vadd.s32 v3, v21  }
0x343: {  	v23 =	vshll.u32 v23, v1;
	v33 =	vadd.s32 v5, v19;
	v18 =	vbroadcast v18, $0x0;
	v32 =	vld [tilespmem:s6+$0xFFFFE040]  }
0x344: {  	v37 =	vbroadcast v23, $0x0;
	v23 =	vshll.u32 v24, v1;
	v35 =	vadd.s32 v7, v20;
	v34 =	vld [tilespmem:s6+$0xFFFFE060]  }
0x345: {  	v38 =	vbroadcast v23, $0x0;
	v36 =	vld [tilespmem:s6+$0xFFFFE080];
	v27 =	vadd.s32 v9, v18;
	[tilespmem:v29+s23+$0x0] =	vst.idx.msk $0xffff, v25  }
0x346: {  	v40 =	vadd.s32 v16, v22;
	v22 =	vld [tilespmem:s6+$0xFFFFE0A0];
	[tilespmem:v17+s23+$0x0] =	vst.idx.msk $0xffff, v26;
	v26 =	vadd.s32 v11, v37  }
0x347: {  	[tilespmem:v31+s23+$0x0] =	vst.idx.msk $0xffff, v30;
	v30 =	vld [tilespmem:s6+$0xFFFFE0C0];
	v25 =	vadd.s32 v13, v38  }
0x348: {  	[tilespmem:v33+s23+$0x0] =	vst.idx.msk $0xffff, v32;
	v39 =	vld [tilespmem:s6+$0xFFFFE0F0]  }
0x349: {  	v24 =	vadd.s32 v4, v21;
	[tilespmem:v35+s23+$0x0] =	vst.idx.msk $0xffff, v34;
	v61 =	vld [tilespmem:s6+$0xFFFFE030]  }
0x34a: {  	v23 =	vadd.s32 v6, v19;
	v62 =	vld [tilespmem:s6+$0xFFFFE050];
	[tilespmem:v27+s23+$0x0] =	vst.idx.msk $0xffff, v36  }
0x34b: {  	v21 =	vadd.s32 v8, v20;
	v63 =	vld [tilespmem:s6+$0xFFFFE070];
	[tilespmem:v26+s23+$0x0] =	vst.idx.msk $0xffff, v22  }
0x34c: {  	v41 =	vld [tilespmem:s6+$0xFFFFE090];
	v22 =	vadd.s32 v10, v18;
	[tilespmem:v25+s23+$0x0] =	vst.idx.msk $0xffff, v30  }
0x34d: {  	v20 =	vadd.s32 v12, v37;
	[tilespmem:v40+s23+$0x0] =	vst.idx.msk $0xffff, v39;
	v30 =	vld [tilespmem:s6+$0xFFFFE0B0]  }
0x34e: {  	[tilespmem:v24+s23+$0x0] =	vst.idx.msk $0xffff, v61;
	v39 =	vld [tilespmem:s6+$0xFFFFF0E0]  }
0x34f: {  	v44 =	vld [tilespmem:s6+$0xFFFFE010];
	v18 =	vadd.s32 v2, v28;
	[tilespmem:v23+s23+$0x0] =	vst.idx.msk $0xffff, v62  }
0x350: {  	v19 =	vadd.s32 v14, v38;
	v43 =	vld [tilespmem:s6+$0xFFFFE0D0];
	[tilespmem:v21+s23+$0x0] =	vst.idx.msk $0xffff, v63  }
0x351: {  	v28 =	vld [tilespmem:s6+$0xFFFFF020];
	[tilespmem:v22+s23+$0x0] =	vst.idx.msk $0xffff, v41  }
0x352: {  	v46 =	vld [tilespmem:s6+$0xFFFFF040];
	[tilespmem:v20+s23+$0x0] =	vst.idx.msk $0xffff, v30  }
0x353: {  	v30 =	vld [tilespmem:s6+$0xFFFFF060];
	[tilespmem:v29+s24+$0x0] =	vst.idx.msk $0xffff, v39  }
0x354: {  	[tilespmem:v18+s23+$0x0] =	vst.idx.msk $0xffff, v44;
	v45 =	vld [tilespmem:s6+$0xFFFFF0F0]  }
0x355: {  	[tilespmem:v19+s23+$0x0] =	vst.idx.msk $0xffff, v43;
	v47 =	vld [tilespmem:s6+$0xFFFFF080]  }
0x356: {  	v49 =	vld [tilespmem:s6+$0xFFFFF000];
	[tilespmem:v31+s24+$0x0] =	vst.idx.msk $0xffff, v28  }
0x357: {  	v28 =	vld [tilespmem:s6+$0xFFFFF0A0];
	[tilespmem:v33+s24+$0x0] =	vst.idx.msk $0xffff, v46  }
0x358: {  	v48 =	vld [tilespmem:s6+$0xFFFFF0C0];
	[tilespmem:v35+s24+$0x0] =	vst.idx.msk $0xffff, v30  }
0x359: {  	v50 =	vld [tilespmem:s6+$0xFFFFF050];
	[tilespmem:v40+s24+$0x0] =	vst.idx.msk $0xffff, v45  }
0x35a: {  	[tilespmem:v27+s24+$0x0] =	vst.idx.msk $0xffff, v47;
	v36 =	vld [tilespmem:s6+$0xE0]  }
0x35b: {  	v30 =	vld [tilespmem:s6+$0xFFFFF030];
	[tilespmem:v17+s24+$0x0] =	vst.idx.msk $0xffff, v49  }
0x35c: {  	[tilespmem:v26+s24+$0x0] =	vst.idx.msk $0xffff, v28;
	v28 =	vld [tilespmem:s6+$0xFFFFF070]  }
0x35d: {  	[tilespmem:v25+s24+$0x0] =	vst.idx.msk $0xffff, v48;
	v51 =	vld [tilespmem:s6+$0xFFFFF090]  }
0x35e: {  	v37 =	vld [tilespmem:s6+$0xFFFFF010];
	[tilespmem:v23+s24+$0x0] =	vst.idx.msk $0xffff, v50  }
0x35f: {  	v52 =	vld [tilespmem:s6+$0xFFFFF0D0];
	[tilespmem:v29+s25+$0x0] =	vst.idx.msk $0xffff, v36  }
0x360: {  	[tilespmem:v24+s24+$0x0] =	vst.idx.msk $0xffff, v30;
	v36 =	vld [tilespmem:s6+$0xF0]  }
0x361: {  	v30 =	vld [tilespmem:s6+$0xFFFFF0B0];
	[tilespmem:v21+s24+$0x0] =	vst.idx.msk $0xffff, v28  }
0x362: {  	v53 =	vld [tilespmem:s6+$0x40];
	[tilespmem:v22+s24+$0x0] =	vst.idx.msk $0xffff, v51  }
0x363: {  	v28 =	vld [tilespmem:s6+$0x20];
	[tilespmem:v18+s24+$0x0] =	vst.idx.msk $0xffff, v37  }
0x364: {  	v54 =	vld [tilespmem:s6+$0x60];
	[tilespmem:v19+s24+$0x0] =	vst.idx.msk $0xffff, v52  }
0x365: {  	v55 =	vld [tilespmem:s6+$0x80];
	[tilespmem:v40+s25+$0x0] =	vst.idx.msk $0xffff, v36  }
0x366: {  	[tilespmem:v20+s24+$0x0] =	vst.idx.msk $0xffff, v30;
	v30 =	vld [tilespmem:s6+$0x10E0]  }
0x367: {  	v37 =	vld [tilespmem:s6+$0x0];
	[tilespmem:v33+s25+$0x0] =	vst.idx.msk $0xffff, v53  }
0x368: {  	v56 =	vld [tilespmem:s6+$0xC0];
	[tilespmem:v31+s25+$0x0] =	vst.idx.msk $0xffff, v28  }
0x369: {  	v28 =	vld [tilespmem:s6+$0xA0];
	[tilespmem:v35+s25+$0x0] =	vst.idx.msk $0xffff, v54  }
0x36a: {  	v57 =	vld [tilespmem:s6+$0x50];
	[tilespmem:v27+s25+$0x0] =	vst.idx.msk $0xffff, v55  }
0x36b: {  	[tilespmem:v29+s26+$0x0] =	vst.idx.msk $0xffff, v30;
	v30 =	vld [tilespmem:s6+$0x30]  }
0x36c: {  	[tilespmem:v17+s25+$0x0] =	vst.idx.msk $0xffff, v37;
	v29 =	vld [tilespmem:s6+$0x10F0]  }
0x36d: {  	[tilespmem:v25+s25+$0x0] =	vst.idx.msk $0xffff, v56;
	v58 =	vld [tilespmem:s6+$0x90]  }
0x36e: {  	[tilespmem:v26+s25+$0x0] =	vst.idx.msk $0xffff, v28;
	v28 =	vld [tilespmem:s6+$0x70]  }
0x36f: {  	[tilespmem:v23+s25+$0x0] =	vst.idx.msk $0xffff, v57;
	v59 =	vld [tilespmem:s6+$0xB0]  }
0x370: {  	[tilespmem:v24+s25+$0x0] =	vst.idx.msk $0xffff, v30;
	v30 =	vld [tilespmem:s6+$0x10]  }
0x371: {  	[tilespmem:v40+s26+$0x0] =	vst.idx.msk $0xffff, v29;
	v29 =	vld [tilespmem:s6+$0xD0]  }
0x372: {  	[tilespmem:v22+s25+$0x0] =	vst.idx.msk $0xffff, v58;
	v60 =	vld [tilespmem:s6+$0x1020]  }
0x373: {  	v61 =	vld [tilespmem:s6+$0x1040];
	[tilespmem:v21+s25+$0x0] =	vst.idx.msk $0xffff, v28  }
0x374: {  	v63 =	vld [tilespmem:s6+$0x1080];
	[tilespmem:v20+s25+$0x0] =	vst.idx.msk $0xffff, v59  }
0x375: {  	v62 =	vld [tilespmem:s6+$0x1060];
	[tilespmem:v18+s25+$0x0] =	vst.idx.msk $0xffff, v30  }
0x376: {  	v32 =	vld [tilespmem:s6+$0x10A0];
	[tilespmem:v19+s25+$0x0] =	vst.idx.msk $0xffff, v29  }
0x377: {  	[tilespmem:v31+s26+$0x0] =	vst.idx.msk $0xffff, v60;
	v31 =	vld [tilespmem:s6+$0x10C0]  }
0x378: {  	s21 =	simm.s32 $0xA;
	s2 =	simm.s32 $0x8;
	[tilespmem:v33+s26+$0x0] =	vst.idx.msk $0xffff, v61;
	v28 =	vld [tilespmem:s6+$0x1000]  }
0x379: {  	s20 =	simm.s32 $0x9;
	s22 =	simm.s32 $0xB;
	v34 =	vmov s21;
	v36 =	vmov s2;
	[tilespmem:v27+s26+$0x0] =	vst.idx.msk $0xffff, v63;
	v30 =	vld [tilespmem:s6+$0x1030]  }
0x37a: {  	s11 =	simm.s32 $0xC;
	s0 =	simm.s32 $0x10;
	s10 =	simm.s32 $0xF;
	v33 =	vmov s20;
	[tilespmem:v35+s26+$0x0] =	vst.idx.msk $0xffff, v62;
	v35 =	vmov s22;
	v29 =	vld [tilespmem:s6+$0x1050]  }
.LBB2_16:
0x37b: {  	p0 =	slt.u32 s0, $0x78;
	v27 =	vshrl.u32 v36, $0x3;
	v36 =	vmov s11;
	s11 =	sadd.s32 $0x5, s2;
	s2 =	sadd.s32 $0x6, s2;
	v37 =	vmov s10;
	v38 =	vld [tilespmem:s6+$0x1070];
	[tilespmem:v26+s26+$0x0] =	vst.idx.msk $0xffff, v32  }
0x37c: {  	v26 =	vmov s11;
	v32 =	vmov s2;
	v37 =	vshrl.u32 v37, $0x3;
	v39 =	vld [tilespmem:s6+$0x1090];
	[tilespmem:v25+s26+$0x0] =	vst.idx.msk $0xffff, v31;
	s2 =	smov.u32 s0  }
0x37d: {  	v25 =	vshll.u32 v27, v1;
	v27 =	vshrl.u32 v33, $0x3;
	v31 =	vshll.u32 v37, v1;
	[tilespmem:v17+s26+$0x0] =	vst.idx.msk $0xffff, v28;
	v33 =	vld [tilespmem:s6+$0x10B0]  }
0x37e: {  	v17 =	vshrl.u32 v34, $0x3;
	v28 =	vshrl.u32 v35, $0x3;
	v34 =	vbroadcast v31, $0x0;
	[tilespmem:v24+s26+$0x0] =	vst.idx.msk $0xffff, v30;
	v24 =	vld [tilespmem:s6+$0x10D0]  }
0x37f: {  	v35 =	vbroadcast v25, $0x0;
	v25 =	vshll.u32 v27, v1;
	v27 =	vshrl.u32 v36, $0x3;
	v36 =	vld [tilespmem:s6+$0x1010];
	[tilespmem:v23+s26+$0x0] =	vst.idx.msk $0xffff, v29;
	s6 =	sadd.s32 $0x100, s6  }
0x380: {  	v23 =	vbroadcast v25, $0x0;
	v25 =	vshll.u32 v17, v1;
	v37 =	vld [tilespmem:s6+$0xFFFFE0E0];
	v31 =	vadd.s32 v15, v34;
	[tilespmem:v21+s26+$0x0] =	vst.idx.msk $0xffff, v38  }
0x381: {  	v17 =	vadd.s32 v0, v35;
	v38 =	vbroadcast v25, $0x0;
	v25 =	vshll.u32 v28, v1;
	v21 =	vld [tilespmem:s6+$0xFFFFE000];
	[tilespmem:v22+s26+$0x0] =	vst.idx.msk $0xffff, v39  }
0x382: {  	v28 =	vadd.s32 v3, v23;
	v39 =	vbroadcast v25, $0x0;
	v25 =	vshll.u32 v27, v1;
	v22 =	vld [tilespmem:s6+$0xFFFFE020];
	[tilespmem:v20+s26+$0x0] =	vst.idx.msk $0xffff, v33  }
0x383: {  	v30 =	vadd.s32 v5, v38;
	v33 =	vbroadcast v25, $0x0;
	v25 =	vshrl.u32 v26, $0x3;
	v20 =	vld [tilespmem:s6+$0xFFFFE040];
	[tilespmem:v19+s26+$0x0] =	vst.idx.msk $0xffff, v24  }
0x384: {  	v29 =	vadd.s32 v7, v39;
	v24 =	vshll.u32 v25, v1;
	v25 =	vshrl.u32 v32, $0x3;
	v19 =	vld [tilespmem:s6+$0xFFFFE060];
	[tilespmem:v18+s26+$0x0] =	vst.idx.msk $0xffff, v36  }
0x385: {  	v27 =	vadd.s32 v9, v33;
	v36 =	vbroadcast v24, $0x0;
	v24 =	vshll.u32 v25, v1;
	v18 =	vld [tilespmem:s6+$0xFFFFE080];
	[tilespmem:v31+s23+$0x0] =	vst.idx.msk $0xffff, v37  }
0x386: {  	v32 =	vadd.s32 v16, v34;
	v37 =	vbroadcast v24, $0x0;
	[tilespmem:v17+s23+$0x0] =	vst.idx.msk $0xffff, v21;
	v40 =	vld [tilespmem:s6+$0xFFFFE0F0]  }
0x387: {  	v26 =	vadd.s32 v11, v36;
	[tilespmem:v28+s23+$0x0] =	vst.idx.msk $0xffff, v22;
	v22 =	vld [tilespmem:s6+$0xFFFFE0A0]  }
0x388: {  	v25 =	vadd.s32 v13, v37;
	[tilespmem:v30+s23+$0x0] =	vst.idx.msk $0xffff, v20;
	v20 =	vld [tilespmem:s6+$0xFFFFE0C0]  }
0x389: {  	v24 =	vadd.s32 v4, v23;
	v34 =	vld [tilespmem:s6+$0xFFFFE030];
	[tilespmem:v29+s23+$0x0] =	vst.idx.msk $0xffff, v19  }
0x38a: {  	v23 =	vadd.s32 v6, v38;
	v19 =	vld [tilespmem:s6+$0xFFFFE050];
	[tilespmem:v27+s23+$0x0] =	vst.idx.msk $0xffff, v18  }
0x38b: {  	v21 =	vadd.s32 v8, v39;
	v38 =	vld [tilespmem:s6+$0xFFFFE070];
	[tilespmem:v32+s23+$0x0] =	vst.idx.msk $0xffff, v40  }
0x38c: {  	[tilespmem:v26+s23+$0x0] =	vst.idx.msk $0xffff, v22;
	v39 =	vld [tilespmem:s6+$0xFFFFF0E0]  }
0x38d: {  	v22 =	vadd.s32 v10, v33;
	v40 =	vld [tilespmem:s6+$0xFFFFE090];
	[tilespmem:v25+s23+$0x0] =	vst.idx.msk $0xffff, v20  }
0x38e: {  	v20 =	vadd.s32 v12, v36;
	[tilespmem:v24+s23+$0x0] =	vst.idx.msk $0xffff, v34;
	v33 =	vld [tilespmem:s6+$0xFFFFE0B0]  }
0x38f: {  	[tilespmem:v23+s23+$0x0] =	vst.idx.msk $0xffff, v19;
	v34 =	vld [tilespmem:s6+$0xFFFFE0D0];
	v19 =	vadd.s32 v14, v37  }
0x390: {  	v18 =	vadd.s32 v2, v35;
	v36 =	vld [tilespmem:s6+$0xFFFFE010];
	[tilespmem:v21+s23+$0x0] =	vst.idx.msk $0xffff, v38  }
0x391: {  	v35 =	vld [tilespmem:s6+$0xFFFFF020];
	[tilespmem:v31+s24+$0x0] =	vst.idx.msk $0xffff, v39  }
0x392: {  	[tilespmem:v22+s23+$0x0] =	vst.idx.msk $0xffff, v40;
	v37 =	vld [tilespmem:s6+$0xFFFFF0F0]  }
0x393: {  	v38 =	vld [tilespmem:s6+$0xFFFFF040];
	[tilespmem:v20+s23+$0x0] =	vst.idx.msk $0xffff, v33  }
0x394: {  	v33 =	vld [tilespmem:s6+$0xFFFFF060];
	[tilespmem:v19+s23+$0x0] =	vst.idx.msk $0xffff, v34  }
0x395: {  	[tilespmem:v18+s23+$0x0] =	vst.idx.msk $0xffff, v36;
	v34 =	vld [tilespmem:s6+$0xFFFFF080]  }
0x396: {  	[tilespmem:v28+s24+$0x0] =	vst.idx.msk $0xffff, v35;
	v35 =	vld [tilespmem:s6+$0xFFFFF0A0]  }
0x397: {  	v36 =	vld [tilespmem:s6+$0xFFFFF0C0];
	[tilespmem:v32+s24+$0x0] =	vst.idx.msk $0xffff, v37  }
0x398: {  	[tilespmem:v30+s24+$0x0] =	vst.idx.msk $0xffff, v38;
	v37 =	vld [tilespmem:s6+$0xE0]  }
0x399: {  	v38 =	vld [tilespmem:s6+$0xFFFFF000];
	[tilespmem:v29+s24+$0x0] =	vst.idx.msk $0xffff, v33  }
0x39a: {  	v33 =	vld [tilespmem:s6+$0xFFFFF030];
	[tilespmem:v27+s24+$0x0] =	vst.idx.msk $0xffff, v34  }
0x39b: {  	v34 =	vld [tilespmem:s6+$0xFFFFF050];
	[tilespmem:v26+s24+$0x0] =	vst.idx.msk $0xffff, v35  }
0x39c: {  	v35 =	vld [tilespmem:s6+$0xFFFFF070];
	[tilespmem:v25+s24+$0x0] =	vst.idx.msk $0xffff, v36  }
0x39d: {  	v36 =	vld [tilespmem:s6+$0xFFFFF090];
	[tilespmem:v31+s25+$0x0] =	vst.idx.msk $0xffff, v37  }
0x39e: {  	[tilespmem:v17+s24+$0x0] =	vst.idx.msk $0xffff, v38;
	v37 =	vld [tilespmem:s6+$0xF0]  }
0x39f: {  	[tilespmem:v24+s24+$0x0] =	vst.idx.msk $0xffff, v33;
	v33 =	vld [tilespmem:s6+$0xFFFFF0B0]  }
0x3a0: {  	[tilespmem:v23+s24+$0x0] =	vst.idx.msk $0xffff, v34;
	v34 =	vld [tilespmem:s6+$0xFFFFF0D0]  }
0x3a1: {  	v38 =	vld [tilespmem:s6+$0xFFFFF010];
	[tilespmem:v21+s24+$0x0] =	vst.idx.msk $0xffff, v35  }
0x3a2: {  	v35 =	vld [tilespmem:s6+$0x20];
	[tilespmem:v22+s24+$0x0] =	vst.idx.msk $0xffff, v36  }
0x3a3: {  	v36 =	vld [tilespmem:s6+$0x40];
	[tilespmem:v32+s25+$0x0] =	vst.idx.msk $0xffff, v37  }
0x3a4: {  	[tilespmem:v20+s24+$0x0] =	vst.idx.msk $0xffff, v33;
	v33 =	vld [tilespmem:s6+$0x10E0]  }
0x3a5: {  	v37 =	vld [tilespmem:s6+$0x60];
	[tilespmem:v19+s24+$0x0] =	vst.idx.msk $0xffff, v34  }
0x3a6: {  	[tilespmem:v18+s24+$0x0] =	vst.idx.msk $0xffff, v38;
	v34 =	vld [tilespmem:s6+$0x80]  }
0x3a7: {  	[tilespmem:v28+s25+$0x0] =	vst.idx.msk $0xffff, v35;
	v35 =	vld [tilespmem:s6+$0xA0]  }
0x3a8: {  	[tilespmem:v30+s25+$0x0] =	vst.idx.msk $0xffff, v36;
	v36 =	vld [tilespmem:s6+$0xC0]  }
0x3a9: {  	v38 =	vld [tilespmem:s6+$0x0];
	[tilespmem:v31+s26+$0x0] =	vst.idx.msk $0xffff, v33  }
0x3aa: {  	[tilespmem:v29+s25+$0x0] =	vst.idx.msk $0xffff, v37;
	v31 =	vld [tilespmem:s6+$0x10F0]  }
0x3ab: {  	v33 =	vld [tilespmem:s6+$0x30];
	[tilespmem:v27+s25+$0x0] =	vst.idx.msk $0xffff, v34  }
0x3ac: {  	v34 =	vld [tilespmem:s6+$0x50];
	[tilespmem:v26+s25+$0x0] =	vst.idx.msk $0xffff, v35  }
0x3ad: {  	v35 =	vld [tilespmem:s6+$0x70];
	[tilespmem:v25+s25+$0x0] =	vst.idx.msk $0xffff, v36  }
0x3ae: {  	[tilespmem:v17+s25+$0x0] =	vst.idx.msk $0xffff, v38;
	v36 =	vld [tilespmem:s6+$0x90]  }
0x3af: {  	v37 =	vld [tilespmem:s6+$0xB0];
	[tilespmem:v32+s26+$0x0] =	vst.idx.msk $0xffff, v31  }
0x3b0: {  	[tilespmem:v24+s25+$0x0] =	vst.idx.msk $0xffff, v33;
	v31 =	vld [tilespmem:s6+$0xD0]  }
0x3b1: {  	v32 =	vld [tilespmem:s6+$0x10];
	[tilespmem:v23+s25+$0x0] =	vst.idx.msk $0xffff, v34  }
0x3b2: {  	v33 =	vld [tilespmem:s6+$0x1020];
	[tilespmem:v21+s25+$0x0] =	vst.idx.msk $0xffff, v35  }
0x3b3: {  	v34 =	vld [tilespmem:s6+$0x1040];
	[tilespmem:v22+s25+$0x0] =	vst.idx.msk $0xffff, v36  }
0x3b4: {  	v35 =	vld [tilespmem:s6+$0x1060];
	[tilespmem:v20+s25+$0x0] =	vst.idx.msk $0xffff, v37  }
0x3b5: {  	v37 =	vld [tilespmem:s6+$0x1080];
	[tilespmem:v19+s25+$0x0] =	vst.idx.msk $0xffff, v31  }
.Ltmp7:
0x3b6: {  	[tilespmem:v18+s25+$0x0] =	vst.idx.msk $0xffff, v32;
	v32 =	vld [tilespmem:s6+$0x10A0];
	(pc) =	sbr.rel @p0 .LBB2_16-.Ltmp7, $4  }
0x3b7: {  	[tilespmem:v28+s26+$0x0] =	vst.idx.msk $0xffff, v33;
	v31 =	vld [tilespmem:s6+$0x10C0]  }
0x3b8: {  	s10 =	sadd.s32 $0x1, s0;
	v28 =	vld [tilespmem:s6+$0x1000];
	[tilespmem:v30+s26+$0x0] =	vst.idx.msk $0xffff, v34  }
0x3b9: {  	s11 =	sadd.s32 $0x3, s0;
	v36 =	vmov s0;
	v33 =	vmov s10;
	s10 =	sadd.s32 $0x2, s0;
	v30 =	vld [tilespmem:s6+$0x1030];
	[tilespmem:v29+s26+$0x0] =	vst.idx.msk $0xffff, v35  }
0x3ba: {  	s0 =	sadd.s32 $0x8, s0;
	v34 =	vmov s10;
	s10 =	sadd.s32 $0x7, s2;
	v35 =	vmov s11;
	s11 =	sadd.s32 $0x4, s2;
	v29 =	vld [tilespmem:s6+$0x1050];
	[tilespmem:v27+s26+$0x0] =	vst.idx.msk $0xffff, v37  }
0x3bb: {  	_ =	sdelay $0x2  }
0x3bc: {  	v27 =	vshrl.u32 v36, $0x3;
	v61 =	vmov s11  }
0x3bd: {  	s0 =	sadd.s32 $0x5, s2;
	s18 =	sadd.s32 $0x6, s2;
	v37 =	vmov s10;
	v38 =	vld [tilespmem:s6+$0x1070];
	[tilespmem:v26+s26+$0x0] =	vst.idx.msk $0xffff, v32;
	v43 =	vshrl.u32 v33, $0x3;
	v46 =	vshrl.u32 v35, $0x3  }
0x3be: {  	v39 =	vld [tilespmem:s6+$0x1090];
	v62 =	vmov s0;
	v63 =	vmov s18;
	v37 =	vshrl.u32 v37, $0x3;
	[tilespmem:v25+s26+$0x0] =	vst.idx.msk $0xffff, v31  }
0x3bf: {  	v42 =	vshll.u32 v27, v1;
	v45 =	vld [tilespmem:s6+$0x10B0];
	v27 =	vshll.u32 v43, v1;
	v48 =	vshrl.u32 v61, $0x3;
	[tilespmem:v17+s26+$0x0] =	vst.idx.msk $0xffff, v28  }
0x3c0: {  	v44 =	vshll.u32 v37, v1;
	v17 =	vshrl.u32 v34, $0x3;
	v47 =	vld [tilespmem:s6+$0x10D0];
	v25 =	vbroadcast v42, $0x0;
	[tilespmem:v24+s26+$0x0] =	vst.idx.msk $0xffff, v30  }
0x3c1: {  	s19 =	sadd.s32 $0x100, s6;
	v50 =	vbroadcast v27, $0x0;
	v26 =	vshrl.u32 v62, $0x3;
	v32 =	vshrl.u32 v63, $0x3;
	v49 =	vld [tilespmem:s6+$0x1010];
	[tilespmem:v23+s26+$0x0] =	vst.idx.msk $0xffff, v29  }
0x3c2: {  	v54 =	vld [tilespmem:s19+$0xFFFFE000];
	v31 =	vbroadcast v44, $0x0;
	v51 =	vshll.u32 v17, v1;
	v17 =	vadd.s32 v0, v25;
	[tilespmem:v21+s26+$0x0] =	vst.idx.msk $0xffff, v38  }
0x3c3: {  	v55 =	vld [tilespmem:s19+$0xFFFFE020];
	v26 =	vshll.u32 v26, v1;
	v27 =	vbroadcast v51, $0x0;
	v36 =	vadd.s32 v3, v50;
	[tilespmem:v22+s26+$0x0] =	vst.idx.msk $0xffff, v39  }
0x3c4: {  	v52 =	vld [tilespmem:s19+$0xFFFFE0E0];
	v32 =	vshll.u32 v32, v1;
	v26 =	vbroadcast v26, $0x0;
	v53 =	vadd.s32 v15, v31;
	[tilespmem:v20+s26+$0x0] =	vst.idx.msk $0xffff, v45  }
0x3c5: {  	v33 =	vshll.u32 v46, v1;
	v56 =	vld [tilespmem:s19+$0xFFFFE040];
	v57 =	vbroadcast v32, $0x0;
	v28 =	vadd.s32 v5, v27;
	[tilespmem:v19+s26+$0x0] =	vst.idx.msk $0xffff, v47  }
0x3c6: {  	v58 =	vld [tilespmem:s19+$0xFFFFE0A0];
	v33 =	vbroadcast v33, $0x0;
	v30 =	vshll.u32 v48, v1;
	v32 =	vadd.s32 v11, v26;
	[tilespmem:v18+s26+$0x0] =	vst.idx.msk $0xffff, v49  }
0x3c7: {  	v59 =	vld [tilespmem:s19+$0xFFFFE0C0];
	v30 =	vbroadcast v30, $0x0;
	v37 =	vadd.s32 v13, v57;
	[tilespmem:v17+s23+$0x0] =	vst.idx.msk $0xffff, v54  }
0x3c8: {  	v24 =	vadd.s32 v7, v33;
	v19 =	vld [tilespmem:s19+$0xFFFFE060];
	[tilespmem:v36+s23+$0x0] =	vst.idx.msk $0xffff, v55  }
0x3c9: {  	v34 =	vadd.s32 v9, v30;
	v18 =	vld [tilespmem:s19+$0xFFFFE080];
	[tilespmem:v53+s23+$0x0] =	vst.idx.msk $0xffff, v52  }
0x3ca: {  	v23 =	vadd.s32 v4, v50;
	v60 =	vld [tilespmem:s19+$0xFFFFE030];
	[tilespmem:v28+s23+$0x0] =	vst.idx.msk $0xffff, v56  }
0x3cb: {  	v31 =	vadd.s32 v16, v31;
	v29 =	vld [tilespmem:s19+$0xFFFFE0F0];
	[tilespmem:v32+s23+$0x0] =	vst.idx.msk $0xffff, v58  }
0x3cc: {  	v25 =	vadd.s32 v2, v25;
	v40 =	vld [tilespmem:s19+$0xFFFFE010];
	[tilespmem:v37+s23+$0x0] =	vst.idx.msk $0xffff, v59  }
0x3cd: {  	v27 =	vadd.s32 v6, v27;
	[tilespmem:v24+s23+$0x0] =	vst.idx.msk $0xffff, v19;
	v19 =	vld [tilespmem:s19+$0xFFFFE050]  }
0x3ce: {  	v26 =	vadd.s32 v12, v26;
	v63 =	vld [tilespmem:s19+$0xFFFFE0B0];
	[tilespmem:v34+s23+$0x0] =	vst.idx.msk $0xffff, v18  }
0x3cf: {  	v33 =	vadd.s32 v8, v33;
	v18 =	vld [tilespmem:s19+$0xFFFFE070];
	[tilespmem:v23+s23+$0x0] =	vst.idx.msk $0xffff, v60  }
0x3d0: {  	v30 =	vadd.s32 v10, v30;
	v62 =	vld [tilespmem:s19+$0xFFFFE090];
	[tilespmem:v31+s23+$0x0] =	vst.idx.msk $0xffff, v29  }
0x3d1: {  	[tilespmem:v25+s23+$0x0] =	vst.idx.msk $0xffff, v40;
	v61 =	vld [tilespmem:s19+$0xFFFFF0E0]  }
0x3d2: {  	v21 =	vadd.s32 v14, v57;
	[tilespmem:v27+s23+$0x0] =	vst.idx.msk $0xffff, v19;
	v19 =	vld [tilespmem:s19+$0xFFFFE0D0]  }
0x3d3: {  	v44 =	vld [tilespmem:s19+$0xFFFFF000];
	[tilespmem:v26+s23+$0x0] =	vst.idx.msk $0xffff, v63  }
0x3d4: {  	[tilespmem:v33+s23+$0x0] =	vst.idx.msk $0xffff, v18;
	v18 =	vld [tilespmem:s19+$0xFFFFF020]  }
0x3d5: {  	v41 =	vld [tilespmem:s19+$0xFFFFF040];
	[tilespmem:v30+s23+$0x0] =	vst.idx.msk $0xffff, v62  }
0x3d6: {  	v42 =	vld [tilespmem:s19+$0xFFFFF060];
	[tilespmem:v53+s24+$0x0] =	vst.idx.msk $0xffff, v61  }
0x3d7: {  	[tilespmem:v21+s23+$0x0] =	vst.idx.msk $0xffff, v19;
	v19 =	vld [tilespmem:s19+$0xFFFFF080]  }
0x3d8: {  	[tilespmem:v17+s24+$0x0] =	vst.idx.msk $0xffff, v44;
	v22 =	vld [tilespmem:s19+$0xFFFFF0F0]  }
0x3d9: {  	[tilespmem:v36+s24+$0x0] =	vst.idx.msk $0xffff, v18;
	v18 =	vld [tilespmem:s19+$0xFFFFF0A0]  }
0x3da: {  	v29 =	vld [tilespmem:s19+$0xFFFFF010];
	[tilespmem:v28+s24+$0x0] =	vst.idx.msk $0xffff, v41  }
0x3db: {  	v43 =	vld [tilespmem:s19+$0xFFFFF0C0];
	[tilespmem:v24+s24+$0x0] =	vst.idx.msk $0xffff, v42  }
0x3dc: {  	v45 =	vld [tilespmem:s19+$0xFFFFF030];
	[tilespmem:v34+s24+$0x0] =	vst.idx.msk $0xffff, v19  }
0x3dd: {  	v19 =	vld [tilespmem:s19+$0xFFFFF050];
	[tilespmem:v31+s24+$0x0] =	vst.idx.msk $0xffff, v22  }
0x3de: {  	[tilespmem:v32+s24+$0x0] =	vst.idx.msk $0xffff, v18;
	v18 =	vld [tilespmem:s19+$0xFFFFF070]  }
0x3df: {  	[tilespmem:v25+s24+$0x0] =	vst.idx.msk $0xffff, v29;
	v22 =	vld [tilespmem:s19+$0xE0]  }
0x3e0: {  	[tilespmem:v37+s24+$0x0] =	vst.idx.msk $0xffff, v43;
	v46 =	vld [tilespmem:s19+$0xFFFFF090]  }
0x3e1: {  	v52 =	vld [tilespmem:s19+$0x0];
	[tilespmem:v23+s24+$0x0] =	vst.idx.msk $0xffff, v45  }
0x3e2: {  	v47 =	vld [tilespmem:s19+$0xFFFFF0B0];
	[tilespmem:v27+s24+$0x0] =	vst.idx.msk $0xffff, v19  }
0x3e3: {  	v19 =	vld [tilespmem:s19+$0xFFFFF0D0];
	[tilespmem:v33+s24+$0x0] =	vst.idx.msk $0xffff, v18  }
0x3e4: {  	v18 =	vld [tilespmem:s19+$0x20];
	[tilespmem:v53+s25+$0x0] =	vst.idx.msk $0xffff, v22  }
0x3e5: {  	[tilespmem:v30+s24+$0x0] =	vst.idx.msk $0xffff, v46;
	v22 =	vld [tilespmem:s19+$0xF0]  }
0x3e6: {  	v48 =	vld [tilespmem:s19+$0x40];
	[tilespmem:v17+s25+$0x0] =	vst.idx.msk $0xffff, v52  }
0x3e7: {  	[tilespmem:v26+s24+$0x0] =	vst.idx.msk $0xffff, v47;
	v57 =	vld [tilespmem:s19+$0x10]  }
0x3e8: {  	v50 =	vld [tilespmem:s19+$0x60];
	[tilespmem:v21+s24+$0x0] =	vst.idx.msk $0xffff, v19  }
0x3e9: {  	v19 =	vld [tilespmem:s19+$0x80];
	[tilespmem:v36+s25+$0x0] =	vst.idx.msk $0xffff, v18  }
0x3ea: {  	v18 =	vld [tilespmem:s19+$0xA0];
	[tilespmem:v31+s25+$0x0] =	vst.idx.msk $0xffff, v22  }
0x3eb: {  	[tilespmem:v28+s25+$0x0] =	vst.idx.msk $0xffff, v48;
	v49 =	vld [tilespmem:s19+$0x10E0]  }
0x3ec: {  	v51 =	vld [tilespmem:s19+$0xC0];
	[tilespmem:v25+s25+$0x0] =	vst.idx.msk $0xffff, v57  }
0x3ed: {  	[tilespmem:v24+s25+$0x0] =	vst.idx.msk $0xffff, v50;
	v22 =	vld [tilespmem:s19+$0x1000]  }
0x3ee: {  	[tilespmem:v34+s25+$0x0] =	vst.idx.msk $0xffff, v19;
	v19 =	vld [tilespmem:s19+$0x50]  }
0x3ef: {  	[tilespmem:v32+s25+$0x0] =	vst.idx.msk $0xffff, v18;
	v18 =	vld [tilespmem:s19+$0x70]  }
0x3f0: {  	[tilespmem:v53+s26+$0x0] =	vst.idx.msk $0xffff, v49;
	v53 =	vld [tilespmem:s19+$0x30]  }
0x3f1: {  	[tilespmem:v37+s25+$0x0] =	vst.idx.msk $0xffff, v51;
	v54 =	vld [tilespmem:s19+$0x90]  }
0x3f2: {  	v55 =	vld [tilespmem:s19+$0xB0];
	[tilespmem:v17+s26+$0x0] =	vst.idx.msk $0xffff, v22  }
0x3f3: {  	v56 =	vld [tilespmem:s19+$0xD0];
	[tilespmem:v27+s25+$0x0] =	vst.idx.msk $0xffff, v19  }
0x3f4: {  	[tilespmem:v33+s25+$0x0] =	vst.idx.msk $0xffff, v18;
	v18 =	vld [tilespmem:s19+$0x1040]  }
0x3f5: {  	v20 =	vld [tilespmem:s19+$0x10F0];
	[tilespmem:v23+s25+$0x0] =	vst.idx.msk $0xffff, v53  }
0x3f6: {  	[tilespmem:v30+s25+$0x0] =	vst.idx.msk $0xffff, v54;
	v19 =	vld [tilespmem:s19+$0x1020]  }
0x3f7: {  	v58 =	vld [tilespmem:s19+$0x1060];
	[tilespmem:v26+s25+$0x0] =	vst.idx.msk $0xffff, v55  }
0x3f8: {  	v59 =	vld [tilespmem:s19+$0x1080];
	[tilespmem:v21+s25+$0x0] =	vst.idx.msk $0xffff, v56  }
0x3f9: {  	v60 =	vld [tilespmem:s19+$0x10A0];
	[tilespmem:v28+s26+$0x0] =	vst.idx.msk $0xffff, v18  }
0x3fa: {  	[tilespmem:v31+s26+$0x0] =	vst.idx.msk $0xffff, v20;
	v61 =	vld [tilespmem:s19+$0x1050]  }
0x3fb: {  	[tilespmem:v36+s26+$0x0] =	vst.idx.msk $0xffff, v19;
	v19 =	vld [tilespmem:s19+$0x10C0]  }
0x3fc: {  	[tilespmem:v24+s26+$0x0] =	vst.idx.msk $0xffff, v58;
	v18 =	vld [tilespmem:s19+$0x1030]  }
0x3fd: {  	[tilespmem:v34+s26+$0x0] =	vst.idx.msk $0xffff, v59;
	v62 =	vld [tilespmem:s19+$0x1070]  }
0x3fe: {  	[tilespmem:v32+s26+$0x0] =	vst.idx.msk $0xffff, v60;
	v63 =	vld [tilespmem:s19+$0x1090]  }
0x3ff: {  	v17 =	vld [tilespmem:s19+$0x10B0];
	[tilespmem:v27+s26+$0x0] =	vst.idx.msk $0xffff, v61  }
0x400: {  	[tilespmem:v37+s26+$0x0] =	vst.idx.msk $0xffff, v19;
	v19 =	vld [tilespmem:s19+$0x1010]  }
0x401: {  	[tilespmem:v23+s26+$0x0] =	vst.idx.msk $0xffff, v18;
	v18 =	vld [tilespmem:s19+$0x10D0]  }
0x402: {  	[tilespmem:v33+s26+$0x0] =	vst.idx.msk $0xffff, v62  }
0x403: {  	[tilespmem:v30+s26+$0x0] =	vst.idx.msk $0xffff, v63  }
0x404: {  	[tilespmem:v26+s26+$0x0] =	vst.idx.msk $0xffff, v17  }
0x405: {  	[tilespmem:v25+s26+$0x0] =	vst.idx.msk $0xffff, v19  }
0x406: {  	[tilespmem:v21+s26+$0x0] =	vst.idx.msk $0xffff, v18  }
0x407: {  	s20 =	simm.s32 $0xC800;
	s12 =	rddreg [dreg:$0x7]  }
0x408: {  	[hbm4b:s12+s3] =	stream.linear.scatter [tilespmem:s20], [sflag:$0x8], $0x80, $0x38;
	[tilespmem:$0x19400] =	vst v63  }
0x409: {  	s21 =	simm.s32 $0xC888;
	s11 =	simm.s32 $0xC998;
	s22 =	sadd.s32 $0x10, s12  }
0x40a: {  	[hbm4b:s22+s3] =	stream.linear.scatter [tilespmem:s21], [sflag:$0x8], $0x80, $0x38;
	[tilespmem:$0x19400] =	vst v63  }
0x40b: {  	s17 =	simm.s32 $0xCA20;
	s6 =	simm.s32 $0xC910;
	s10 =	sadd.s32 $0x20, s12  }
0x40c: {  	[hbm4b:s10+s3] =	stream.linear.scatter [tilespmem:s6], [sflag:$0x8], $0x80, $0x38;
	[tilespmem:$0x19400] =	vst v63  }
0x40d: {  	s0 =	simm.s32 $0x440;
	s19 =	simm.s32 $0xCAA8;
	s14 =	sadd.s32 $0x30, s12  }
0x40e: {  	[hbm4b:s14+s3] =	stream.linear.scatter [tilespmem:s11], [sflag:$0x8], $0x80, $0x38;
	[tilespmem:$0x19400] =	vst v63  }
0x40f: {  	s18 =	sadd.s32 $0x40, s12;
	s20 =	sadd.s32 $0x50, s12;
	s2 =	sadd.s32 $0x4000, s12  }
0x410: {  	[hbm4b:s18+s3] =	stream.linear.scatter [tilespmem:s17], [sflag:$0x8], $0x80, $0x38;
	[tilespmem:$0x19400] =	vst v63  }
0x411: {  	s21 =	simm.s32 $0xCB30;
	s22 =	sadd.s32 $0x60, s12;
	s6 =	simm.s32 $0x2200  }
0x412: {  	[hbm4b:s20+s3] =	stream.linear.scatter [tilespmem:s19], [sflag:$0x8], $0x80, $0x38;
	[tilespmem:$0x19400] =	vst v63  }
0x413: {  	s10 =	simm.s32 $0xCBB8;
	s11 =	sadd.s32 $0x70, s12;
	s14 =	simm.s32 $0x9  }
0x414: {  	[hbm4b:s22+s3] =	stream.linear.scatter [tilespmem:s21], [sflag:$0x8], $0x80, $0x38;
	[tilespmem:$0x19400] =	vst v63  }
.LBB2_18:
0x415: {  	[hbm4b:s11+s3] =	stream.linear.scatter [tilespmem:s10], [sflag:$0x8], $0x80, $0x38;
	[tilespmem:$0x19400] =	vst v63  }
0x416: {  	s10 =	smov.u32 s0;
	s0 =	smov.u32 s6  }
0x417: {  	s12 =	sadd.s32 $0x1100, s6;
	s0 =	sshra.s32 s0, $0x2;
	s11 =	sadd.s32 $0xC800, s10  }
0x418: {  	[hbm4b:s2+s3] =	stream.linear.scatter [tilespmem:s11], [sflag:$0x8], $0x80, $0x38;
	[tilespmem:$0x19400] =	vst v63  }
0x419: {  	p0 =	sne.s32 s6, $0xFF00;
	s6 =	sadd.s32 $0xC888, s10;
	s11 =	sadd.s32 $0x10, s2  }
0x41a: {  	[hbm4b:s11+s3] =	stream.linear.scatter [tilespmem:s6], [sflag:$0x8], $0x80, $0x38;
	[tilespmem:$0x19400] =	vst v63  }
0x41b: {  	s6 =	sadd.s32 $0xC910, s10;
	s11 =	sadd.s32 $0x20, s2  }
0x41c: {  	[hbm4b:s11+s3] =	stream.linear.scatter [tilespmem:s6], [sflag:$0x8], $0x80, $0x38;
	[tilespmem:$0x19400] =	vst v63  }
0x41d: {  	s6 =	sadd.s32 $0xC998, s10;
	s11 =	sadd.s32 $0x30, s2  }
0x41e: {  	[hbm4b:s11+s3] =	stream.linear.scatter [tilespmem:s6], [sflag:$0x8], $0x80, $0x38;
	[tilespmem:$0x19400] =	vst v63  }
0x41f: {  	s6 =	sadd.s32 $0xCA20, s10;
	s11 =	sadd.s32 $0x40, s2  }
0x420: {  	[hbm4b:s11+s3] =	stream.linear.scatter [tilespmem:s6], [sflag:$0x8], $0x80, $0x38;
	[tilespmem:$0x19400] =	vst v63  }
.Ltmp8:
0x421: {  	s6 =	sadd.s32 $0xCAA8, s10;
	s11 =	sadd.s32 $0x50, s2;
	(pc) =	sbr.rel @p0 .LBB2_18-.Ltmp8, $4  }
0x422: {  	[hbm4b:s11+s3] =	stream.linear.scatter [tilespmem:s6], [sflag:$0x8], $0x80, $0x38;
	[tilespmem:$0x19400] =	vst v63  }
0x423: {  	s6 =	sadd.s32 $0xCB30, s10;
	s11 =	sadd.s32 $0x60, s2;
	s10 =	sadd.s32 $0xCBB8, s10  }
0x424: {  	[hbm4b:s11+s3] =	stream.linear.scatter [tilespmem:s6], [sflag:$0x8], $0x80, $0x38;
	[tilespmem:$0x19400] =	vst v63  }
0x425: {  	s11 =	sadd.s32 $0x70, s2;
	s2 =	sadd.s32 $0x4000, s2;
	s6 =	smov.u32 s12  }
0x426: {  	[hbm4b:s11+s3] =	stream.linear.scatter [tilespmem:s10], [sflag:$0x8], $0x80, $0x38;
	[tilespmem:$0x19400] =	vst v63  }
0x427: {  	s6 =	sadd.s32 $0xC800, s0  }
0x428: {  	[hbm4b:s2+s3] =	stream.linear.scatter [tilespmem:s6], [sflag:$0x8], $0x80, $0x38;
	[tilespmem:$0x19400] =	vst v63  }
0x429: {  	s11 =	sadd.s32 $0xC888, s0;
	s12 =	sadd.s32 $0x10, s2  }
0x42a: {  	[hbm4b:s12+s3] =	stream.linear.scatter [tilespmem:s11], [sflag:$0x8], $0x80, $0x38;
	[tilespmem:$0x19400] =	vst v63  }
0x42b: {  	s17 =	sadd.s32 $0xC910, s0;
	s18 =	sadd.s32 $0x20, s2  }
0x42c: {  	[hbm4b:s18+s3] =	stream.linear.scatter [tilespmem:s17], [sflag:$0x8], $0x80, $0x38;
	[tilespmem:$0x19400] =	vst v63  }
0x42d: {  	s19 =	sadd.s32 $0xC998, s0;
	s20 =	sadd.s32 $0x30, s2  }
0x42e: {  	[hbm4b:s20+s3] =	stream.linear.scatter [tilespmem:s19], [sflag:$0x8], $0x80, $0x38;
	[tilespmem:$0x19400] =	vst v63  }
0x42f: {  	s21 =	sadd.s32 $0xCA20, s0;
	s22 =	sadd.s32 $0x40, s2  }
0x430: {  	[hbm4b:s22+s3] =	stream.linear.scatter [tilespmem:s21], [sflag:$0x8], $0x80, $0x38;
	[tilespmem:$0x19400] =	vst v63  }
0x431: {  	s10 =	simm.s32 $0x3;
	s11 =	sadd.s32 $0xCAA8, s0;
	s12 =	sadd.s32 $0x50, s2  }
0x432: {  	[hbm4b:s12+s3] =	stream.linear.scatter [tilespmem:s11], [sflag:$0x8], $0x80, $0x38;
	[tilespmem:$0x19400] =	vst v63  }
0x433: {  	s6 =	simm.s32 $0x2;
	s17 =	sadd.s32 $0xCB30, s0;
	s18 =	sadd.s32 $0x60, s2  }
0x434: {  	v19 =	vmov s6;
	[hbm4b:s18+s3] =	stream.linear.scatter [tilespmem:s17], [sflag:$0x8], $0x80, $0x38;
	[tilespmem:$0x19400] =	vst v63  }
0x435: {  	v20 =	vmov s10;
	v19 =	vshrl.u32 v19, $0x3;
	s19 =	sadd.s32 $0xCBB8, s0;
	s20 =	sadd.s32 $0x70, s2;
	s11 =	simm.s32 $0x6  }
0x436: {  	v20 =	vshrl.u32 v20, $0x3;
	v19 =	vshll.u32 v19, v1;
	[hbm4b:s20+s3] =	stream.linear.scatter [tilespmem:s19], [sflag:$0x8], $0x80, $0x38;
	[tilespmem:$0x19400] =	vst v63  }
0x437: {  	v20 =	vshll.u32 v20, v1;
	v19 =	vbroadcast v19, $0x0;
	s17 =	simm.s32 $0x7;
	_ =	swait.ge [sflag:s11], $0x4000  }
0x438: {  	v20 =	vbroadcast v20, $0x0;
	s21 =	simm.s32 $0x0;
	v22 =	vmov s17;
	[sflag:s11] =	ssyncset.done $0x0  }
0x439: {  	v33 =	vadd.s32 v5, v19;
	s22 =	simm.s32 $0x1;
	v17 =	vmov s21;
	v22 =	vshrl.u32 v22, $0x3;
	[sflag:s11] =	ssyncadd.s32 $0xFFFFC000  }
0x43a: {  	v18 =	vmov s22;
	v17 =	vshrl.u32 v17, $0x3;
	v22 =	vshll.u32 v22, v1;
	_ =	swait.ge [sflag:s14], $0x4000  }
0x43b: {  	s12 =	simm.s32 $0x4;
	v18 =	vshrl.u32 v18, $0x3;
	v17 =	vshll.u32 v17, v1;
	v22 =	vbroadcast v22, $0x0;
	[sflag:s14] =	ssyncset.done $0x0  }
0x43c: {  	s6 =	simm.s32 $0x6800;
	v21 =	vmov s12;
	v28 =	vbroadcast v17, $0x0;
	v17 =	vshll.u32 v18, v1;
	[sflag:s14] =	ssyncadd.s32 $0xFFFFC000  }
0x43d: {  	s18 =	simm.s32 $0x5;
	v18 =	vshrl.u32 v21, $0x3;
	v21 =	vbroadcast v17, $0x0;
	v29 =	vadd.s32 v15, v22;
	v25 =	vld [tilespmem:s6+$0xFFFFE0E0]  }
0x43e: {  	v23 =	vmov s18;
	v18 =	vshll.u32 v18, v1;
	s19 =	simm.s32 $0x6;
	v17 =	vadd.s32 v0, v28;
	v26 =	vld [tilespmem:s6+$0xFFFFE000]  }
0x43f: {  	v23 =	vshrl.u32 v23, $0x3;
	v24 =	vmov s19;
	v31 =	vadd.s32 v3, v21;
	v30 =	vld [tilespmem:s6+$0xFFFFE020]  }
0x440: {  	v18 =	vbroadcast v18, $0x0;
	v23 =	vshll.u32 v23, v1;
	v24 =	vshrl.u32 v24, $0x3;
	v32 =	vld [tilespmem:s6+$0xFFFFE040]  }
0x441: {  	v35 =	vadd.s32 v7, v20;
	v37 =	vbroadcast v23, $0x0;
	v23 =	vshll.u32 v24, v1;
	v34 =	vld [tilespmem:s6+$0xFFFFE060]  }
0x442: {  	v27 =	vadd.s32 v9, v18;
	v38 =	vbroadcast v23, $0x0;
	v36 =	vld [tilespmem:s6+$0xFFFFE080];
	[tilespmem:v29+s29+$0x0] =	vst.idx.msk $0xffff, v25  }
0x443: {  	v40 =	vadd.s32 v16, v22;
	v22 =	vld [tilespmem:s6+$0xFFFFE0A0];
	[tilespmem:v17+s29+$0x0] =	vst.idx.msk $0xffff, v26;
	v26 =	vadd.s32 v11, v37  }
0x444: {  	[tilespmem:v31+s29+$0x0] =	vst.idx.msk $0xffff, v30;
	v30 =	vld [tilespmem:s6+$0xFFFFE0C0];
	v25 =	vadd.s32 v13, v38  }
0x445: {  	[tilespmem:v33+s29+$0x0] =	vst.idx.msk $0xffff, v32;
	v39 =	vld [tilespmem:s6+$0xFFFFE0F0]  }
0x446: {  	v24 =	vadd.s32 v4, v21;
	[tilespmem:v35+s29+$0x0] =	vst.idx.msk $0xffff, v34;
	v61 =	vld [tilespmem:s6+$0xFFFFE030]  }
0x447: {  	v23 =	vadd.s32 v6, v19;
	[tilespmem:v27+s29+$0x0] =	vst.idx.msk $0xffff, v36;
	v62 =	vld [tilespmem:s6+$0xFFFFE050]  }
0x448: {  	v21 =	vadd.s32 v8, v20;
	v63 =	vld [tilespmem:s6+$0xFFFFE070];
	[tilespmem:v26+s29+$0x0] =	vst.idx.msk $0xffff, v22  }
0x449: {  	v41 =	vld [tilespmem:s6+$0xFFFFE090];
	v22 =	vadd.s32 v10, v18;
	[tilespmem:v25+s29+$0x0] =	vst.idx.msk $0xffff, v30  }
0x44a: {  	v20 =	vadd.s32 v12, v37;
	[tilespmem:v40+s29+$0x0] =	vst.idx.msk $0xffff, v39;
	v30 =	vld [tilespmem:s6+$0xFFFFE0B0]  }
0x44b: {  	[tilespmem:v24+s29+$0x0] =	vst.idx.msk $0xffff, v61;
	v39 =	vld [tilespmem:s6+$0xFFFFF0E0]  }
0x44c: {  	v44 =	vld [tilespmem:s6+$0xFFFFE010];
	v18 =	vadd.s32 v2, v28;
	[tilespmem:v23+s29+$0x0] =	vst.idx.msk $0xffff, v62  }
0x44d: {  	v19 =	vadd.s32 v14, v38;
	v43 =	vld [tilespmem:s6+$0xFFFFE0D0];
	[tilespmem:v21+s29+$0x0] =	vst.idx.msk $0xffff, v63  }
0x44e: {  	v28 =	vld [tilespmem:s6+$0xFFFFF020];
	[tilespmem:v22+s29+$0x0] =	vst.idx.msk $0xffff, v41  }
0x44f: {  	v46 =	vld [tilespmem:s6+$0xFFFFF040];
	[tilespmem:v20+s29+$0x0] =	vst.idx.msk $0xffff, v30  }
0x450: {  	v30 =	vld [tilespmem:s6+$0xFFFFF060];
	[tilespmem:v29+s30+$0x0] =	vst.idx.msk $0xffff, v39  }
0x451: {  	[tilespmem:v18+s29+$0x0] =	vst.idx.msk $0xffff, v44;
	v45 =	vld [tilespmem:s6+$0xFFFFF0F0]  }
0x452: {  	[tilespmem:v19+s29+$0x0] =	vst.idx.msk $0xffff, v43;
	v47 =	vld [tilespmem:s6+$0xFFFFF080]  }
0x453: {  	v49 =	vld [tilespmem:s6+$0xFFFFF000];
	[tilespmem:v31+s30+$0x0] =	vst.idx.msk $0xffff, v28  }
0x454: {  	v28 =	vld [tilespmem:s6+$0xFFFFF0A0];
	[tilespmem:v33+s30+$0x0] =	vst.idx.msk $0xffff, v46  }
0x455: {  	v48 =	vld [tilespmem:s6+$0xFFFFF0C0];
	[tilespmem:v35+s30+$0x0] =	vst.idx.msk $0xffff, v30  }
0x456: {  	v50 =	vld [tilespmem:s6+$0xFFFFF050];
	[tilespmem:v40+s30+$0x0] =	vst.idx.msk $0xffff, v45  }
0x457: {  	[tilespmem:v27+s30+$0x0] =	vst.idx.msk $0xffff, v47;
	v36 =	vld [tilespmem:s6+$0xE0]  }
0x458: {  	v30 =	vld [tilespmem:s6+$0xFFFFF030];
	[tilespmem:v17+s30+$0x0] =	vst.idx.msk $0xffff, v49  }
0x459: {  	[tilespmem:v26+s30+$0x0] =	vst.idx.msk $0xffff, v28;
	v28 =	vld [tilespmem:s6+$0xFFFFF070]  }
0x45a: {  	[tilespmem:v25+s30+$0x0] =	vst.idx.msk $0xffff, v48;
	v51 =	vld [tilespmem:s6+$0xFFFFF090]  }
0x45b: {  	v37 =	vld [tilespmem:s6+$0xFFFFF010];
	[tilespmem:v23+s30+$0x0] =	vst.idx.msk $0xffff, v50  }
0x45c: {  	v52 =	vld [tilespmem:s6+$0xFFFFF0D0];
	[tilespmem:v29+s31+$0x0] =	vst.idx.msk $0xffff, v36  }
0x45d: {  	[tilespmem:v24+s30+$0x0] =	vst.idx.msk $0xffff, v30;
	v36 =	vld [tilespmem:s6+$0xF0]  }
0x45e: {  	v30 =	vld [tilespmem:s6+$0xFFFFF0B0];
	[tilespmem:v21+s30+$0x0] =	vst.idx.msk $0xffff, v28  }
0x45f: {  	v53 =	vld [tilespmem:s6+$0x40];
	[tilespmem:v22+s30+$0x0] =	vst.idx.msk $0xffff, v51  }
0x460: {  	v28 =	vld [tilespmem:s6+$0x20];
	[tilespmem:v18+s30+$0x0] =	vst.idx.msk $0xffff, v37  }
0x461: {  	v54 =	vld [tilespmem:s6+$0x60];
	[tilespmem:v19+s30+$0x0] =	vst.idx.msk $0xffff, v52  }
0x462: {  	v55 =	vld [tilespmem:s6+$0x80];
	[tilespmem:v40+s31+$0x0] =	vst.idx.msk $0xffff, v36  }
0x463: {  	[tilespmem:v20+s30+$0x0] =	vst.idx.msk $0xffff, v30;
	v30 =	vld [tilespmem:s6+$0x10E0]  }
0x464: {  	v37 =	vld [tilespmem:s6+$0x0];
	[tilespmem:v33+s31+$0x0] =	vst.idx.msk $0xffff, v53  }
0x465: {  	v56 =	vld [tilespmem:s6+$0xC0];
	[tilespmem:v31+s31+$0x0] =	vst.idx.msk $0xffff, v28  }
0x466: {  	v28 =	vld [tilespmem:s6+$0xA0];
	[tilespmem:v35+s31+$0x0] =	vst.idx.msk $0xffff, v54  }
0x467: {  	v57 =	vld [tilespmem:s6+$0x50];
	[tilespmem:v27+s31+$0x0] =	vst.idx.msk $0xffff, v55  }
0x468: {  	[tilespmem:v29+s1+$0x0] =	vst.idx.msk $0xffff, v30;
	v30 =	vld [tilespmem:s6+$0x30]  }
0x469: {  	[tilespmem:v17+s31+$0x0] =	vst.idx.msk $0xffff, v37;
	v29 =	vld [tilespmem:s6+$0x10F0]  }
0x46a: {  	[tilespmem:v25+s31+$0x0] =	vst.idx.msk $0xffff, v56;
	v58 =	vld [tilespmem:s6+$0x90]  }
0x46b: {  	[tilespmem:v26+s31+$0x0] =	vst.idx.msk $0xffff, v28;
	v28 =	vld [tilespmem:s6+$0x70]  }
0x46c: {  	[tilespmem:v23+s31+$0x0] =	vst.idx.msk $0xffff, v57;
	v59 =	vld [tilespmem:s6+$0xB0]  }
0x46d: {  	[tilespmem:v24+s31+$0x0] =	vst.idx.msk $0xffff, v30;
	v30 =	vld [tilespmem:s6+$0x10]  }
0x46e: {  	[tilespmem:v40+s1+$0x0] =	vst.idx.msk $0xffff, v29;
	v29 =	vld [tilespmem:s6+$0xD0]  }
0x46f: {  	[tilespmem:v22+s31+$0x0] =	vst.idx.msk $0xffff, v58;
	v60 =	vld [tilespmem:s6+$0x1020]  }
0x470: {  	v61 =	vld [tilespmem:s6+$0x1040];
	[tilespmem:v21+s31+$0x0] =	vst.idx.msk $0xffff, v28  }
0x471: {  	v63 =	vld [tilespmem:s6+$0x1080];
	[tilespmem:v20+s31+$0x0] =	vst.idx.msk $0xffff, v59  }
0x472: {  	v62 =	vld [tilespmem:s6+$0x1060];
	[tilespmem:v18+s31+$0x0] =	vst.idx.msk $0xffff, v30  }
0x473: {  	v32 =	vld [tilespmem:s6+$0x10A0];
	[tilespmem:v19+s31+$0x0] =	vst.idx.msk $0xffff, v29  }
0x474: {  	[tilespmem:v31+s1+$0x0] =	vst.idx.msk $0xffff, v60;
	v31 =	vld [tilespmem:s6+$0x10C0]  }
0x475: {  	s2 =	simm.s32 $0x8;
	s21 =	simm.s32 $0xA;
	[tilespmem:v33+s1+$0x0] =	vst.idx.msk $0xffff, v61;
	v28 =	vld [tilespmem:s6+$0x1000]  }
0x476: {  	s22 =	simm.s32 $0xB;
	s20 =	simm.s32 $0x9;
	v34 =	vmov s21;
	v36 =	vmov s2;
	[tilespmem:v27+s1+$0x0] =	vst.idx.msk $0xffff, v63;
	v30 =	vld [tilespmem:s6+$0x1030]  }
0x477: {  	s10 =	simm.s32 $0xF;
	s0 =	simm.s32 $0x10;
	s11 =	simm.s32 $0xC;
	v33 =	vmov s20;
	[tilespmem:v35+s1+$0x0] =	vst.idx.msk $0xffff, v62;
	v35 =	vmov s22;
	v29 =	vld [tilespmem:s6+$0x1050]  }
.LBB2_20:
0x478: {  	p0 =	slt.u32 s0, $0x78;
	v27 =	vshrl.u32 v36, $0x3;
	v36 =	vmov s11;
	s11 =	sadd.s32 $0x5, s2;
	s2 =	sadd.s32 $0x6, s2;
	v37 =	vmov s10;
	v38 =	vld [tilespmem:s6+$0x1070];
	[tilespmem:v26+s1+$0x0] =	vst.idx.msk $0xffff, v32  }
0x479: {  	v26 =	vmov s11;
	v32 =	vmov s2;
	v37 =	vshrl.u32 v37, $0x3;
	v39 =	vld [tilespmem:s6+$0x1090];
	[tilespmem:v25+s1+$0x0] =	vst.idx.msk $0xffff, v31;
	s2 =	smov.u32 s0  }
0x47a: {  	v25 =	vshll.u32 v27, v1;
	v27 =	vshrl.u32 v33, $0x3;
	v31 =	vshll.u32 v37, v1;
	[tilespmem:v17+s1+$0x0] =	vst.idx.msk $0xffff, v28;
	v33 =	vld [tilespmem:s6+$0x10B0]  }
0x47b: {  	v17 =	vshrl.u32 v34, $0x3;
	v28 =	vshrl.u32 v35, $0x3;
	v34 =	vbroadcast v31, $0x0;
	[tilespmem:v24+s1+$0x0] =	vst.idx.msk $0xffff, v30;
	v24 =	vld [tilespmem:s6+$0x10D0]  }
0x47c: {  	v35 =	vbroadcast v25, $0x0;
	v25 =	vshll.u32 v27, v1;
	v27 =	vshrl.u32 v36, $0x3;
	v36 =	vld [tilespmem:s6+$0x1010];
	[tilespmem:v23+s1+$0x0] =	vst.idx.msk $0xffff, v29;
	s6 =	sadd.s32 $0x100, s6  }
0x47d: {  	v23 =	vbroadcast v25, $0x0;
	v25 =	vshll.u32 v17, v1;
	v37 =	vld [tilespmem:s6+$0xFFFFE0E0];
	v31 =	vadd.s32 v15, v34;
	[tilespmem:v21+s1+$0x0] =	vst.idx.msk $0xffff, v38  }
0x47e: {  	v17 =	vadd.s32 v0, v35;
	v38 =	vbroadcast v25, $0x0;
	v25 =	vshll.u32 v28, v1;
	v21 =	vld [tilespmem:s6+$0xFFFFE000];
	[tilespmem:v22+s1+$0x0] =	vst.idx.msk $0xffff, v39  }
0x47f: {  	v28 =	vadd.s32 v3, v23;
	v39 =	vbroadcast v25, $0x0;
	v25 =	vshll.u32 v27, v1;
	v22 =	vld [tilespmem:s6+$0xFFFFE020];
	[tilespmem:v20+s1+$0x0] =	vst.idx.msk $0xffff, v33  }
0x480: {  	v30 =	vadd.s32 v5, v38;
	v33 =	vbroadcast v25, $0x0;
	v25 =	vshrl.u32 v26, $0x3;
	v20 =	vld [tilespmem:s6+$0xFFFFE040];
	[tilespmem:v19+s1+$0x0] =	vst.idx.msk $0xffff, v24  }
0x481: {  	v29 =	vadd.s32 v7, v39;
	v24 =	vshll.u32 v25, v1;
	v25 =	vshrl.u32 v32, $0x3;
	v19 =	vld [tilespmem:s6+$0xFFFFE060];
	[tilespmem:v18+s1+$0x0] =	vst.idx.msk $0xffff, v36  }
0x482: {  	v27 =	vadd.s32 v9, v33;
	v36 =	vbroadcast v24, $0x0;
	v24 =	vshll.u32 v25, v1;
	v18 =	vld [tilespmem:s6+$0xFFFFE080];
	[tilespmem:v31+s29+$0x0] =	vst.idx.msk $0xffff, v37  }
0x483: {  	v32 =	vadd.s32 v16, v34;
	v37 =	vbroadcast v24, $0x0;
	[tilespmem:v17+s29+$0x0] =	vst.idx.msk $0xffff, v21;
	v40 =	vld [tilespmem:s6+$0xFFFFE0F0]  }
0x484: {  	v26 =	vadd.s32 v11, v36;
	[tilespmem:v28+s29+$0x0] =	vst.idx.msk $0xffff, v22;
	v22 =	vld [tilespmem:s6+$0xFFFFE0A0]  }
0x485: {  	v25 =	vadd.s32 v13, v37;
	[tilespmem:v30+s29+$0x0] =	vst.idx.msk $0xffff, v20;
	v20 =	vld [tilespmem:s6+$0xFFFFE0C0]  }
0x486: {  	v24 =	vadd.s32 v4, v23;
	v34 =	vld [tilespmem:s6+$0xFFFFE030];
	[tilespmem:v29+s29+$0x0] =	vst.idx.msk $0xffff, v19  }
0x487: {  	v23 =	vadd.s32 v6, v38;
	v19 =	vld [tilespmem:s6+$0xFFFFE050];
	[tilespmem:v27+s29+$0x0] =	vst.idx.msk $0xffff, v18  }
0x488: {  	v21 =	vadd.s32 v8, v39;
	v38 =	vld [tilespmem:s6+$0xFFFFE070];
	[tilespmem:v32+s29+$0x0] =	vst.idx.msk $0xffff, v40  }
0x489: {  	[tilespmem:v26+s29+$0x0] =	vst.idx.msk $0xffff, v22;
	v39 =	vld [tilespmem:s6+$0xFFFFF0E0]  }
0x48a: {  	v22 =	vadd.s32 v10, v33;
	v40 =	vld [tilespmem:s6+$0xFFFFE090];
	[tilespmem:v25+s29+$0x0] =	vst.idx.msk $0xffff, v20  }
0x48b: {  	v20 =	vadd.s32 v12, v36;
	[tilespmem:v24+s29+$0x0] =	vst.idx.msk $0xffff, v34;
	v33 =	vld [tilespmem:s6+$0xFFFFE0B0]  }
0x48c: {  	[tilespmem:v23+s29+$0x0] =	vst.idx.msk $0xffff, v19;
	v34 =	vld [tilespmem:s6+$0xFFFFE0D0];
	v19 =	vadd.s32 v14, v37  }
0x48d: {  	v18 =	vadd.s32 v2, v35;
	v36 =	vld [tilespmem:s6+$0xFFFFE010];
	[tilespmem:v21+s29+$0x0] =	vst.idx.msk $0xffff, v38  }
0x48e: {  	v35 =	vld [tilespmem:s6+$0xFFFFF020];
	[tilespmem:v31+s30+$0x0] =	vst.idx.msk $0xffff, v39  }
0x48f: {  	[tilespmem:v22+s29+$0x0] =	vst.idx.msk $0xffff, v40;
	v37 =	vld [tilespmem:s6+$0xFFFFF0F0]  }
0x490: {  	v38 =	vld [tilespmem:s6+$0xFFFFF040];
	[tilespmem:v20+s29+$0x0] =	vst.idx.msk $0xffff, v33  }
0x491: {  	v33 =	vld [tilespmem:s6+$0xFFFFF060];
	[tilespmem:v19+s29+$0x0] =	vst.idx.msk $0xffff, v34  }
0x492: {  	[tilespmem:v18+s29+$0x0] =	vst.idx.msk $0xffff, v36;
	v34 =	vld [tilespmem:s6+$0xFFFFF080]  }
0x493: {  	[tilespmem:v28+s30+$0x0] =	vst.idx.msk $0xffff, v35;
	v35 =	vld [tilespmem:s6+$0xFFFFF0A0]  }
0x494: {  	v36 =	vld [tilespmem:s6+$0xFFFFF0C0];
	[tilespmem:v32+s30+$0x0] =	vst.idx.msk $0xffff, v37  }
0x495: {  	[tilespmem:v30+s30+$0x0] =	vst.idx.msk $0xffff, v38;
	v37 =	vld [tilespmem:s6+$0xE0]  }
0x496: {  	v38 =	vld [tilespmem:s6+$0xFFFFF000];
	[tilespmem:v29+s30+$0x0] =	vst.idx.msk $0xffff, v33  }
0x497: {  	v33 =	vld [tilespmem:s6+$0xFFFFF030];
	[tilespmem:v27+s30+$0x0] =	vst.idx.msk $0xffff, v34  }
0x498: {  	v34 =	vld [tilespmem:s6+$0xFFFFF050];
	[tilespmem:v26+s30+$0x0] =	vst.idx.msk $0xffff, v35  }
0x499: {  	v35 =	vld [tilespmem:s6+$0xFFFFF070];
	[tilespmem:v25+s30+$0x0] =	vst.idx.msk $0xffff, v36  }
0x49a: {  	v36 =	vld [tilespmem:s6+$0xFFFFF090];
	[tilespmem:v31+s31+$0x0] =	vst.idx.msk $0xffff, v37  }
0x49b: {  	[tilespmem:v17+s30+$0x0] =	vst.idx.msk $0xffff, v38;
	v37 =	vld [tilespmem:s6+$0xF0]  }
0x49c: {  	[tilespmem:v24+s30+$0x0] =	vst.idx.msk $0xffff, v33;
	v33 =	vld [tilespmem:s6+$0xFFFFF0B0]  }
0x49d: {  	[tilespmem:v23+s30+$0x0] =	vst.idx.msk $0xffff, v34;
	v34 =	vld [tilespmem:s6+$0xFFFFF0D0]  }
0x49e: {  	v38 =	vld [tilespmem:s6+$0xFFFFF010];
	[tilespmem:v21+s30+$0x0] =	vst.idx.msk $0xffff, v35  }
0x49f: {  	v35 =	vld [tilespmem:s6+$0x20];
	[tilespmem:v22+s30+$0x0] =	vst.idx.msk $0xffff, v36  }
0x4a0: {  	v36 =	vld [tilespmem:s6+$0x40];
	[tilespmem:v32+s31+$0x0] =	vst.idx.msk $0xffff, v37  }
0x4a1: {  	[tilespmem:v20+s30+$0x0] =	vst.idx.msk $0xffff, v33;
	v33 =	vld [tilespmem:s6+$0x10E0]  }
0x4a2: {  	v37 =	vld [tilespmem:s6+$0x60];
	[tilespmem:v19+s30+$0x0] =	vst.idx.msk $0xffff, v34  }
0x4a3: {  	[tilespmem:v18+s30+$0x0] =	vst.idx.msk $0xffff, v38;
	v34 =	vld [tilespmem:s6+$0x80]  }
0x4a4: {  	[tilespmem:v28+s31+$0x0] =	vst.idx.msk $0xffff, v35;
	v35 =	vld [tilespmem:s6+$0xA0]  }
0x4a5: {  	[tilespmem:v30+s31+$0x0] =	vst.idx.msk $0xffff, v36;
	v36 =	vld [tilespmem:s6+$0xC0]  }
0x4a6: {  	v38 =	vld [tilespmem:s6+$0x0];
	[tilespmem:v31+s1+$0x0] =	vst.idx.msk $0xffff, v33  }
0x4a7: {  	[tilespmem:v29+s31+$0x0] =	vst.idx.msk $0xffff, v37;
	v31 =	vld [tilespmem:s6+$0x10F0]  }
0x4a8: {  	v33 =	vld [tilespmem:s6+$0x30];
	[tilespmem:v27+s31+$0x0] =	vst.idx.msk $0xffff, v34  }
0x4a9: {  	v34 =	vld [tilespmem:s6+$0x50];
	[tilespmem:v26+s31+$0x0] =	vst.idx.msk $0xffff, v35  }
0x4aa: {  	v35 =	vld [tilespmem:s6+$0x70];
	[tilespmem:v25+s31+$0x0] =	vst.idx.msk $0xffff, v36  }
0x4ab: {  	[tilespmem:v17+s31+$0x0] =	vst.idx.msk $0xffff, v38;
	v36 =	vld [tilespmem:s6+$0x90]  }
0x4ac: {  	v37 =	vld [tilespmem:s6+$0xB0];
	[tilespmem:v32+s1+$0x0] =	vst.idx.msk $0xffff, v31  }
0x4ad: {  	[tilespmem:v24+s31+$0x0] =	vst.idx.msk $0xffff, v33;
	v31 =	vld [tilespmem:s6+$0xD0]  }
0x4ae: {  	v32 =	vld [tilespmem:s6+$0x10];
	[tilespmem:v23+s31+$0x0] =	vst.idx.msk $0xffff, v34  }
0x4af: {  	v33 =	vld [tilespmem:s6+$0x1020];
	[tilespmem:v21+s31+$0x0] =	vst.idx.msk $0xffff, v35  }
0x4b0: {  	v34 =	vld [tilespmem:s6+$0x1040];
	[tilespmem:v22+s31+$0x0] =	vst.idx.msk $0xffff, v36  }
0x4b1: {  	v35 =	vld [tilespmem:s6+$0x1060];
	[tilespmem:v20+s31+$0x0] =	vst.idx.msk $0xffff, v37  }
0x4b2: {  	v37 =	vld [tilespmem:s6+$0x1080];
	[tilespmem:v19+s31+$0x0] =	vst.idx.msk $0xffff, v31  }
.Ltmp9:
0x4b3: {  	[tilespmem:v18+s31+$0x0] =	vst.idx.msk $0xffff, v32;
	v32 =	vld [tilespmem:s6+$0x10A0];
	(pc) =	sbr.rel @p0 .LBB2_20-.Ltmp9, $4  }
0x4b4: {  	[tilespmem:v28+s1+$0x0] =	vst.idx.msk $0xffff, v33;
	v31 =	vld [tilespmem:s6+$0x10C0]  }
0x4b5: {  	s10 =	sadd.s32 $0x1, s0;
	v28 =	vld [tilespmem:s6+$0x1000];
	[tilespmem:v30+s1+$0x0] =	vst.idx.msk $0xffff, v34  }
0x4b6: {  	s11 =	sadd.s32 $0x3, s0;
	v36 =	vmov s0;
	v33 =	vmov s10;
	s10 =	sadd.s32 $0x2, s0;
	v30 =	vld [tilespmem:s6+$0x1030];
	[tilespmem:v29+s1+$0x0] =	vst.idx.msk $0xffff, v35  }
0x4b7: {  	s0 =	sadd.s32 $0x8, s0;
	v34 =	vmov s10;
	s10 =	sadd.s32 $0x7, s2;
	v35 =	vmov s11;
	s11 =	sadd.s32 $0x4, s2;
	v29 =	vld [tilespmem:s6+$0x1050];
	[tilespmem:v27+s1+$0x0] =	vst.idx.msk $0xffff, v37  }
0x4b8: {  	_ =	sdelay $0x2  }
0x4b9: {  	v27 =	vshrl.u32 v36, $0x3;
	v61 =	vmov s11  }
0x4ba: {  	s0 =	sadd.s32 $0x5, s2;
	s18 =	sadd.s32 $0x6, s2;
	v37 =	vmov s10;
	v38 =	vld [tilespmem:s6+$0x1070];
	[tilespmem:v26+s1+$0x0] =	vst.idx.msk $0xffff, v32;
	v43 =	vshrl.u32 v33, $0x3;
	v46 =	vshrl.u32 v35, $0x3  }
0x4bb: {  	v39 =	vld [tilespmem:s6+$0x1090];
	v62 =	vmov s0;
	v63 =	vmov s18;
	v37 =	vshrl.u32 v37, $0x3;
	[tilespmem:v25+s1+$0x0] =	vst.idx.msk $0xffff, v31  }
0x4bc: {  	v42 =	vshll.u32 v27, v1;
	v45 =	vld [tilespmem:s6+$0x10B0];
	v27 =	vshll.u32 v43, v1;
	v48 =	vshrl.u32 v61, $0x3;
	[tilespmem:v17+s1+$0x0] =	vst.idx.msk $0xffff, v28  }
0x4bd: {  	v44 =	vshll.u32 v37, v1;
	v17 =	vshrl.u32 v34, $0x3;
	v47 =	vld [tilespmem:s6+$0x10D0];
	v25 =	vbroadcast v42, $0x0;
	[tilespmem:v24+s1+$0x0] =	vst.idx.msk $0xffff, v30  }
0x4be: {  	s19 =	sadd.s32 $0x100, s6;
	v50 =	vbroadcast v27, $0x0;
	v26 =	vshrl.u32 v62, $0x3;
	v32 =	vshrl.u32 v63, $0x3;
	v49 =	vld [tilespmem:s6+$0x1010];
	[tilespmem:v23+s1+$0x0] =	vst.idx.msk $0xffff, v29  }
0x4bf: {  	v54 =	vld [tilespmem:s19+$0xFFFFE000];
	v31 =	vbroadcast v44, $0x0;
	v51 =	vshll.u32 v17, v1;
	v17 =	vadd.s32 v0, v25;
	[tilespmem:v21+s1+$0x0] =	vst.idx.msk $0xffff, v38  }
0x4c0: {  	v55 =	vld [tilespmem:s19+$0xFFFFE020];
	v26 =	vshll.u32 v26, v1;
	v27 =	vbroadcast v51, $0x0;
	v36 =	vadd.s32 v3, v50;
	[tilespmem:v22+s1+$0x0] =	vst.idx.msk $0xffff, v39  }
0x4c1: {  	v52 =	vld [tilespmem:s19+$0xFFFFE0E0];
	v32 =	vshll.u32 v32, v1;
	v26 =	vbroadcast v26, $0x0;
	v53 =	vadd.s32 v15, v31;
	[tilespmem:v20+s1+$0x0] =	vst.idx.msk $0xffff, v45  }
0x4c2: {  	v33 =	vshll.u32 v46, v1;
	v56 =	vld [tilespmem:s19+$0xFFFFE040];
	v57 =	vbroadcast v32, $0x0;
	v28 =	vadd.s32 v5, v27;
	[tilespmem:v19+s1+$0x0] =	vst.idx.msk $0xffff, v47  }
0x4c3: {  	v58 =	vld [tilespmem:s19+$0xFFFFE0A0];
	v33 =	vbroadcast v33, $0x0;
	v30 =	vshll.u32 v48, v1;
	v32 =	vadd.s32 v11, v26;
	[tilespmem:v18+s1+$0x0] =	vst.idx.msk $0xffff, v49  }
0x4c4: {  	v59 =	vld [tilespmem:s19+$0xFFFFE0C0];
	v30 =	vbroadcast v30, $0x0;
	v37 =	vadd.s32 v13, v57;
	[tilespmem:v17+s29+$0x0] =	vst.idx.msk $0xffff, v54  }
0x4c5: {  	v24 =	vadd.s32 v7, v33;
	v19 =	vld [tilespmem:s19+$0xFFFFE060];
	[tilespmem:v36+s29+$0x0] =	vst.idx.msk $0xffff, v55  }
0x4c6: {  	v34 =	vadd.s32 v9, v30;
	v18 =	vld [tilespmem:s19+$0xFFFFE080];
	[tilespmem:v53+s29+$0x0] =	vst.idx.msk $0xffff, v52  }
0x4c7: {  	v23 =	vadd.s32 v4, v50;
	v60 =	vld [tilespmem:s19+$0xFFFFE030];
	[tilespmem:v28+s29+$0x0] =	vst.idx.msk $0xffff, v56  }
0x4c8: {  	v31 =	vadd.s32 v16, v31;
	v29 =	vld [tilespmem:s19+$0xFFFFE0F0];
	[tilespmem:v32+s29+$0x0] =	vst.idx.msk $0xffff, v58  }
0x4c9: {  	v25 =	vadd.s32 v2, v25;
	v40 =	vld [tilespmem:s19+$0xFFFFE010];
	[tilespmem:v37+s29+$0x0] =	vst.idx.msk $0xffff, v59  }
0x4ca: {  	v27 =	vadd.s32 v6, v27;
	[tilespmem:v24+s29+$0x0] =	vst.idx.msk $0xffff, v19;
	v19 =	vld [tilespmem:s19+$0xFFFFE050]  }
0x4cb: {  	v26 =	vadd.s32 v12, v26;
	v63 =	vld [tilespmem:s19+$0xFFFFE0B0];
	[tilespmem:v34+s29+$0x0] =	vst.idx.msk $0xffff, v18  }
0x4cc: {  	v33 =	vadd.s32 v8, v33;
	v18 =	vld [tilespmem:s19+$0xFFFFE070];
	[tilespmem:v23+s29+$0x0] =	vst.idx.msk $0xffff, v60  }
0x4cd: {  	v30 =	vadd.s32 v10, v30;
	v62 =	vld [tilespmem:s19+$0xFFFFE090];
	[tilespmem:v31+s29+$0x0] =	vst.idx.msk $0xffff, v29  }
0x4ce: {  	[tilespmem:v25+s29+$0x0] =	vst.idx.msk $0xffff, v40;
	v61 =	vld [tilespmem:s19+$0xFFFFF0E0]  }
0x4cf: {  	v21 =	vadd.s32 v14, v57;
	[tilespmem:v27+s29+$0x0] =	vst.idx.msk $0xffff, v19;
	v19 =	vld [tilespmem:s19+$0xFFFFE0D0]  }
0x4d0: {  	v44 =	vld [tilespmem:s19+$0xFFFFF000];
	[tilespmem:v26+s29+$0x0] =	vst.idx.msk $0xffff, v63  }
0x4d1: {  	[tilespmem:v33+s29+$0x0] =	vst.idx.msk $0xffff, v18;
	v18 =	vld [tilespmem:s19+$0xFFFFF020]  }
0x4d2: {  	v41 =	vld [tilespmem:s19+$0xFFFFF040];
	[tilespmem:v30+s29+$0x0] =	vst.idx.msk $0xffff, v62  }
0x4d3: {  	v42 =	vld [tilespmem:s19+$0xFFFFF060];
	[tilespmem:v53+s30+$0x0] =	vst.idx.msk $0xffff, v61  }
0x4d4: {  	[tilespmem:v21+s29+$0x0] =	vst.idx.msk $0xffff, v19;
	v19 =	vld [tilespmem:s19+$0xFFFFF080]  }
0x4d5: {  	[tilespmem:v17+s30+$0x0] =	vst.idx.msk $0xffff, v44;
	v22 =	vld [tilespmem:s19+$0xFFFFF0F0]  }
0x4d6: {  	[tilespmem:v36+s30+$0x0] =	vst.idx.msk $0xffff, v18;
	v18 =	vld [tilespmem:s19+$0xFFFFF0A0]  }
0x4d7: {  	v29 =	vld [tilespmem:s19+$0xFFFFF010];
	[tilespmem:v28+s30+$0x0] =	vst.idx.msk $0xffff, v41  }
0x4d8: {  	v43 =	vld [tilespmem:s19+$0xFFFFF0C0];
	[tilespmem:v24+s30+$0x0] =	vst.idx.msk $0xffff, v42  }
0x4d9: {  	v45 =	vld [tilespmem:s19+$0xFFFFF030];
	[tilespmem:v34+s30+$0x0] =	vst.idx.msk $0xffff, v19  }
0x4da: {  	v19 =	vld [tilespmem:s19+$0xFFFFF050];
	[tilespmem:v31+s30+$0x0] =	vst.idx.msk $0xffff, v22  }
0x4db: {  	[tilespmem:v32+s30+$0x0] =	vst.idx.msk $0xffff, v18;
	v18 =	vld [tilespmem:s19+$0xFFFFF070]  }
0x4dc: {  	[tilespmem:v25+s30+$0x0] =	vst.idx.msk $0xffff, v29;
	v22 =	vld [tilespmem:s19+$0xE0]  }
0x4dd: {  	[tilespmem:v37+s30+$0x0] =	vst.idx.msk $0xffff, v43;
	v46 =	vld [tilespmem:s19+$0xFFFFF090]  }
0x4de: {  	v52 =	vld [tilespmem:s19+$0x0];
	[tilespmem:v23+s30+$0x0] =	vst.idx.msk $0xffff, v45  }
0x4df: {  	v47 =	vld [tilespmem:s19+$0xFFFFF0B0];
	[tilespmem:v27+s30+$0x0] =	vst.idx.msk $0xffff, v19  }
0x4e0: {  	v19 =	vld [tilespmem:s19+$0xFFFFF0D0];
	[tilespmem:v33+s30+$0x0] =	vst.idx.msk $0xffff, v18  }
0x4e1: {  	v18 =	vld [tilespmem:s19+$0x20];
	[tilespmem:v53+s31+$0x0] =	vst.idx.msk $0xffff, v22  }
0x4e2: {  	[tilespmem:v30+s30+$0x0] =	vst.idx.msk $0xffff, v46;
	v22 =	vld [tilespmem:s19+$0xF0]  }
0x4e3: {  	v48 =	vld [tilespmem:s19+$0x40];
	[tilespmem:v17+s31+$0x0] =	vst.idx.msk $0xffff, v52  }
0x4e4: {  	[tilespmem:v26+s30+$0x0] =	vst.idx.msk $0xffff, v47;
	v57 =	vld [tilespmem:s19+$0x10]  }
0x4e5: {  	v50 =	vld [tilespmem:s19+$0x60];
	[tilespmem:v21+s30+$0x0] =	vst.idx.msk $0xffff, v19  }
0x4e6: {  	v19 =	vld [tilespmem:s19+$0x80];
	[tilespmem:v36+s31+$0x0] =	vst.idx.msk $0xffff, v18  }
0x4e7: {  	v18 =	vld [tilespmem:s19+$0xA0];
	[tilespmem:v31+s31+$0x0] =	vst.idx.msk $0xffff, v22  }
0x4e8: {  	[tilespmem:v28+s31+$0x0] =	vst.idx.msk $0xffff, v48;
	v49 =	vld [tilespmem:s19+$0x10E0]  }
0x4e9: {  	v51 =	vld [tilespmem:s19+$0xC0];
	[tilespmem:v25+s31+$0x0] =	vst.idx.msk $0xffff, v57  }
0x4ea: {  	[tilespmem:v24+s31+$0x0] =	vst.idx.msk $0xffff, v50;
	v22 =	vld [tilespmem:s19+$0x1000]  }
0x4eb: {  	[tilespmem:v34+s31+$0x0] =	vst.idx.msk $0xffff, v19;
	v19 =	vld [tilespmem:s19+$0x50]  }
0x4ec: {  	[tilespmem:v32+s31+$0x0] =	vst.idx.msk $0xffff, v18;
	v18 =	vld [tilespmem:s19+$0x70]  }
0x4ed: {  	[tilespmem:v53+s1+$0x0] =	vst.idx.msk $0xffff, v49;
	v53 =	vld [tilespmem:s19+$0x30]  }
0x4ee: {  	[tilespmem:v37+s31+$0x0] =	vst.idx.msk $0xffff, v51;
	v54 =	vld [tilespmem:s19+$0x90]  }
0x4ef: {  	v55 =	vld [tilespmem:s19+$0xB0];
	[tilespmem:v17+s1+$0x0] =	vst.idx.msk $0xffff, v22  }
0x4f0: {  	v56 =	vld [tilespmem:s19+$0xD0];
	[tilespmem:v27+s31+$0x0] =	vst.idx.msk $0xffff, v19  }
0x4f1: {  	[tilespmem:v33+s31+$0x0] =	vst.idx.msk $0xffff, v18;
	v18 =	vld [tilespmem:s19+$0x1040]  }
0x4f2: {  	v20 =	vld [tilespmem:s19+$0x10F0];
	[tilespmem:v23+s31+$0x0] =	vst.idx.msk $0xffff, v53  }
0x4f3: {  	[tilespmem:v30+s31+$0x0] =	vst.idx.msk $0xffff, v54;
	v19 =	vld [tilespmem:s19+$0x1020]  }
0x4f4: {  	v58 =	vld [tilespmem:s19+$0x1060];
	[tilespmem:v26+s31+$0x0] =	vst.idx.msk $0xffff, v55  }
0x4f5: {  	v59 =	vld [tilespmem:s19+$0x1080];
	[tilespmem:v21+s31+$0x0] =	vst.idx.msk $0xffff, v56  }
0x4f6: {  	v60 =	vld [tilespmem:s19+$0x10A0];
	[tilespmem:v28+s1+$0x0] =	vst.idx.msk $0xffff, v18  }
0x4f7: {  	[tilespmem:v31+s1+$0x0] =	vst.idx.msk $0xffff, v20;
	v61 =	vld [tilespmem:s19+$0x1050]  }
0x4f8: {  	[tilespmem:v36+s1+$0x0] =	vst.idx.msk $0xffff, v19;
	v19 =	vld [tilespmem:s19+$0x10C0]  }
0x4f9: {  	[tilespmem:v24+s1+$0x0] =	vst.idx.msk $0xffff, v58;
	v18 =	vld [tilespmem:s19+$0x1030]  }
0x4fa: {  	[tilespmem:v34+s1+$0x0] =	vst.idx.msk $0xffff, v59;
	v62 =	vld [tilespmem:s19+$0x1070]  }
0x4fb: {  	[tilespmem:v32+s1+$0x0] =	vst.idx.msk $0xffff, v60;
	v63 =	vld [tilespmem:s19+$0x1090]  }
0x4fc: {  	v17 =	vld [tilespmem:s19+$0x10B0];
	[tilespmem:v27+s1+$0x0] =	vst.idx.msk $0xffff, v61  }
0x4fd: {  	[tilespmem:v37+s1+$0x0] =	vst.idx.msk $0xffff, v19;
	v19 =	vld [tilespmem:s19+$0x1010]  }
0x4fe: {  	[tilespmem:v23+s1+$0x0] =	vst.idx.msk $0xffff, v18;
	v18 =	vld [tilespmem:s19+$0x10D0]  }
0x4ff: {  	[tilespmem:v33+s1+$0x0] =	vst.idx.msk $0xffff, v62  }
0x500: {  	[tilespmem:v30+s1+$0x0] =	vst.idx.msk $0xffff, v63  }
0x501: {  	[tilespmem:v26+s1+$0x0] =	vst.idx.msk $0xffff, v17  }
0x502: {  	[tilespmem:v25+s1+$0x0] =	vst.idx.msk $0xffff, v19  }
0x503: {  	[tilespmem:v21+s1+$0x0] =	vst.idx.msk $0xffff, v18  }
0x504: {  	s20 =	simm.s32 $0x10C00;
	s12 =	rddreg [dreg:$0x8]  }
0x505: {  	[hbm4b:s12+s3] =	stream.linear.scatter [tilespmem:s20], [sflag:$0x9], $0x80, $0x38;
	[tilespmem:$0x19400] =	vst v63  }
0x506: {  	s21 =	simm.s32 $0x10C88;
	s22 =	sadd.s32 $0x10, s12  }
0x507: {  	[hbm4b:s22+s3] =	stream.linear.scatter [tilespmem:s21], [sflag:$0x9], $0x80, $0x38;
	[tilespmem:$0x19400] =	vst v63  }
0x508: {  	s2 =	simm.s32 $0x10D10;
	s10 =	simm.s32 $0x10D98;
	s6 =	sadd.s32 $0x20, s12  }
0x509: {  	[hbm4b:s6+s3] =	stream.linear.scatter [tilespmem:s2], [sflag:$0x9], $0x80, $0x38;
	[tilespmem:$0x19400] =	vst v63  }
0x50a: {  	s17 =	simm.s32 $0x10E20;
	s0 =	simm.s32 $0x440;
	s11 =	sadd.s32 $0x30, s12  }
0x50b: {  	[hbm4b:s11+s3] =	stream.linear.scatter [tilespmem:s10], [sflag:$0x9], $0x80, $0x38;
	[tilespmem:$0x19400] =	vst v63  }
0x50c: {  	s19 =	simm.s32 $0x10EA8;
	s18 =	sadd.s32 $0x40, s12;
	s20 =	sadd.s32 $0x50, s12  }
0x50d: {  	[hbm4b:s18+s3] =	stream.linear.scatter [tilespmem:s17], [sflag:$0x9], $0x80, $0x38;
	[tilespmem:$0x19400] =	vst v63  }
0x50e: {  	s21 =	simm.s32 $0x10F30;
	s22 =	sadd.s32 $0x60, s12;
	s6 =	simm.s32 $0x2200  }
0x50f: {  	[hbm4b:s20+s3] =	stream.linear.scatter [tilespmem:s19], [sflag:$0x9], $0x80, $0x38;
	[tilespmem:$0x19400] =	vst v63  }
0x510: {  	s2 =	sadd.s32 $0x4000, s12;
	s10 =	simm.s32 $0x10FB8;
	s11 =	sadd.s32 $0x70, s12  }
0x511: {  	[hbm4b:s22+s3] =	stream.linear.scatter [tilespmem:s21], [sflag:$0x9], $0x80, $0x38;
	[tilespmem:$0x19400] =	vst v63  }
.LBB2_22:
0x512: {  	[hbm4b:s11+s3] =	stream.linear.scatter [tilespmem:s10], [sflag:$0x9], $0x80, $0x38;
	[tilespmem:$0x19400] =	vst v63  }
0x513: {  	s10 =	smov.u32 s0;
	s0 =	smov.u32 s6  }
0x514: {  	s12 =	sadd.s32 $0x1100, s6;
	s0 =	sshra.s32 s0, $0x2;
	s11 =	sadd.s32 $0x10C00, s10  }
0x515: {  	[hbm4b:s2+s3] =	stream.linear.scatter [tilespmem:s11], [sflag:$0x9], $0x80, $0x38;
	[tilespmem:$0x19400] =	vst v63  }
0x516: {  	p0 =	sne.s32 s6, $0xFF00;
	s6 =	sadd.s32 $0x10C88, s10;
	s11 =	sadd.s32 $0x10, s2  }
0x517: {  	[hbm4b:s11+s3] =	stream.linear.scatter [tilespmem:s6], [sflag:$0x9], $0x80, $0x38;
	[tilespmem:$0x19400] =	vst v63  }
0x518: {  	s6 =	sadd.s32 $0x10D10, s10;
	s11 =	sadd.s32 $0x20, s2  }
0x519: {  	[hbm4b:s11+s3] =	stream.linear.scatter [tilespmem:s6], [sflag:$0x9], $0x80, $0x38;
	[tilespmem:$0x19400] =	vst v63  }
0x51a: {  	s6 =	sadd.s32 $0x10D98, s10;
	s11 =	sadd.s32 $0x30, s2  }
0x51b: {  	[hbm4b:s11+s3] =	stream.linear.scatter [tilespmem:s6], [sflag:$0x9], $0x80, $0x38;
	[tilespmem:$0x19400] =	vst v63  }
0x51c: {  	s6 =	sadd.s32 $0x10E20, s10;
	s11 =	sadd.s32 $0x40, s2  }
0x51d: {  	[hbm4b:s11+s3] =	stream.linear.scatter [tilespmem:s6], [sflag:$0x9], $0x80, $0x38;
	[tilespmem:$0x19400] =	vst v63  }
.Ltmp10:
0x51e: {  	s6 =	sadd.s32 $0x10EA8, s10;
	s11 =	sadd.s32 $0x50, s2;
	(pc) =	sbr.rel @p0 .LBB2_22-.Ltmp10, $4  }
0x51f: {  	[hbm4b:s11+s3] =	stream.linear.scatter [tilespmem:s6], [sflag:$0x9], $0x80, $0x38;
	[tilespmem:$0x19400] =	vst v63  }
0x520: {  	s6 =	sadd.s32 $0x10F30, s10;
	s11 =	sadd.s32 $0x60, s2;
	s10 =	sadd.s32 $0x10FB8, s10  }
0x521: {  	[hbm4b:s11+s3] =	stream.linear.scatter [tilespmem:s6], [sflag:$0x9], $0x80, $0x38;
	[tilespmem:$0x19400] =	vst v63  }
0x522: {  	s11 =	sadd.s32 $0x70, s2;
	s2 =	sadd.s32 $0x4000, s2;
	s6 =	smov.u32 s12  }
0x523: {  	[hbm4b:s11+s3] =	stream.linear.scatter [tilespmem:s10], [sflag:$0x9], $0x80, $0x38;
	[tilespmem:$0x19400] =	vst v63  }
0x524: {  	s6 =	sadd.s32 $0x10C00, s0  }
0x525: {  	[hbm4b:s2+s3] =	stream.linear.scatter [tilespmem:s6], [sflag:$0x9], $0x80, $0x38;
	[tilespmem:$0x19400] =	vst v63  }
0x526: {  	s11 =	sadd.s32 $0x10C88, s0;
	s12 =	sadd.s32 $0x10, s2  }
0x527: {  	[hbm4b:s12+s3] =	stream.linear.scatter [tilespmem:s11], [sflag:$0x9], $0x80, $0x38;
	[tilespmem:$0x19400] =	vst v63  }
0x528: {  	s17 =	sadd.s32 $0x10D10, s0;
	s18 =	sadd.s32 $0x20, s2  }
0x529: {  	[hbm4b:s18+s3] =	stream.linear.scatter [tilespmem:s17], [sflag:$0x9], $0x80, $0x38;
	[tilespmem:$0x19400] =	vst v63  }
0x52a: {  	s19 =	sadd.s32 $0x10D98, s0;
	s20 =	sadd.s32 $0x30, s2  }
0x52b: {  	[hbm4b:s20+s3] =	stream.linear.scatter [tilespmem:s19], [sflag:$0x9], $0x80, $0x38;
	[tilespmem:$0x19400] =	vst v63  }
0x52c: {  	s21 =	sadd.s32 $0x10E20, s0;
	s22 =	sadd.s32 $0x40, s2  }
0x52d: {  	[hbm4b:s22+s3] =	stream.linear.scatter [tilespmem:s21], [sflag:$0x9], $0x80, $0x38;
	[tilespmem:$0x19400] =	vst v63  }
0x52e: {  	s10 =	sadd.s32 $0x10EA8, s0;
	s11 =	sadd.s32 $0x50, s2  }
0x52f: {  	[hbm4b:s11+s3] =	stream.linear.scatter [tilespmem:s10], [sflag:$0x9], $0x80, $0x38;
	[tilespmem:$0x19400] =	vst v63  }
0x530: {  	s12 =	sadd.s32 $0x10F30, s0;
	s17 =	sadd.s32 $0x60, s2  }
0x531: {  	[hbm4b:s17+s3] =	stream.linear.scatter [tilespmem:s12], [sflag:$0x9], $0x80, $0x38;
	[tilespmem:$0x19400] =	vst v63  }
0x532: {  	s18 =	sadd.s32 $0x10FB8, s0;
	s19 =	sadd.s32 $0x70, s2;
	s20 =	simm.s32 $0xA  }
0x533: {  	[hbm4b:s19+s3] =	stream.linear.scatter [tilespmem:s18], [sflag:$0x9], $0x80, $0x38;
	[tilespmem:$0x19400] =	vst v63  }
0x534: {  	_ =	swait.ge [sflag:s20], $0x4000  }
0x535: {  	[sflag:s20] =	ssyncset.done $0x0  }
0x536: {  	[sflag:s20] =	ssyncadd.s32 $0xFFFFC000  }
0x537: {  	_ =	swait.ge [sflag:s13], $0x4000  }
0x538: {  	[sflag:s13] =	ssyncset.done $0x0  }
0x539: {  	[sflag:s13] =	ssyncadd.s32 $0xFFFFC000  }
0x53a: {  	_ =	swait.ge [sflag:s14], $0x4000  }
0x53b: {  	s21 =	rddreg [dreg:$0xa]  }
0x53c: {  	s22 =	rddreg [dreg:$0x9];
	s2 =	sadd.s32 $0x1, s21  }
0x53d: {  	p0 =	sne.s32 s2, s22  }
.Ltmp11:
0x53e: {  	_ = 	snop;
	(pc) =	sbr.rel @p0 .LBB2_1-.Ltmp11, $3  }
0x53f: {  	_ =	sdelay $0x1  }
0x540: {  	[sflag:s14] =	ssyncset.done $0x0  }
0x541: {  	[sflag:s14] =	ssyncadd.s32 $0xFFFFC000  }
0x542: {  	_ =	sfence.sel $0x180000  }
0x543: {  	[bflag:$0x0] =	sbarrier.arrive $0xFFFF  }
0x544: {  	_ =	strace $0x90000047  }
0x545: {  	s0 =	stileid.u32;
	[bflag:$0x2] =	sbarrier.arrive $0xFFFF  }
0x546: {  	p0 =	sne.s32 s0, $0x0;
	s0 =	rddreg [dreg:$0x2]  }
0x547: {  	s0 =	sadd.s32 @!p0 $0x100000, s0  }
0x548: {  	[sflag:s0] =	ssyncadd.tile.s32 @!p0 $0x1;
	_ =	shalt  }
.Lfunc_end2:
_tile_overlayer_lowered:
.L_overlay_start_2:
0x549: {  	(tag) =	ssettag $0x2  }
0x54a: {  	s0 =	rddreg [dreg:$0x0];
	s2 =	stileid.u32  }
0x54b: {  	s1 =	rddreg [dreg:$0x1];
	p0 =	sne.s32 s2, $0x0  }
0x54c: {  	s3 =	rddreg [dreg:$0x2];
	[bflag:$0x3] =	sbarrier.arrive $0xFFFF;
	s2 =	simm.s32 @!p0 $0x1C0B  }
0x54d: {  	[timem:s3], [sflag:s2] =	dma.local @!p0 [hbm:s0], s1  }
0x54e: {  	s0 =	simm.s32 @!p0 $0xB  }
0x54f: {  	_ =	swait.ge @!p0 [sflag:s0], s1  }
0x550: {  	s1 =	ssub.s32 @!p0 $0x0, s1;
	[sflag:s0] =	ssyncset.done @!p0 $0x0  }
0x551: {  	[sflag:s0] =	ssyncadd.s32 @!p0 s1  }
0x552: {  	[bflag:$0x3] =	sbarrier.arrive $0xFFFF  }
0x553: {  	_ =	shalt  }

</sc_bundles>
